<compile_context>
chip_gen: v7x
topology: tpu7x:2x2x1
jax: 0.10.2.dev20260603
libtpu: 0.0.44.dev20260713+nightly
codegen_flags: <defaults>
</compile_context>

<pallas_src>
import functools

import jax
import jax.numpy as jnp
from jax import lax
from jax.experimental import pallas as pl
from jax.experimental.pallas import tpu as pltpu
from jax.experimental.pallas import tpu_sc as plsc

N = 10000
NP = 10240
E = 320000
NC, NS = 2, 16
B = 125
RPT = E // (NC * NS * B)
NPT = NP // NS
CW = 128
ZR = 128
ZRA = 64
SUB = 16
BI = 1000
_F32 = jnp.float32

_mesh = plsc.VectorSubcoreMesh(core_axis_name="c", subcore_axis_name="s")



@functools.partial(
    pl.kernel,
    out_type=jax.ShapeDtypeStruct((NC, NP, 16), _F32),
    mesh=_mesh,
    scratch_types=[
        pltpu.VMEM((RPT, B), jnp.int32),
        pltpu.VMEM((B, 16), _F32),
        pltpu.VMEM((ZR, 16), _F32),
        pltpu.VMEM_SHARED((NP, 16), _F32),
        [pltpu.SemaphoreType.DMA] * 4,
    ],
)
def _deg(dst_hbm, out_hbm, dstv, onesv, zv, acc, sems):
    cid = lax.axis_index("c")
    sid = lax.axis_index("s")
    base = (cid * NS + sid) * RPT
    pltpu.sync_copy(dst_hbm.at[pl.ds(base, RPT)], dstv)

    @pl.loop(0, B)
    def _(r):
        onesv[r, :] = jnp.ones((16,), _F32)

    @pl.loop(0, ZR)
    def _(r):
        zv[r, :] = jnp.zeros((16,), _F32)

    @pl.loop(0, NPT // ZR)
    def _(z):
        pltpu.sync_copy(zv, acc.at[pl.ds(sid * NPT + z * ZR, ZR)])

    plsc.subcore_barrier()

    @pl.loop(0, RPT, step=4)
    def _(r):
        ds = [pltpu.async_copy(onesv, acc.at[dstv.at[r + j]], sems[j],
                               add=True) for j in range(4)]
        for d in ds:
            d.wait()

    plsc.subcore_barrier()
    pltpu.sync_copy(acc.at[pl.ds(sid * NPT, NPT)],
                    out_hbm.at[cid, pl.ds(sid * NPT, NPT)])


def _make_agg(n_passes):

    @functools.partial(
        pl.kernel,
        out_type=jax.ShapeDtypeStruct((NC, NP, n_passes * CW), _F32),
        mesh=_mesh,
        scratch_types=[
            pltpu.VMEM((SUB, B), jnp.int32),
            pltpu.VMEM((SUB, B), jnp.int32),
            pltpu.VMEM((B, CW), _F32),
            pltpu.VMEM((B, CW), _F32),
            pltpu.VMEM((ZRA, CW), _F32),
            pltpu.VMEM_SHARED((NP, CW), _F32),
            pltpu.SemaphoreType.DMA,
            pltpu.SemaphoreType.DMA,
            pltpu.SemaphoreType.DMA,
            pltpu.SemaphoreType.DMA,
        ],
    )
    def agg(src_hbm, dst_hbm, *rest):
        gs = rest[:n_passes]
        out_hbm = rest[n_passes]
        (srcv, dstv, buf0, buf1, zv, acc,
         sem0, sem1, ss0, ss1) = rest[n_passes + 1:]
        cid = lax.axis_index("c")
        sid = lax.axis_index("s")
        base = (cid * NS + sid) * RPT

        @pl.loop(0, ZRA)
        def _(r):
            @pl.loop(0, CW // 16)
            def _(c):
                zv[r, pl.ds(c * 16, 16)] = jnp.zeros((16,), _F32)

        for p, g_hbm in enumerate(gs):
            @pl.loop(0, NPT // ZRA)
            def _(z):
                pltpu.sync_copy(zv, acc.at[pl.ds(sid * NPT + z * ZRA, ZRA)])

            plsc.subcore_barrier()

            @pl.loop(0, RPT // SUB)
            def _(s):
                sbase = base + s * SUB
                pltpu.sync_copy(src_hbm.at[pl.ds(sbase, SUB)], srcv)
                pltpu.sync_copy(dst_hbm.at[pl.ds(sbase, SUB)], dstv)
                pltpu.async_copy(g_hbm.at[srcv.at[0]], buf0, sem0)

                @pl.loop(0, SUB, step=2)
                def _(i):
                    pltpu.make_async_copy(
                        g_hbm.at[srcv.at[i]], buf0, sem0).wait()
                    pltpu.async_copy(g_hbm.at[srcv.at[i + 1]], buf1, sem1)
                    d0 = pltpu.async_copy(
                        buf0, acc.at[dstv.at[i]], ss0, add=True)
                    pltpu.make_async_copy(
                        g_hbm.at[srcv.at[i + 1]], buf1, sem1).wait()
                    d1 = pltpu.async_copy(
                        buf1, acc.at[dstv.at[i + 1]], ss1, add=True)
                    d0.wait()

                    @pl.when(i + 2 < SUB)
                    def _():
                        pltpu.async_copy(g_hbm.at[srcv.at[i + 2]], buf0, sem0)

                    d1.wait()

            plsc.subcore_barrier()
            pltpu.sync_copy(
                acc.at[pl.ds(sid * NPT, NPT)],
                out_hbm.at[cid, pl.ds(sid * NPT, NPT), pl.ds(p * CW, CW)])

    return agg


_agg1 = _make_agg(1)
_agg2 = _make_agg(2)



def _p_body(degp, x, dinv_o, gpre_o):
    deg = degp[0, :, 0] + degp[1, :, 0] + 1.0
    dinv = lax.rsqrt(deg)
    dinv_o[...] = dinv[:, None]
    gpre_o[...] = x[...] * dinv[:, None]


_p_call = pl.pallas_call(
    _p_body,
    grid=(N // BI,),
    in_specs=[
        pl.BlockSpec((NC, BI, 16), lambda i: (0, i, 0)),
        pl.BlockSpec((BI, 128), lambda i: (i, 0)),
    ],
    out_specs=[
        pl.BlockSpec((BI, 1), lambda i: (i, 0)),
        pl.BlockSpec((BI, 128), lambda i: (i, 0)),
    ],
    out_shape=[
        jax.ShapeDtypeStruct((N, 1), _F32),
        jax.ShapeDtypeStruct((N, 128), _F32),
    ],
)


def _l1_body(aggp, gpre, dinv, w, b, lo_o, hi_o):
    u = (aggp[0] + aggp[1] + gpre[...]) * dinv[...]
    h = jnp.maximum(
        jnp.dot(u, w[...], preferred_element_type=_F32) + b[...], 0.0)
    g2 = h * dinv[...]
    lo_o[...] = g2[:, :CW]
    hi_o[...] = g2[:, CW:]


_l1_call = pl.pallas_call(
    _l1_body,
    grid=(N // BI,),
    in_specs=[
        pl.BlockSpec((NC, BI, 128), lambda i: (0, i, 0)),
        pl.BlockSpec((BI, 128), lambda i: (i, 0)),
        pl.BlockSpec((BI, 1), lambda i: (i, 0)),
        pl.BlockSpec((128, 256), lambda i: (0, 0)),
        pl.BlockSpec((1, 256), lambda i: (0, 0)),
    ],
    out_specs=[
        pl.BlockSpec((BI, CW), lambda i: (i, 0)),
        pl.BlockSpec((BI, CW), lambda i: (i, 0)),
    ],
    out_shape=[
        jax.ShapeDtypeStruct((N, CW), _F32),
        jax.ShapeDtypeStruct((N, CW), _F32),
    ],
)


def _l23_body(aggp, glo, ghi, dinv, w2, b2, w3, lo_o, hi_o):
    gpre = jnp.concatenate([glo[...], ghi[...]], axis=1)
    u = (aggp[0] + aggp[1] + gpre) * dinv[...]
    h2 = jnp.maximum(
        jnp.dot(u, w2[...], preferred_element_type=_F32) + b2[...], 0.0)
    g3 = jnp.dot(h2, w3[...], preferred_element_type=_F32) * dinv[...]
    lo_o[...] = g3[:, :CW]
    hi_o[...] = g3[:, CW:]


_l23_call = pl.pallas_call(
    _l23_body,
    grid=(N // BI,),
    in_specs=[
        pl.BlockSpec((NC, BI, 256), lambda i: (0, i, 0)),
        pl.BlockSpec((BI, CW), lambda i: (i, 0)),
        pl.BlockSpec((BI, CW), lambda i: (i, 0)),
        pl.BlockSpec((BI, 1), lambda i: (i, 0)),
        pl.BlockSpec((256, 512), lambda i: (0, 0)),
        pl.BlockSpec((1, 512), lambda i: (0, 0)),
        pl.BlockSpec((512, 256), lambda i: (0, 0)),
    ],
    out_specs=[
        pl.BlockSpec((BI, CW), lambda i: (i, 0)),
        pl.BlockSpec((BI, CW), lambda i: (i, 0)),
    ],
    out_shape=[
        jax.ShapeDtypeStruct((N, CW), _F32),
        jax.ShapeDtypeStruct((N, CW), _F32),
    ],
)


def _l45_body(aggp, glo, ghi, dinv, b3, wf1, bf1, wf2, bf2, out_o):
    gpre = jnp.concatenate([glo[...], ghi[...]], axis=1)
    u = (aggp[0] + aggp[1] + gpre) * dinv[...]
    h3 = jnp.maximum(u + b3[...], 0.0)
    h4 = jnp.maximum(
        jnp.dot(h3, wf1[...], preferred_element_type=_F32) + bf1[...], 0.0)
    z = jnp.dot(h4, wf2[...], preferred_element_type=_F32) + bf2[...]
    out_o[...] = 1.0 / (1.0 + jnp.exp(-z))


_l45_call = pl.pallas_call(
    _l45_body,
    grid=(N // BI,),
    in_specs=[
        pl.BlockSpec((NC, BI, 256), lambda i: (0, i, 0)),
        pl.BlockSpec((BI, CW), lambda i: (i, 0)),
        pl.BlockSpec((BI, CW), lambda i: (i, 0)),
        pl.BlockSpec((BI, 1), lambda i: (i, 0)),
        pl.BlockSpec((1, 256), lambda i: (0, 0)),
        pl.BlockSpec((256, 1024), lambda i: (0, 0)),
        pl.BlockSpec((1, 1024), lambda i: (0, 0)),
        pl.BlockSpec((1024, 1), lambda i: (0, 0)),
        pl.BlockSpec((1, 1), lambda i: (0, 0)),
    ],
    out_specs=pl.BlockSpec((BI, 1), lambda i: (i, 0)),
    out_shape=jax.ShapeDtypeStruct((N, 1), _F32),
)



def kernel(x, edge_index, W1, b1, W2, b2, W3, b3, Wfc1, bfc1, Wfc2, bfc2):
    ei = edge_index.astype(jnp.int32)
    src2d = ei[0].reshape(E // B, B)
    dst2d = ei[1].reshape(E // B, B)

    degp = _deg(dst2d)
    dinv, gpre1 = _p_call(degp, x)
    agg1 = _agg1(src2d, dst2d, gpre1)
    g2lo, g2hi = _l1_call(agg1, gpre1, dinv, W1, b1.reshape(1, -1))
    agg2 = _agg2(src2d, dst2d, g2lo, g2hi)
    g3lo, g3hi = _l23_call(agg2, g2lo, g2hi, dinv, W2, b2.reshape(1, -1), W3)
    agg3 = _agg2(src2d, dst2d, g3lo, g3hi)
    out = _l45_call(agg3, g3lo, g3hi, dinv, b3.reshape(1, -1),
                    Wfc1, bfc1.reshape(1, -1), Wfc2, bfc2.reshape(1, -1))
    return out

# --- scband reference (transcript-rebuilt; emitter-appended) ---
"""Pipeline reference for scband-gcnmodel-47476568490264 (READ-ONLY COPY).

The authoritative reference and input builder live on the scoring server;
editing this copy changes nothing except your own understanding.
"""

import jax, jax.numpy as jnp
import numpy as np

N_NODES = 10000
N_EDGES = 320000
IN_CH = 128
OUT_CH = 1


def gcn_conv(x, edge_index, W, b):
    # Faithful PyG GCNConv: add self-loops, symmetric normalization, scatter-add aggregation.
    N = x.shape[0]
    sl = jnp.arange(N, dtype=edge_index.dtype)
    src = jnp.concatenate([edge_index[0], sl])
    dst = jnp.concatenate([edge_index[1], sl])
    h = x @ W
    deg = jnp.zeros((N,), dtype=h.dtype).at[dst].add(1.0)
    dinv = jnp.where(deg > 0, deg ** -0.5, 0.0)
    norm = dinv[src] * dinv[dst]
    msg = h[src] * norm[:, None]
    out = jnp.zeros_like(h).at[dst].add(msg)
    return out + b


def setup_inputs(seed: int = 0) -> dict:
    key = jax.random.key(seed)
    ks = jax.random.split(key, 16)
    x = jax.random.normal(ks[0], (N_NODES, IN_CH), dtype=jnp.float32)
    edge_index = jax.random.randint(ks[1], (2, N_EDGES), 0, N_NODES, dtype=jnp.int64)
    d1, d2, d3 = IN_CH * 2, IN_CH * 4, IN_CH * 2
    W1 = jax.random.normal(ks[2], (IN_CH, d1), dtype=jnp.float32) * (1.0 / np.sqrt(IN_CH))
    b1 = jnp.zeros((d1,), dtype=jnp.float32)
    W2 = jax.random.normal(ks[3], (d1, d2), dtype=jnp.float32) * (1.0 / np.sqrt(d1))
    b2 = jnp.zeros((d2,), dtype=jnp.float32)
    W3 = jax.random.normal(ks[4], (d2, d3), dtype=jnp.float32) * (1.0 / np.sqrt(d2))
    b3 = jnp.zeros((d3,), dtype=jnp.float32)
    Wfc1 = jax.random.normal(ks[5], (d3, 1024), dtype=jnp.float32) * (1.0 / np.sqrt(d3))
    bfc1 = jnp.zeros((1024,), dtype=jnp.float32)
    Wfc2 = jax.random.normal(ks[6], (1024, OUT_CH), dtype=jnp.float32) * (1.0 / np.sqrt(1024))
    bfc2 = jnp.zeros((OUT_CH,), dtype=jnp.float32)
    return {"x": x, "edge_index": edge_index, "W1": W1, "b1": b1, "W2": W2, "b2": b2,
            "W3": W3, "b3": b3, "Wfc1": Wfc1, "bfc1": bfc1, "Wfc2": Wfc2, "bfc2": bfc2}


def reference(x, edge_index, W1, b1, W2, b2, W3, b3, Wfc1, bfc1, Wfc2, bfc2):
    h = jax.nn.relu(gcn_conv(x, edge_index, W1, b1))
    h = jax.nn.relu(gcn_conv(h, edge_index, W2, b2))
    h = jax.nn.relu(gcn_conv(h, edge_index, W3, b3))
    h = h.reshape(h.shape[0], -1)
    h = jax.nn.relu(h @ Wfc1 + bfc1)
    out = jax.nn.sigmoid(h @ Wfc2 + bfc2)
    return out

if __name__ == "__main__":
    import jax
    _d = setup_inputs()
    print(jax.jit(kernel)(*tuple(_d.values())))

</pallas_src>

<mosaic_0001>
#map = affine_map<(d0, d1) -> (0, 0)>
#map1 = affine_map<(d0, d1) -> (0, 0, 0)>
module attributes {stable_mosaic.version = 14 : i64} {
  func.func @_deg(%arg0: i32, %arg1: i32, %arg2: memref<2560x125xi32, #tpu.memory_space<hbm>>, %arg3: memref<2x10240x16xf32, #tpu.memory_space<hbm>>, %arg4: memref<80x125xi32, #tpu.memory_space<vmem>>, %arg5: memref<125x16xf32, #tpu.memory_space<vmem>>, %arg6: memref<128x16xf32, #tpu.memory_space<vmem>>, %arg7: memref<10240x16xf32, #tpu.memory_space<vmem_shared>>, %arg8: memref<!tpu.dma_semaphore, #tpu.memory_space<semaphore_mem>>, %arg9: memref<!tpu.dma_semaphore, #tpu.memory_space<semaphore_mem>>, %arg10: memref<!tpu.dma_semaphore, #tpu.memory_space<semaphore_mem>>, %arg11: memref<!tpu.dma_semaphore, #tpu.memory_space<semaphore_mem>>) attributes {dimension_semantics = [#tpu.dimension_semantics<core_parallel>, #tpu.dimension_semantics<subcore_parallel>], iteration_bounds = array<i64: 2, 16>, scalar_prefetch = 0 : i64, scratch_operands = 8 : i64, tpu.core_type = #tpu.core_type<sc_vector_subcore>, window_params = [{transform_indices = #map}, {transform_indices = #map1}]} {
    %mul3A = arith.constant 16 : i32
    %mul3A_0 = arith.muli %arg0, %mul3A : i32
    %add3A = arith.addi %mul3A_0, %arg1 : i32
    %mul3A_1 = arith.constant 80 : i32
    %mul3A_2 = arith.muli %add3A, %mul3A_1 : i32
    "tpu.region"() ({
      %run_scoped3A = tpu.sem_alloc : memref<!tpu.dma_semaphore, #tpu.memory_space<semaphore_mem>>
      %dma_start3A = arith.constant 0 : i32
      %dma_start3A_27 = tpu.memref_slice %arg2[%mul3A_2, %dma_start3A] : memref<2560x125xi32, #tpu.memory_space<hbm>> -> memref<80x125xi32, #tpu.memory_space<hbm>>
      %dma_start3A_28 = arith.constant 0 : i32
      %dma_start3A_29 = tpu.memref_slice %arg2[%mul3A_2, %dma_start3A_28] : memref<2560x125xi32, #tpu.memory_space<hbm>> -> memref<80x125xi32, #tpu.memory_space<hbm>>
      tpu.enqueue_dma source(%dma_start3A_29 : memref<80x125xi32, #tpu.memory_space<hbm>>) target(%arg4 : memref<80x125xi32, #tpu.memory_space<vmem>>) target_semaphore(%run_scoped3A : memref<!tpu.dma_semaphore, #tpu.memory_space<semaphore_mem>>)
      %dma_wait3A = arith.constant 0 : i32
      %dma_wait3A_30 = tpu.memref_slice %arg2[%mul3A_2, %dma_wait3A] : memref<2560x125xi32, #tpu.memory_space<hbm>> -> memref<80x125xi32, #tpu.memory_space<hbm>>
      %dma_wait3A_31 = arith.constant 0 : i32
      %dma_wait3A_32 = tpu.memref_slice %arg2[%mul3A_2, %dma_wait3A_31] : memref<2560x125xi32, #tpu.memory_space<hbm>> -> memref<80x125xi32, #tpu.memory_space<hbm>>
      tpu.wait_dma2 semaphore(%run_scoped3A : memref<!tpu.dma_semaphore, #tpu.memory_space<semaphore_mem>>) src(%dma_wait3A_32 : memref<80x125xi32, #tpu.memory_space<hbm>>) dst(%arg4 : memref<80x125xi32, #tpu.memory_space<vmem>>)
      tpu.yield
    }) : () -> ()
    %scan3A = arith.constant 0 : i32
    %scan3A_3 = arith.constant 125 : i32
    %scan3A_4 = arith.addi %scan3A, %scan3A_3 : i32
    %scan3A_5 = arith.constant 1 : i32
    scf.for %scan3A_27 = %scan3A to %scan3A_4 step %scan3A_5  : i32 {
      %mul3A_28 = arith.constant 1 : i32
      %mul3A_29 = arith.muli %scan3A_27, %mul3A_28 : i32
      %add3A_30 = arith.constant 0 : i32
      %add3A_31 = arith.addi %add3A_30, %mul3A_29 : i32
      %broadcast_in_dim3A = arith.constant 1.000000e+00 : f32
      %broadcast_in_dim3A_32 = vector.broadcast %broadcast_in_dim3A : f32 to vector<16xf32>
      %swap3A = arith.index_cast %add3A_31 : i32 to index
      %swap3A_33 = arith.constant 0 : index
      %swap3A_34 = tpu.vector_load %arg5[%swap3A, %swap3A_33] {strides = array<i32>} : memref<125x16xf32, #tpu.memory_space<vmem>>, vector<1x16xf32>,
      %swap3A_35 = vector.shape_cast %swap3A_34 : vector<1x16xf32> to vector<16xf32>
      %swap3A_36 = vector.shape_cast %broadcast_in_dim3A_32 : vector<16xf32> to vector<1x16xf32>
      tpu.vector_store %arg5[%swap3A, %swap3A_33], %swap3A_36 {strides = array<i32>} : memref<125x16xf32, #tpu.memory_space<vmem>>, vector<1x16xf32>,
    }
    %scan3A_6 = arith.constant 125 : i32
    %scan3A_7 = arith.constant 0 : i32
    %scan3A_8 = arith.constant 128 : i32
    %scan3A_9 = arith.addi %scan3A_7, %scan3A_8 : i32
    %scan3A_10 = arith.constant 1 : i32
    scf.for %scan3A_27 = %scan3A_7 to %scan3A_9 step %scan3A_10  : i32 {
      %mul3A_28 = arith.constant 1 : i32
      %mul3A_29 = arith.muli %scan3A_27, %mul3A_28 : i32
      %add3A_30 = arith.constant 0 : i32
      %add3A_31 = arith.addi %add3A_30, %mul3A_29 : i32
      %broadcast_in_dim3A = arith.constant 0.000000e+00 : f32
      %broadcast_in_dim3A_32 = vector.broadcast %broadcast_in_dim3A : f32 to vector<16xf32>
      %swap3A = arith.index_cast %add3A_31 : i32 to index
      %swap3A_33 = arith.constant 0 : index
      %swap3A_34 = tpu.vector_load %arg6[%swap3A, %swap3A_33] {strides = array<i32>} : memref<128x16xf32, #tpu.memory_space<vmem>>, vector<1x16xf32>,
      %swap3A_35 = vector.shape_cast %swap3A_34 : vector<1x16xf32> to vector<16xf32>
      %swap3A_36 = vector.shape_cast %broadcast_in_dim3A_32 : vector<16xf32> to vector<1x16xf32>
      tpu.vector_store %arg6[%swap3A, %swap3A_33], %swap3A_36 {strides = array<i32>} : memref<128x16xf32, #tpu.memory_space<vmem>>, vector<1x16xf32>,
    }
    %scan3A_11 = arith.constant 128 : i32
    %scan3A_12 = arith.constant 0 : i32
    %scan3A_13 = arith.constant 5 : i32
    %scan3A_14 = arith.addi %scan3A_12, %scan3A_13 : i32
    %scan3A_15 = arith.constant 1 : i32
    scf.for %scan3A_27 = %scan3A_12 to %scan3A_14 step %scan3A_15  : i32 {
      %mul3A_28 = arith.constant 1 : i32
      %mul3A_29 = arith.muli %scan3A_27, %mul3A_28 : i32
      %add3A_30 = arith.constant 0 : i32
      %add3A_31 = arith.addi %add3A_30, %mul3A_29 : i32
      %mul3A_32 = arith.constant 640 : i32
      %mul3A_33 = arith.muli %arg1, %mul3A_32 : i32
      %mul3A_34 = arith.constant 128 : i32
      %mul3A_35 = arith.muli %add3A_31, %mul3A_34 : i32
      %add3A_36 = arith.addi %mul3A_33, %mul3A_35 : i32
      "tpu.region"() ({
        %run_scoped3A = tpu.sem_alloc : memref<!tpu.dma_semaphore, #tpu.memory_space<semaphore_mem>>
        %dma_start3A = arith.constant 0 : i32
        %dma_start3A_37 = tpu.memref_slice %arg7[%add3A_36, %dma_start3A] : memref<10240x16xf32, #tpu.memory_space<vmem_shared>> -> memref<128x16xf32, #tpu.memory_space<vmem_shared>>
        %dma_start3A_38 = arith.constant 0 : i32
        %dma_start3A_39 = tpu.memref_slice %arg7[%add3A_36, %dma_start3A_38] : memref<10240x16xf32, #tpu.memory_space<vmem_shared>> -> memref<128x16xf32, #tpu.memory_space<vmem_shared>>
        tpu.enqueue_dma source(%arg6 : memref<128x16xf32, #tpu.memory_space<vmem>>) target(%dma_start3A_39 : memref<128x16xf32, #tpu.memory_space<vmem_shared>>) target_semaphore(%run_scoped3A : memref<!tpu.dma_semaphore, #tpu.memory_space<semaphore_mem>>)
        %dma_wait3A = arith.constant 0 : i32
        %dma_wait3A_40 = tpu.memref_slice %arg7[%add3A_36, %dma_wait3A] : memref<10240x16xf32, #tpu.memory_space<vmem_shared>> -> memref<128x16xf32, #tpu.memory_space<vmem_shared>>
        %dma_wait3A_41 = arith.constant 0 : i32
        %dma_wait3A_42 = tpu.memref_slice %arg7[%add3A_36, %dma_wait3A_41] : memref<10240x16xf32, #tpu.memory_space<vmem_shared>> -> memref<128x16xf32, #tpu.memory_space<vmem_shared>>
        tpu.wait_dma2 semaphore(%run_scoped3A : memref<!tpu.dma_semaphore, #tpu.memory_space<semaphore_mem>>) src(%arg6 : memref<128x16xf32, #tpu.memory_space<vmem>>) dst(%dma_wait3A_42 : memref<128x16xf32, #tpu.memory_space<vmem_shared>>)
        tpu.yield
      }) : () -> ()
    }
    %scan3A_16 = arith.constant 5 : i32
    %barrier3A = arith.constant 0 : index
    tpu.barrier barrier_id(%barrier3A)
    %scan3A_17 = arith.constant 0 : i32
    %scan3A_18 = arith.constant 20 : i32
    %scan3A_19 = arith.addi %scan3A_17, %scan3A_18 : i32
    %scan3A_20 = arith.constant 1 : i32
    scf.for %scan3A_27 = %scan3A_17 to %scan3A_19 step %scan3A_20  : i32 {
      %mul3A_28 = arith.constant 4 : i32
      %mul3A_29 = arith.muli %scan3A_27, %mul3A_28 : i32
      %add3A_30 = arith.constant 0 : i32
      %add3A_31 = arith.addi %add3A_30, %mul3A_29 : i32
      %add3A_32 = arith.constant 0 : i32
      %add3A_33 = arith.addi %add3A_31, %add3A_32 : i32
      %dma_start3A = arith.constant 0 : i32
      %dma_start3A_34 = tpu.memref_slice %arg4[%add3A_33, %dma_start3A] : memref<80x125xi32, #tpu.memory_space<vmem>> -> memref<1x125xi32, #tpu.memory_space<vmem>>
      %dma_start3A_35 = tpu.memref_squeeze %dma_start3A_34 : memref<1x125xi32, #tpu.memory_space<vmem>> -> memref<125xi32, #tpu.memory_space<vmem>>
      %dma_start3A_36 = arith.constant 0 : i32
      %dma_start3A_37 = arith.constant 0 : i32
      %dma_start3A_38 = tpu.memref_slice %arg7[%dma_start3A_36, %dma_start3A_37] : memref<10240x16xf32, #tpu.memory_space<vmem_shared>> -> memref<10240x16xf32, #tpu.memory_space<vmem_shared>>
      tpu.enqueue_indirect_dma source(%arg5 : memref<125x16xf32, #tpu.memory_space<vmem>>) target(%dma_start3A_38 : memref<10240x16xf32, #tpu.memory_space<vmem_shared>>) offsets(%dma_start3A_35 : memref<125xi32, #tpu.memory_space<vmem>>) semaphore(%arg8 : memref<!tpu.dma_semaphore, #tpu.memory_space<semaphore_mem>>) {add = true}
      %add3A_39 = arith.constant 1 : i32
      %add3A_40 = arith.addi %add3A_31, %add3A_39 : i32
      %dma_start3A_41 = arith.constant 0 : i32
      %dma_start3A_42 = tpu.memref_slice %arg4[%add3A_40, %dma_start3A_41] : memref<80x125xi32, #tpu.memory_space<vmem>> -> memref<1x125xi32, #tpu.memory_space<vmem>>
      %dma_start3A_43 = tpu.memref_squeeze %dma_start3A_42 : memref<1x125xi32, #tpu.memory_space<vmem>> -> memref<125xi32, #tpu.memory_space<vmem>>
      %dma_start3A_44 = arith.constant 0 : i32
      %dma_start3A_45 = arith.constant 0 : i32
      %dma_start3A_46 = tpu.memref_slice %arg7[%dma_start3A_44, %dma_start3A_45] : memref<10240x16xf32, #tpu.memory_space<vmem_shared>> -> memref<10240x16xf32, #tpu.memory_space<vmem_shared>>
      tpu.enqueue_indirect_dma source(%arg5 : memref<125x16xf32, #tpu.memory_space<vmem>>) target(%dma_start3A_46 : memref<10240x16xf32, #tpu.memory_space<vmem_shared>>) offsets(%dma_start3A_43 : memref<125xi32, #tpu.memory_space<vmem>>) semaphore(%arg9 : memref<!tpu.dma_semaphore, #tpu.memory_space<semaphore_mem>>) {add = true}
      %add3A_47 = arith.constant 2 : i32
      %add3A_48 = arith.addi %add3A_31, %add3A_47 : i32
      %dma_start3A_49 = arith.constant 0 : i32
      %dma_start3A_50 = tpu.memref_slice %arg4[%add3A_48, %dma_start3A_49] : memref<80x125xi32, #tpu.memory_space<vmem>> -> memref<1x125xi32, #tpu.memory_space<vmem>>
      %dma_start3A_51 = tpu.memref_squeeze %dma_start3A_50 : memref<1x125xi32, #tpu.memory_space<vmem>> -> memref<125xi32, #tpu.memory_space<vmem>>
      %dma_start3A_52 = arith.constant 0 : i32
      %dma_start3A_53 = arith.constant 0 : i32
      %dma_start3A_54 = tpu.memref_slice %arg7[%dma_start3A_52, %dma_start3A_53] : memref<10240x16xf32, #tpu.memory_space<vmem_shared>> -> memref<10240x16xf32, #tpu.memory_space<vmem_shared>>
      tpu.enqueue_indirect_dma source(%arg5 : memref<125x16xf32, #tpu.memory_space<vmem>>) target(%dma_start3A_54 : memref<10240x16xf32, #tpu.memory_space<vmem_shared>>) offsets(%dma_start3A_51 : memref<125xi32, #tpu.memory_space<vmem>>) semaphore(%arg10 : memref<!tpu.dma_semaphore, #tpu.memory_space<semaphore_mem>>) {add = true}
      %add3A_55 = arith.constant 3 : i32
      %add3A_56 = arith.addi %add3A_31, %add3A_55 : i32
      %dma_start3A_57 = arith.constant 0 : i32
      %dma_start3A_58 = tpu.memref_slice %arg4[%add3A_56, %dma_start3A_57] : memref<80x125xi32, #tpu.memory_space<vmem>> -> memref<1x125xi32, #tpu.memory_space<vmem>>
      %dma_start3A_59 = tpu.memref_squeeze %dma_start3A_58 : memref<1x125xi32, #tpu.memory_space<vmem>> -> memref<125xi32, #tpu.memory_space<vmem>>
      %dma_start3A_60 = arith.constant 0 : i32
      %dma_start3A_61 = arith.constant 0 : i32
      %dma_start3A_62 = tpu.memref_slice %arg7[%dma_start3A_60, %dma_start3A_61] : memref<10240x16xf32, #tpu.memory_space<vmem_shared>> -> memref<10240x16xf32, #tpu.memory_space<vmem_shared>>
      tpu.enqueue_indirect_dma source(%arg5 : memref<125x16xf32, #tpu.memory_space<vmem>>) target(%dma_start3A_62 : memref<10240x16xf32, #tpu.memory_space<vmem_shared>>) offsets(%dma_start3A_59 : memref<125xi32, #tpu.memory_space<vmem>>) semaphore(%arg11 : memref<!tpu.dma_semaphore, #tpu.memory_space<semaphore_mem>>) {add = true}
      %dma_wait3A = arith.constant 0 : i32
      %dma_wait3A_63 = tpu.memref_slice %arg4[%add3A_33, %dma_wait3A] : memref<80x125xi32, #tpu.memory_space<vmem>> -> memref<1x125xi32, #tpu.memory_space<vmem>>
      %dma_wait3A_64 = tpu.memref_squeeze %dma_wait3A_63 : memref<1x125xi32, #tpu.memory_space<vmem>> -> memref<125xi32, #tpu.memory_space<vmem>>
      %dma_wait3A_65 = arith.constant 0 : i32
      %dma_wait3A_66 = arith.constant 0 : i32
      %dma_wait3A_67 = tpu.memref_slice %arg7[%dma_wait3A_65, %dma_wait3A_66] : memref<10240x16xf32, #tpu.memory_space<vmem_shared>> -> memref<10240x16xf32, #tpu.memory_space<vmem_shared>>
      tpu.wait_indirect_dma semaphore(%arg8 : memref<!tpu.dma_semaphore, #tpu.memory_space<semaphore_mem>>) src(%arg5 : memref<125x16xf32, #tpu.memory_space<vmem>>) dst(%dma_wait3A_67 : memref<10240x16xf32, #tpu.memory_space<vmem_shared>>)
      %dma_wait3A_68 = arith.constant 0 : i32
      %dma_wait3A_69 = tpu.memref_slice %arg4[%add3A_40, %dma_wait3A_68] : memref<80x125xi32, #tpu.memory_space<vmem>> -> memref<1x125xi32, #tpu.memory_space<vmem>>
      %dma_wait3A_70 = tpu.memref_squeeze %dma_wait3A_69 : memref<1x125xi32, #tpu.memory_space<vmem>> -> memref<125xi32, #tpu.memory_space<vmem>>
      %dma_wait3A_71 = arith.constant 0 : i32
      %dma_wait3A_72 = arith.constant 0 : i32
      %dma_wait3A_73 = tpu.memref_slice %arg7[%dma_wait3A_71, %dma_wait3A_72] : memref<10240x16xf32, #tpu.memory_space<vmem_shared>> -> memref<10240x16xf32, #tpu.memory_space<vmem_shared>>
      tpu.wait_indirect_dma semaphore(%arg9 : memref<!tpu.dma_semaphore, #tpu.memory_space<semaphore_mem>>) src(%arg5 : memref<125x16xf32, #tpu.memory_space<vmem>>) dst(%dma_wait3A_73 : memref<10240x16xf32, #tpu.memory_space<vmem_shared>>)
      %dma_wait3A_74 = arith.constant 0 : i32
      %dma_wait3A_75 = tpu.memref_slice %arg4[%add3A_48, %dma_wait3A_74] : memref<80x125xi32, #tpu.memory_space<vmem>> -> memref<1x125xi32, #tpu.memory_space<vmem>>
      %dma_wait3A_76 = tpu.memref_squeeze %dma_wait3A_75 : memref<1x125xi32, #tpu.memory_space<vmem>> -> memref<125xi32, #tpu.memory_space<vmem>>
      %dma_wait3A_77 = arith.constant 0 : i32
      %dma_wait3A_78 = arith.constant 0 : i32
      %dma_wait3A_79 = tpu.memref_slice %arg7[%dma_wait3A_77, %dma_wait3A_78] : memref<10240x16xf32, #tpu.memory_space<vmem_shared>> -> memref<10240x16xf32, #tpu.memory_space<vmem_shared>>
      tpu.wait_indirect_dma semaphore(%arg10 : memref<!tpu.dma_semaphore, #tpu.memory_space<semaphore_mem>>) src(%arg5 : memref<125x16xf32, #tpu.memory_space<vmem>>) dst(%dma_wait3A_79 : memref<10240x16xf32, #tpu.memory_space<vmem_shared>>)
      %dma_wait3A_80 = arith.constant 0 : i32
      %dma_wait3A_81 = tpu.memref_slice %arg4[%add3A_56, %dma_wait3A_80] : memref<80x125xi32, #tpu.memory_space<vmem>> -> memref<1x125xi32, #tpu.memory_space<vmem>>
      %dma_wait3A_82 = tpu.memref_squeeze %dma_wait3A_81 : memref<1x125xi32, #tpu.memory_space<vmem>> -> memref<125xi32, #tpu.memory_space<vmem>>
      %dma_wait3A_83 = arith.constant 0 : i32
      %dma_wait3A_84 = arith.constant 0 : i32
      %dma_wait3A_85 = tpu.memref_slice %arg7[%dma_wait3A_83, %dma_wait3A_84] : memref<10240x16xf32, #tpu.memory_space<vmem_shared>> -> memref<10240x16xf32, #tpu.memory_space<vmem_shared>>
      tpu.wait_indirect_dma semaphore(%arg11 : memref<!tpu.dma_semaphore, #tpu.memory_space<semaphore_mem>>) src(%arg5 : memref<125x16xf32, #tpu.memory_space<vmem>>) dst(%dma_wait3A_85 : memref<10240x16xf32, #tpu.memory_space<vmem_shared>>)
    }
    %scan3A_21 = arith.constant 20 : i32
    %barrier3A_22 = arith.constant 0 : index
    tpu.barrier barrier_id(%barrier3A_22)
    %mul3A_23 = arith.constant 640 : i32
    %mul3A_24 = arith.muli %arg1, %mul3A_23 : i32
    %mul3A_25 = arith.constant 640 : i32
    %mul3A_26 = arith.muli %arg1, %mul3A_25 : i32
    "tpu.region"() ({
      %run_scoped3A = tpu.sem_alloc : memref<!tpu.dma_semaphore, #tpu.memory_space<semaphore_mem>>
      %dma_start3A = arith.constant 0 : i32
      %dma_start3A_27 = tpu.memref_slice %arg3[%arg0, %mul3A_26, %dma_start3A] : memref<2x10240x16xf32, #tpu.memory_space<hbm>> -> memref<1x640x16xf32, #tpu.memory_space<hbm>>
      %dma_start3A_28 = tpu.memref_squeeze %dma_start3A_27 : memref<1x640x16xf32, #tpu.memory_space<hbm>> -> memref<640x16xf32, #tpu.memory_space<hbm>>
      %dma_start3A_29 = arith.constant 0 : i32
      %dma_start3A_30 = tpu.memref_slice %arg7[%mul3A_24, %dma_start3A_29] : memref<10240x16xf32, #tpu.memory_space<vmem_shared>> -> memref<640x16xf32, #tpu.memory_space<vmem_shared>>
      tpu.enqueue_dma source(%dma_start3A_30 : memref<640x16xf32, #tpu.memory_space<vmem_shared>>) target(%dma_start3A_28 : memref<640x16xf32, #tpu.memory_space<hbm>>) target_semaphore(%run_scoped3A : memref<!tpu.dma_semaphore, #tpu.memory_space<semaphore_mem>>)
      %dma_wait3A = arith.constant 0 : i32
      %dma_wait3A_31 = tpu.memref_slice %arg3[%arg0, %mul3A_26, %dma_wait3A] : memref<2x10240x16xf32, #tpu.memory_space<hbm>> -> memref<1x640x16xf32, #tpu.memory_space<hbm>>
      %dma_wait3A_32 = tpu.memref_squeeze %dma_wait3A_31 : memref<1x640x16xf32, #tpu.memory_space<hbm>> -> memref<640x16xf32, #tpu.memory_space<hbm>>
      %dma_wait3A_33 = arith.constant 0 : i32
      %dma_wait3A_34 = tpu.memref_slice %arg7[%mul3A_24, %dma_wait3A_33] : memref<10240x16xf32, #tpu.memory_space<vmem_shared>> -> memref<640x16xf32, #tpu.memory_space<vmem_shared>>
      tpu.wait_dma2 semaphore(%run_scoped3A : memref<!tpu.dma_semaphore, #tpu.memory_space<semaphore_mem>>) src(%dma_wait3A_34 : memref<640x16xf32, #tpu.memory_space<vmem_shared>>) dst(%dma_wait3A_32 : memref<640x16xf32, #tpu.memory_space<hbm>>)
      tpu.yield
    }) : () -> ()
    return
  }
}

#map = affine_map<(d0, d1) -> (0, 0)>
#map1 = affine_map<(d0, d1) -> (0, 0, 0)>
module attributes {stable_mosaic.version = 14 : i64} {
  func.func @agg(%arg0: i32, %arg1: i32, %arg2: memref<2560x125xi32, #tpu.memory_space<hbm>>, %arg3: memref<2560x125xi32, #tpu.memory_space<hbm>>, %arg4: memref<10000x128xf32, #tpu.memory_space<hbm>>, %arg5: memref<10000x128xf32, #tpu.memory_space<hbm>>, %arg6: memref<2x10240x256xf32, #tpu.memory_space<hbm>>, %arg7: memref<16x125xi32, #tpu.memory_space<vmem>>, %arg8: memref<16x125xi32, #tpu.memory_space<vmem>>, %arg9: memref<125x128xf32, #tpu.memory_space<vmem>>, %arg10: memref<125x128xf32, #tpu.memory_space<vmem>>, %arg11: memref<64x128xf32, #tpu.memory_space<vmem>>, %arg12: memref<10240x128xf32, #tpu.memory_space<vmem_shared>>, %arg13: memref<!tpu.dma_semaphore, #tpu.memory_space<semaphore_mem>>, %arg14: memref<!tpu.dma_semaphore, #tpu.memory_space<semaphore_mem>>, %arg15: memref<!tpu.dma_semaphore, #tpu.memory_space<semaphore_mem>>, %arg16: memref<!tpu.dma_semaphore, #tpu.memory_space<semaphore_mem>>) attributes {dimension_semantics = [#tpu.dimension_semantics<core_parallel>, #tpu.dimension_semantics<subcore_parallel>], iteration_bounds = array<i64: 2, 16>, scalar_prefetch = 0 : i64, scratch_operands = 10 : i64, tpu.core_type = #tpu.core_type<sc_vector_subcore>, window_params = [{transform_indices = #map}, {transform_indices = #map}, {transform_indices = #map}, {transform_indices = #map}, {transform_indices = #map1}]} {
    %mul3A = arith.constant 16 : i32
    %mul3A_0 = arith.muli %arg0, %mul3A : i32
    %add3A = arith.addi %mul3A_0, %arg1 : i32
    %mul3A_1 = arith.constant 80 : i32
    %mul3A_2 = arith.muli %add3A, %mul3A_1 : i32
    %scan3A = arith.constant 0 : i32
    %scan3A_3 = arith.constant 64 : i32
    %scan3A_4 = arith.addi %scan3A, %scan3A_3 : i32
    %scan3A_5 = arith.constant 1 : i32
    scf.for %scan3A_38 = %scan3A to %scan3A_4 step %scan3A_5  : i32 {
      %mul3A_39 = arith.constant 1 : i32
      %mul3A_40 = arith.muli %scan3A_38, %mul3A_39 : i32
      %add3A_41 = arith.constant 0 : i32
      %add3A_42 = arith.addi %add3A_41, %mul3A_40 : i32
      %scan3A_43 = arith.constant 0 : i32
      %scan3A_44 = arith.constant 8 : i32
      %scan3A_45 = arith.addi %scan3A_43, %scan3A_44 : i32
      %scan3A_46 = arith.constant 1 : i32
      scf.for %scan3A_48 = %scan3A_43 to %scan3A_45 step %scan3A_46  : i32 {
        %mul3A_49 = arith.constant 1 : i32
        %mul3A_50 = arith.muli %scan3A_48, %mul3A_49 : i32
        %add3A_51 = arith.constant 0 : i32
        %add3A_52 = arith.addi %add3A_51, %mul3A_50 : i32
        %broadcast_in_dim3A = arith.constant 0.000000e+00 : f32
        %broadcast_in_dim3A_53 = vector.broadcast %broadcast_in_dim3A : f32 to vector<16xf32>
        %mul3A_54 = arith.constant 16 : i32
        %mul3A_55 = arith.muli %add3A_52, %mul3A_54 : i32
        %swap3A = arith.index_cast %add3A_42 : i32 to index
        %swap3A_56 = arith.index_cast %mul3A_55 : i32 to index
        %swap3A_57 = tpu.vector_load %arg11[%swap3A, %swap3A_56] {strides = array<i32>} : memref<64x128xf32, #tpu.memory_space<vmem>>, vector<1x16xf32>,
        %swap3A_58 = vector.shape_cast %swap3A_57 : vector<1x16xf32> to vector<16xf32>
        %swap3A_59 = vector.shape_cast %broadcast_in_dim3A_53 : vector<16xf32> to vector<1x16xf32>
        tpu.vector_store %arg11[%swap3A, %swap3A_56], %swap3A_59 {strides = array<i32>} : memref<64x128xf32, #tpu.memory_space<vmem>>, vector<1x16xf32>,
      }
      %scan3A_47 = arith.constant 8 : i32
    }
    %scan3A_6 = arith.constant 64 : i32
    %scan3A_7 = arith.constant 0 : i32
    %scan3A_8 = arith.constant 10 : i32
    %scan3A_9 = arith.addi %scan3A_7, %scan3A_8 : i32
    %scan3A_10 = arith.constant 1 : i32
    scf.for %scan3A_38 = %scan3A_7 to %scan3A_9 step %scan3A_10  : i32 {
      %mul3A_39 = arith.constant 1 : i32
      %mul3A_40 = arith.muli %scan3A_38, %mul3A_39 : i32
      %add3A_41 = arith.constant 0 : i32
      %add3A_42 = arith.addi %add3A_41, %mul3A_40 : i32
      %mul3A_43 = arith.constant 640 : i32
      %mul3A_44 = arith.muli %arg1, %mul3A_43 : i32
      %mul3A_45 = arith.constant 64 : i32
      %mul3A_46 = arith.muli %add3A_42, %mul3A_45 : i32
      %add3A_47 = arith.addi %mul3A_44, %mul3A_46 : i32
      "tpu.region"() ({
        %run_scoped3A = tpu.sem_alloc : memref<!tpu.dma_semaphore, #tpu.memory_space<semaphore_mem>>
        %dma_start3A = arith.constant 0 : i32
        %dma_start3A_48 = tpu.memref_slice %arg12[%add3A_47, %dma_start3A] : memref<10240x128xf32, #tpu.memory_space<vmem_shared>> -> memref<64x128xf32, #tpu.memory_space<vmem_shared>>
        %dma_start3A_49 = arith.constant 0 : i32
        %dma_start3A_50 = tpu.memref_slice %arg12[%add3A_47, %dma_start3A_49] : memref<10240x128xf32, #tpu.memory_space<vmem_shared>> -> memref<64x128xf32, #tpu.memory_space<vmem_shared>>
        tpu.enqueue_dma source(%arg11 : memref<64x128xf32, #tpu.memory_space<vmem>>) target(%dma_start3A_50 : memref<64x128xf32, #tpu.memory_space<vmem_shared>>) target_semaphore(%run_scoped3A : memref<!tpu.dma_semaphore, #tpu.memory_space<semaphore_mem>>)
        %dma_wait3A = arith.constant 0 : i32
        %dma_wait3A_51 = tpu.memref_slice %arg12[%add3A_47, %dma_wait3A] : memref<10240x128xf32, #tpu.memory_space<vmem_shared>> -> memref<64x128xf32, #tpu.memory_space<vmem_shared>>
        %dma_wait3A_52 = arith.constant 0 : i32
        %dma_wait3A_53 = tpu.memref_slice %arg12[%add3A_47, %dma_wait3A_52] : memref<10240x128xf32, #tpu.memory_space<vmem_shared>> -> memref<64x128xf32, #tpu.memory_space<vmem_shared>>
        tpu.wait_dma2 semaphore(%run_scoped3A : memref<!tpu.dma_semaphore, #tpu.memory_space<semaphore_mem>>) src(%arg11 : memref<64x128xf32, #tpu.memory_space<vmem>>) dst(%dma_wait3A_53 : memref<64x128xf32, #tpu.memory_space<vmem_shared>>)
        tpu.yield
      }) : () -> ()
    }
    %scan3A_11 = arith.constant 10 : i32
    %barrier3A = arith.constant 0 : index
    tpu.barrier barrier_id(%barrier3A)
    %scan3A_12 = arith.constant 0 : i32
    %scan3A_13 = arith.constant 5 : i32
    %scan3A_14 = arith.addi %scan3A_12, %scan3A_13 : i32
    %scan3A_15 = arith.constant 1 : i32
    scf.for %scan3A_38 = %scan3A_12 to %scan3A_14 step %scan3A_15  : i32 {
      %mul3A_39 = arith.constant 1 : i32
      %mul3A_40 = arith.muli %scan3A_38, %mul3A_39 : i32
      %add3A_41 = arith.constant 0 : i32
      %add3A_42 = arith.addi %add3A_41, %mul3A_40 : i32
      %mul3A_43 = arith.constant 16 : i32
      %mul3A_44 = arith.muli %add3A_42, %mul3A_43 : i32
      %add3A_45 = arith.addi %mul3A_2, %mul3A_44 : i32
      "tpu.region"() ({
        %run_scoped3A = tpu.sem_alloc : memref<!tpu.dma_semaphore, #tpu.memory_space<semaphore_mem>>
        %dma_start3A_57 = arith.constant 0 : i32
        %dma_start3A_58 = tpu.memref_slice %arg2[%add3A_45, %dma_start3A_57] : memref<2560x125xi32, #tpu.memory_space<hbm>> -> memref<16x125xi32, #tpu.memory_space<hbm>>
        %dma_start3A_59 = arith.constant 0 : i32
        %dma_start3A_60 = tpu.memref_slice %arg2[%add3A_45, %dma_start3A_59] : memref<2560x125xi32, #tpu.memory_space<hbm>> -> memref<16x125xi32, #tpu.memory_space<hbm>>
        tpu.enqueue_dma source(%dma_start3A_60 : memref<16x125xi32, #tpu.memory_space<hbm>>) target(%arg7 : memref<16x125xi32, #tpu.memory_space<vmem>>) target_semaphore(%run_scoped3A : memref<!tpu.dma_semaphore, #tpu.memory_space<semaphore_mem>>)
        %dma_wait3A = arith.constant 0 : i32
        %dma_wait3A_61 = tpu.memref_slice %arg2[%add3A_45, %dma_wait3A] : memref<2560x125xi32, #tpu.memory_space<hbm>> -> memref<16x125xi32, #tpu.memory_space<hbm>>
        %dma_wait3A_62 = arith.constant 0 : i32
        %dma_wait3A_63 = tpu.memref_slice %arg2[%add3A_45, %dma_wait3A_62] : memref<2560x125xi32, #tpu.memory_space<hbm>> -> memref<16x125xi32, #tpu.memory_space<hbm>>
        tpu.wait_dma2 semaphore(%run_scoped3A : memref<!tpu.dma_semaphore, #tpu.memory_space<semaphore_mem>>) src(%dma_wait3A_63 : memref<16x125xi32, #tpu.memory_space<hbm>>) dst(%arg7 : memref<16x125xi32, #tpu.memory_space<vmem>>)
        tpu.yield
      }) : () -> ()
      "tpu.region"() ({
        %run_scoped3A = tpu.sem_alloc : memref<!tpu.dma_semaphore, #tpu.memory_space<semaphore_mem>>
        %dma_start3A_57 = arith.constant 0 : i32
        %dma_start3A_58 = tpu.memref_slice %arg3[%add3A_45, %dma_start3A_57] : memref<2560x125xi32, #tpu.memory_space<hbm>> -> memref<16x125xi32, #tpu.memory_space<hbm>>
        %dma_start3A_59 = arith.constant 0 : i32
        %dma_start3A_60 = tpu.memref_slice %arg3[%add3A_45, %dma_start3A_59] : memref<2560x125xi32, #tpu.memory_space<hbm>> -> memref<16x125xi32, #tpu.memory_space<hbm>>
        tpu.enqueue_dma source(%dma_start3A_60 : memref<16x125xi32, #tpu.memory_space<hbm>>) target(%arg8 : memref<16x125xi32, #tpu.memory_space<vmem>>) target_semaphore(%run_scoped3A : memref<!tpu.dma_semaphore, #tpu.memory_space<semaphore_mem>>)
        %dma_wait3A = arith.constant 0 : i32
        %dma_wait3A_61 = tpu.memref_slice %arg3[%add3A_45, %dma_wait3A] : memref<2560x125xi32, #tpu.memory_space<hbm>> -> memref<16x125xi32, #tpu.memory_space<hbm>>
        %dma_wait3A_62 = arith.constant 0 : i32
        %dma_wait3A_63 = tpu.memref_slice %arg3[%add3A_45, %dma_wait3A_62] : memref<2560x125xi32, #tpu.memory_space<hbm>> -> memref<16x125xi32, #tpu.memory_space<hbm>>
        tpu.wait_dma2 semaphore(%run_scoped3A : memref<!tpu.dma_semaphore, #tpu.memory_space<semaphore_mem>>) src(%dma_wait3A_63 : memref<16x125xi32, #tpu.memory_space<hbm>>) dst(%arg8 : memref<16x125xi32, #tpu.memory_space<vmem>>)
        tpu.yield
      }) : () -> ()
      %dma_start3A = arith.constant 0 : i32
      %dma_start3A_46 = arith.constant 0 : i32
      %dma_start3A_47 = tpu.memref_slice %arg7[%dma_start3A, %dma_start3A_46] : memref<16x125xi32, #tpu.memory_space<vmem>> -> memref<1x125xi32, #tpu.memory_space<vmem>>
      %dma_start3A_48 = tpu.memref_squeeze %dma_start3A_47 : memref<1x125xi32, #tpu.memory_space<vmem>> -> memref<125xi32, #tpu.memory_space<vmem>>
      %dma_start3A_49 = arith.constant 0 : i32
      %dma_start3A_50 = arith.constant 0 : i32
      %dma_start3A_51 = tpu.memref_slice %arg4[%dma_start3A_49, %dma_start3A_50] : memref<10000x128xf32, #tpu.memory_space<hbm>> -> memref<10000x128xf32, #tpu.memory_space<hbm>>
      tpu.enqueue_indirect_dma source(%dma_start3A_51 : memref<10000x128xf32, #tpu.memory_space<hbm>>) target(%arg9 : memref<125x128xf32, #tpu.memory_space<vmem>>) offsets(%dma_start3A_48 : memref<125xi32, #tpu.memory_space<vmem>>) semaphore(%arg13 : memref<!tpu.dma_semaphore, #tpu.memory_space<semaphore_mem>>)
      %scan3A_52 = arith.constant 0 : i32
      %scan3A_53 = arith.constant 8 : i32
      %scan3A_54 = arith.addi %scan3A_52, %scan3A_53 : i32
      %scan3A_55 = arith.constant 1 : i32
      scf.for %scan3A_57 = %scan3A_52 to %scan3A_54 step %scan3A_55  : i32 {
        %mul3A_58 = arith.constant 2 : i32
        %mul3A_59 = arith.muli %scan3A_57, %mul3A_58 : i32
        %add3A_60 = arith.constant 0 : i32
        %add3A_61 = arith.addi %add3A_60, %mul3A_59 : i32
        %dma_wait3A = arith.constant 0 : i32
        %dma_wait3A_62 = tpu.memref_slice %arg7[%add3A_61, %dma_wait3A] : memref<16x125xi32, #tpu.memory_space<vmem>> -> memref<1x125xi32, #tpu.memory_space<vmem>>
        %dma_wait3A_63 = tpu.memref_squeeze %dma_wait3A_62 : memref<1x125xi32, #tpu.memory_space<vmem>> -> memref<125xi32, #tpu.memory_space<vmem>>
        %dma_wait3A_64 = arith.constant 0 : i32
        %dma_wait3A_65 = arith.constant 0 : i32
        %dma_wait3A_66 = tpu.memref_slice %arg4[%dma_wait3A_64, %dma_wait3A_65] : memref<10000x128xf32, #tpu.memory_space<hbm>> -> memref<10000x128xf32, #tpu.memory_space<hbm>>
        tpu.wait_indirect_dma semaphore(%arg13 : memref<!tpu.dma_semaphore, #tpu.memory_space<semaphore_mem>>) src(%dma_wait3A_66 : memref<10000x128xf32, #tpu.memory_space<hbm>>) dst(%arg9 : memref<125x128xf32, #tpu.memory_space<vmem>>)
        %add3A_67 = arith.constant 1 : i32
        %add3A_68 = arith.addi %add3A_61, %add3A_67 : i32
        %dma_start3A_69 = arith.constant 0 : i32
        %dma_start3A_70 = tpu.memref_slice %arg7[%add3A_68, %dma_start3A_69] : memref<16x125xi32, #tpu.memory_space<vmem>> -> memref<1x125xi32, #tpu.memory_space<vmem>>
        %dma_start3A_71 = tpu.memref_squeeze %dma_start3A_70 : memref<1x125xi32, #tpu.memory_space<vmem>> -> memref<125xi32, #tpu.memory_space<vmem>>
        %dma_start3A_72 = arith.constant 0 : i32
        %dma_start3A_73 = arith.constant 0 : i32
        %dma_start3A_74 = tpu.memref_slice %arg4[%dma_start3A_72, %dma_start3A_73] : memref<10000x128xf32, #tpu.memory_space<hbm>> -> memref<10000x128xf32, #tpu.memory_space<hbm>>
        tpu.enqueue_indirect_dma source(%dma_start3A_74 : memref<10000x128xf32, #tpu.memory_space<hbm>>) target(%arg10 : memref<125x128xf32, #tpu.memory_space<vmem>>) offsets(%dma_start3A_71 : memref<125xi32, #tpu.memory_space<vmem>>) semaphore(%arg14 : memref<!tpu.dma_semaphore, #tpu.memory_space<semaphore_mem>>)
        %dma_start3A_75 = arith.constant 0 : i32
        %dma_start3A_76 = tpu.memref_slice %arg8[%add3A_61, %dma_start3A_75] : memref<16x125xi32, #tpu.memory_space<vmem>> -> memref<1x125xi32, #tpu.memory_space<vmem>>
        %dma_start3A_77 = tpu.memref_squeeze %dma_start3A_76 : memref<1x125xi32, #tpu.memory_space<vmem>> -> memref<125xi32, #tpu.memory_space<vmem>>
        %dma_start3A_78 = arith.constant 0 : i32
        %dma_start3A_79 = arith.constant 0 : i32
        %dma_start3A_80 = tpu.memref_slice %arg12[%dma_start3A_78, %dma_start3A_79] : memref<10240x128xf32, #tpu.memory_space<vmem_shared>> -> memref<10240x128xf32, #tpu.memory_space<vmem_shared>>
        tpu.enqueue_indirect_dma source(%arg9 : memref<125x128xf32, #tpu.memory_space<vmem>>) target(%dma_start3A_80 : memref<10240x128xf32, #tpu.memory_space<vmem_shared>>) offsets(%dma_start3A_77 : memref<125xi32, #tpu.memory_space<vmem>>) semaphore(%arg15 : memref<!tpu.dma_semaphore, #tpu.memory_space<semaphore_mem>>) {add = true}
        %add3A_81 = arith.constant 1 : i32
        %add3A_82 = arith.addi %add3A_61, %add3A_81 : i32
        %dma_wait3A_83 = arith.constant 0 : i32
        %dma_wait3A_84 = tpu.memref_slice %arg7[%add3A_82, %dma_wait3A_83] : memref<16x125xi32, #tpu.memory_space<vmem>> -> memref<1x125xi32, #tpu.memory_space<vmem>>
        %dma_wait3A_85 = tpu.memref_squeeze %dma_wait3A_84 : memref<1x125xi32, #tpu.memory_space<vmem>> -> memref<125xi32, #tpu.memory_space<vmem>>
        %dma_wait3A_86 = arith.constant 0 : i32
        %dma_wait3A_87 = arith.constant 0 : i32
        %dma_wait3A_88 = tpu.memref_slice %arg4[%dma_wait3A_86, %dma_wait3A_87] : memref<10000x128xf32, #tpu.memory_space<hbm>> -> memref<10000x128xf32, #tpu.memory_space<hbm>>
        tpu.wait_indirect_dma semaphore(%arg14 : memref<!tpu.dma_semaphore, #tpu.memory_space<semaphore_mem>>) src(%dma_wait3A_88 : memref<10000x128xf32, #tpu.memory_space<hbm>>) dst(%arg10 : memref<125x128xf32, #tpu.memory_space<vmem>>)
        %add3A_89 = arith.constant 1 : i32
        %add3A_90 = arith.addi %add3A_61, %add3A_89 : i32
        %dma_start3A_91 = arith.constant 0 : i32
        %dma_start3A_92 = tpu.memref_slice %arg8[%add3A_90, %dma_start3A_91] : memref<16x125xi32, #tpu.memory_space<vmem>> -> memref<1x125xi32, #tpu.memory_space<vmem>>
        %dma_start3A_93 = tpu.memref_squeeze %dma_start3A_92 : memref<1x125xi32, #tpu.memory_space<vmem>> -> memref<125xi32, #tpu.memory_space<vmem>>
        %dma_start3A_94 = arith.constant 0 : i32
        %dma_start3A_95 = arith.constant 0 : i32
        %dma_start3A_96 = tpu.memref_slice %arg12[%dma_start3A_94, %dma_start3A_95] : memref<10240x128xf32, #tpu.memory_space<vmem_shared>> -> memref<10240x128xf32, #tpu.memory_space<vmem_shared>>
        tpu.enqueue_indirect_dma source(%arg10 : memref<125x128xf32, #tpu.memory_space<vmem>>) target(%dma_start3A_96 : memref<10240x128xf32, #tpu.memory_space<vmem_shared>>) offsets(%dma_start3A_93 : memref<125xi32, #tpu.memory_space<vmem>>) semaphore(%arg16 : memref<!tpu.dma_semaphore, #tpu.memory_space<semaphore_mem>>) {add = true}
        %dma_wait3A_97 = arith.constant 0 : i32
        %dma_wait3A_98 = tpu.memref_slice %arg8[%add3A_61, %dma_wait3A_97] : memref<16x125xi32, #tpu.memory_space<vmem>> -> memref<1x125xi32, #tpu.memory_space<vmem>>
        %dma_wait3A_99 = tpu.memref_squeeze %dma_wait3A_98 : memref<1x125xi32, #tpu.memory_space<vmem>> -> memref<125xi32, #tpu.memory_space<vmem>>
        %dma_wait3A_100 = arith.constant 0 : i32
        %dma_wait3A_101 = arith.constant 0 : i32
        %dma_wait3A_102 = tpu.memref_slice %arg12[%dma_wait3A_100, %dma_wait3A_101] : memref<10240x128xf32, #tpu.memory_space<vmem_shared>> -> memref<10240x128xf32, #tpu.memory_space<vmem_shared>>
        tpu.wait_indirect_dma semaphore(%arg15 : memref<!tpu.dma_semaphore, #tpu.memory_space<semaphore_mem>>) src(%arg9 : memref<125x128xf32, #tpu.memory_space<vmem>>) dst(%dma_wait3A_102 : memref<10240x128xf32, #tpu.memory_space<vmem_shared>>)
        %add3A_103 = arith.constant 2 : i32
        %add3A_104 = arith.addi %add3A_61, %add3A_103 : i32
        %lt3A = arith.constant 16 : i32
        %lt3A_105 = arith.cmpi slt, %add3A_104, %lt3A : i32
        %convert_element_type3A = arith.extui %lt3A_105 : i1 to i32
        %cond3A = arith.constant 0 : i32
        %cond3A_106 = arith.cmpi ne, %convert_element_type3A, %cond3A : i32
        scf.if %cond3A_106 {
          %add3A_113 = arith.constant 2 : i32
          %add3A_114 = arith.addi %add3A_61, %add3A_113 : i32
          %dma_start3A_115 = arith.constant 0 : i32
          %dma_start3A_116 = tpu.memref_slice %arg7[%add3A_114, %dma_start3A_115] : memref<16x125xi32, #tpu.memory_space<vmem>> -> memref<1x125xi32, #tpu.memory_space<vmem>>
          %dma_start3A_117 = tpu.memref_squeeze %dma_start3A_116 : memref<1x125xi32, #tpu.memory_space<vmem>> -> memref<125xi32, #tpu.memory_space<vmem>>
          %dma_start3A_118 = arith.constant 0 : i32
          %dma_start3A_119 = arith.constant 0 : i32
          %dma_start3A_120 = tpu.memref_slice %arg4[%dma_start3A_118, %dma_start3A_119] : memref<10000x128xf32, #tpu.memory_space<hbm>> -> memref<10000x128xf32, #tpu.memory_space<hbm>>
          tpu.enqueue_indirect_dma source(%dma_start3A_120 : memref<10000x128xf32, #tpu.memory_space<hbm>>) target(%arg9 : memref<125x128xf32, #tpu.memory_space<vmem>>) offsets(%dma_start3A_117 : memref<125xi32, #tpu.memory_space<vmem>>) semaphore(%arg13 : memref<!tpu.dma_semaphore, #tpu.memory_space<semaphore_mem>>)
        } else {
        }
        %dma_wait3A_107 = arith.constant 0 : i32
        %dma_wait3A_108 = tpu.memref_slice %arg8[%add3A_90, %dma_wait3A_107] : memref<16x125xi32, #tpu.memory_space<vmem>> -> memref<1x125xi32, #tpu.memory_space<vmem>>
        %dma_wait3A_109 = tpu.memref_squeeze %dma_wait3A_108 : memref<1x125xi32, #tpu.memory_space<vmem>> -> memref<125xi32, #tpu.memory_space<vmem>>
        %dma_wait3A_110 = arith.constant 0 : i32
        %dma_wait3A_111 = arith.constant 0 : i32
        %dma_wait3A_112 = tpu.memref_slice %arg12[%dma_wait3A_110, %dma_wait3A_111] : memref<10240x128xf32, #tpu.memory_space<vmem_shared>> -> memref<10240x128xf32, #tpu.memory_space<vmem_shared>>
        tpu.wait_indirect_dma semaphore(%arg16 : memref<!tpu.dma_semaphore, #tpu.memory_space<semaphore_mem>>) src(%arg10 : memref<125x128xf32, #tpu.memory_space<vmem>>) dst(%dma_wait3A_112 : memref<10240x128xf32, #tpu.memory_space<vmem_shared>>)
      }
      %scan3A_56 = arith.constant 8 : i32
    }
    %scan3A_16 = arith.constant 5 : i32
    %barrier3A_17 = arith.constant 0 : index
    tpu.barrier barrier_id(%barrier3A_17)
    %mul3A_18 = arith.constant 640 : i32
    %mul3A_19 = arith.muli %arg1, %mul3A_18 : i32
    %mul3A_20 = arith.constant 640 : i32
    %mul3A_21 = arith.muli %arg1, %mul3A_20 : i32
    "tpu.region"() ({
      %run_scoped3A = tpu.sem_alloc : memref<!tpu.dma_semaphore, #tpu.memory_space<semaphore_mem>>
      %dma_start3A = arith.constant 0 : i32
      %dma_start3A_38 = tpu.memref_slice %arg6[%arg0, %mul3A_21, %dma_start3A] : memref<2x10240x256xf32, #tpu.memory_space<hbm>> -> memref<1x640x128xf32, #tpu.memory_space<hbm>>
      %dma_start3A_39 = tpu.memref_squeeze %dma_start3A_38 : memref<1x640x128xf32, #tpu.memory_space<hbm>> -> memref<640x128xf32, #tpu.memory_space<hbm>>
      %dma_start3A_40 = arith.constant 0 : i32
      %dma_start3A_41 = tpu.memref_slice %arg12[%mul3A_19, %dma_start3A_40] : memref<10240x128xf32, #tpu.memory_space<vmem_shared>> -> memref<640x128xf32, #tpu.memory_space<vmem_shared>>
      tpu.enqueue_dma source(%dma_start3A_41 : memref<640x128xf32, #tpu.memory_space<vmem_shared>>) target(%dma_start3A_39 : memref<640x128xf32, #tpu.memory_space<hbm>>) target_semaphore(%run_scoped3A : memref<!tpu.dma_semaphore, #tpu.memory_space<semaphore_mem>>)
      %dma_wait3A = arith.constant 0 : i32
      %dma_wait3A_42 = tpu.memref_slice %arg6[%arg0, %mul3A_21, %dma_wait3A] : memref<2x10240x256xf32, #tpu.memory_space<hbm>> -> memref<1x640x128xf32, #tpu.memory_space<hbm>>
      %dma_wait3A_43 = tpu.memref_squeeze %dma_wait3A_42 : memref<1x640x128xf32, #tpu.memory_space<hbm>> -> memref<640x128xf32, #tpu.memory_space<hbm>>
      %dma_wait3A_44 = arith.constant 0 : i32
      %dma_wait3A_45 = tpu.memref_slice %arg12[%mul3A_19, %dma_wait3A_44] : memref<10240x128xf32, #tpu.memory_space<vmem_shared>> -> memref<640x128xf32, #tpu.memory_space<vmem_shared>>
      tpu.wait_dma2 semaphore(%run_scoped3A : memref<!tpu.dma_semaphore, #tpu.memory_space<semaphore_mem>>) src(%dma_wait3A_45 : memref<640x128xf32, #tpu.memory_space<vmem_shared>>) dst(%dma_wait3A_43 : memref<640x128xf32, #tpu.memory_space<hbm>>)
      tpu.yield
    }) : () -> ()
    %scan3A_22 = arith.constant 0 : i32
    %scan3A_23 = arith.constant 10 : i32
    %scan3A_24 = arith.addi %scan3A_22, %scan3A_23 : i32
    %scan3A_25 = arith.constant 1 : i32
    scf.for %scan3A_38 = %scan3A_22 to %scan3A_24 step %scan3A_25  : i32 {
      %mul3A_39 = arith.constant 1 : i32
      %mul3A_40 = arith.muli %scan3A_38, %mul3A_39 : i32
      %add3A_41 = arith.constant 0 : i32
      %add3A_42 = arith.addi %add3A_41, %mul3A_40 : i32
      %mul3A_43 = arith.constant 640 : i32
      %mul3A_44 = arith.muli %arg1, %mul3A_43 : i32
      %mul3A_45 = arith.constant 64 : i32
      %mul3A_46 = arith.muli %add3A_42, %mul3A_45 : i32
      %add3A_47 = arith.addi %mul3A_44, %mul3A_46 : i32
      "tpu.region"() ({
        %run_scoped3A = tpu.sem_alloc : memref<!tpu.dma_semaphore, #tpu.memory_space<semaphore_mem>>
        %dma_start3A = arith.constant 0 : i32
        %dma_start3A_48 = tpu.memref_slice %arg12[%add3A_47, %dma_start3A] : memref<10240x128xf32, #tpu.memory_space<vmem_shared>> -> memref<64x128xf32, #tpu.memory_space<vmem_shared>>
        %dma_start3A_49 = arith.constant 0 : i32
        %dma_start3A_50 = tpu.memref_slice %arg12[%add3A_47, %dma_start3A_49] : memref<10240x128xf32, #tpu.memory_space<vmem_shared>> -> memref<64x128xf32, #tpu.memory_space<vmem_shared>>
        tpu.enqueue_dma source(%arg11 : memref<64x128xf32, #tpu.memory_space<vmem>>) target(%dma_start3A_50 : memref<64x128xf32, #tpu.memory_space<vmem_shared>>) target_semaphore(%run_scoped3A : memref<!tpu.dma_semaphore, #tpu.memory_space<semaphore_mem>>)
        %dma_wait3A = arith.constant 0 : i32
        %dma_wait3A_51 = tpu.memref_slice %arg12[%add3A_47, %dma_wait3A] : memref<10240x128xf32, #tpu.memory_space<vmem_shared>> -> memref<64x128xf32, #tpu.memory_space<vmem_shared>>
        %dma_wait3A_52 = arith.constant 0 : i32
        %dma_wait3A_53 = tpu.memref_slice %arg12[%add3A_47, %dma_wait3A_52] : memref<10240x128xf32, #tpu.memory_space<vmem_shared>> -> memref<64x128xf32, #tpu.memory_space<vmem_shared>>
        tpu.wait_dma2 semaphore(%run_scoped3A : memref<!tpu.dma_semaphore, #tpu.memory_space<semaphore_mem>>) src(%arg11 : memref<64x128xf32, #tpu.memory_space<vmem>>) dst(%dma_wait3A_53 : memref<64x128xf32, #tpu.memory_space<vmem_shared>>)
        tpu.yield
      }) : () -> ()
    }
    %scan3A_26 = arith.constant 10 : i32
    %barrier3A_27 = arith.constant 0 : index
    tpu.barrier barrier_id(%barrier3A_27)
    %scan3A_28 = arith.constant 0 : i32
    %scan3A_29 = arith.constant 5 : i32
    %scan3A_30 = arith.addi %scan3A_28, %scan3A_29 : i32
    %scan3A_31 = arith.constant 1 : i32
    scf.for %scan3A_38 = %scan3A_28 to %scan3A_30 step %scan3A_31  : i32 {
      %mul3A_39 = arith.constant 1 : i32
      %mul3A_40 = arith.muli %scan3A_38, %mul3A_39 : i32
      %add3A_41 = arith.constant 0 : i32
      %add3A_42 = arith.addi %add3A_41, %mul3A_40 : i32
      %mul3A_43 = arith.constant 16 : i32
      %mul3A_44 = arith.muli %add3A_42, %mul3A_43 : i32
      %add3A_45 = arith.addi %mul3A_2, %mul3A_44 : i32
      "tpu.region"() ({
        %run_scoped3A = tpu.sem_alloc : memref<!tpu.dma_semaphore, #tpu.memory_space<semaphore_mem>>
        %dma_start3A_57 = arith.constant 0 : i32
        %dma_start3A_58 = tpu.memref_slice %arg2[%add3A_45, %dma_start3A_57] : memref<2560x125xi32, #tpu.memory_space<hbm>> -> memref<16x125xi32, #tpu.memory_space<hbm>>
        %dma_start3A_59 = arith.constant 0 : i32
        %dma_start3A_60 = tpu.memref_slice %arg2[%add3A_45, %dma_start3A_59] : memref<2560x125xi32, #tpu.memory_space<hbm>> -> memref<16x125xi32, #tpu.memory_space<hbm>>
        tpu.enqueue_dma source(%dma_start3A_60 : memref<16x125xi32, #tpu.memory_space<hbm>>) target(%arg7 : memref<16x125xi32, #tpu.memory_space<vmem>>) target_semaphore(%run_scoped3A : memref<!tpu.dma_semaphore, #tpu.memory_space<semaphore_mem>>)
        %dma_wait3A = arith.constant 0 : i32
        %dma_wait3A_61 = tpu.memref_slice %arg2[%add3A_45, %dma_wait3A] : memref<2560x125xi32, #tpu.memory_space<hbm>> -> memref<16x125xi32, #tpu.memory_space<hbm>>
        %dma_wait3A_62 = arith.constant 0 : i32
        %dma_wait3A_63 = tpu.memref_slice %arg2[%add3A_45, %dma_wait3A_62] : memref<2560x125xi32, #tpu.memory_space<hbm>> -> memref<16x125xi32, #tpu.memory_space<hbm>>
        tpu.wait_dma2 semaphore(%run_scoped3A : memref<!tpu.dma_semaphore, #tpu.memory_space<semaphore_mem>>) src(%dma_wait3A_63 : memref<16x125xi32, #tpu.memory_space<hbm>>) dst(%arg7 : memref<16x125xi32, #tpu.memory_space<vmem>>)
        tpu.yield
      }) : () -> ()
      "tpu.region"() ({
        %run_scoped3A = tpu.sem_alloc : memref<!tpu.dma_semaphore, #tpu.memory_space<semaphore_mem>>
        %dma_start3A_57 = arith.constant 0 : i32
        %dma_start3A_58 = tpu.memref_slice %arg3[%add3A_45, %dma_start3A_57] : memref<2560x125xi32, #tpu.memory_space<hbm>> -> memref<16x125xi32, #tpu.memory_space<hbm>>
        %dma_start3A_59 = arith.constant 0 : i32
        %dma_start3A_60 = tpu.memref_slice %arg3[%add3A_45, %dma_start3A_59] : memref<2560x125xi32, #tpu.memory_space<hbm>> -> memref<16x125xi32, #tpu.memory_space<hbm>>
        tpu.enqueue_dma source(%dma_start3A_60 : memref<16x125xi32, #tpu.memory_space<hbm>>) target(%arg8 : memref<16x125xi32, #tpu.memory_space<vmem>>) target_semaphore(%run_scoped3A : memref<!tpu.dma_semaphore, #tpu.memory_space<semaphore_mem>>)
        %dma_wait3A = arith.constant 0 : i32
        %dma_wait3A_61 = tpu.memref_slice %arg3[%add3A_45, %dma_wait3A] : memref<2560x125xi32, #tpu.memory_space<hbm>> -> memref<16x125xi32, #tpu.memory_space<hbm>>
        %dma_wait3A_62 = arith.constant 0 : i32
        %dma_wait3A_63 = tpu.memref_slice %arg3[%add3A_45, %dma_wait3A_62] : memref<2560x125xi32, #tpu.memory_space<hbm>> -> memref<16x125xi32, #tpu.memory_space<hbm>>
        tpu.wait_dma2 semaphore(%run_scoped3A : memref<!tpu.dma_semaphore, #tpu.memory_space<semaphore_mem>>) src(%dma_wait3A_63 : memref<16x125xi32, #tpu.memory_space<hbm>>) dst(%arg8 : memref<16x125xi32, #tpu.memory_space<vmem>>)
        tpu.yield
      }) : () -> ()
      %dma_start3A = arith.constant 0 : i32
      %dma_start3A_46 = arith.constant 0 : i32
      %dma_start3A_47 = tpu.memref_slice %arg7[%dma_start3A, %dma_start3A_46] : memref<16x125xi32, #tpu.memory_space<vmem>> -> memref<1x125xi32, #tpu.memory_space<vmem>>
      %dma_start3A_48 = tpu.memref_squeeze %dma_start3A_47 : memref<1x125xi32, #tpu.memory_space<vmem>> -> memref<125xi32, #tpu.memory_space<vmem>>
      %dma_start3A_49 = arith.constant 0 : i32
      %dma_start3A_50 = arith.constant 0 : i32
      %dma_start3A_51 = tpu.memref_slice %arg5[%dma_start3A_49, %dma_start3A_50] : memref<10000x128xf32, #tpu.memory_space<hbm>> -> memref<10000x128xf32, #tpu.memory_space<hbm>>
      tpu.enqueue_indirect_dma source(%dma_start3A_51 : memref<10000x128xf32, #tpu.memory_space<hbm>>) target(%arg9 : memref<125x128xf32, #tpu.memory_space<vmem>>) offsets(%dma_start3A_48 : memref<125xi32, #tpu.memory_space<vmem>>) semaphore(%arg13 : memref<!tpu.dma_semaphore, #tpu.memory_space<semaphore_mem>>)
      %scan3A_52 = arith.constant 0 : i32
      %scan3A_53 = arith.constant 8 : i32
      %scan3A_54 = arith.addi %scan3A_52, %scan3A_53 : i32
      %scan3A_55 = arith.constant 1 : i32
      scf.for %scan3A_57 = %scan3A_52 to %scan3A_54 step %scan3A_55  : i32 {
        %mul3A_58 = arith.constant 2 : i32
        %mul3A_59 = arith.muli %scan3A_57, %mul3A_58 : i32
        %add3A_60 = arith.constant 0 : i32
        %add3A_61 = arith.addi %add3A_60, %mul3A_59 : i32
        %dma_wait3A = arith.constant 0 : i32
        %dma_wait3A_62 = tpu.memref_slice %arg7[%add3A_61, %dma_wait3A] : memref<16x125xi32, #tpu.memory_space<vmem>> -> memref<1x125xi32, #tpu.memory_space<vmem>>
        %dma_wait3A_63 = tpu.memref_squeeze %dma_wait3A_62 : memref<1x125xi32, #tpu.memory_space<vmem>> -> memref<125xi32, #tpu.memory_space<vmem>>
        %dma_wait3A_64 = arith.constant 0 : i32
        %dma_wait3A_65 = arith.constant 0 : i32
        %dma_wait3A_66 = tpu.memref_slice %arg5[%dma_wait3A_64, %dma_wait3A_65] : memref<10000x128xf32, #tpu.memory_space<hbm>> -> memref<10000x128xf32, #tpu.memory_space<hbm>>
        tpu.wait_indirect_dma semaphore(%arg13 : memref<!tpu.dma_semaphore, #tpu.memory_space<semaphore_mem>>) src(%dma_wait3A_66 : memref<10000x128xf32, #tpu.memory_space<hbm>>) dst(%arg9 : memref<125x128xf32, #tpu.memory_space<vmem>>)
        %add3A_67 = arith.constant 1 : i32
        %add3A_68 = arith.addi %add3A_61, %add3A_67 : i32
        %dma_start3A_69 = arith.constant 0 : i32
        %dma_start3A_70 = tpu.memref_slice %arg7[%add3A_68, %dma_start3A_69] : memref<16x125xi32, #tpu.memory_space<vmem>> -> memref<1x125xi32, #tpu.memory_space<vmem>>
        %dma_start3A_71 = tpu.memref_squeeze %dma_start3A_70 : memref<1x125xi32, #tpu.memory_space<vmem>> -> memref<125xi32, #tpu.memory_space<vmem>>
        %dma_start3A_72 = arith.constant 0 : i32
        %dma_start3A_73 = arith.constant 0 : i32
        %dma_start3A_74 = tpu.memref_slice %arg5[%dma_start3A_72, %dma_start3A_73] : memref<10000x128xf32, #tpu.memory_space<hbm>> -> memref<10000x128xf32, #tpu.memory_space<hbm>>
        tpu.enqueue_indirect_dma source(%dma_start3A_74 : memref<10000x128xf32, #tpu.memory_space<hbm>>) target(%arg10 : memref<125x128xf32, #tpu.memory_space<vmem>>) offsets(%dma_start3A_71 : memref<125xi32, #tpu.memory_space<vmem>>) semaphore(%arg14 : memref<!tpu.dma_semaphore, #tpu.memory_space<semaphore_mem>>)
        %dma_start3A_75 = arith.constant 0 : i32
        %dma_start3A_76 = tpu.memref_slice %arg8[%add3A_61, %dma_start3A_75] : memref<16x125xi32, #tpu.memory_space<vmem>> -> memref<1x125xi32, #tpu.memory_space<vmem>>
        %dma_start3A_77 = tpu.memref_squeeze %dma_start3A_76 : memref<1x125xi32, #tpu.memory_space<vmem>> -> memref<125xi32, #tpu.memory_space<vmem>>
        %dma_start3A_78 = arith.constant 0 : i32
        %dma_start3A_79 = arith.constant 0 : i32
        %dma_start3A_80 = tpu.memref_slice %arg12[%dma_start3A_78, %dma_start3A_79] : memref<10240x128xf32, #tpu.memory_space<vmem_shared>> -> memref<10240x128xf32, #tpu.memory_space<vmem_shared>>
        tpu.enqueue_indirect_dma source(%arg9 : memref<125x128xf32, #tpu.memory_space<vmem>>) target(%dma_start3A_80 : memref<10240x128xf32, #tpu.memory_space<vmem_shared>>) offsets(%dma_start3A_77 : memref<125xi32, #tpu.memory_space<vmem>>) semaphore(%arg15 : memref<!tpu.dma_semaphore, #tpu.memory_space<semaphore_mem>>) {add = true}
        %add3A_81 = arith.constant 1 : i32
        %add3A_82 = arith.addi %add3A_61, %add3A_81 : i32
        %dma_wait3A_83 = arith.constant 0 : i32
        %dma_wait3A_84 = tpu.memref_slice %arg7[%add3A_82, %dma_wait3A_83] : memref<16x125xi32, #tpu.memory_space<vmem>> -> memref<1x125xi32, #tpu.memory_space<vmem>>
        %dma_wait3A_85 = tpu.memref_squeeze %dma_wait3A_84 : memref<1x125xi32, #tpu.memory_space<vmem>> -> memref<125xi32, #tpu.memory_space<vmem>>
        %dma_wait3A_86 = arith.constant 0 : i32
        %dma_wait3A_87 = arith.constant 0 : i32
        %dma_wait3A_88 = tpu.memref_slice %arg5[%dma_wait3A_86, %dma_wait3A_87] : memref<10000x128xf32, #tpu.memory_space<hbm>> -> memref<10000x128xf32, #tpu.memory_space<hbm>>
        tpu.wait_indirect_dma semaphore(%arg14 : memref<!tpu.dma_semaphore, #tpu.memory_space<semaphore_mem>>) src(%dma_wait3A_88 : memref<10000x128xf32, #tpu.memory_space<hbm>>) dst(%arg10 : memref<125x128xf32, #tpu.memory_space<vmem>>)
        %add3A_89 = arith.constant 1 : i32
        %add3A_90 = arith.addi %add3A_61, %add3A_89 : i32
        %dma_start3A_91 = arith.constant 0 : i32
        %dma_start3A_92 = tpu.memref_slice %arg8[%add3A_90, %dma_start3A_91] : memref<16x125xi32, #tpu.memory_space<vmem>> -> memref<1x125xi32, #tpu.memory_space<vmem>>
        %dma_start3A_93 = tpu.memref_squeeze %dma_start3A_92 : memref<1x125xi32, #tpu.memory_space<vmem>> -> memref<125xi32, #tpu.memory_space<vmem>>
        %dma_start3A_94 = arith.constant 0 : i32
        %dma_start3A_95 = arith.constant 0 : i32
        %dma_start3A_96 = tpu.memref_slice %arg12[%dma_start3A_94, %dma_start3A_95] : memref<10240x128xf32, #tpu.memory_space<vmem_shared>> -> memref<10240x128xf32, #tpu.memory_space<vmem_shared>>
        tpu.enqueue_indirect_dma source(%arg10 : memref<125x128xf32, #tpu.memory_space<vmem>>) target(%dma_start3A_96 : memref<10240x128xf32, #tpu.memory_space<vmem_shared>>) offsets(%dma_start3A_93 : memref<125xi32, #tpu.memory_space<vmem>>) semaphore(%arg16 : memref<!tpu.dma_semaphore, #tpu.memory_space<semaphore_mem>>) {add = true}
        %dma_wait3A_97 = arith.constant 0 : i32
        %dma_wait3A_98 = tpu.memref_slice %arg8[%add3A_61, %dma_wait3A_97] : memref<16x125xi32, #tpu.memory_space<vmem>> -> memref<1x125xi32, #tpu.memory_space<vmem>>
        %dma_wait3A_99 = tpu.memref_squeeze %dma_wait3A_98 : memref<1x125xi32, #tpu.memory_space<vmem>> -> memref<125xi32, #tpu.memory_space<vmem>>
        %dma_wait3A_100 = arith.constant 0 : i32
        %dma_wait3A_101 = arith.constant 0 : i32
        %dma_wait3A_102 = tpu.memref_slice %arg12[%dma_wait3A_100, %dma_wait3A_101] : memref<10240x128xf32, #tpu.memory_space<vmem_shared>> -> memref<10240x128xf32, #tpu.memory_space<vmem_shared>>
        tpu.wait_indirect_dma semaphore(%arg15 : memref<!tpu.dma_semaphore, #tpu.memory_space<semaphore_mem>>) src(%arg9 : memref<125x128xf32, #tpu.memory_space<vmem>>) dst(%dma_wait3A_102 : memref<10240x128xf32, #tpu.memory_space<vmem_shared>>)
        %add3A_103 = arith.constant 2 : i32
        %add3A_104 = arith.addi %add3A_61, %add3A_103 : i32
        %lt3A = arith.constant 16 : i32
        %lt3A_105 = arith.cmpi slt, %add3A_104, %lt3A : i32
        %convert_element_type3A = arith.extui %lt3A_105 : i1 to i32
        %cond3A = arith.constant 0 : i32
        %cond3A_106 = arith.cmpi ne, %convert_element_type3A, %cond3A : i32
        scf.if %cond3A_106 {
          %add3A_113 = arith.constant 2 : i32
          %add3A_114 = arith.addi %add3A_61, %add3A_113 : i32
          %dma_start3A_115 = arith.constant 0 : i32
          %dma_start3A_116 = tpu.memref_slice %arg7[%add3A_114, %dma_start3A_115] : memref<16x125xi32, #tpu.memory_space<vmem>> -> memref<1x125xi32, #tpu.memory_space<vmem>>
          %dma_start3A_117 = tpu.memref_squeeze %dma_start3A_116 : memref<1x125xi32, #tpu.memory_space<vmem>> -> memref<125xi32, #tpu.memory_space<vmem>>
          %dma_start3A_118 = arith.constant 0 : i32
          %dma_start3A_119 = arith.constant 0 : i32
          %dma_start3A_120 = tpu.memref_slice %arg5[%dma_start3A_118, %dma_start3A_119] : memref<10000x128xf32, #tpu.memory_space<hbm>> -> memref<10000x128xf32, #tpu.memory_space<hbm>>
          tpu.enqueue_indirect_dma source(%dma_start3A_120 : memref<10000x128xf32, #tpu.memory_space<hbm>>) target(%arg9 : memref<125x128xf32, #tpu.memory_space<vmem>>) offsets(%dma_start3A_117 : memref<125xi32, #tpu.memory_space<vmem>>) semaphore(%arg13 : memref<!tpu.dma_semaphore, #tpu.memory_space<semaphore_mem>>)
        } else {
        }
        %dma_wait3A_107 = arith.constant 0 : i32
        %dma_wait3A_108 = tpu.memref_slice %arg8[%add3A_90, %dma_wait3A_107] : memref<16x125xi32, #tpu.memory_space<vmem>> -> memref<1x125xi32, #tpu.memory_space<vmem>>
        %dma_wait3A_109 = tpu.memref_squeeze %dma_wait3A_108 : memref<1x125xi32, #tpu.memory_space<vmem>> -> memref<125xi32, #tpu.memory_space<vmem>>
        %dma_wait3A_110 = arith.constant 0 : i32
        %dma_wait3A_111 = arith.constant 0 : i32
        %dma_wait3A_112 = tpu.memref_slice %arg12[%dma_wait3A_110, %dma_wait3A_111] : memref<10240x128xf32, #tpu.memory_space<vmem_shared>> -> memref<10240x128xf32, #tpu.memory_space<vmem_shared>>
        tpu.wait_indirect_dma semaphore(%arg16 : memref<!tpu.dma_semaphore, #tpu.memory_space<semaphore_mem>>) src(%arg10 : memref<125x128xf32, #tpu.memory_space<vmem>>) dst(%dma_wait3A_112 : memref<10240x128xf32, #tpu.memory_space<vmem_shared>>)
      }
      %scan3A_56 = arith.constant 8 : i32
    }
    %scan3A_32 = arith.constant 5 : i32
    %barrier3A_33 = arith.constant 0 : index
    tpu.barrier barrier_id(%barrier3A_33)
    %mul3A_34 = arith.constant 640 : i32
    %mul3A_35 = arith.muli %arg1, %mul3A_34 : i32
    %mul3A_36 = arith.constant 640 : i32
    %mul3A_37 = arith.muli %arg1, %mul3A_36 : i32
    "tpu.region"() ({
      %run_scoped3A = tpu.sem_alloc : memref<!tpu.dma_semaphore, #tpu.memory_space<semaphore_mem>>
      %dma_start3A = arith.constant 128 : i32
      %dma_start3A_38 = tpu.memref_slice %arg6[%arg0, %mul3A_37, %dma_start3A] : memref<2x10240x256xf32, #tpu.memory_space<hbm>> -> memref<1x640x128xf32, #tpu.memory_space<hbm>>
      %dma_start3A_39 = tpu.memref_squeeze %dma_start3A_38 : memref<1x640x128xf32, #tpu.memory_space<hbm>> -> memref<640x128xf32, #tpu.memory_space<hbm>>
      %dma_start3A_40 = arith.constant 0 : i32
      %dma_start3A_41 = tpu.memref_slice %arg12[%mul3A_35, %dma_start3A_40] : memref<10240x128xf32, #tpu.memory_space<vmem_shared>> -> memref<640x128xf32, #tpu.memory_space<vmem_shared>>
      tpu.enqueue_dma source(%dma_start3A_41 : memref<640x128xf32, #tpu.memory_space<vmem_shared>>) target(%dma_start3A_39 : memref<640x128xf32, #tpu.memory_space<hbm>>) target_semaphore(%run_scoped3A : memref<!tpu.dma_semaphore, #tpu.memory_space<semaphore_mem>>)
      %dma_wait3A = arith.constant 128 : i32
      %dma_wait3A_42 = tpu.memref_slice %arg6[%arg0, %mul3A_37, %dma_wait3A] : memref<2x10240x256xf32, #tpu.memory_space<hbm>> -> memref<1x640x128xf32, #tpu.memory_space<hbm>>
      %dma_wait3A_43 = tpu.memref_squeeze %dma_wait3A_42 : memref<1x640x128xf32, #tpu.memory_space<hbm>> -> memref<640x128xf32, #tpu.memory_space<hbm>>
      %dma_wait3A_44 = arith.constant 0 : i32
      %dma_wait3A_45 = tpu.memref_slice %arg12[%mul3A_35, %dma_wait3A_44] : memref<10240x128xf32, #tpu.memory_space<vmem_shared>> -> memref<640x128xf32, #tpu.memory_space<vmem_shared>>
      tpu.wait_dma2 semaphore(%run_scoped3A : memref<!tpu.dma_semaphore, #tpu.memory_space<semaphore_mem>>) src(%dma_wait3A_45 : memref<640x128xf32, #tpu.memory_space<vmem_shared>>) dst(%dma_wait3A_43 : memref<640x128xf32, #tpu.memory_space<hbm>>)
      tpu.yield
    }) : () -> ()
    return
  }
}

#map = affine_map<(d0, d1) -> (0, 0)>
#map1 = affine_map<(d0, d1) -> (0, 0, 0)>
module attributes {stable_mosaic.version = 14 : i64} {
  func.func @agg(%arg0: i32, %arg1: i32, %arg2: memref<2560x125xi32, #tpu.memory_space<hbm>>, %arg3: memref<2560x125xi32, #tpu.memory_space<hbm>>, %arg4: memref<10000x128xf32, #tpu.memory_space<hbm>>, %arg5: memref<10000x128xf32, #tpu.memory_space<hbm>>, %arg6: memref<2x10240x256xf32, #tpu.memory_space<hbm>>, %arg7: memref<16x125xi32, #tpu.memory_space<vmem>>, %arg8: memref<16x125xi32, #tpu.memory_space<vmem>>, %arg9: memref<125x128xf32, #tpu.memory_space<vmem>>, %arg10: memref<125x128xf32, #tpu.memory_space<vmem>>, %arg11: memref<64x128xf32, #tpu.memory_space<vmem>>, %arg12: memref<10240x128xf32, #tpu.memory_space<vmem_shared>>, %arg13: memref<!tpu.dma_semaphore, #tpu.memory_space<semaphore_mem>>, %arg14: memref<!tpu.dma_semaphore, #tpu.memory_space<semaphore_mem>>, %arg15: memref<!tpu.dma_semaphore, #tpu.memory_space<semaphore_mem>>, %arg16: memref<!tpu.dma_semaphore, #tpu.memory_space<semaphore_mem>>) attributes {dimension_semantics = [#tpu.dimension_semantics<core_parallel>, #tpu.dimension_semantics<subcore_parallel>], iteration_bounds = array<i64: 2, 16>, scalar_prefetch = 0 : i64, scratch_operands = 10 : i64, tpu.core_type = #tpu.core_type<sc_vector_subcore>, window_params = [{transform_indices = #map}, {transform_indices = #map}, {transform_indices = #map}, {transform_indices = #map}, {transform_indices = #map1}]} {
    %mul3A = arith.constant 16 : i32
    %mul3A_0 = arith.muli %arg0, %mul3A : i32
    %add3A = arith.addi %mul3A_0, %arg1 : i32
    %mul3A_1 = arith.constant 80 : i32
    %mul3A_2 = arith.muli %add3A, %mul3A_1 : i32
    %scan3A = arith.constant 0 : i32
    %scan3A_3 = arith.constant 64 : i32
    %scan3A_4 = arith.addi %scan3A, %scan3A_3 : i32
    %scan3A_5 = arith.constant 1 : i32
    scf.for %scan3A_38 = %scan3A to %scan3A_4 step %scan3A_5  : i32 {
      %mul3A_39 = arith.constant 1 : i32
      %mul3A_40 = arith.muli %scan3A_38, %mul3A_39 : i32
      %add3A_41 = arith.constant 0 : i32
      %add3A_42 = arith.addi %add3A_41, %mul3A_40 : i32
      %scan3A_43 = arith.constant 0 : i32
      %scan3A_44 = arith.constant 8 : i32
      %scan3A_45 = arith.addi %scan3A_43, %scan3A_44 : i32
      %scan3A_46 = arith.constant 1 : i32
      scf.for %scan3A_48 = %scan3A_43 to %scan3A_45 step %scan3A_46  : i32 {
        %mul3A_49 = arith.constant 1 : i32
        %mul3A_50 = arith.muli %scan3A_48, %mul3A_49 : i32
        %add3A_51 = arith.constant 0 : i32
        %add3A_52 = arith.addi %add3A_51, %mul3A_50 : i32
        %broadcast_in_dim3A = arith.constant 0.000000e+00 : f32
        %broadcast_in_dim3A_53 = vector.broadcast %broadcast_in_dim3A : f32 to vector<16xf32>
        %mul3A_54 = arith.constant 16 : i32
        %mul3A_55 = arith.muli %add3A_52, %mul3A_54 : i32
        %swap3A = arith.index_cast %add3A_42 : i32 to index
        %swap3A_56 = arith.index_cast %mul3A_55 : i32 to index
        %swap3A_57 = tpu.vector_load %arg11[%swap3A, %swap3A_56] {strides = array<i32>} : memref<64x128xf32, #tpu.memory_space<vmem>>, vector<1x16xf32>,
        %swap3A_58 = vector.shape_cast %swap3A_57 : vector<1x16xf32> to vector<16xf32>
        %swap3A_59 = vector.shape_cast %broadcast_in_dim3A_53 : vector<16xf32> to vector<1x16xf32>
        tpu.vector_store %arg11[%swap3A, %swap3A_56], %swap3A_59 {strides = array<i32>} : memref<64x128xf32, #tpu.memory_space<vmem>>, vector<1x16xf32>,
      }
      %scan3A_47 = arith.constant 8 : i32
    }
    %scan3A_6 = arith.constant 64 : i32
    %scan3A_7 = arith.constant 0 : i32
    %scan3A_8 = arith.constant 10 : i32
    %scan3A_9 = arith.addi %scan3A_7, %scan3A_8 : i32
    %scan3A_10 = arith.constant 1 : i32
    scf.for %scan3A_38 = %scan3A_7 to %scan3A_9 step %scan3A_10  : i32 {
      %mul3A_39 = arith.constant 1 : i32
      %mul3A_40 = arith.muli %scan3A_38, %mul3A_39 : i32
      %add3A_41 = arith.constant 0 : i32
      %add3A_42 = arith.addi %add3A_41, %mul3A_40 : i32
      %mul3A_43 = arith.constant 640 : i32
      %mul3A_44 = arith.muli %arg1, %mul3A_43 : i32
      %mul3A_45 = arith.constant 64 : i32
      %mul3A_46 = arith.muli %add3A_42, %mul3A_45 : i32
      %add3A_47 = arith.addi %mul3A_44, %mul3A_46 : i32
      "tpu.region"() ({
        %run_scoped3A = tpu.sem_alloc : memref<!tpu.dma_semaphore, #tpu.memory_space<semaphore_mem>>
        %dma_start3A = arith.constant 0 : i32
        %dma_start3A_48 = tpu.memref_slice %arg12[%add3A_47, %dma_start3A] : memref<10240x128xf32, #tpu.memory_space<vmem_shared>> -> memref<64x128xf32, #tpu.memory_space<vmem_shared>>
        %dma_start3A_49 = arith.constant 0 : i32
        %dma_start3A_50 = tpu.memref_slice %arg12[%add3A_47, %dma_start3A_49] : memref<10240x128xf32, #tpu.memory_space<vmem_shared>> -> memref<64x128xf32, #tpu.memory_space<vmem_shared>>
        tpu.enqueue_dma source(%arg11 : memref<64x128xf32, #tpu.memory_space<vmem>>) target(%dma_start3A_50 : memref<64x128xf32, #tpu.memory_space<vmem_shared>>) target_semaphore(%run_scoped3A : memref<!tpu.dma_semaphore, #tpu.memory_space<semaphore_mem>>)
        %dma_wait3A = arith.constant 0 : i32
        %dma_wait3A_51 = tpu.memref_slice %arg12[%add3A_47, %dma_wait3A] : memref<10240x128xf32, #tpu.memory_space<vmem_shared>> -> memref<64x128xf32, #tpu.memory_space<vmem_shared>>
        %dma_wait3A_52 = arith.constant 0 : i32
        %dma_wait3A_53 = tpu.memref_slice %arg12[%add3A_47, %dma_wait3A_52] : memref<10240x128xf32, #tpu.memory_space<vmem_shared>> -> memref<64x128xf32, #tpu.memory_space<vmem_shared>>
        tpu.wait_dma2 semaphore(%run_scoped3A : memref<!tpu.dma_semaphore, #tpu.memory_space<semaphore_mem>>) src(%arg11 : memref<64x128xf32, #tpu.memory_space<vmem>>) dst(%dma_wait3A_53 : memref<64x128xf32, #tpu.memory_space<vmem_shared>>)
        tpu.yield
      }) : () -> ()
    }
    %scan3A_11 = arith.constant 10 : i32
    %barrier3A = arith.constant 0 : index
    tpu.barrier barrier_id(%barrier3A)
    %scan3A_12 = arith.constant 0 : i32
    %scan3A_13 = arith.constant 5 : i32
    %scan3A_14 = arith.addi %scan3A_12, %scan3A_13 : i32
    %scan3A_15 = arith.constant 1 : i32
    scf.for %scan3A_38 = %scan3A_12 to %scan3A_14 step %scan3A_15  : i32 {
      %mul3A_39 = arith.constant 1 : i32
      %mul3A_40 = arith.muli %scan3A_38, %mul3A_39 : i32
      %add3A_41 = arith.constant 0 : i32
      %add3A_42 = arith.addi %add3A_41, %mul3A_40 : i32
      %mul3A_43 = arith.constant 16 : i32
      %mul3A_44 = arith.muli %add3A_42, %mul3A_43 : i32
      %add3A_45 = arith.addi %mul3A_2, %mul3A_44 : i32
      "tpu.region"() ({
        %run_scoped3A = tpu.sem_alloc : memref<!tpu.dma_semaphore, #tpu.memory_space<semaphore_mem>>
        %dma_start3A_57 = arith.constant 0 : i32
        %dma_start3A_58 = tpu.memref_slice %arg2[%add3A_45, %dma_start3A_57] : memref<2560x125xi32, #tpu.memory_space<hbm>> -> memref<16x125xi32, #tpu.memory_space<hbm>>
        %dma_start3A_59 = arith.constant 0 : i32
        %dma_start3A_60 = tpu.memref_slice %arg2[%add3A_45, %dma_start3A_59] : memref<2560x125xi32, #tpu.memory_space<hbm>> -> memref<16x125xi32, #tpu.memory_space<hbm>>
        tpu.enqueue_dma source(%dma_start3A_60 : memref<16x125xi32, #tpu.memory_space<hbm>>) target(%arg7 : memref<16x125xi32, #tpu.memory_space<vmem>>) target_semaphore(%run_scoped3A : memref<!tpu.dma_semaphore, #tpu.memory_space<semaphore_mem>>)
        %dma_wait3A = arith.constant 0 : i32
        %dma_wait3A_61 = tpu.memref_slice %arg2[%add3A_45, %dma_wait3A] : memref<2560x125xi32, #tpu.memory_space<hbm>> -> memref<16x125xi32, #tpu.memory_space<hbm>>
        %dma_wait3A_62 = arith.constant 0 : i32
        %dma_wait3A_63 = tpu.memref_slice %arg2[%add3A_45, %dma_wait3A_62] : memref<2560x125xi32, #tpu.memory_space<hbm>> -> memref<16x125xi32, #tpu.memory_space<hbm>>
        tpu.wait_dma2 semaphore(%run_scoped3A : memref<!tpu.dma_semaphore, #tpu.memory_space<semaphore_mem>>) src(%dma_wait3A_63 : memref<16x125xi32, #tpu.memory_space<hbm>>) dst(%arg7 : memref<16x125xi32, #tpu.memory_space<vmem>>)
        tpu.yield
      }) : () -> ()
      "tpu.region"() ({
        %run_scoped3A = tpu.sem_alloc : memref<!tpu.dma_semaphore, #tpu.memory_space<semaphore_mem>>
        %dma_start3A_57 = arith.constant 0 : i32
        %dma_start3A_58 = tpu.memref_slice %arg3[%add3A_45, %dma_start3A_57] : memref<2560x125xi32, #tpu.memory_space<hbm>> -> memref<16x125xi32, #tpu.memory_space<hbm>>
        %dma_start3A_59 = arith.constant 0 : i32
        %dma_start3A_60 = tpu.memref_slice %arg3[%add3A_45, %dma_start3A_59] : memref<2560x125xi32, #tpu.memory_space<hbm>> -> memref<16x125xi32, #tpu.memory_space<hbm>>
        tpu.enqueue_dma source(%dma_start3A_60 : memref<16x125xi32, #tpu.memory_space<hbm>>) target(%arg8 : memref<16x125xi32, #tpu.memory_space<vmem>>) target_semaphore(%run_scoped3A : memref<!tpu.dma_semaphore, #tpu.memory_space<semaphore_mem>>)
        %dma_wait3A = arith.constant 0 : i32
        %dma_wait3A_61 = tpu.memref_slice %arg3[%add3A_45, %dma_wait3A] : memref<2560x125xi32, #tpu.memory_space<hbm>> -> memref<16x125xi32, #tpu.memory_space<hbm>>
        %dma_wait3A_62 = arith.constant 0 : i32
        %dma_wait3A_63 = tpu.memref_slice %arg3[%add3A_45, %dma_wait3A_62] : memref<2560x125xi32, #tpu.memory_space<hbm>> -> memref<16x125xi32, #tpu.memory_space<hbm>>
        tpu.wait_dma2 semaphore(%run_scoped3A : memref<!tpu.dma_semaphore, #tpu.memory_space<semaphore_mem>>) src(%dma_wait3A_63 : memref<16x125xi32, #tpu.memory_space<hbm>>) dst(%arg8 : memref<16x125xi32, #tpu.memory_space<vmem>>)
        tpu.yield
      }) : () -> ()
      %dma_start3A = arith.constant 0 : i32
      %dma_start3A_46 = arith.constant 0 : i32
      %dma_start3A_47 = tpu.memref_slice %arg7[%dma_start3A, %dma_start3A_46] : memref<16x125xi32, #tpu.memory_space<vmem>> -> memref<1x125xi32, #tpu.memory_space<vmem>>
      %dma_start3A_48 = tpu.memref_squeeze %dma_start3A_47 : memref<1x125xi32, #tpu.memory_space<vmem>> -> memref<125xi32, #tpu.memory_space<vmem>>
      %dma_start3A_49 = arith.constant 0 : i32
      %dma_start3A_50 = arith.constant 0 : i32
      %dma_start3A_51 = tpu.memref_slice %arg4[%dma_start3A_49, %dma_start3A_50] : memref<10000x128xf32, #tpu.memory_space<hbm>> -> memref<10000x128xf32, #tpu.memory_space<hbm>>
      tpu.enqueue_indirect_dma source(%dma_start3A_51 : memref<10000x128xf32, #tpu.memory_space<hbm>>) target(%arg9 : memref<125x128xf32, #tpu.memory_space<vmem>>) offsets(%dma_start3A_48 : memref<125xi32, #tpu.memory_space<vmem>>) semaphore(%arg13 : memref<!tpu.dma_semaphore, #tpu.memory_space<semaphore_mem>>)
      %scan3A_52 = arith.constant 0 : i32
      %scan3A_53 = arith.constant 8 : i32
      %scan3A_54 = arith.addi %scan3A_52, %scan3A_53 : i32
      %scan3A_55 = arith.constant 1 : i32
      scf.for %scan3A_57 = %scan3A_52 to %scan3A_54 step %scan3A_55  : i32 {
        %mul3A_58 = arith.constant 2 : i32
        %mul3A_59 = arith.muli %scan3A_57, %mul3A_58 : i32
        %add3A_60 = arith.constant 0 : i32
        %add3A_61 = arith.addi %add3A_60, %mul3A_59 : i32
        %dma_wait3A = arith.constant 0 : i32
        %dma_wait3A_62 = tpu.memref_slice %arg7[%add3A_61, %dma_wait3A] : memref<16x125xi32, #tpu.memory_space<vmem>> -> memref<1x125xi32, #tpu.memory_space<vmem>>
        %dma_wait3A_63 = tpu.memref_squeeze %dma_wait3A_62 : memref<1x125xi32, #tpu.memory_space<vmem>> -> memref<125xi32, #tpu.memory_space<vmem>>
        %dma_wait3A_64 = arith.constant 0 : i32
        %dma_wait3A_65 = arith.constant 0 : i32
        %dma_wait3A_66 = tpu.memref_slice %arg4[%dma_wait3A_64, %dma_wait3A_65] : memref<10000x128xf32, #tpu.memory_space<hbm>> -> memref<10000x128xf32, #tpu.memory_space<hbm>>
        tpu.wait_indirect_dma semaphore(%arg13 : memref<!tpu.dma_semaphore, #tpu.memory_space<semaphore_mem>>) src(%dma_wait3A_66 : memref<10000x128xf32, #tpu.memory_space<hbm>>) dst(%arg9 : memref<125x128xf32, #tpu.memory_space<vmem>>)
        %add3A_67 = arith.constant 1 : i32
        %add3A_68 = arith.addi %add3A_61, %add3A_67 : i32
        %dma_start3A_69 = arith.constant 0 : i32
        %dma_start3A_70 = tpu.memref_slice %arg7[%add3A_68, %dma_start3A_69] : memref<16x125xi32, #tpu.memory_space<vmem>> -> memref<1x125xi32, #tpu.memory_space<vmem>>
        %dma_start3A_71 = tpu.memref_squeeze %dma_start3A_70 : memref<1x125xi32, #tpu.memory_space<vmem>> -> memref<125xi32, #tpu.memory_space<vmem>>
        %dma_start3A_72 = arith.constant 0 : i32
        %dma_start3A_73 = arith.constant 0 : i32
        %dma_start3A_74 = tpu.memref_slice %arg4[%dma_start3A_72, %dma_start3A_73] : memref<10000x128xf32, #tpu.memory_space<hbm>> -> memref<10000x128xf32, #tpu.memory_space<hbm>>
        tpu.enqueue_indirect_dma source(%dma_start3A_74 : memref<10000x128xf32, #tpu.memory_space<hbm>>) target(%arg10 : memref<125x128xf32, #tpu.memory_space<vmem>>) offsets(%dma_start3A_71 : memref<125xi32, #tpu.memory_space<vmem>>) semaphore(%arg14 : memref<!tpu.dma_semaphore, #tpu.memory_space<semaphore_mem>>)
        %dma_start3A_75 = arith.constant 0 : i32
        %dma_start3A_76 = tpu.memref_slice %arg8[%add3A_61, %dma_start3A_75] : memref<16x125xi32, #tpu.memory_space<vmem>> -> memref<1x125xi32, #tpu.memory_space<vmem>>
        %dma_start3A_77 = tpu.memref_squeeze %dma_start3A_76 : memref<1x125xi32, #tpu.memory_space<vmem>> -> memref<125xi32, #tpu.memory_space<vmem>>
        %dma_start3A_78 = arith.constant 0 : i32
        %dma_start3A_79 = arith.constant 0 : i32
        %dma_start3A_80 = tpu.memref_slice %arg12[%dma_start3A_78, %dma_start3A_79] : memref<10240x128xf32, #tpu.memory_space<vmem_shared>> -> memref<10240x128xf32, #tpu.memory_space<vmem_shared>>
        tpu.enqueue_indirect_dma source(%arg9 : memref<125x128xf32, #tpu.memory_space<vmem>>) target(%dma_start3A_80 : memref<10240x128xf32, #tpu.memory_space<vmem_shared>>) offsets(%dma_start3A_77 : memref<125xi32, #tpu.memory_space<vmem>>) semaphore(%arg15 : memref<!tpu.dma_semaphore, #tpu.memory_space<semaphore_mem>>) {add = true}
        %add3A_81 = arith.constant 1 : i32
        %add3A_82 = arith.addi %add3A_61, %add3A_81 : i32
        %dma_wait3A_83 = arith.constant 0 : i32
        %dma_wait3A_84 = tpu.memref_slice %arg7[%add3A_82, %dma_wait3A_83] : memref<16x125xi32, #tpu.memory_space<vmem>> -> memref<1x125xi32, #tpu.memory_space<vmem>>
        %dma_wait3A_85 = tpu.memref_squeeze %dma_wait3A_84 : memref<1x125xi32, #tpu.memory_space<vmem>> -> memref<125xi32, #tpu.memory_space<vmem>>
        %dma_wait3A_86 = arith.constant 0 : i32
        %dma_wait3A_87 = arith.constant 0 : i32
        %dma_wait3A_88 = tpu.memref_slice %arg4[%dma_wait3A_86, %dma_wait3A_87] : memref<10000x128xf32, #tpu.memory_space<hbm>> -> memref<10000x128xf32, #tpu.memory_space<hbm>>
        tpu.wait_indirect_dma semaphore(%arg14 : memref<!tpu.dma_semaphore, #tpu.memory_space<semaphore_mem>>) src(%dma_wait3A_88 : memref<10000x128xf32, #tpu.memory_space<hbm>>) dst(%arg10 : memref<125x128xf32, #tpu.memory_space<vmem>>)
        %add3A_89 = arith.constant 1 : i32
        %add3A_90 = arith.addi %add3A_61, %add3A_89 : i32
        %dma_start3A_91 = arith.constant 0 : i32
        %dma_start3A_92 = tpu.memref_slice %arg8[%add3A_90, %dma_start3A_91] : memref<16x125xi32, #tpu.memory_space<vmem>> -> memref<1x125xi32, #tpu.memory_space<vmem>>
        %dma_start3A_93 = tpu.memref_squeeze %dma_start3A_92 : memref<1x125xi32, #tpu.memory_space<vmem>> -> memref<125xi32, #tpu.memory_space<vmem>>
        %dma_start3A_94 = arith.constant 0 : i32
        %dma_start3A_95 = arith.constant 0 : i32
        %dma_start3A_96 = tpu.memref_slice %arg12[%dma_start3A_94, %dma_start3A_95] : memref<10240x128xf32, #tpu.memory_space<vmem_shared>> -> memref<10240x128xf32, #tpu.memory_space<vmem_shared>>
        tpu.enqueue_indirect_dma source(%arg10 : memref<125x128xf32, #tpu.memory_space<vmem>>) target(%dma_start3A_96 : memref<10240x128xf32, #tpu.memory_space<vmem_shared>>) offsets(%dma_start3A_93 : memref<125xi32, #tpu.memory_space<vmem>>) semaphore(%arg16 : memref<!tpu.dma_semaphore, #tpu.memory_space<semaphore_mem>>) {add = true}
        %dma_wait3A_97 = arith.constant 0 : i32
        %dma_wait3A_98 = tpu.memref_slice %arg8[%add3A_61, %dma_wait3A_97] : memref<16x125xi32, #tpu.memory_space<vmem>> -> memref<1x125xi32, #tpu.memory_space<vmem>>
        %dma_wait3A_99 = tpu.memref_squeeze %dma_wait3A_98 : memref<1x125xi32, #tpu.memory_space<vmem>> -> memref<125xi32, #tpu.memory_space<vmem>>
        %dma_wait3A_100 = arith.constant 0 : i32
        %dma_wait3A_101 = arith.constant 0 : i32
        %dma_wait3A_102 = tpu.memref_slice %arg12[%dma_wait3A_100, %dma_wait3A_101] : memref<10240x128xf32, #tpu.memory_space<vmem_shared>> -> memref<10240x128xf32, #tpu.memory_space<vmem_shared>>
        tpu.wait_indirect_dma semaphore(%arg15 : memref<!tpu.dma_semaphore, #tpu.memory_space<semaphore_mem>>) src(%arg9 : memref<125x128xf32, #tpu.memory_space<vmem>>) dst(%dma_wait3A_102 : memref<10240x128xf32, #tpu.memory_space<vmem_shared>>)
        %add3A_103 = arith.constant 2 : i32
        %add3A_104 = arith.addi %add3A_61, %add3A_103 : i32
        %lt3A = arith.constant 16 : i32
        %lt3A_105 = arith.cmpi slt, %add3A_104, %lt3A : i32
        %convert_element_type3A = arith.extui %lt3A_105 : i1 to i32
        %cond3A = arith.constant 0 : i32
        %cond3A_106 = arith.cmpi ne, %convert_element_type3A, %cond3A : i32
        scf.if %cond3A_106 {
          %add3A_113 = arith.constant 2 : i32
          %add3A_114 = arith.addi %add3A_61, %add3A_113 : i32
          %dma_start3A_115 = arith.constant 0 : i32
          %dma_start3A_116 = tpu.memref_slice %arg7[%add3A_114, %dma_start3A_115] : memref<16x125xi32, #tpu.memory_space<vmem>> -> memref<1x125xi32, #tpu.memory_space<vmem>>
          %dma_start3A_117 = tpu.memref_squeeze %dma_start3A_116 : memref<1x125xi32, #tpu.memory_space<vmem>> -> memref<125xi32, #tpu.memory_space<vmem>>
          %dma_start3A_118 = arith.constant 0 : i32
          %dma_start3A_119 = arith.constant 0 : i32
          %dma_start3A_120 = tpu.memref_slice %arg4[%dma_start3A_118, %dma_start3A_119] : memref<10000x128xf32, #tpu.memory_space<hbm>> -> memref<10000x128xf32, #tpu.memory_space<hbm>>
          tpu.enqueue_indirect_dma source(%dma_start3A_120 : memref<10000x128xf32, #tpu.memory_space<hbm>>) target(%arg9 : memref<125x128xf32, #tpu.memory_space<vmem>>) offsets(%dma_start3A_117 : memref<125xi32, #tpu.memory_space<vmem>>) semaphore(%arg13 : memref<!tpu.dma_semaphore, #tpu.memory_space<semaphore_mem>>)
        } else {
        }
        %dma_wait3A_107 = arith.constant 0 : i32
        %dma_wait3A_108 = tpu.memref_slice %arg8[%add3A_90, %dma_wait3A_107] : memref<16x125xi32, #tpu.memory_space<vmem>> -> memref<1x125xi32, #tpu.memory_space<vmem>>
        %dma_wait3A_109 = tpu.memref_squeeze %dma_wait3A_108 : memref<1x125xi32, #tpu.memory_space<vmem>> -> memref<125xi32, #tpu.memory_space<vmem>>
        %dma_wait3A_110 = arith.constant 0 : i32
        %dma_wait3A_111 = arith.constant 0 : i32
        %dma_wait3A_112 = tpu.memref_slice %arg12[%dma_wait3A_110, %dma_wait3A_111] : memref<10240x128xf32, #tpu.memory_space<vmem_shared>> -> memref<10240x128xf32, #tpu.memory_space<vmem_shared>>
        tpu.wait_indirect_dma semaphore(%arg16 : memref<!tpu.dma_semaphore, #tpu.memory_space<semaphore_mem>>) src(%arg10 : memref<125x128xf32, #tpu.memory_space<vmem>>) dst(%dma_wait3A_112 : memref<10240x128xf32, #tpu.memory_space<vmem_shared>>)
      }
      %scan3A_56 = arith.constant 8 : i32
    }
    %scan3A_16 = arith.constant 5 : i32
    %barrier3A_17 = arith.constant 0 : index
    tpu.barrier barrier_id(%barrier3A_17)
    %mul3A_18 = arith.constant 640 : i32
    %mul3A_19 = arith.muli %arg1, %mul3A_18 : i32
    %mul3A_20 = arith.constant 640 : i32
    %mul3A_21 = arith.muli %arg1, %mul3A_20 : i32
    "tpu.region"() ({
      %run_scoped3A = tpu.sem_alloc : memref<!tpu.dma_semaphore, #tpu.memory_space<semaphore_mem>>
      %dma_start3A = arith.constant 0 : i32
      %dma_start3A_38 = tpu.memref_slice %arg6[%arg0, %mul3A_21, %dma_start3A] : memref<2x10240x256xf32, #tpu.memory_space<hbm>> -> memref<1x640x128xf32, #tpu.memory_space<hbm>>
      %dma_start3A_39 = tpu.memref_squeeze %dma_start3A_38 : memref<1x640x128xf32, #tpu.memory_space<hbm>> -> memref<640x128xf32, #tpu.memory_space<hbm>>
      %dma_start3A_40 = arith.constant 0 : i32
      %dma_start3A_41 = tpu.memref_slice %arg12[%mul3A_19, %dma_start3A_40] : memref<10240x128xf32, #tpu.memory_space<vmem_shared>> -> memref<640x128xf32, #tpu.memory_space<vmem_shared>>
      tpu.enqueue_dma source(%dma_start3A_41 : memref<640x128xf32, #tpu.memory_space<vmem_shared>>) target(%dma_start3A_39 : memref<640x128xf32, #tpu.memory_space<hbm>>) target_semaphore(%run_scoped3A : memref<!tpu.dma_semaphore, #tpu.memory_space<semaphore_mem>>)
      %dma_wait3A = arith.constant 0 : i32
      %dma_wait3A_42 = tpu.memref_slice %arg6[%arg0, %mul3A_21, %dma_wait3A] : memref<2x10240x256xf32, #tpu.memory_space<hbm>> -> memref<1x640x128xf32, #tpu.memory_space<hbm>>
      %dma_wait3A_43 = tpu.memref_squeeze %dma_wait3A_42 : memref<1x640x128xf32, #tpu.memory_space<hbm>> -> memref<640x128xf32, #tpu.memory_space<hbm>>
      %dma_wait3A_44 = arith.constant 0 : i32
      %dma_wait3A_45 = tpu.memref_slice %arg12[%mul3A_19, %dma_wait3A_44] : memref<10240x128xf32, #tpu.memory_space<vmem_shared>> -> memref<640x128xf32, #tpu.memory_space<vmem_shared>>
      tpu.wait_dma2 semaphore(%run_scoped3A : memref<!tpu.dma_semaphore, #tpu.memory_space<semaphore_mem>>) src(%dma_wait3A_45 : memref<640x128xf32, #tpu.memory_space<vmem_shared>>) dst(%dma_wait3A_43 : memref<640x128xf32, #tpu.memory_space<hbm>>)
      tpu.yield
    }) : () -> ()
    %scan3A_22 = arith.constant 0 : i32
    %scan3A_23 = arith.constant 10 : i32
    %scan3A_24 = arith.addi %scan3A_22, %scan3A_23 : i32
    %scan3A_25 = arith.constant 1 : i32
    scf.for %scan3A_38 = %scan3A_22 to %scan3A_24 step %scan3A_25  : i32 {
      %mul3A_39 = arith.constant 1 : i32
      %mul3A_40 = arith.muli %scan3A_38, %mul3A_39 : i32
      %add3A_41 = arith.constant 0 : i32
      %add3A_42 = arith.addi %add3A_41, %mul3A_40 : i32
      %mul3A_43 = arith.constant 640 : i32
      %mul3A_44 = arith.muli %arg1, %mul3A_43 : i32
      %mul3A_45 = arith.constant 64 : i32
      %mul3A_46 = arith.muli %add3A_42, %mul3A_45 : i32
      %add3A_47 = arith.addi %mul3A_44, %mul3A_46 : i32
      "tpu.region"() ({
        %run_scoped3A = tpu.sem_alloc : memref<!tpu.dma_semaphore, #tpu.memory_space<semaphore_mem>>
        %dma_start3A = arith.constant 0 : i32
        %dma_start3A_48 = tpu.memref_slice %arg12[%add3A_47, %dma_start3A] : memref<10240x128xf32, #tpu.memory_space<vmem_shared>> -> memref<64x128xf32, #tpu.memory_space<vmem_shared>>
        %dma_start3A_49 = arith.constant 0 : i32
        %dma_start3A_50 = tpu.memref_slice %arg12[%add3A_47, %dma_start3A_49] : memref<10240x128xf32, #tpu.memory_space<vmem_shared>> -> memref<64x128xf32, #tpu.memory_space<vmem_shared>>
        tpu.enqueue_dma source(%arg11 : memref<64x128xf32, #tpu.memory_space<vmem>>) target(%dma_start3A_50 : memref<64x128xf32, #tpu.memory_space<vmem_shared>>) target_semaphore(%run_scoped3A : memref<!tpu.dma_semaphore, #tpu.memory_space<semaphore_mem>>)
        %dma_wait3A = arith.constant 0 : i32
        %dma_wait3A_51 = tpu.memref_slice %arg12[%add3A_47, %dma_wait3A] : memref<10240x128xf32, #tpu.memory_space<vmem_shared>> -> memref<64x128xf32, #tpu.memory_space<vmem_shared>>
        %dma_wait3A_52 = arith.constant 0 : i32
        %dma_wait3A_53 = tpu.memref_slice %arg12[%add3A_47, %dma_wait3A_52] : memref<10240x128xf32, #tpu.memory_space<vmem_shared>> -> memref<64x128xf32, #tpu.memory_space<vmem_shared>>
        tpu.wait_dma2 semaphore(%run_scoped3A : memref<!tpu.dma_semaphore, #tpu.memory_space<semaphore_mem>>) src(%arg11 : memref<64x128xf32, #tpu.memory_space<vmem>>) dst(%dma_wait3A_53 : memref<64x128xf32, #tpu.memory_space<vmem_shared>>)
        tpu.yield
      }) : () -> ()
    }
    %scan3A_26 = arith.constant 10 : i32
    %barrier3A_27 = arith.constant 0 : index
    tpu.barrier barrier_id(%barrier3A_27)
    %scan3A_28 = arith.constant 0 : i32
    %scan3A_29 = arith.constant 5 : i32
    %scan3A_30 = arith.addi %scan3A_28, %scan3A_29 : i32
    %scan3A_31 = arith.constant 1 : i32
    scf.for %scan3A_38 = %scan3A_28 to %scan3A_30 step %scan3A_31  : i32 {
      %mul3A_39 = arith.constant 1 : i32
      %mul3A_40 = arith.muli %scan3A_38, %mul3A_39 : i32
      %add3A_41 = arith.constant 0 : i32
      %add3A_42 = arith.addi %add3A_41, %mul3A_40 : i32
      %mul3A_43 = arith.constant 16 : i32
      %mul3A_44 = arith.muli %add3A_42, %mul3A_43 : i32
      %add3A_45 = arith.addi %mul3A_2, %mul3A_44 : i32
      "tpu.region"() ({
        %run_scoped3A = tpu.sem_alloc : memref<!tpu.dma_semaphore, #tpu.memory_space<semaphore_mem>>
        %dma_start3A_57 = arith.constant 0 : i32
        %dma_start3A_58 = tpu.memref_slice %arg2[%add3A_45, %dma_start3A_57] : memref<2560x125xi32, #tpu.memory_space<hbm>> -> memref<16x125xi32, #tpu.memory_space<hbm>>
        %dma_start3A_59 = arith.constant 0 : i32
        %dma_start3A_60 = tpu.memref_slice %arg2[%add3A_45, %dma_start3A_59] : memref<2560x125xi32, #tpu.memory_space<hbm>> -> memref<16x125xi32, #tpu.memory_space<hbm>>
        tpu.enqueue_dma source(%dma_start3A_60 : memref<16x125xi32, #tpu.memory_space<hbm>>) target(%arg7 : memref<16x125xi32, #tpu.memory_space<vmem>>) target_semaphore(%run_scoped3A : memref<!tpu.dma_semaphore, #tpu.memory_space<semaphore_mem>>)
        %dma_wait3A = arith.constant 0 : i32
        %dma_wait3A_61 = tpu.memref_slice %arg2[%add3A_45, %dma_wait3A] : memref<2560x125xi32, #tpu.memory_space<hbm>> -> memref<16x125xi32, #tpu.memory_space<hbm>>
        %dma_wait3A_62 = arith.constant 0 : i32
        %dma_wait3A_63 = tpu.memref_slice %arg2[%add3A_45, %dma_wait3A_62] : memref<2560x125xi32, #tpu.memory_space<hbm>> -> memref<16x125xi32, #tpu.memory_space<hbm>>
        tpu.wait_dma2 semaphore(%run_scoped3A : memref<!tpu.dma_semaphore, #tpu.memory_space<semaphore_mem>>) src(%dma_wait3A_63 : memref<16x125xi32, #tpu.memory_space<hbm>>) dst(%arg7 : memref<16x125xi32, #tpu.memory_space<vmem>>)
        tpu.yield
      }) : () -> ()
      "tpu.region"() ({
        %run_scoped3A = tpu.sem_alloc : memref<!tpu.dma_semaphore, #tpu.memory_space<semaphore_mem>>
        %dma_start3A_57 = arith.constant 0 : i32
        %dma_start3A_58 = tpu.memref_slice %arg3[%add3A_45, %dma_start3A_57] : memref<2560x125xi32, #tpu.memory_space<hbm>> -> memref<16x125xi32, #tpu.memory_space<hbm>>
        %dma_start3A_59 = arith.constant 0 : i32
        %dma_start3A_60 = tpu.memref_slice %arg3[%add3A_45, %dma_start3A_59] : memref<2560x125xi32, #tpu.memory_space<hbm>> -> memref<16x125xi32, #tpu.memory_space<hbm>>
        tpu.enqueue_dma source(%dma_start3A_60 : memref<16x125xi32, #tpu.memory_space<hbm>>) target(%arg8 : memref<16x125xi32, #tpu.memory_space<vmem>>) target_semaphore(%run_scoped3A : memref<!tpu.dma_semaphore, #tpu.memory_space<semaphore_mem>>)
        %dma_wait3A = arith.constant 0 : i32
        %dma_wait3A_61 = tpu.memref_slice %arg3[%add3A_45, %dma_wait3A] : memref<2560x125xi32, #tpu.memory_space<hbm>> -> memref<16x125xi32, #tpu.memory_space<hbm>>
        %dma_wait3A_62 = arith.constant 0 : i32
        %dma_wait3A_63 = tpu.memref_slice %arg3[%add3A_45, %dma_wait3A_62] : memref<2560x125xi32, #tpu.memory_space<hbm>> -> memref<16x125xi32, #tpu.memory_space<hbm>>
        tpu.wait_dma2 semaphore(%run_scoped3A : memref<!tpu.dma_semaphore, #tpu.memory_space<semaphore_mem>>) src(%dma_wait3A_63 : memref<16x125xi32, #tpu.memory_space<hbm>>) dst(%arg8 : memref<16x125xi32, #tpu.memory_space<vmem>>)
        tpu.yield
      }) : () -> ()
      %dma_start3A = arith.constant 0 : i32
      %dma_start3A_46 = arith.constant 0 : i32
      %dma_start3A_47 = tpu.memref_slice %arg7[%dma_start3A, %dma_start3A_46] : memref<16x125xi32, #tpu.memory_space<vmem>> -> memref<1x125xi32, #tpu.memory_space<vmem>>
      %dma_start3A_48 = tpu.memref_squeeze %dma_start3A_47 : memref<1x125xi32, #tpu.memory_space<vmem>> -> memref<125xi32, #tpu.memory_space<vmem>>
      %dma_start3A_49 = arith.constant 0 : i32
      %dma_start3A_50 = arith.constant 0 : i32
      %dma_start3A_51 = tpu.memref_slice %arg5[%dma_start3A_49, %dma_start3A_50] : memref<10000x128xf32, #tpu.memory_space<hbm>> -> memref<10000x128xf32, #tpu.memory_space<hbm>>
      tpu.enqueue_indirect_dma source(%dma_start3A_51 : memref<10000x128xf32, #tpu.memory_space<hbm>>) target(%arg9 : memref<125x128xf32, #tpu.memory_space<vmem>>) offsets(%dma_start3A_48 : memref<125xi32, #tpu.memory_space<vmem>>) semaphore(%arg13 : memref<!tpu.dma_semaphore, #tpu.memory_space<semaphore_mem>>)
      %scan3A_52 = arith.constant 0 : i32
      %scan3A_53 = arith.constant 8 : i32
      %scan3A_54 = arith.addi %scan3A_52, %scan3A_53 : i32
      %scan3A_55 = arith.constant 1 : i32
      scf.for %scan3A_57 = %scan3A_52 to %scan3A_54 step %scan3A_55  : i32 {
        %mul3A_58 = arith.constant 2 : i32
        %mul3A_59 = arith.muli %scan3A_57, %mul3A_58 : i32
        %add3A_60 = arith.constant 0 : i32
        %add3A_61 = arith.addi %add3A_60, %mul3A_59 : i32
        %dma_wait3A = arith.constant 0 : i32
        %dma_wait3A_62 = tpu.memref_slice %arg7[%add3A_61, %dma_wait3A] : memref<16x125xi32, #tpu.memory_space<vmem>> -> memref<1x125xi32, #tpu.memory_space<vmem>>
        %dma_wait3A_63 = tpu.memref_squeeze %dma_wait3A_62 : memref<1x125xi32, #tpu.memory_space<vmem>> -> memref<125xi32, #tpu.memory_space<vmem>>
        %dma_wait3A_64 = arith.constant 0 : i32
        %dma_wait3A_65 = arith.constant 0 : i32
        %dma_wait3A_66 = tpu.memref_slice %arg5[%dma_wait3A_64, %dma_wait3A_65] : memref<10000x128xf32, #tpu.memory_space<hbm>> -> memref<10000x128xf32, #tpu.memory_space<hbm>>
        tpu.wait_indirect_dma semaphore(%arg13 : memref<!tpu.dma_semaphore, #tpu.memory_space<semaphore_mem>>) src(%dma_wait3A_66 : memref<10000x128xf32, #tpu.memory_space<hbm>>) dst(%arg9 : memref<125x128xf32, #tpu.memory_space<vmem>>)
        %add3A_67 = arith.constant 1 : i32
        %add3A_68 = arith.addi %add3A_61, %add3A_67 : i32
        %dma_start3A_69 = arith.constant 0 : i32
        %dma_start3A_70 = tpu.memref_slice %arg7[%add3A_68, %dma_start3A_69] : memref<16x125xi32, #tpu.memory_space<vmem>> -> memref<1x125xi32, #tpu.memory_space<vmem>>
        %dma_start3A_71 = tpu.memref_squeeze %dma_start3A_70 : memref<1x125xi32, #tpu.memory_space<vmem>> -> memref<125xi32, #tpu.memory_space<vmem>>
        %dma_start3A_72 = arith.constant 0 : i32
        %dma_start3A_73 = arith.constant 0 : i32
        %dma_start3A_74 = tpu.memref_slice %arg5[%dma_start3A_72, %dma_start3A_73] : memref<10000x128xf32, #tpu.memory_space<hbm>> -> memref<10000x128xf32, #tpu.memory_space<hbm>>
        tpu.enqueue_indirect_dma source(%dma_start3A_74 : memref<10000x128xf32, #tpu.memory_space<hbm>>) target(%arg10 : memref<125x128xf32, #tpu.memory_space<vmem>>) offsets(%dma_start3A_71 : memref<125xi32, #tpu.memory_space<vmem>>) semaphore(%arg14 : memref<!tpu.dma_semaphore, #tpu.memory_space<semaphore_mem>>)
        %dma_start3A_75 = arith.constant 0 : i32
        %dma_start3A_76 = tpu.memref_slice %arg8[%add3A_61, %dma_start3A_75] : memref<16x125xi32, #tpu.memory_space<vmem>> -> memref<1x125xi32, #tpu.memory_space<vmem>>
        %dma_start3A_77 = tpu.memref_squeeze %dma_start3A_76 : memref<1x125xi32, #tpu.memory_space<vmem>> -> memref<125xi32, #tpu.memory_space<vmem>>
        %dma_start3A_78 = arith.constant 0 : i32
        %dma_start3A_79 = arith.constant 0 : i32
        %dma_start3A_80 = tpu.memref_slice %arg12[%dma_start3A_78, %dma_start3A_79] : memref<10240x128xf32, #tpu.memory_space<vmem_shared>> -> memref<10240x128xf32, #tpu.memory_space<vmem_shared>>
        tpu.enqueue_indirect_dma source(%arg9 : memref<125x128xf32, #tpu.memory_space<vmem>>) target(%dma_start3A_80 : memref<10240x128xf32, #tpu.memory_space<vmem_shared>>) offsets(%dma_start3A_77 : memref<125xi32, #tpu.memory_space<vmem>>) semaphore(%arg15 : memref<!tpu.dma_semaphore, #tpu.memory_space<semaphore_mem>>) {add = true}
        %add3A_81 = arith.constant 1 : i32
        %add3A_82 = arith.addi %add3A_61, %add3A_81 : i32
        %dma_wait3A_83 = arith.constant 0 : i32
        %dma_wait3A_84 = tpu.memref_slice %arg7[%add3A_82, %dma_wait3A_83] : memref<16x125xi32, #tpu.memory_space<vmem>> -> memref<1x125xi32, #tpu.memory_space<vmem>>
        %dma_wait3A_85 = tpu.memref_squeeze %dma_wait3A_84 : memref<1x125xi32, #tpu.memory_space<vmem>> -> memref<125xi32, #tpu.memory_space<vmem>>
        %dma_wait3A_86 = arith.constant 0 : i32
        %dma_wait3A_87 = arith.constant 0 : i32
        %dma_wait3A_88 = tpu.memref_slice %arg5[%dma_wait3A_86, %dma_wait3A_87] : memref<10000x128xf32, #tpu.memory_space<hbm>> -> memref<10000x128xf32, #tpu.memory_space<hbm>>
        tpu.wait_indirect_dma semaphore(%arg14 : memref<!tpu.dma_semaphore, #tpu.memory_space<semaphore_mem>>) src(%dma_wait3A_88 : memref<10000x128xf32, #tpu.memory_space<hbm>>) dst(%arg10 : memref<125x128xf32, #tpu.memory_space<vmem>>)
        %add3A_89 = arith.constant 1 : i32
        %add3A_90 = arith.addi %add3A_61, %add3A_89 : i32
        %dma_start3A_91 = arith.constant 0 : i32
        %dma_start3A_92 = tpu.memref_slice %arg8[%add3A_90, %dma_start3A_91] : memref<16x125xi32, #tpu.memory_space<vmem>> -> memref<1x125xi32, #tpu.memory_space<vmem>>
        %dma_start3A_93 = tpu.memref_squeeze %dma_start3A_92 : memref<1x125xi32, #tpu.memory_space<vmem>> -> memref<125xi32, #tpu.memory_space<vmem>>
        %dma_start3A_94 = arith.constant 0 : i32
        %dma_start3A_95 = arith.constant 0 : i32
        %dma_start3A_96 = tpu.memref_slice %arg12[%dma_start3A_94, %dma_start3A_95] : memref<10240x128xf32, #tpu.memory_space<vmem_shared>> -> memref<10240x128xf32, #tpu.memory_space<vmem_shared>>
        tpu.enqueue_indirect_dma source(%arg10 : memref<125x128xf32, #tpu.memory_space<vmem>>) target(%dma_start3A_96 : memref<10240x128xf32, #tpu.memory_space<vmem_shared>>) offsets(%dma_start3A_93 : memref<125xi32, #tpu.memory_space<vmem>>) semaphore(%arg16 : memref<!tpu.dma_semaphore, #tpu.memory_space<semaphore_mem>>) {add = true}
        %dma_wait3A_97 = arith.constant 0 : i32
        %dma_wait3A_98 = tpu.memref_slice %arg8[%add3A_61, %dma_wait3A_97] : memref<16x125xi32, #tpu.memory_space<vmem>> -> memref<1x125xi32, #tpu.memory_space<vmem>>
        %dma_wait3A_99 = tpu.memref_squeeze %dma_wait3A_98 : memref<1x125xi32, #tpu.memory_space<vmem>> -> memref<125xi32, #tpu.memory_space<vmem>>
        %dma_wait3A_100 = arith.constant 0 : i32
        %dma_wait3A_101 = arith.constant 0 : i32
        %dma_wait3A_102 = tpu.memref_slice %arg12[%dma_wait3A_100, %dma_wait3A_101] : memref<10240x128xf32, #tpu.memory_space<vmem_shared>> -> memref<10240x128xf32, #tpu.memory_space<vmem_shared>>
        tpu.wait_indirect_dma semaphore(%arg15 : memref<!tpu.dma_semaphore, #tpu.memory_space<semaphore_mem>>) src(%arg9 : memref<125x128xf32, #tpu.memory_space<vmem>>) dst(%dma_wait3A_102 : memref<10240x128xf32, #tpu.memory_space<vmem_shared>>)
        %add3A_103 = arith.constant 2 : i32
        %add3A_104 = arith.addi %add3A_61, %add3A_103 : i32
        %lt3A = arith.constant 16 : i32
        %lt3A_105 = arith.cmpi slt, %add3A_104, %lt3A : i32
        %convert_element_type3A = arith.extui %lt3A_105 : i1 to i32
        %cond3A = arith.constant 0 : i32
        %cond3A_106 = arith.cmpi ne, %convert_element_type3A, %cond3A : i32
        scf.if %cond3A_106 {
          %add3A_113 = arith.constant 2 : i32
          %add3A_114 = arith.addi %add3A_61, %add3A_113 : i32
          %dma_start3A_115 = arith.constant 0 : i32
          %dma_start3A_116 = tpu.memref_slice %arg7[%add3A_114, %dma_start3A_115] : memref<16x125xi32, #tpu.memory_space<vmem>> -> memref<1x125xi32, #tpu.memory_space<vmem>>
          %dma_start3A_117 = tpu.memref_squeeze %dma_start3A_116 : memref<1x125xi32, #tpu.memory_space<vmem>> -> memref<125xi32, #tpu.memory_space<vmem>>
          %dma_start3A_118 = arith.constant 0 : i32
          %dma_start3A_119 = arith.constant 0 : i32
          %dma_start3A_120 = tpu.memref_slice %arg5[%dma_start3A_118, %dma_start3A_119] : memref<10000x128xf32, #tpu.memory_space<hbm>> -> memref<10000x128xf32, #tpu.memory_space<hbm>>
          tpu.enqueue_indirect_dma source(%dma_start3A_120 : memref<10000x128xf32, #tpu.memory_space<hbm>>) target(%arg9 : memref<125x128xf32, #tpu.memory_space<vmem>>) offsets(%dma_start3A_117 : memref<125xi32, #tpu.memory_space<vmem>>) semaphore(%arg13 : memref<!tpu.dma_semaphore, #tpu.memory_space<semaphore_mem>>)
        } else {
        }
        %dma_wait3A_107 = arith.constant 0 : i32
        %dma_wait3A_108 = tpu.memref_slice %arg8[%add3A_90, %dma_wait3A_107] : memref<16x125xi32, #tpu.memory_space<vmem>> -> memref<1x125xi32, #tpu.memory_space<vmem>>
        %dma_wait3A_109 = tpu.memref_squeeze %dma_wait3A_108 : memref<1x125xi32, #tpu.memory_space<vmem>> -> memref<125xi32, #tpu.memory_space<vmem>>
        %dma_wait3A_110 = arith.constant 0 : i32
        %dma_wait3A_111 = arith.constant 0 : i32
        %dma_wait3A_112 = tpu.memref_slice %arg12[%dma_wait3A_110, %dma_wait3A_111] : memref<10240x128xf32, #tpu.memory_space<vmem_shared>> -> memref<10240x128xf32, #tpu.memory_space<vmem_shared>>
        tpu.wait_indirect_dma semaphore(%arg16 : memref<!tpu.dma_semaphore, #tpu.memory_space<semaphore_mem>>) src(%arg10 : memref<125x128xf32, #tpu.memory_space<vmem>>) dst(%dma_wait3A_112 : memref<10240x128xf32, #tpu.memory_space<vmem_shared>>)
      }
      %scan3A_56 = arith.constant 8 : i32
    }
    %scan3A_32 = arith.constant 5 : i32
    %barrier3A_33 = arith.constant 0 : index
    tpu.barrier barrier_id(%barrier3A_33)
    %mul3A_34 = arith.constant 640 : i32
    %mul3A_35 = arith.muli %arg1, %mul3A_34 : i32
    %mul3A_36 = arith.constant 640 : i32
    %mul3A_37 = arith.muli %arg1, %mul3A_36 : i32
    "tpu.region"() ({
      %run_scoped3A = tpu.sem_alloc : memref<!tpu.dma_semaphore, #tpu.memory_space<semaphore_mem>>
      %dma_start3A = arith.constant 128 : i32
      %dma_start3A_38 = tpu.memref_slice %arg6[%arg0, %mul3A_37, %dma_start3A] : memref<2x10240x256xf32, #tpu.memory_space<hbm>> -> memref<1x640x128xf32, #tpu.memory_space<hbm>>
      %dma_start3A_39 = tpu.memref_squeeze %dma_start3A_38 : memref<1x640x128xf32, #tpu.memory_space<hbm>> -> memref<640x128xf32, #tpu.memory_space<hbm>>
      %dma_start3A_40 = arith.constant 0 : i32
      %dma_start3A_41 = tpu.memref_slice %arg12[%mul3A_35, %dma_start3A_40] : memref<10240x128xf32, #tpu.memory_space<vmem_shared>> -> memref<640x128xf32, #tpu.memory_space<vmem_shared>>
      tpu.enqueue_dma source(%dma_start3A_41 : memref<640x128xf32, #tpu.memory_space<vmem_shared>>) target(%dma_start3A_39 : memref<640x128xf32, #tpu.memory_space<hbm>>) target_semaphore(%run_scoped3A : memref<!tpu.dma_semaphore, #tpu.memory_space<semaphore_mem>>)
      %dma_wait3A = arith.constant 128 : i32
      %dma_wait3A_42 = tpu.memref_slice %arg6[%arg0, %mul3A_37, %dma_wait3A] : memref<2x10240x256xf32, #tpu.memory_space<hbm>> -> memref<1x640x128xf32, #tpu.memory_space<hbm>>
      %dma_wait3A_43 = tpu.memref_squeeze %dma_wait3A_42 : memref<1x640x128xf32, #tpu.memory_space<hbm>> -> memref<640x128xf32, #tpu.memory_space<hbm>>
      %dma_wait3A_44 = arith.constant 0 : i32
      %dma_wait3A_45 = tpu.memref_slice %arg12[%mul3A_35, %dma_wait3A_44] : memref<10240x128xf32, #tpu.memory_space<vmem_shared>> -> memref<640x128xf32, #tpu.memory_space<vmem_shared>>
      tpu.wait_dma2 semaphore(%run_scoped3A : memref<!tpu.dma_semaphore, #tpu.memory_space<semaphore_mem>>) src(%dma_wait3A_45 : memref<640x128xf32, #tpu.memory_space<vmem_shared>>) dst(%dma_wait3A_43 : memref<640x128xf32, #tpu.memory_space<hbm>>)
      tpu.yield
    }) : () -> ()
    return
  }
}

#map = affine_map<(d0, d1) -> (0, 0)>
#map1 = affine_map<(d0, d1) -> (0, 0, 0)>
module attributes {stable_mosaic.version = 14 : i64} {
  func.func @agg(%arg0: i32, %arg1: i32, %arg2: memref<2560x125xi32, #tpu.memory_space<hbm>>, %arg3: memref<2560x125xi32, #tpu.memory_space<hbm>>, %arg4: memref<10000x128xf32, #tpu.memory_space<hbm>>, %arg5: memref<2x10240x128xf32, #tpu.memory_space<hbm>>, %arg6: memref<16x125xi32, #tpu.memory_space<vmem>>, %arg7: memref<16x125xi32, #tpu.memory_space<vmem>>, %arg8: memref<125x128xf32, #tpu.memory_space<vmem>>, %arg9: memref<125x128xf32, #tpu.memory_space<vmem>>, %arg10: memref<64x128xf32, #tpu.memory_space<vmem>>, %arg11: memref<10240x128xf32, #tpu.memory_space<vmem_shared>>, %arg12: memref<!tpu.dma_semaphore, #tpu.memory_space<semaphore_mem>>, %arg13: memref<!tpu.dma_semaphore, #tpu.memory_space<semaphore_mem>>, %arg14: memref<!tpu.dma_semaphore, #tpu.memory_space<semaphore_mem>>, %arg15: memref<!tpu.dma_semaphore, #tpu.memory_space<semaphore_mem>>) attributes {dimension_semantics = [#tpu.dimension_semantics<core_parallel>, #tpu.dimension_semantics<subcore_parallel>], iteration_bounds = array<i64: 2, 16>, scalar_prefetch = 0 : i64, scratch_operands = 10 : i64, tpu.core_type = #tpu.core_type<sc_vector_subcore>, window_params = [{transform_indices = #map}, {transform_indices = #map}, {transform_indices = #map}, {transform_indices = #map1}]} {
    %mul3A = arith.constant 16 : i32
    %mul3A_0 = arith.muli %arg0, %mul3A : i32
    %add3A = arith.addi %mul3A_0, %arg1 : i32
    %mul3A_1 = arith.constant 80 : i32
    %mul3A_2 = arith.muli %add3A, %mul3A_1 : i32
    %scan3A = arith.constant 0 : i32
    %scan3A_3 = arith.constant 64 : i32
    %scan3A_4 = arith.addi %scan3A, %scan3A_3 : i32
    %scan3A_5 = arith.constant 1 : i32
    scf.for %scan3A_22 = %scan3A to %scan3A_4 step %scan3A_5  : i32 {
      %mul3A_23 = arith.constant 1 : i32
      %mul3A_24 = arith.muli %scan3A_22, %mul3A_23 : i32
      %add3A_25 = arith.constant 0 : i32
      %add3A_26 = arith.addi %add3A_25, %mul3A_24 : i32
      %scan3A_27 = arith.constant 0 : i32
      %scan3A_28 = arith.constant 8 : i32
      %scan3A_29 = arith.addi %scan3A_27, %scan3A_28 : i32
      %scan3A_30 = arith.constant 1 : i32
      scf.for %scan3A_32 = %scan3A_27 to %scan3A_29 step %scan3A_30  : i32 {
        %mul3A_33 = arith.constant 1 : i32
        %mul3A_34 = arith.muli %scan3A_32, %mul3A_33 : i32
        %add3A_35 = arith.constant 0 : i32
        %add3A_36 = arith.addi %add3A_35, %mul3A_34 : i32
        %broadcast_in_dim3A = arith.constant 0.000000e+00 : f32
        %broadcast_in_dim3A_37 = vector.broadcast %broadcast_in_dim3A : f32 to vector<16xf32>
        %mul3A_38 = arith.constant 16 : i32
        %mul3A_39 = arith.muli %add3A_36, %mul3A_38 : i32
        %swap3A = arith.index_cast %add3A_26 : i32 to index
        %swap3A_40 = arith.index_cast %mul3A_39 : i32 to index
        %swap3A_41 = tpu.vector_load %arg10[%swap3A, %swap3A_40] {strides = array<i32>} : memref<64x128xf32, #tpu.memory_space<vmem>>, vector<1x16xf32>,
        %swap3A_42 = vector.shape_cast %swap3A_41 : vector<1x16xf32> to vector<16xf32>
        %swap3A_43 = vector.shape_cast %broadcast_in_dim3A_37 : vector<16xf32> to vector<1x16xf32>
        tpu.vector_store %arg10[%swap3A, %swap3A_40], %swap3A_43 {strides = array<i32>} : memref<64x128xf32, #tpu.memory_space<vmem>>, vector<1x16xf32>,
      }
      %scan3A_31 = arith.constant 8 : i32
    }
    %scan3A_6 = arith.constant 64 : i32
    %scan3A_7 = arith.constant 0 : i32
    %scan3A_8 = arith.constant 10 : i32
    %scan3A_9 = arith.addi %scan3A_7, %scan3A_8 : i32
    %scan3A_10 = arith.constant 1 : i32
    scf.for %scan3A_22 = %scan3A_7 to %scan3A_9 step %scan3A_10  : i32 {
      %mul3A_23 = arith.constant 1 : i32
      %mul3A_24 = arith.muli %scan3A_22, %mul3A_23 : i32
      %add3A_25 = arith.constant 0 : i32
      %add3A_26 = arith.addi %add3A_25, %mul3A_24 : i32
      %mul3A_27 = arith.constant 640 : i32
      %mul3A_28 = arith.muli %arg1, %mul3A_27 : i32
      %mul3A_29 = arith.constant 64 : i32
      %mul3A_30 = arith.muli %add3A_26, %mul3A_29 : i32
      %add3A_31 = arith.addi %mul3A_28, %mul3A_30 : i32
      "tpu.region"() ({
        %run_scoped3A = tpu.sem_alloc : memref<!tpu.dma_semaphore, #tpu.memory_space<semaphore_mem>>
        %dma_start3A = arith.constant 0 : i32
        %dma_start3A_32 = tpu.memref_slice %arg11[%add3A_31, %dma_start3A] : memref<10240x128xf32, #tpu.memory_space<vmem_shared>> -> memref<64x128xf32, #tpu.memory_space<vmem_shared>>
        %dma_start3A_33 = arith.constant 0 : i32
        %dma_start3A_34 = tpu.memref_slice %arg11[%add3A_31, %dma_start3A_33] : memref<10240x128xf32, #tpu.memory_space<vmem_shared>> -> memref<64x128xf32, #tpu.memory_space<vmem_shared>>
        tpu.enqueue_dma source(%arg10 : memref<64x128xf32, #tpu.memory_space<vmem>>) target(%dma_start3A_34 : memref<64x128xf32, #tpu.memory_space<vmem_shared>>) target_semaphore(%run_scoped3A : memref<!tpu.dma_semaphore, #tpu.memory_space<semaphore_mem>>)
        %dma_wait3A = arith.constant 0 : i32
        %dma_wait3A_35 = tpu.memref_slice %arg11[%add3A_31, %dma_wait3A] : memref<10240x128xf32, #tpu.memory_space<vmem_shared>> -> memref<64x128xf32, #tpu.memory_space<vmem_shared>>
        %dma_wait3A_36 = arith.constant 0 : i32
        %dma_wait3A_37 = tpu.memref_slice %arg11[%add3A_31, %dma_wait3A_36] : memref<10240x128xf32, #tpu.memory_space<vmem_shared>> -> memref<64x128xf32, #tpu.memory_space<vmem_shared>>
        tpu.wait_dma2 semaphore(%run_scoped3A : memref<!tpu.dma_semaphore, #tpu.memory_space<semaphore_mem>>) src(%arg10 : memref<64x128xf32, #tpu.memory_space<vmem>>) dst(%dma_wait3A_37 : memref<64x128xf32, #tpu.memory_space<vmem_shared>>)
        tpu.yield
      }) : () -> ()
    }
    %scan3A_11 = arith.constant 10 : i32
    %barrier3A = arith.constant 0 : index
    tpu.barrier barrier_id(%barrier3A)
    %scan3A_12 = arith.constant 0 : i32
    %scan3A_13 = arith.constant 5 : i32
    %scan3A_14 = arith.addi %scan3A_12, %scan3A_13 : i32
    %scan3A_15 = arith.constant 1 : i32
    scf.for %scan3A_22 = %scan3A_12 to %scan3A_14 step %scan3A_15  : i32 {
      %mul3A_23 = arith.constant 1 : i32
      %mul3A_24 = arith.muli %scan3A_22, %mul3A_23 : i32
      %add3A_25 = arith.constant 0 : i32
      %add3A_26 = arith.addi %add3A_25, %mul3A_24 : i32
      %mul3A_27 = arith.constant 16 : i32
      %mul3A_28 = arith.muli %add3A_26, %mul3A_27 : i32
      %add3A_29 = arith.addi %mul3A_2, %mul3A_28 : i32
      "tpu.region"() ({
        %run_scoped3A = tpu.sem_alloc : memref<!tpu.dma_semaphore, #tpu.memory_space<semaphore_mem>>
        %dma_start3A_41 = arith.constant 0 : i32
        %dma_start3A_42 = tpu.memref_slice %arg2[%add3A_29, %dma_start3A_41] : memref<2560x125xi32, #tpu.memory_space<hbm>> -> memref<16x125xi32, #tpu.memory_space<hbm>>
        %dma_start3A_43 = arith.constant 0 : i32
        %dma_start3A_44 = tpu.memref_slice %arg2[%add3A_29, %dma_start3A_43] : memref<2560x125xi32, #tpu.memory_space<hbm>> -> memref<16x125xi32, #tpu.memory_space<hbm>>
        tpu.enqueue_dma source(%dma_start3A_44 : memref<16x125xi32, #tpu.memory_space<hbm>>) target(%arg6 : memref<16x125xi32, #tpu.memory_space<vmem>>) target_semaphore(%run_scoped3A : memref<!tpu.dma_semaphore, #tpu.memory_space<semaphore_mem>>)
        %dma_wait3A = arith.constant 0 : i32
        %dma_wait3A_45 = tpu.memref_slice %arg2[%add3A_29, %dma_wait3A] : memref<2560x125xi32, #tpu.memory_space<hbm>> -> memref<16x125xi32, #tpu.memory_space<hbm>>
        %dma_wait3A_46 = arith.constant 0 : i32
        %dma_wait3A_47 = tpu.memref_slice %arg2[%add3A_29, %dma_wait3A_46] : memref<2560x125xi32, #tpu.memory_space<hbm>> -> memref<16x125xi32, #tpu.memory_space<hbm>>
        tpu.wait_dma2 semaphore(%run_scoped3A : memref<!tpu.dma_semaphore, #tpu.memory_space<semaphore_mem>>) src(%dma_wait3A_47 : memref<16x125xi32, #tpu.memory_space<hbm>>) dst(%arg6 : memref<16x125xi32, #tpu.memory_space<vmem>>)
        tpu.yield
      }) : () -> ()
      "tpu.region"() ({
        %run_scoped3A = tpu.sem_alloc : memref<!tpu.dma_semaphore, #tpu.memory_space<semaphore_mem>>
        %dma_start3A_41 = arith.constant 0 : i32
        %dma_start3A_42 = tpu.memref_slice %arg3[%add3A_29, %dma_start3A_41] : memref<2560x125xi32, #tpu.memory_space<hbm>> -> memref<16x125xi32, #tpu.memory_space<hbm>>
        %dma_start3A_43 = arith.constant 0 : i32
        %dma_start3A_44 = tpu.memref_slice %arg3[%add3A_29, %dma_start3A_43] : memref<2560x125xi32, #tpu.memory_space<hbm>> -> memref<16x125xi32, #tpu.memory_space<hbm>>
        tpu.enqueue_dma source(%dma_start3A_44 : memref<16x125xi32, #tpu.memory_space<hbm>>) target(%arg7 : memref<16x125xi32, #tpu.memory_space<vmem>>) target_semaphore(%run_scoped3A : memref<!tpu.dma_semaphore, #tpu.memory_space<semaphore_mem>>)
        %dma_wait3A = arith.constant 0 : i32
        %dma_wait3A_45 = tpu.memref_slice %arg3[%add3A_29, %dma_wait3A] : memref<2560x125xi32, #tpu.memory_space<hbm>> -> memref<16x125xi32, #tpu.memory_space<hbm>>
        %dma_wait3A_46 = arith.constant 0 : i32
        %dma_wait3A_47 = tpu.memref_slice %arg3[%add3A_29, %dma_wait3A_46] : memref<2560x125xi32, #tpu.memory_space<hbm>> -> memref<16x125xi32, #tpu.memory_space<hbm>>
        tpu.wait_dma2 semaphore(%run_scoped3A : memref<!tpu.dma_semaphore, #tpu.memory_space<semaphore_mem>>) src(%dma_wait3A_47 : memref<16x125xi32, #tpu.memory_space<hbm>>) dst(%arg7 : memref<16x125xi32, #tpu.memory_space<vmem>>)
        tpu.yield
      }) : () -> ()
      %dma_start3A = arith.constant 0 : i32
      %dma_start3A_30 = arith.constant 0 : i32
      %dma_start3A_31 = tpu.memref_slice %arg6[%dma_start3A, %dma_start3A_30] : memref<16x125xi32, #tpu.memory_space<vmem>> -> memref<1x125xi32, #tpu.memory_space<vmem>>
      %dma_start3A_32 = tpu.memref_squeeze %dma_start3A_31 : memref<1x125xi32, #tpu.memory_space<vmem>> -> memref<125xi32, #tpu.memory_space<vmem>>
      %dma_start3A_33 = arith.constant 0 : i32
      %dma_start3A_34 = arith.constant 0 : i32
      %dma_start3A_35 = tpu.memref_slice %arg4[%dma_start3A_33, %dma_start3A_34] : memref<10000x128xf32, #tpu.memory_space<hbm>> -> memref<10000x128xf32, #tpu.memory_space<hbm>>
      tpu.enqueue_indirect_dma source(%dma_start3A_35 : memref<10000x128xf32, #tpu.memory_space<hbm>>) target(%arg8 : memref<125x128xf32, #tpu.memory_space<vmem>>) offsets(%dma_start3A_32 : memref<125xi32, #tpu.memory_space<vmem>>) semaphore(%arg12 : memref<!tpu.dma_semaphore, #tpu.memory_space<semaphore_mem>>)
      %scan3A_36 = arith.constant 0 : i32
      %scan3A_37 = arith.constant 8 : i32
      %scan3A_38 = arith.addi %scan3A_36, %scan3A_37 : i32
      %scan3A_39 = arith.constant 1 : i32
      scf.for %scan3A_41 = %scan3A_36 to %scan3A_38 step %scan3A_39  : i32 {
        %mul3A_42 = arith.constant 2 : i32
        %mul3A_43 = arith.muli %scan3A_41, %mul3A_42 : i32
        %add3A_44 = arith.constant 0 : i32
        %add3A_45 = arith.addi %add3A_44, %mul3A_43 : i32
        %dma_wait3A = arith.constant 0 : i32
        %dma_wait3A_46 = tpu.memref_slice %arg6[%add3A_45, %dma_wait3A] : memref<16x125xi32, #tpu.memory_space<vmem>> -> memref<1x125xi32, #tpu.memory_space<vmem>>
        %dma_wait3A_47 = tpu.memref_squeeze %dma_wait3A_46 : memref<1x125xi32, #tpu.memory_space<vmem>> -> memref<125xi32, #tpu.memory_space<vmem>>
        %dma_wait3A_48 = arith.constant 0 : i32
        %dma_wait3A_49 = arith.constant 0 : i32
        %dma_wait3A_50 = tpu.memref_slice %arg4[%dma_wait3A_48, %dma_wait3A_49] : memref<10000x128xf32, #tpu.memory_space<hbm>> -> memref<10000x128xf32, #tpu.memory_space<hbm>>
        tpu.wait_indirect_dma semaphore(%arg12 : memref<!tpu.dma_semaphore, #tpu.memory_space<semaphore_mem>>) src(%dma_wait3A_50 : memref<10000x128xf32, #tpu.memory_space<hbm>>) dst(%arg8 : memref<125x128xf32, #tpu.memory_space<vmem>>)
        %add3A_51 = arith.constant 1 : i32
        %add3A_52 = arith.addi %add3A_45, %add3A_51 : i32
        %dma_start3A_53 = arith.constant 0 : i32
        %dma_start3A_54 = tpu.memref_slice %arg6[%add3A_52, %dma_start3A_53] : memref<16x125xi32, #tpu.memory_space<vmem>> -> memref<1x125xi32, #tpu.memory_space<vmem>>
        %dma_start3A_55 = tpu.memref_squeeze %dma_start3A_54 : memref<1x125xi32, #tpu.memory_space<vmem>> -> memref<125xi32, #tpu.memory_space<vmem>>
        %dma_start3A_56 = arith.constant 0 : i32
        %dma_start3A_57 = arith.constant 0 : i32
        %dma_start3A_58 = tpu.memref_slice %arg4[%dma_start3A_56, %dma_start3A_57] : memref<10000x128xf32, #tpu.memory_space<hbm>> -> memref<10000x128xf32, #tpu.memory_space<hbm>>
        tpu.enqueue_indirect_dma source(%dma_start3A_58 : memref<10000x128xf32, #tpu.memory_space<hbm>>) target(%arg9 : memref<125x128xf32, #tpu.memory_space<vmem>>) offsets(%dma_start3A_55 : memref<125xi32, #tpu.memory_space<vmem>>) semaphore(%arg13 : memref<!tpu.dma_semaphore, #tpu.memory_space<semaphore_mem>>)
        %dma_start3A_59 = arith.constant 0 : i32
        %dma_start3A_60 = tpu.memref_slice %arg7[%add3A_45, %dma_start3A_59] : memref<16x125xi32, #tpu.memory_space<vmem>> -> memref<1x125xi32, #tpu.memory_space<vmem>>
        %dma_start3A_61 = tpu.memref_squeeze %dma_start3A_60 : memref<1x125xi32, #tpu.memory_space<vmem>> -> memref<125xi32, #tpu.memory_space<vmem>>
        %dma_start3A_62 = arith.constant 0 : i32
        %dma_start3A_63 = arith.constant 0 : i32
        %dma_start3A_64 = tpu.memref_slice %arg11[%dma_start3A_62, %dma_start3A_63] : memref<10240x128xf32, #tpu.memory_space<vmem_shared>> -> memref<10240x128xf32, #tpu.memory_space<vmem_shared>>
        tpu.enqueue_indirect_dma source(%arg8 : memref<125x128xf32, #tpu.memory_space<vmem>>) target(%dma_start3A_64 : memref<10240x128xf32, #tpu.memory_space<vmem_shared>>) offsets(%dma_start3A_61 : memref<125xi32, #tpu.memory_space<vmem>>) semaphore(%arg14 : memref<!tpu.dma_semaphore, #tpu.memory_space<semaphore_mem>>) {add = true}
        %add3A_65 = arith.constant 1 : i32
        %add3A_66 = arith.addi %add3A_45, %add3A_65 : i32
        %dma_wait3A_67 = arith.constant 0 : i32
        %dma_wait3A_68 = tpu.memref_slice %arg6[%add3A_66, %dma_wait3A_67] : memref<16x125xi32, #tpu.memory_space<vmem>> -> memref<1x125xi32, #tpu.memory_space<vmem>>
        %dma_wait3A_69 = tpu.memref_squeeze %dma_wait3A_68 : memref<1x125xi32, #tpu.memory_space<vmem>> -> memref<125xi32, #tpu.memory_space<vmem>>
        %dma_wait3A_70 = arith.constant 0 : i32
        %dma_wait3A_71 = arith.constant 0 : i32
        %dma_wait3A_72 = tpu.memref_slice %arg4[%dma_wait3A_70, %dma_wait3A_71] : memref<10000x128xf32, #tpu.memory_space<hbm>> -> memref<10000x128xf32, #tpu.memory_space<hbm>>
        tpu.wait_indirect_dma semaphore(%arg13 : memref<!tpu.dma_semaphore, #tpu.memory_space<semaphore_mem>>) src(%dma_wait3A_72 : memref<10000x128xf32, #tpu.memory_space<hbm>>) dst(%arg9 : memref<125x128xf32, #tpu.memory_space<vmem>>)
        %add3A_73 = arith.constant 1 : i32
        %add3A_74 = arith.addi %add3A_45, %add3A_73 : i32
        %dma_start3A_75 = arith.constant 0 : i32
        %dma_start3A_76 = tpu.memref_slice %arg7[%add3A_74, %dma_start3A_75] : memref<16x125xi32, #tpu.memory_space<vmem>> -> memref<1x125xi32, #tpu.memory_space<vmem>>
        %dma_start3A_77 = tpu.memref_squeeze %dma_start3A_76 : memref<1x125xi32, #tpu.memory_space<vmem>> -> memref<125xi32, #tpu.memory_space<vmem>>
        %dma_start3A_78 = arith.constant 0 : i32
        %dma_start3A_79 = arith.constant 0 : i32
        %dma_start3A_80 = tpu.memref_slice %arg11[%dma_start3A_78, %dma_start3A_79] : memref<10240x128xf32, #tpu.memory_space<vmem_shared>> -> memref<10240x128xf32, #tpu.memory_space<vmem_shared>>
        tpu.enqueue_indirect_dma source(%arg9 : memref<125x128xf32, #tpu.memory_space<vmem>>) target(%dma_start3A_80 : memref<10240x128xf32, #tpu.memory_space<vmem_shared>>) offsets(%dma_start3A_77 : memref<125xi32, #tpu.memory_space<vmem>>) semaphore(%arg15 : memref<!tpu.dma_semaphore, #tpu.memory_space<semaphore_mem>>) {add = true}
        %dma_wait3A_81 = arith.constant 0 : i32
        %dma_wait3A_82 = tpu.memref_slice %arg7[%add3A_45, %dma_wait3A_81] : memref<16x125xi32, #tpu.memory_space<vmem>> -> memref<1x125xi32, #tpu.memory_space<vmem>>
        %dma_wait3A_83 = tpu.memref_squeeze %dma_wait3A_82 : memref<1x125xi32, #tpu.memory_space<vmem>> -> memref<125xi32, #tpu.memory_space<vmem>>
        %dma_wait3A_84 = arith.constant 0 : i32
        %dma_wait3A_85 = arith.constant 0 : i32
        %dma_wait3A_86 = tpu.memref_slice %arg11[%dma_wait3A_84, %dma_wait3A_85] : memref<10240x128xf32, #tpu.memory_space<vmem_shared>> -> memref<10240x128xf32, #tpu.memory_space<vmem_shared>>
        tpu.wait_indirect_dma semaphore(%arg14 : memref<!tpu.dma_semaphore, #tpu.memory_space<semaphore_mem>>) src(%arg8 : memref<125x128xf32, #tpu.memory_space<vmem>>) dst(%dma_wait3A_86 : memref<10240x128xf32, #tpu.memory_space<vmem_shared>>)
        %add3A_87 = arith.constant 2 : i32
        %add3A_88 = arith.addi %add3A_45, %add3A_87 : i32
        %lt3A = arith.constant 16 : i32
        %lt3A_89 = arith.cmpi slt, %add3A_88, %lt3A : i32
        %convert_element_type3A = arith.extui %lt3A_89 : i1 to i32
        %cond3A = arith.constant 0 : i32
        %cond3A_90 = arith.cmpi ne, %convert_element_type3A, %cond3A : i32
        scf.if %cond3A_90 {
          %add3A_97 = arith.constant 2 : i32
          %add3A_98 = arith.addi %add3A_45, %add3A_97 : i32
          %dma_start3A_99 = arith.constant 0 : i32
          %dma_start3A_100 = tpu.memref_slice %arg6[%add3A_98, %dma_start3A_99] : memref<16x125xi32, #tpu.memory_space<vmem>> -> memref<1x125xi32, #tpu.memory_space<vmem>>
          %dma_start3A_101 = tpu.memref_squeeze %dma_start3A_100 : memref<1x125xi32, #tpu.memory_space<vmem>> -> memref<125xi32, #tpu.memory_space<vmem>>
          %dma_start3A_102 = arith.constant 0 : i32
          %dma_start3A_103 = arith.constant 0 : i32
          %dma_start3A_104 = tpu.memref_slice %arg4[%dma_start3A_102, %dma_start3A_103] : memref<10000x128xf32, #tpu.memory_space<hbm>> -> memref<10000x128xf32, #tpu.memory_space<hbm>>
          tpu.enqueue_indirect_dma source(%dma_start3A_104 : memref<10000x128xf32, #tpu.memory_space<hbm>>) target(%arg8 : memref<125x128xf32, #tpu.memory_space<vmem>>) offsets(%dma_start3A_101 : memref<125xi32, #tpu.memory_space<vmem>>) semaphore(%arg12 : memref<!tpu.dma_semaphore, #tpu.memory_space<semaphore_mem>>)
        } else {
        }
        %dma_wait3A_91 = arith.constant 0 : i32
        %dma_wait3A_92 = tpu.memref_slice %arg7[%add3A_74, %dma_wait3A_91] : memref<16x125xi32, #tpu.memory_space<vmem>> -> memref<1x125xi32, #tpu.memory_space<vmem>>
        %dma_wait3A_93 = tpu.memref_squeeze %dma_wait3A_92 : memref<1x125xi32, #tpu.memory_space<vmem>> -> memref<125xi32, #tpu.memory_space<vmem>>
        %dma_wait3A_94 = arith.constant 0 : i32
        %dma_wait3A_95 = arith.constant 0 : i32
        %dma_wait3A_96 = tpu.memref_slice %arg11[%dma_wait3A_94, %dma_wait3A_95] : memref<10240x128xf32, #tpu.memory_space<vmem_shared>> -> memref<10240x128xf32, #tpu.memory_space<vmem_shared>>
        tpu.wait_indirect_dma semaphore(%arg15 : memref<!tpu.dma_semaphore, #tpu.memory_space<semaphore_mem>>) src(%arg9 : memref<125x128xf32, #tpu.memory_space<vmem>>) dst(%dma_wait3A_96 : memref<10240x128xf32, #tpu.memory_space<vmem_shared>>)
      }
      %scan3A_40 = arith.constant 8 : i32
    }
    %scan3A_16 = arith.constant 5 : i32
    %barrier3A_17 = arith.constant 0 : index
    tpu.barrier barrier_id(%barrier3A_17)
    %mul3A_18 = arith.constant 640 : i32
    %mul3A_19 = arith.muli %arg1, %mul3A_18 : i32
    %mul3A_20 = arith.constant 640 : i32
    %mul3A_21 = arith.muli %arg1, %mul3A_20 : i32
    "tpu.region"() ({
      %run_scoped3A = tpu.sem_alloc : memref<!tpu.dma_semaphore, #tpu.memory_space<semaphore_mem>>
      %dma_start3A = arith.constant 0 : i32
      %dma_start3A_22 = tpu.memref_slice %arg5[%arg0, %mul3A_21, %dma_start3A] : memref<2x10240x128xf32, #tpu.memory_space<hbm>> -> memref<1x640x128xf32, #tpu.memory_space<hbm>>
      %dma_start3A_23 = tpu.memref_squeeze %dma_start3A_22 : memref<1x640x128xf32, #tpu.memory_space<hbm>> -> memref<640x128xf32, #tpu.memory_space<hbm>>
      %dma_start3A_24 = arith.constant 0 : i32
      %dma_start3A_25 = tpu.memref_slice %arg11[%mul3A_19, %dma_start3A_24] : memref<10240x128xf32, #tpu.memory_space<vmem_shared>> -> memref<640x128xf32, #tpu.memory_space<vmem_shared>>
      tpu.enqueue_dma source(%dma_start3A_25 : memref<640x128xf32, #tpu.memory_space<vmem_shared>>) target(%dma_start3A_23 : memref<640x128xf32, #tpu.memory_space<hbm>>) target_semaphore(%run_scoped3A : memref<!tpu.dma_semaphore, #tpu.memory_space<semaphore_mem>>)
      %dma_wait3A = arith.constant 0 : i32
      %dma_wait3A_26 = tpu.memref_slice %arg5[%arg0, %mul3A_21, %dma_wait3A] : memref<2x10240x128xf32, #tpu.memory_space<hbm>> -> memref<1x640x128xf32, #tpu.memory_space<hbm>>
      %dma_wait3A_27 = tpu.memref_squeeze %dma_wait3A_26 : memref<1x640x128xf32, #tpu.memory_space<hbm>> -> memref<640x128xf32, #tpu.memory_space<hbm>>
      %dma_wait3A_28 = arith.constant 0 : i32
      %dma_wait3A_29 = tpu.memref_slice %arg11[%mul3A_19, %dma_wait3A_28] : memref<10240x128xf32, #tpu.memory_space<vmem_shared>> -> memref<640x128xf32, #tpu.memory_space<vmem_shared>>
      tpu.wait_dma2 semaphore(%run_scoped3A : memref<!tpu.dma_semaphore, #tpu.memory_space<semaphore_mem>>) src(%dma_wait3A_29 : memref<640x128xf32, #tpu.memory_space<vmem_shared>>) dst(%dma_wait3A_27 : memref<640x128xf32, #tpu.memory_space<hbm>>)
      tpu.yield
    }) : () -> ()
    return
  }
}

module attributes {stable_mosaic.version = 14 : i64} {
  func.func @_l1_body(%arg0: i32, %arg1: memref<2x1000x128xf32, #tpu.memory_space<vmem>>, %arg2: memref<1000x128xf32, #tpu.memory_space<vmem>>, %arg3: memref<1000x1xf32, #tpu.memory_space<vmem>>, %arg4: memref<128x256xf32, #tpu.memory_space<vmem>>, %arg5: memref<1x256xf32, #tpu.memory_space<vmem>>, %arg6: memref<1000x128xf32, #tpu.memory_space<vmem>>, %arg7: memref<1000x128xf32, #tpu.memory_space<vmem>>) attributes {dimension_semantics = [#tpu.dimension_semantics<arbitrary>], iteration_bounds = array<i64: 10>, scalar_prefetch = 0 : i64, scratch_operands = 0 : i64, tpu.core_type = #tpu.core_type<tc>, window_params = [{transform_indices = @transform_0, window_bounds = array<i64: 2, 1000, 128>}, {transform_indices = @transform_1, window_bounds = array<i64: 1000, 128>}, {transform_indices = @transform_2, window_bounds = array<i64: 1000, 1>}, {pipeline_mode = #tpu.pipeline_mode<synchronous>, transform_indices = @transform_3, window_bounds = array<i64: 128, 256>}, {pipeline_mode = #tpu.pipeline_mode<synchronous>, transform_indices = @transform_4, window_bounds = array<i64: 1, 256>}, {transform_indices = @transform_5, window_bounds = array<i64: 1000, 128>}, {transform_indices = @transform_6, window_bounds = array<i64: 1000, 128>}]} {
    %get3A = arith.constant 0 : index
    %get3A_0 = arith.constant 0 : index
    %get3A_1 = arith.constant 0 : index
    %get3A_2 = vector.load %arg1[%get3A, %get3A_0, %get3A_1] : memref<2x1000x128xf32, #tpu.memory_space<vmem>>, vector<1x1000x128xf32>
    %get3A_3 = vector.shape_cast %get3A_2 : vector<1x1000x128xf32> to vector<1000x128xf32>
    %get3A_4 = arith.constant 1 : index
    %get3A_5 = arith.constant 0 : index
    %get3A_6 = arith.constant 0 : index
    %get3A_7 = vector.load %arg1[%get3A_4, %get3A_5, %get3A_6] : memref<2x1000x128xf32, #tpu.memory_space<vmem>>, vector<1x1000x128xf32>
    %get3A_8 = vector.shape_cast %get3A_7 : vector<1x1000x128xf32> to vector<1000x128xf32>
    %add3A = arith.addf %get3A_3, %get3A_8 : vector<1000x128xf32>
    %get3A_9 = arith.constant 0 : index
    %get3A_10 = arith.constant 0 : index
    %get3A_11 = vector.load %arg2[%get3A_9, %get3A_10] : memref<1000x128xf32, #tpu.memory_space<vmem>>, vector<1000x128xf32>
    %add3A_12 = arith.addf %add3A, %get3A_11 : vector<1000x128xf32>
    %get3A_13 = arith.constant 0 : index
    %get3A_14 = arith.constant 0 : index
    %get3A_15 = vector.load %arg3[%get3A_13, %get3A_14] : memref<1000x1xf32, #tpu.memory_space<vmem>>, vector<1000x1xf32>
    %mul3A = vector.broadcast %get3A_15 : vector<1000x1xf32> to vector<1000x128xf32>
    %mul3A_16 = arith.mulf %add3A_12, %mul3A : vector<1000x128xf32>
    %get3A_17 = arith.constant 0 : index
    %get3A_18 = arith.constant 0 : index
    %get3A_19 = vector.load %arg4[%get3A_17, %get3A_18] : memref<128x256xf32, #tpu.memory_space<vmem>>, vector<128x256xf32>
    %dot_general3A = arith.constant dense<0.000000e+00> : vector<1000x256xf32>
    %dot_general3A_20 = tpu.matmul %mul3A_16, %get3A_19, %dot_general3A {dimension_numbers = #tpu.dot_dimension_numbers<[1], [0], [0], [1], [0, 0, 1, 1], [], []>, transpose_lhs_hint = false} : vector<1000x128xf32>, vector<128x256xf32>, vector<1000x256xf32> -> vector<1000x256xf32>
    %get3A_21 = arith.constant 0 : index
    %get3A_22 = arith.constant 0 : index
    %get3A_23 = vector.load %arg5[%get3A_21, %get3A_22] : memref<1x256xf32, #tpu.memory_space<vmem>>, vector<1x256xf32>
    %add3A_24 = vector.broadcast %get3A_23 : vector<1x256xf32> to vector<1000x256xf32>
    %add3A_25 = arith.addf %dot_general3A_20, %add3A_24 : vector<1000x256xf32>
    %max3A = arith.constant 0.000000e+00 : f32
    %max3A_26 = vector.broadcast %max3A : f32 to vector<1000x256xf32>
    %max3A_27 = arith.maximumf %add3A_25, %max3A_26 : vector<1000x256xf32>
    %get3A_28 = arith.constant 0 : index
    %get3A_29 = arith.constant 0 : index
    %get3A_30 = vector.load %arg3[%get3A_28, %get3A_29] : memref<1000x1xf32, #tpu.memory_space<vmem>>, vector<1000x1xf32>
    %mul3A_31 = vector.broadcast %get3A_30 : vector<1000x1xf32> to vector<1000x256xf32>
    %mul3A_32 = arith.mulf %max3A_27, %mul3A_31 : vector<1000x256xf32>
    %slice3A = vector.extract_strided_slice %mul3A_32 {offsets = [0, 0], sizes = [1000, 128], strides = [1, 1]} : vector<1000x256xf32> to vector<1000x128xf32>
    %swap3A = arith.constant 0 : index
    %swap3A_33 = arith.constant 0 : index
    %swap3A_34 = vector.load %arg6[%swap3A, %swap3A_33] : memref<1000x128xf32, #tpu.memory_space<vmem>>, vector<1000x128xf32>
    tpu.vector_store %arg6[%swap3A, %swap3A_33], %slice3A {strides = array<i32>} : memref<1000x128xf32, #tpu.memory_space<vmem>>, vector<1000x128xf32>,
    %slice3A_35 = vector.extract_strided_slice %mul3A_32 {offsets = [0, 128], sizes = [1000, 128], strides = [1, 1]} : vector<1000x256xf32> to vector<1000x128xf32>
    %swap3A_36 = arith.constant 0 : index
    %swap3A_37 = arith.constant 0 : index
    %swap3A_38 = vector.load %arg7[%swap3A_36, %swap3A_37] : memref<1000x128xf32, #tpu.memory_space<vmem>>, vector<1000x128xf32>
    tpu.vector_store %arg7[%swap3A_36, %swap3A_37], %slice3A_35 {strides = array<i32>} : memref<1000x128xf32, #tpu.memory_space<vmem>>, vector<1000x128xf32>,
    return
  }
  func.func @transform_0(%arg0: i32) -> (i32, i32, i32) {
    %c0_i32 = arith.constant 0 : i32
    %c0_i32_0 = arith.constant 0 : i32
    %c0_i32_1 = arith.constant 0 : i32
    return %c0_i32, %arg0, %c0_i32_0 : i32, i32, i32
  }
  func.func @transform_1(%arg0: i32) -> (i32, i32) {
    %c0_i32 = arith.constant 0 : i32
    %c0_i32_0 = arith.constant 0 : i32
    return %arg0, %c0_i32 : i32, i32
  }
  func.func @transform_2(%arg0: i32) -> (i32, i32) {
    %c0_i32 = arith.constant 0 : i32
    %c0_i32_0 = arith.constant 0 : i32
    return %arg0, %c0_i32 : i32, i32
  }
  func.func @transform_3(%arg0: i32) -> (i32, i32) {
    %c0_i32 = arith.constant 0 : i32
    %c0_i32_0 = arith.constant 0 : i32
    %c0_i32_1 = arith.constant 0 : i32
    return %c0_i32, %c0_i32_0 : i32, i32
  }
  func.func @transform_4(%arg0: i32) -> (i32, i32) {
    %c0_i32 = arith.constant 0 : i32
    %c0_i32_0 = arith.constant 0 : i32
    %c0_i32_1 = arith.constant 0 : i32
    return %c0_i32, %c0_i32_0 : i32, i32
  }
  func.func @transform_5(%arg0: i32) -> (i32, i32) {
    %c0_i32 = arith.constant 0 : i32
    %c0_i32_0 = arith.constant 0 : i32
    return %arg0, %c0_i32 : i32, i32
  }
  func.func @transform_6(%arg0: i32) -> (i32, i32) {
    %c0_i32 = arith.constant 0 : i32
    %c0_i32_0 = arith.constant 0 : i32
    return %arg0, %c0_i32 : i32, i32
  }
}

module attributes {stable_mosaic.version = 14 : i64} {
  func.func @_p_body(%arg0: i32, %arg1: memref<2x1000x16xf32, #tpu.memory_space<vmem>>, %arg2: memref<1000x128xf32, #tpu.memory_space<vmem>>, %arg3: memref<1000x1xf32, #tpu.memory_space<vmem>>, %arg4: memref<1000x128xf32, #tpu.memory_space<vmem>>) attributes {dimension_semantics = [#tpu.dimension_semantics<arbitrary>], iteration_bounds = array<i64: 10>, scalar_prefetch = 0 : i64, scratch_operands = 0 : i64, tpu.core_type = #tpu.core_type<tc>, window_params = [{transform_indices = @transform_0, window_bounds = array<i64: 2, 1000, 16>}, {transform_indices = @transform_1, window_bounds = array<i64: 1000, 128>}, {transform_indices = @transform_2, window_bounds = array<i64: 1000, 1>}, {transform_indices = @transform_3, window_bounds = array<i64: 1000, 128>}]} {
    %get3A = arith.constant 0 : index
    %get3A_0 = arith.constant 0 : index
    %get3A_1 = arith.constant 0 : index
    %get3A_2 = vector.load %arg1[%get3A, %get3A_0, %get3A_1] : memref<2x1000x16xf32, #tpu.memory_space<vmem>>, vector<1x1000x1xf32>
    %get3A_3 = vector.shape_cast %get3A_2 : vector<1x1000x1xf32> to vector<1000xf32>
    %get3A_4 = arith.constant 1 : index
    %get3A_5 = arith.constant 0 : index
    %get3A_6 = arith.constant 0 : index
    %get3A_7 = vector.load %arg1[%get3A_4, %get3A_5, %get3A_6] : memref<2x1000x16xf32, #tpu.memory_space<vmem>>, vector<1x1000x1xf32>
    %get3A_8 = vector.shape_cast %get3A_7 : vector<1x1000x1xf32> to vector<1000xf32>
    %add3A = arith.addf %get3A_3, %get3A_8 : vector<1000xf32>
    %add3A_9 = arith.constant 1.000000e+00 : f32
    %add3A_10 = vector.broadcast %add3A_9 : f32 to vector<1000xf32>
    %add3A_11 = arith.addf %add3A, %add3A_10 : vector<1000xf32>
    %rsqrt3A = math.rsqrt %add3A_11 : vector<1000xf32>
    %broadcast_in_dim3A = vector.shape_cast %rsqrt3A : vector<1000xf32> to vector<1000x1xf32>
    %swap3A = arith.constant 0 : index
    %swap3A_12 = arith.constant 0 : index
    %swap3A_13 = vector.load %arg3[%swap3A, %swap3A_12] : memref<1000x1xf32, #tpu.memory_space<vmem>>, vector<1000x1xf32>
    tpu.vector_store %arg3[%swap3A, %swap3A_12], %broadcast_in_dim3A {strides = array<i32>} : memref<1000x1xf32, #tpu.memory_space<vmem>>, vector<1000x1xf32>,
    %get3A_14 = arith.constant 0 : index
    %get3A_15 = arith.constant 0 : index
    %get3A_16 = vector.load %arg2[%get3A_14, %get3A_15] : memref<1000x128xf32, #tpu.memory_space<vmem>>, vector<1000x128xf32>
    %broadcast_in_dim3A_17 = vector.shape_cast %rsqrt3A : vector<1000xf32> to vector<1000x1xf32>
    %mul3A = vector.broadcast %broadcast_in_dim3A_17 : vector<1000x1xf32> to vector<1000x128xf32>
    %mul3A_18 = arith.mulf %get3A_16, %mul3A : vector<1000x128xf32>
    %swap3A_19 = arith.constant 0 : index
    %swap3A_20 = arith.constant 0 : index
    %swap3A_21 = vector.load %arg4[%swap3A_19, %swap3A_20] : memref<1000x128xf32, #tpu.memory_space<vmem>>, vector<1000x128xf32>
    tpu.vector_store %arg4[%swap3A_19, %swap3A_20], %mul3A_18 {strides = array<i32>} : memref<1000x128xf32, #tpu.memory_space<vmem>>, vector<1000x128xf32>,
    return
  }
  func.func @transform_0(%arg0: i32) -> (i32, i32, i32) {
    %c0_i32 = arith.constant 0 : i32
    %c0_i32_0 = arith.constant 0 : i32
    %c0_i32_1 = arith.constant 0 : i32
    return %c0_i32, %arg0, %c0_i32_0 : i32, i32, i32
  }
  func.func @transform_1(%arg0: i32) -> (i32, i32) {
    %c0_i32 = arith.constant 0 : i32
    %c0_i32_0 = arith.constant 0 : i32
    return %arg0, %c0_i32 : i32, i32
  }
  func.func @transform_2(%arg0: i32) -> (i32, i32) {
    %c0_i32 = arith.constant 0 : i32
    %c0_i32_0 = arith.constant 0 : i32
    return %arg0, %c0_i32 : i32, i32
  }
  func.func @transform_3(%arg0: i32) -> (i32, i32) {
    %c0_i32 = arith.constant 0 : i32
    %c0_i32_0 = arith.constant 0 : i32
    return %arg0, %c0_i32 : i32, i32
  }
}

module attributes {stable_mosaic.version = 14 : i64} {
  func.func @_l23_body(%arg0: i32, %arg1: memref<2x1000x256xf32, #tpu.memory_space<vmem>>, %arg2: memref<1000x128xf32, #tpu.memory_space<vmem>>, %arg3: memref<1000x128xf32, #tpu.memory_space<vmem>>, %arg4: memref<1000x1xf32, #tpu.memory_space<vmem>>, %arg5: memref<256x512xf32, #tpu.memory_space<vmem>>, %arg6: memref<1x512xf32, #tpu.memory_space<vmem>>, %arg7: memref<512x256xf32, #tpu.memory_space<vmem>>, %arg8: memref<1000x128xf32, #tpu.memory_space<vmem>>, %arg9: memref<1000x128xf32, #tpu.memory_space<vmem>>) attributes {dimension_semantics = [#tpu.dimension_semantics<arbitrary>], iteration_bounds = array<i64: 10>, scalar_prefetch = 0 : i64, scratch_operands = 0 : i64, tpu.core_type = #tpu.core_type<tc>, window_params = [{transform_indices = @transform_0, window_bounds = array<i64: 2, 1000, 256>}, {transform_indices = @transform_1, window_bounds = array<i64: 1000, 128>}, {transform_indices = @transform_2, window_bounds = array<i64: 1000, 128>}, {transform_indices = @transform_3, window_bounds = array<i64: 1000, 1>}, {pipeline_mode = #tpu.pipeline_mode<synchronous>, transform_indices = @transform_4, window_bounds = array<i64: 256, 512>}, {pipeline_mode = #tpu.pipeline_mode<synchronous>, transform_indices = @transform_5, window_bounds = array<i64: 1, 512>}, {pipeline_mode = #tpu.pipeline_mode<synchronous>, transform_indices = @transform_6, window_bounds = array<i64: 512, 256>}, {transform_indices = @transform_7, window_bounds = array<i64: 1000, 128>}, {transform_indices = @transform_8, window_bounds = array<i64: 1000, 128>}]} {
    %get3A = arith.constant 0 : index
    %get3A_0 = arith.constant 0 : index
    %get3A_1 = vector.load %arg2[%get3A, %get3A_0] : memref<1000x128xf32, #tpu.memory_space<vmem>>, vector<1000x128xf32>
    %get3A_2 = arith.constant 0 : index
    %get3A_3 = arith.constant 0 : index
    %get3A_4 = vector.load %arg3[%get3A_2, %get3A_3] : memref<1000x128xf32, #tpu.memory_space<vmem>>, vector<1000x128xf32>
    %concatenate3A = tpu.concatenate %get3A_1, %get3A_4 in 1 : vector<1000x128xf32>, vector<1000x128xf32> -> vector<1000x256xf32>
    %get3A_5 = arith.constant 0 : index
    %get3A_6 = arith.constant 0 : index
    %get3A_7 = arith.constant 0 : index
    %get3A_8 = vector.load %arg1[%get3A_5, %get3A_6, %get3A_7] : memref<2x1000x256xf32, #tpu.memory_space<vmem>>, vector<1x1000x256xf32>
    %get3A_9 = vector.shape_cast %get3A_8 : vector<1x1000x256xf32> to vector<1000x256xf32>
    %get3A_10 = arith.constant 1 : index
    %get3A_11 = arith.constant 0 : index
    %get3A_12 = arith.constant 0 : index
    %get3A_13 = vector.load %arg1[%get3A_10, %get3A_11, %get3A_12] : memref<2x1000x256xf32, #tpu.memory_space<vmem>>, vector<1x1000x256xf32>
    %get3A_14 = vector.shape_cast %get3A_13 : vector<1x1000x256xf32> to vector<1000x256xf32>
    %add3A = arith.addf %get3A_9, %get3A_14 : vector<1000x256xf32>
    %add3A_15 = arith.addf %add3A, %concatenate3A : vector<1000x256xf32>
    %get3A_16 = arith.constant 0 : index
    %get3A_17 = arith.constant 0 : index
    %get3A_18 = vector.load %arg4[%get3A_16, %get3A_17] : memref<1000x1xf32, #tpu.memory_space<vmem>>, vector<1000x1xf32>
    %mul3A = vector.broadcast %get3A_18 : vector<1000x1xf32> to vector<1000x256xf32>
    %mul3A_19 = arith.mulf %add3A_15, %mul3A : vector<1000x256xf32>
    %get3A_20 = arith.constant 0 : index
    %get3A_21 = arith.constant 0 : index
    %get3A_22 = vector.load %arg5[%get3A_20, %get3A_21] : memref<256x512xf32, #tpu.memory_space<vmem>>, vector<256x512xf32>
    %dot_general3A = arith.constant dense<0.000000e+00> : vector<1000x512xf32>
    %dot_general3A_23 = tpu.matmul %mul3A_19, %get3A_22, %dot_general3A {dimension_numbers = #tpu.dot_dimension_numbers<[1], [0], [0], [1], [0, 0, 1, 1], [], []>, transpose_lhs_hint = false} : vector<1000x256xf32>, vector<256x512xf32>, vector<1000x512xf32> -> vector<1000x512xf32>
    %get3A_24 = arith.constant 0 : index
    %get3A_25 = arith.constant 0 : index
    %get3A_26 = vector.load %arg6[%get3A_24, %get3A_25] : memref<1x512xf32, #tpu.memory_space<vmem>>, vector<1x512xf32>
    %add3A_27 = vector.broadcast %get3A_26 : vector<1x512xf32> to vector<1000x512xf32>
    %add3A_28 = arith.addf %dot_general3A_23, %add3A_27 : vector<1000x512xf32>
    %max3A = arith.constant 0.000000e+00 : f32
    %max3A_29 = vector.broadcast %max3A : f32 to vector<1000x512xf32>
    %max3A_30 = arith.maximumf %add3A_28, %max3A_29 : vector<1000x512xf32>
    %get3A_31 = arith.constant 0 : index
    %get3A_32 = arith.constant 0 : index
    %get3A_33 = vector.load %arg7[%get3A_31, %get3A_32] : memref<512x256xf32, #tpu.memory_space<vmem>>, vector<512x256xf32>
    %dot_general3A_34 = arith.constant dense<0.000000e+00> : vector<1000x256xf32>
    %dot_general3A_35 = tpu.matmul %max3A_30, %get3A_33, %dot_general3A_34 {dimension_numbers = #tpu.dot_dimension_numbers<[1], [0], [0], [1], [0, 0, 1, 1], [], []>, transpose_lhs_hint = false} : vector<1000x512xf32>, vector<512x256xf32>, vector<1000x256xf32> -> vector<1000x256xf32>
    %get3A_36 = arith.constant 0 : index
    %get3A_37 = arith.constant 0 : index
    %get3A_38 = vector.load %arg4[%get3A_36, %get3A_37] : memref<1000x1xf32, #tpu.memory_space<vmem>>, vector<1000x1xf32>
    %mul3A_39 = vector.broadcast %get3A_38 : vector<1000x1xf32> to vector<1000x256xf32>
    %mul3A_40 = arith.mulf %dot_general3A_35, %mul3A_39 : vector<1000x256xf32>
    %slice3A = vector.extract_strided_slice %mul3A_40 {offsets = [0, 0], sizes = [1000, 128], strides = [1, 1]} : vector<1000x256xf32> to vector<1000x128xf32>
    %swap3A = arith.constant 0 : index
    %swap3A_41 = arith.constant 0 : index
    %swap3A_42 = vector.load %arg8[%swap3A, %swap3A_41] : memref<1000x128xf32, #tpu.memory_space<vmem>>, vector<1000x128xf32>
    tpu.vector_store %arg8[%swap3A, %swap3A_41], %slice3A {strides = array<i32>} : memref<1000x128xf32, #tpu.memory_space<vmem>>, vector<1000x128xf32>,
    %slice3A_43 = vector.extract_strided_slice %mul3A_40 {offsets = [0, 128], sizes = [1000, 128], strides = [1, 1]} : vector<1000x256xf32> to vector<1000x128xf32>
    %swap3A_44 = arith.constant 0 : index
    %swap3A_45 = arith.constant 0 : index
    %swap3A_46 = vector.load %arg9[%swap3A_44, %swap3A_45] : memref<1000x128xf32, #tpu.memory_space<vmem>>, vector<1000x128xf32>
    tpu.vector_store %arg9[%swap3A_44, %swap3A_45], %slice3A_43 {strides = array<i32>} : memref<1000x128xf32, #tpu.memory_space<vmem>>, vector<1000x128xf32>,
    return
  }
  func.func @transform_0(%arg0: i32) -> (i32, i32, i32) {
    %c0_i32 = arith.constant 0 : i32
    %c0_i32_0 = arith.constant 0 : i32
    %c0_i32_1 = arith.constant 0 : i32
    return %c0_i32, %arg0, %c0_i32_0 : i32, i32, i32
  }
  func.func @transform_1(%arg0: i32) -> (i32, i32) {
    %c0_i32 = arith.constant 0 : i32
    %c0_i32_0 = arith.constant 0 : i32
    return %arg0, %c0_i32 : i32, i32
  }
  func.func @transform_2(%arg0: i32) -> (i32, i32) {
    %c0_i32 = arith.constant 0 : i32
    %c0_i32_0 = arith.constant 0 : i32
    return %arg0, %c0_i32 : i32, i32
  }
  func.func @transform_3(%arg0: i32) -> (i32, i32) {
    %c0_i32 = arith.constant 0 : i32
    %c0_i32_0 = arith.constant 0 : i32
    return %arg0, %c0_i32 : i32, i32
  }
  func.func @transform_4(%arg0: i32) -> (i32, i32) {
    %c0_i32 = arith.constant 0 : i32
    %c0_i32_0 = arith.constant 0 : i32
    %c0_i32_1 = arith.constant 0 : i32
    return %c0_i32, %c0_i32_0 : i32, i32
  }
  func.func @transform_5(%arg0: i32) -> (i32, i32) {
    %c0_i32 = arith.constant 0 : i32
    %c0_i32_0 = arith.constant 0 : i32
    %c0_i32_1 = arith.constant 0 : i32
    return %c0_i32, %c0_i32_0 : i32, i32
  }
  func.func @transform_6(%arg0: i32) -> (i32, i32) {
    %c0_i32 = arith.constant 0 : i32
    %c0_i32_0 = arith.constant 0 : i32
    %c0_i32_1 = arith.constant 0 : i32
    return %c0_i32, %c0_i32_0 : i32, i32
  }
  func.func @transform_7(%arg0: i32) -> (i32, i32) {
    %c0_i32 = arith.constant 0 : i32
    %c0_i32_0 = arith.constant 0 : i32
    return %arg0, %c0_i32 : i32, i32
  }
  func.func @transform_8(%arg0: i32) -> (i32, i32) {
    %c0_i32 = arith.constant 0 : i32
    %c0_i32_0 = arith.constant 0 : i32
    return %arg0, %c0_i32 : i32, i32
  }
}

module attributes {stable_mosaic.version = 14 : i64} {
  func.func @_l45_body(%arg0: i32, %arg1: memref<2x1000x256xf32, #tpu.memory_space<vmem>>, %arg2: memref<1000x128xf32, #tpu.memory_space<vmem>>, %arg3: memref<1000x128xf32, #tpu.memory_space<vmem>>, %arg4: memref<1000x1xf32, #tpu.memory_space<vmem>>, %arg5: memref<1x256xf32, #tpu.memory_space<vmem>>, %arg6: memref<256x1024xf32, #tpu.memory_space<vmem>>, %arg7: memref<1x1024xf32, #tpu.memory_space<vmem>>, %arg8: memref<1024x1xf32, #tpu.memory_space<vmem>>, %arg9: memref<1x1xf32, #tpu.memory_space<vmem>>, %arg10: memref<1000x1xf32, #tpu.memory_space<vmem>>) attributes {dimension_semantics = [#tpu.dimension_semantics<arbitrary>], iteration_bounds = array<i64: 10>, scalar_prefetch = 0 : i64, scratch_operands = 0 : i64, tpu.core_type = #tpu.core_type<tc>, window_params = [{transform_indices = @transform_0, window_bounds = array<i64: 2, 1000, 256>}, {transform_indices = @transform_1, window_bounds = array<i64: 1000, 128>}, {transform_indices = @transform_2, window_bounds = array<i64: 1000, 128>}, {transform_indices = @transform_3, window_bounds = array<i64: 1000, 1>}, {pipeline_mode = #tpu.pipeline_mode<synchronous>, transform_indices = @transform_4, window_bounds = array<i64: 1, 256>}, {pipeline_mode = #tpu.pipeline_mode<synchronous>, transform_indices = @transform_5, window_bounds = array<i64: 256, 1024>}, {pipeline_mode = #tpu.pipeline_mode<synchronous>, transform_indices = @transform_6, window_bounds = array<i64: 1, 1024>}, {pipeline_mode = #tpu.pipeline_mode<synchronous>, transform_indices = @transform_7, window_bounds = array<i64: 1024, 1>}, {pipeline_mode = #tpu.pipeline_mode<synchronous>, transform_indices = @transform_8, window_bounds = array<i64: 1, 1>}, {transform_indices = @transform_9, window_bounds = array<i64: 1000, 1>}]} {
    %get3A = arith.constant 0 : index
    %get3A_0 = arith.constant 0 : index
    %get3A_1 = vector.load %arg2[%get3A, %get3A_0] : memref<1000x128xf32, #tpu.memory_space<vmem>>, vector<1000x128xf32>
    %get3A_2 = arith.constant 0 : index
    %get3A_3 = arith.constant 0 : index
    %get3A_4 = vector.load %arg3[%get3A_2, %get3A_3] : memref<1000x128xf32, #tpu.memory_space<vmem>>, vector<1000x128xf32>
    %concatenate3A = tpu.concatenate %get3A_1, %get3A_4 in 1 : vector<1000x128xf32>, vector<1000x128xf32> -> vector<1000x256xf32>
    %get3A_5 = arith.constant 0 : index
    %get3A_6 = arith.constant 0 : index
    %get3A_7 = arith.constant 0 : index
    %get3A_8 = vector.load %arg1[%get3A_5, %get3A_6, %get3A_7] : memref<2x1000x256xf32, #tpu.memory_space<vmem>>, vector<1x1000x256xf32>
    %get3A_9 = vector.shape_cast %get3A_8 : vector<1x1000x256xf32> to vector<1000x256xf32>
    %get3A_10 = arith.constant 1 : index
    %get3A_11 = arith.constant 0 : index
    %get3A_12 = arith.constant 0 : index
    %get3A_13 = vector.load %arg1[%get3A_10, %get3A_11, %get3A_12] : memref<2x1000x256xf32, #tpu.memory_space<vmem>>, vector<1x1000x256xf32>
    %get3A_14 = vector.shape_cast %get3A_13 : vector<1x1000x256xf32> to vector<1000x256xf32>
    %add3A = arith.addf %get3A_9, %get3A_14 : vector<1000x256xf32>
    %add3A_15 = arith.addf %add3A, %concatenate3A : vector<1000x256xf32>
    %get3A_16 = arith.constant 0 : index
    %get3A_17 = arith.constant 0 : index
    %get3A_18 = vector.load %arg4[%get3A_16, %get3A_17] : memref<1000x1xf32, #tpu.memory_space<vmem>>, vector<1000x1xf32>
    %mul3A = vector.broadcast %get3A_18 : vector<1000x1xf32> to vector<1000x256xf32>
    %mul3A_19 = arith.mulf %add3A_15, %mul3A : vector<1000x256xf32>
    %get3A_20 = arith.constant 0 : index
    %get3A_21 = arith.constant 0 : index
    %get3A_22 = vector.load %arg5[%get3A_20, %get3A_21] : memref<1x256xf32, #tpu.memory_space<vmem>>, vector<1x256xf32>
    %add3A_23 = vector.broadcast %get3A_22 : vector<1x256xf32> to vector<1000x256xf32>
    %add3A_24 = arith.addf %mul3A_19, %add3A_23 : vector<1000x256xf32>
    %max3A = arith.constant 0.000000e+00 : f32
    %max3A_25 = vector.broadcast %max3A : f32 to vector<1000x256xf32>
    %max3A_26 = arith.maximumf %add3A_24, %max3A_25 : vector<1000x256xf32>
    %get3A_27 = arith.constant 0 : index
    %get3A_28 = arith.constant 0 : index
    %get3A_29 = vector.load %arg6[%get3A_27, %get3A_28] : memref<256x1024xf32, #tpu.memory_space<vmem>>, vector<256x1024xf32>
    %dot_general3A = arith.constant dense<0.000000e+00> : vector<1000x1024xf32>
    %dot_general3A_30 = tpu.matmul %max3A_26, %get3A_29, %dot_general3A {dimension_numbers = #tpu.dot_dimension_numbers<[1], [0], [0], [1], [0, 0, 1, 1], [], []>, transpose_lhs_hint = false} : vector<1000x256xf32>, vector<256x1024xf32>, vector<1000x1024xf32> -> vector<1000x1024xf32>
    %get3A_31 = arith.constant 0 : index
    %get3A_32 = arith.constant 0 : index
    %get3A_33 = vector.load %arg7[%get3A_31, %get3A_32] : memref<1x1024xf32, #tpu.memory_space<vmem>>, vector<1x1024xf32>
    %add3A_34 = vector.broadcast %get3A_33 : vector<1x1024xf32> to vector<1000x1024xf32>
    %add3A_35 = arith.addf %dot_general3A_30, %add3A_34 : vector<1000x1024xf32>
    %max3A_36 = arith.constant 0.000000e+00 : f32
    %max3A_37 = vector.broadcast %max3A_36 : f32 to vector<1000x1024xf32>
    %max3A_38 = arith.maximumf %add3A_35, %max3A_37 : vector<1000x1024xf32>
    %get3A_39 = arith.constant 0 : index
    %get3A_40 = arith.constant 0 : index
    %get3A_41 = vector.load %arg8[%get3A_39, %get3A_40] : memref<1024x1xf32, #tpu.memory_space<vmem>>, vector<1024x1xf32>
    %dot_general3A_42 = arith.constant dense<0.000000e+00> : vector<1000x1xf32>
    %dot_general3A_43 = tpu.matmul %max3A_38, %get3A_41, %dot_general3A_42 {dimension_numbers = #tpu.dot_dimension_numbers<[1], [0], [0], [1], [0, 0, 1, 1], [], []>, transpose_lhs_hint = false} : vector<1000x1024xf32>, vector<1024x1xf32>, vector<1000x1xf32> -> vector<1000x1xf32>
    %get3A_44 = arith.constant 0 : index
    %get3A_45 = arith.constant 0 : index
    %get3A_46 = vector.load %arg9[%get3A_44, %get3A_45] : memref<1x1xf32, #tpu.memory_space<vmem>>, vector<1x1xf32>
    %add3A_47 = vector.broadcast %get3A_46 : vector<1x1xf32> to vector<1000x1xf32>
    %add3A_48 = arith.addf %dot_general3A_43, %add3A_47 : vector<1000x1xf32>
    %neg3A = arith.constant 0.000000e+00 : f32
    %neg3A_49 = vector.broadcast %neg3A : f32 to vector<1000x1xf32>
    %neg3A_50 = arith.subf %neg3A_49, %add3A_48 : vector<1000x1xf32>
    %exp3A = math.exp %neg3A_50 : vector<1000x1xf32>
    %add3A_51 = arith.constant 1.000000e+00 : f32
    %add3A_52 = vector.broadcast %add3A_51 : f32 to vector<1000x1xf32>
    %add3A_53 = arith.addf %add3A_52, %exp3A : vector<1000x1xf32>
    %div3A = arith.constant 1.000000e+00 : f32
    %div3A_54 = vector.broadcast %div3A : f32 to vector<1000x1xf32>
    %div3A_55 = arith.divf %div3A_54, %add3A_53 : vector<1000x1xf32>
    %swap3A = arith.constant 0 : index
    %swap3A_56 = arith.constant 0 : index
    %swap3A_57 = vector.load %arg10[%swap3A, %swap3A_56] : memref<1000x1xf32, #tpu.memory_space<vmem>>, vector<1000x1xf32>
    tpu.vector_store %arg10[%swap3A, %swap3A_56], %div3A_55 {strides = array<i32>} : memref<1000x1xf32, #tpu.memory_space<vmem>>, vector<1000x1xf32>,
    return
  }
  func.func @transform_0(%arg0: i32) -> (i32, i32, i32) {
    %c0_i32 = arith.constant 0 : i32
    %c0_i32_0 = arith.constant 0 : i32
    %c0_i32_1 = arith.constant 0 : i32
    return %c0_i32, %arg0, %c0_i32_0 : i32, i32, i32
  }
  func.func @transform_1(%arg0: i32) -> (i32, i32) {
    %c0_i32 = arith.constant 0 : i32
    %c0_i32_0 = arith.constant 0 : i32
    return %arg0, %c0_i32 : i32, i32
  }
  func.func @transform_2(%arg0: i32) -> (i32, i32) {
    %c0_i32 = arith.constant 0 : i32
    %c0_i32_0 = arith.constant 0 : i32
    return %arg0, %c0_i32 : i32, i32
  }
  func.func @transform_3(%arg0: i32) -> (i32, i32) {
    %c0_i32 = arith.constant 0 : i32
    %c0_i32_0 = arith.constant 0 : i32
    return %arg0, %c0_i32 : i32, i32
  }
  func.func @transform_4(%arg0: i32) -> (i32, i32) {
    %c0_i32 = arith.constant 0 : i32
    %c0_i32_0 = arith.constant 0 : i32
    %c0_i32_1 = arith.constant 0 : i32
    return %c0_i32, %c0_i32_0 : i32, i32
  }
  func.func @transform_5(%arg0: i32) -> (i32, i32) {
    %c0_i32 = arith.constant 0 : i32
    %c0_i32_0 = arith.constant 0 : i32
    %c0_i32_1 = arith.constant 0 : i32
    return %c0_i32, %c0_i32_0 : i32, i32
  }
  func.func @transform_6(%arg0: i32) -> (i32, i32) {
    %c0_i32 = arith.constant 0 : i32
    %c0_i32_0 = arith.constant 0 : i32
    %c0_i32_1 = arith.constant 0 : i32
    return %c0_i32, %c0_i32_0 : i32, i32
  }
  func.func @transform_7(%arg0: i32) -> (i32, i32) {
    %c0_i32 = arith.constant 0 : i32
    %c0_i32_0 = arith.constant 0 : i32
    %c0_i32_1 = arith.constant 0 : i32
    return %c0_i32, %c0_i32_0 : i32, i32
  }
  func.func @transform_8(%arg0: i32) -> (i32, i32) {
    %c0_i32 = arith.constant 0 : i32
    %c0_i32_0 = arith.constant 0 : i32
    %c0_i32_1 = arith.constant 0 : i32
    return %c0_i32, %c0_i32_0 : i32, i32
  }
  func.func @transform_9(%arg0: i32) -> (i32, i32) {
    %c0_i32 = arith.constant 0 : i32
    %c0_i32_0 = arith.constant 0 : i32
    return %arg0, %c0_i32 : i32, i32
  }
}

</mosaic_0001>

<sc_bundles>
// kernel: kernel.10.cloned.1.call-start
scs
__scs_entry_jumppad:
0x0: {  	(pc) =	sbr.rel $0x88, $3  }
0x1: {  	(tag) =	ssettag $0x0;
	lr =	simm.s32 $0x1  }
0x2: {  	[smem:$0x3F95] =	sst lr;
	_ =	strace $0xD0000000  }
0x3: {  	_ = 	snop  }
0x4: {  	_ = 	snop  }
0x5: {  	_ = 	snop  }
0x6: {  	_ = 	snop  }
0x7: {  	_ = 	snop  }
__scs_overlays_trampoline_lowered:
0x8: {  	[smem:$0x3FA4] =	sst s0  }
0x9: {  	[smem:$0x3FA5] =	sst s1  }
0xa: {  	[smem:$0x3FA6] =	sst s2  }
0xb: {  	[smem:$0x3FA7] =	sst s3  }
0xc: {  	[smem:$0x3FA8] =	sst s4  }
0xd: {  	[smem:$0x3FA9] =	sst s5  }
0xe: {  	[smem:$0x3FAA] =	sst s6  }
0xf: {  	[smem:$0x3FAB] =	sst s7  }
0x10: {  	[smem:$0x3FAC] =	sst s8  }
0x11: {  	[smem:$0x3FAD] =	sst s9;
	s0 =	simm.s32 @!p0 $0x0  }
0x12: {  	s1 =	sld [smem:$0x3F93];
	s0 =	simm.s32 @p0 $0x1  }
0x13: {  	[smem:$0x3FAE] =	sst s0;
	s0 =	simm.s32 @!p1 $0x0  }
0x14: {  	s2 =	sld [smem:$0x3F92];
	s0 =	simm.s32 @p1 $0x1  }
0x15: {  	[smem:$0x3FAF] =	sst s0;
	s0 =	simm.s32 @!p2 $0x0  }
0x16: {  	s3 =	sld [smem:$0x3FDB];
	s0 =	simm.s32 @p2 $0x1  }
0x17: {  	s4 =	simm.s32 $0x1BF5;
	[smem:$0x3FB1] =	sst s0  }
0x18: {  	s0 =	sld [smem:$0x3F94];
	_ =	swait.ge [sflag:s4], $0x0  }
0x19: {  	s7 =	sld [smem:$0x3F95]  }
0x1a: {  	s8 =	sadd.s32 $0xFFFFE003, lr  }
0x1b: {  	s9 =	sadd.s32 $0xFFFFFEF7, lr;
	s5 =	simm.s32 $0xFFFFFFFF;
	p2 =	slt.u32 s8, $0xFFFFF086  }
0x1c: {  	p1 =	slt.u32 s9, $0xF7A;
	s5 =	simm.s32 @!p2 $0x0  }
0x1d: {  	s5 =	simm.s32 @p1 $0x1;
	p0 =	seq.s32 s7, s2  }
0x1e: {  	s7 =	smul.u32 @!p0 $0xF7A, s2;
	p2 =	seq.s32 @!p0 s5, $0x0  }
0x1f: {  	s9 =	smul.u32 $0xF7A, s1;
	s8 =	simm.s32 @!p0 $0x1BF5;
	p2 =	por !p2, p0  }
0x20: {  	[sflag:s8] =	ssyncset.s32 @!p0 $0xFFFFF086;
	s6 =	sadd.s32 @!p0 s3, s7;
	s7 =	simm.s32 @!p0 $0x108  }
0x21: {  	s3 =	sadd.s32 s3, s9;
	s6 =	sadd.s32 @!p0 $0x88, s6;
	s7 =	simm.s32 @p2 $0x1082  }
0x22: {  	[simem:s7], [sflag:s8] =	dma.local @!p0 [hbm:s6], $0xF7A  }
0x23: {  	s9 =	sor.u32 $0xD0000000, s2;
	s6 =	simm.s32 $0x108;
	_ =	swait.ge @!p0 [sflag:s8], $0x0  }
0x24: {  	s3 =	sadd.s32 $0x88, s3;
	s6 =	simm.s32 @!p1 $0x1082;
	[sflag:s4] =	ssyncset.s32 $0xFFFFF086  }
0x25: {  	[simem:s6], [sflag:s4] =	dma.local [hbm:s3], $0xF7A  }
0x26: {  	[smem:$0x3F95] =	sst s1;
	(tag) =	ssettag s2;
	_ =	strace s9  }
0x27: {  	s1 =	sld [smem:$0x3FA5]  }
0x28: {  	s2 =	sld [smem:$0x3FA6]  }
0x29: {  	s4 =	sld [smem:$0x3FA8]  }
0x2a: {  	p0 =	seq.s32 s5, $0x0;
	s5 =	sld [smem:$0x3FA9]  }
0x2b: {  	s6 =	sld [smem:$0x3FAA]  }
0x2c: {  	s7 =	sld [smem:$0x3FAB]  }
0x2d: {  	s3 =	simm.s32 $0x108;
	s8 =	sld [smem:$0x3FAC]  }
0x2e: {  	s3 =	simm.s32 @!p0 $0x1082;
	s9 =	sld [smem:$0x3FAD]  }
0x2f: {  	lr =	sadd.s32 s0, s3;
	s0 =	sld [smem:$0x3FA4]  }
0x30: {  	s3 =	sld [smem:$0x3FA7]  }
0x31: {  	[smem:$0x3FB0] =	sst s10  }
0x32: {  	s10 =	sld [smem:$0x3FAE];
	_ =	sdelay $0x3  }
0x33: {  	p0 =	seq.s32 s10, $0x1;
	s10 =	sld [smem:$0x3FB0];
	_ =	sdelay $0x3  }
0x34: {  	[smem:$0x3FB0] =	sst s10  }
0x35: {  	s10 =	sld [smem:$0x3FAF];
	_ =	sdelay $0x3  }
0x36: {  	p1 =	seq.s32 s10, $0x1;
	s10 =	sld [smem:$0x3FB0];
	_ =	sdelay $0x3  }
0x37: {  	[smem:$0x3FB0] =	sst s10  }
0x38: {  	s10 =	sld [smem:$0x3FB1]  }
0x39: {  	_ = 	snop;
	(pc) =	sbr.ind lr, $3  }
0x3a: {  	_ = 	snop  }
0x3b: {  	_ = 	snop  }
0x3c: {  	p2 =	seq.s32 s10, $0x1;
	s10 =	sld [smem:$0x3FB0]  }
0x3d: {  	_ =	shalt  }
0x3e: {  	_ =	shalt  }
0x3f: {  	_ =	shalt  }
0x40: {  	_ =	shalt  }
0x41: {  	_ =	shalt  }
0x42: {  	_ =	shalt  }
0x43: {  	_ =	shalt  }
0x44: {  	_ =	shalt  }
0x45: {  	_ =	shalt  }
0x46: {  	_ =	shalt  }
0x47: {  	_ =	shalt  }
0x48: {  	_ =	shalt  }
0x49: {  	_ =	shalt  }
0x4a: {  	_ =	shalt  }
0x4b: {  	_ =	shalt  }
0x4c: {  	_ =	shalt  }
0x4d: {  	_ =	shalt  }
0x4e: {  	_ =	shalt  }
0x4f: {  	_ =	shalt  }
0x50: {  	_ =	shalt  }
0x51: {  	_ =	shalt  }
0x52: {  	_ =	shalt  }
0x53: {  	_ =	shalt  }
0x54: {  	_ =	shalt  }
0x55: {  	_ =	shalt  }
0x56: {  	_ =	shalt  }
0x57: {  	_ =	shalt  }
0x58: {  	_ =	shalt  }
0x59: {  	_ =	shalt  }
0x5a: {  	_ =	shalt  }
0x5b: {  	_ =	shalt  }
0x5c: {  	_ =	shalt  }
0x5d: {  	_ =	shalt  }
0x5e: {  	_ =	shalt  }
0x5f: {  	_ =	shalt  }
0x60: {  	_ =	shalt  }
0x61: {  	_ =	shalt  }
0x62: {  	_ =	shalt  }
0x63: {  	_ =	shalt  }
0x64: {  	_ =	shalt  }
0x65: {  	_ =	shalt  }
0x66: {  	_ =	shalt  }
0x67: {  	_ =	shalt  }
0x68: {  	_ =	shalt  }
0x69: {  	_ =	shalt  }
0x6a: {  	_ =	shalt  }
0x6b: {  	_ =	shalt  }
0x6c: {  	_ =	shalt  }
0x6d: {  	_ =	shalt  }
0x6e: {  	_ =	shalt  }
0x6f: {  	_ =	shalt  }
0x70: {  	_ =	shalt  }
0x71: {  	_ =	shalt  }
0x72: {  	_ =	shalt  }
0x73: {  	_ =	shalt  }
0x74: {  	_ =	shalt  }
0x75: {  	_ =	shalt  }
0x76: {  	_ =	shalt  }
0x77: {  	_ =	shalt  }
0x78: {  	_ =	shalt  }
0x79: {  	_ =	shalt  }
0x7a: {  	_ =	shalt  }
0x7b: {  	_ =	shalt  }
0x7c: {  	_ =	shalt  }
0x7d: {  	_ =	shalt  }
0x7e: {  	_ =	shalt  }
0x7f: {  	_ =	shalt  }
0x80: {  	_ =	shalt  }
0x81: {  	_ =	shalt  }
0x82: {  	_ =	shalt  }
0x83: {  	_ =	shalt  }
0x84: {  	_ =	shalt  }
0x85: {  	_ =	shalt  }
0x86: {  	_ =	shalt  }
0x87: {  	_ =	shalt  }
.Lfunc_end0:
.L_simem_size_0:
called_computation_lowered:
.L_overlay_start_0:
0x88: {  	s2 =	sld [smem:$0x3FD9]  }
0x89: {  	s3 =	sld [smem:$0x3FFE];
	_ =	sdelay $0x1  }
0x8a: {  	s1 =	srdreg.scid  }
0x8b: {  	s0 =	sand.u32 $0x1, s1  }
0x8c: {  	s16 =	sshll.u32 s0, $0xA;
	s2 =	sadd.s32 s3, s2  }
0x8d: {  	s2 =	sadd.s32 s2, s16  }
0x8e: {  	[smem:$0x3FBC] =	sst s2  }
0x8f: {  	_ = 	snop  }
0x90: {  	(tm) =	ssettm $0x1  }
0x91: {  	s17 =	sld [smem:$0x3FFB];
	_ =	sdelay $0x3  }
0x92: {  	_ =	strace s17  }
0x93: {  	s2 =	sld [smem:$0x3FFC];
	_ =	sdelay $0x3  }
0x94: {  	_ =	strace s2  }
0x95: {  	s2 =	sld [smem:$0x3FFD];
	_ =	sdelay $0x3  }
0x96: {  	_ =	strace s2  }
0x97: {  	_ =	strace $0x8FFFFFFF  }
0x98: {  	s18 =	sld [smem:$0x3FDB];
	_ =	sdelay $0x1  }
0x99: {  	s19 =	simm.s32 $_scs_section_size  }
0x9a: {  	s4 =	simm.s32 $_size__tile_overlayer_lowered;
	s5 =	simm.s32 $_tile_overlayer_lowered  }
0x9b: {  	s22 =	simm.s32 $0x1BFF;
	s21 =	sshll.u32 s5, $0x1;
	s2 =	sadd.s32 s19, s18  }
0x9c: {  	s6 =	simm.s32 $0x0;
	s20 =	sshll.u32 s4, $0x1;
	s4 =	sadd.s32 s21, s2  }
0x9d: {  	[timem:s6], [sflag:s22] =	dma.local [hbm:s4], s20  }
0x9e: {  	_ =	swait.ge [sflag:s22], s20  }
0x9f: {  	s3 =	ssub.s32 $0x0, s20;
	[sflag:s22] =	ssyncset.done $0x0  }
0xa0: {  	[sflag:s22] =	ssyncadd.s32 s3;
	_ =	sdelay $0x1  }
0xa1: {  	s23 =	simm.s32 $0x1B8B  }
0xa2: {  	_ =	swait.ge [sflag:s23], $0x1  }
0xa3: {  	[sflag:s23] =	ssyncset.done $0x0  }
0xa4: {  	s25 =	simm.s32 $0x1B8E;
	s24 =	sld [smem:$0x3FFE];
	[sflag:s23] =	ssyncadd.s32 $0xFFFFFFFF  }
0xa5: {  	s26 =	simm.s32 $execute0_lowered;
	[smem:$0x3FD2] =	sst s25  }
0xa6: {  	s4 =	sshll.u32 s26, $0x1;
	_ =	strace $0x80000046;
	[dreg:$0x1] =	wrdreg $0xFFFFFFFF  }
0xa7: {  	s28 =	simm.s32 $_size_execute0_lowered;
	s2 =	sadd.s32 s2, s4;
	[dreg:$0x0] =	wrdreg $0x0  }
0xa8: {  	s4 =	sshll.u32 s28, $0x1;
	[dreg:$0x2] =	wrdreg s2  }
0xa9: {  	[dreg:$0x3] =	wrdreg s4  }
0xaa: {  	[dreg:$0x4] =	wrdreg $0xC0  }
0xab: {  	_ =	task [dreg:s6], $0x5FFFF  }
0xac: {  	[dreg:$0x1] =	wrdreg $0xFFFFFFFF  }
0xad: {  	[dreg:$0x0] =	wrdreg $0x60  }
0xae: {  	[dreg:$0x2] =	wrdreg s24  }
0xaf: {  	[dreg:$0x3] =	wrdreg $0xA8000  }
0xb0: {  	[dreg:$0x4] =	wrdreg $0x9  }
0xb1: {  	_ =	task.clear_ibuf [dreg:s6], $0x5FFFF;
	_ =	strace $0x90000046  }
0xb2: {  	s29 =	simm.s32 $0x9;
	_ =	strace $0x80000048  }
0xb3: {  	_ =	swait.ge [sflag:s29], $0x1  }
0xb4: {  	[sflag:s29] =	ssyncadd.s32 $0xFFFFFFFF  }
0xb5: {  	_ =	strace $0x90000048  }
0xb6: {  	_ =	sfence  }
0xb7: {  	s30 =	sld [smem:$0x0];
	_ =	sdelay $0x2  }
0xb8: {  	s31 =	sshll.u32 s1, $0xD;
	s1 =	sshrl.u32 s1, $0x2  }
0xb9: {  	s3 =	sand.u32 $0x4000, s31;
	s1 =	sadd.s32 s1, s30  }
0xba: {  	s0 =	sor.u32 s3, s0;
	s1 =	sshll.u32 s1, $0x11  }
0xbb: {  	s0 =	sor.u32 s1, s0  }
0xbc: {  	s0 =	sadd.s32 $0x8F2B, s0  }
0xbd: {  	[sflag:s0] =	ssyncadd.remote.s32 $0x1  }
0xbe: {  	_ =	sfence.sel $0xFFFF  }
0xbf: {  	[dreg:$0x0] =	wrdreg $0xFFFFFFFF;
	(pc) =	sbr.abs _section_cstart, $3  }
0xc0: {  	[dreg:$0x1] =	wrdreg $0xFFFFFFFF  }
0xc1: {  	_ =	task.clear_ibuf [dreg:s6], $0x2FFFF;
	_ =	strace $0x9FFFFFFF  }
0xc2: {  	(tm) =	ssettm $0x7FFFFFFF  }
0xc3: {  	_ =	shalt  }
tec
execute0_lowered:
.L_overlay_start_1:
0x0: {  	(tag) =	ssettag $0x1  }
0x1: {  	s4 =	rddreg [dreg:$0x0]  }
0x2: {  	s2 =	rddreg [dreg:$0x1]  }
0x3: {  	s1 =	srdreg.scid;
	s0 =	rddreg [dreg:$0x2]  }
0x4: {  	s3 =	simm.s32 $0x0;
	s12 =	simm.s32 $0x5;
	s13 =	simm.s32 $0x6800  }
0x5: {  	s14 =	simm.s32 $0x7D;
	s15 =	simm.s32 $0x2800;
	s16 =	simm.s32 $0x1  }
0x6: {  	s17 =	simm.s32 $0x2;
	s18 =	simm.s32 $0x3;
	s5 =	sand.u32 $0x1, s1  }
0x7: {  	s19 =	simm.s32 $0x4;
	s1 =	stileid.u32;
	s7 =	smul.u32 $0x140000, s5  }
0x8: {  	s22 =	simm.s32 $0x0;
	[smem:$0x7FF] =	sst s3;
	s8 =	smul.u32 $0x14000, s1  }
0x9: {  	s6 =	sshll.u32 s5, $0x4;
	_ =	strace $0x80000047;
	s30 =	smul.u32 $0x50000, s1  }
0xa: {  	s5 =	ssub.s32 $0x2, s5;
	s20 =	sshll.u32 s1, $0x6;
	s6 =	sor.u32 s1, s6  }
0xb: {  	s31 =	sshrl.u32 s5, $0x1;
	s20 =	sor.u32 $0x1C05, s20;
	s6 =	smul.u32 $0x500, s6  }
0xc: {  	s7 =	sadd.s32 s8, s7;
	s8 =	sshrl.u32 s30, $0x2;
	s9 =	ssub.s32 s5, s31  }
0xd: {  	s7 =	sshrl.u32 s7, $0x3;
	s5 =	sadd.s32 s8, s2;
	s6 =	sadd.s32 s6, s4  }
0xe: {  	s7 =	sadd.s32 s7, s4;
	s8 =	sadd.s32 $0x4000, s5;
	s10 =	sadd.s32 $0xC000, s5  }
0xf: {  	s11 =	sadd.s32 $0x10000, s5;
	s21 =	sshrl.u32 s5, $0x3;
	s4 =	sadd.s32 $0x4600, s6  }
0x10: {  	v0 =	vimm.f32 $1.000000000e+00;
	v1 =	vimm.f32 $0.0e+00;
	s6 =	sadd.s32 $0xE600, s7;
	s7 =	smax.u32 s9, $0x1;
	s9 =	sadd.s32 $0x8000, s5  }
.LBB2_1:
0x11: {  	[tilespmem:s3], [sflag:$0x5] =	stream.linear.gather [hbm4b:s4+s3], $0x2800, $0x38;
	[tilespmem:$0xD000] =	vst v63  }
0x12: {  	_ =	swait.ge [sflag:s12], $0x2800  }
0x13: {  	[sflag:s12] =	ssyncset.done $0x0  }
0x14: {  	s23 =	simm.s32 $0x0;
	[sflag:s12] =	ssyncadd.s32 $0xFFFFD800  }
.LBB2_2:
0x15: {  	p0 =	sne.s32 s23, $0xF800  }
.Ltmp0:
0x16: {  	_ = 	snop;
	(pc) =	sbr.rel @p0 .LBB2_2-.Ltmp0, $3  }
0x17: {  	_ =	sdelay $0x1  }
0x18: {  	s24 =	sshra.s32 s23, $0x2  }
0x19: {  	s23 =	sadd.s32 $0x200, s23;
	[tilespmem:s24+$0x2800] =	vst v0  }
0x1a: {  	s23 =	simm.s32 $0x200;
	s24 =	simm.s32 $0x0  }
.LBB2_4:
0x1b: {  	p0 =	sne.s32 s23, $0xFE00;
	[tilespmem:s24+$0x6800] =	vst v1;
	s24 =	smov.u32 s23;
	s23 =	sadd.s32 $0x200, s23  }
.Ltmp1:
0x1c: {  	(pc) =	sbr.rel @p0 .LBB2_4-.Ltmp1, $2  }
0x1d: {  	_ =	sdelay $0x2  }
0x1e: {  	s24 =	sshra.s32 s24, $0x2  }
0x1f: {  	[tilespmem:s24+$0x6800] =	vst v1  }
0x20: {  	[spmem:s5] =	stream.linear.scatter [tilespmem:s13], [sflag:$0x5], $0x4000, $0x38;
	[tilespmem:$0xD000] =	vst v63  }
0x21: {  	_ =	swait.ge [sflag:s12], $0x4000  }
0x22: {  	[sflag:s12] =	ssyncset.done $0x0  }
0x23: {  	[sflag:s12] =	ssyncadd.s32 $0xFFFFC000  }
0x24: {  	[spmem:s8] =	stream.linear.scatter [tilespmem:s13], [sflag:$0x5], $0x4000, $0x38;
	[tilespmem:$0xD000] =	vst v63  }
0x25: {  	_ =	swait.ge [sflag:s12], $0x4000  }
0x26: {  	[sflag:s12] =	ssyncset.done $0x0  }
0x27: {  	[sflag:s12] =	ssyncadd.s32 $0xFFFFC000  }
0x28: {  	[spmem:s9] =	stream.linear.scatter [tilespmem:s13], [sflag:$0x5], $0x4000, $0x38;
	[tilespmem:$0xD000] =	vst v63  }
0x29: {  	_ =	swait.ge [sflag:s12], $0x4000  }
0x2a: {  	[sflag:s12] =	ssyncset.done $0x0  }
0x2b: {  	[sflag:s12] =	ssyncadd.s32 $0xFFFFC000  }
0x2c: {  	[spmem:s10] =	stream.linear.scatter [tilespmem:s13], [sflag:$0x5], $0x4000, $0x38;
	[tilespmem:$0xD000] =	vst v63  }
0x2d: {  	_ =	swait.ge [sflag:s12], $0x4000  }
0x2e: {  	[sflag:s12] =	ssyncset.done $0x0  }
0x2f: {  	[sflag:s12] =	ssyncadd.s32 $0xFFFFC000  }
0x30: {  	[spmem:s11] =	stream.linear.scatter [tilespmem:s13], [sflag:$0x5], $0x4000, $0x38;
	[tilespmem:$0xD000] =	vst v63  }
0x31: {  	_ =	swait.ge [sflag:s12], $0x4000  }
0x32: {  	[sflag:s12] =	ssyncset.done $0x0  }
0x33: {  	[sflag:s12] =	ssyncadd.s32 $0xFFFFC000  }
0x34: {  	s23 =	simm.s32 $0x0;
	[bflag:$0x0] =	sbarrier.arrive $0xFFFF  }
0x35: {  	[spmem:s2] =	stream.indirect.scatter.add.f32 [tilespmem:s15], [sflag:$0x1], $0x10, s23, s14, $0xb8;
	[tilespmem:$0xD000] =	vst v63  }
0x36: {  	s29 =	simm.s32 $0x80  }
0x37: {  	[spmem:s2] =	stream.indirect.scatter.add.f32 [tilespmem:s15], [sflag:$0x2], $0x10, s29, s14, $0xb8;
	[tilespmem:$0xD000] =	vst v63  }
0x38: {  	s30 =	simm.s32 $0x100  }
0x39: {  	[spmem:s2] =	stream.indirect.scatter.add.f32 [tilespmem:s15], [sflag:$0x3], $0x10, s30, s14, $0xb8;
	[tilespmem:$0xD000] =	vst v63  }
0x3a: {  	s31 =	simm.s32 $0x180  }
0x3b: {  	[spmem:s2] =	stream.indirect.scatter.add.f32 [tilespmem:s15], [sflag:$0x4], $0x10, s31, s14, $0xb8;
	[tilespmem:$0xD000] =	vst v63  }
0x3c: {  	_ =	swait.ge [sflag:s16], $0x7D0  }
0x3d: {  	[sflag:s16] =	ssyncset.done $0x0  }
0x3e: {  	[sflag:s16] =	ssyncadd.s32 $0xFFFFF830  }
0x3f: {  	_ =	swait.ge [sflag:s17], $0x7D0  }
0x40: {  	[sflag:s17] =	ssyncset.done $0x0  }
0x41: {  	[sflag:s17] =	ssyncadd.s32 $0xFFFFF830  }
0x42: {  	_ =	swait.ge [sflag:s18], $0x7D0  }
0x43: {  	[sflag:s18] =	ssyncset.done $0x0  }
0x44: {  	[sflag:s18] =	ssyncadd.s32 $0xFFFFF830  }
0x45: {  	_ =	swait.ge [sflag:s19], $0x7D0  }
0x46: {  	s24 =	simm.s32 $0x1000;
	s23 =	simm.s32 $0x800;
	[sflag:s19] =	ssyncset.done $0x0  }
.LBB2_6:
0x47: {  	s25 =	sshra.s32 s23, $0x2  }
0x48: {  	[sflag:s19] =	ssyncadd.s32 $0xFFFFF830;
	s23 =	smov.u32 s24;
	s26 =	sadd.s32 $0x800, s24  }
0x49: {  	[spmem:s2] =	stream.indirect.scatter.add.f32 [tilespmem:s15], [sflag:$0x1], $0x10, s25, s14, $0xb8;
	[tilespmem:$0xD000] =	vst v63  }
0x4a: {  	p0 =	sne.s32 s24, $0x9800;
	s24 =	sadd.s32 $0x80, s25  }
0x4b: {  	[spmem:s2] =	stream.indirect.scatter.add.f32 [tilespmem:s15], [sflag:$0x2], $0x10, s24, s14, $0xb8;
	[tilespmem:$0xD000] =	vst v63  }
0x4c: {  	s24 =	sadd.s32 $0x100, s25  }
0x4d: {  	[spmem:s2] =	stream.indirect.scatter.add.f32 [tilespmem:s15], [sflag:$0x3], $0x10, s24, s14, $0xb8;
	[tilespmem:$0xD000] =	vst v63  }
0x4e: {  	s24 =	sadd.s32 $0x180, s25  }
0x4f: {  	[spmem:s2] =	stream.indirect.scatter.add.f32 [tilespmem:s15], [sflag:$0x4], $0x10, s24, s14, $0xb8;
	[tilespmem:$0xD000] =	vst v63  }
0x50: {  	_ =	swait.ge [sflag:s16], $0x7D0  }
0x51: {  	[sflag:s16] =	ssyncset.done $0x0  }
0x52: {  	[sflag:s16] =	ssyncadd.s32 $0xFFFFF830  }
0x53: {  	_ =	swait.ge [sflag:s17], $0x7D0  }
0x54: {  	[sflag:s17] =	ssyncset.done $0x0  }
0x55: {  	[sflag:s17] =	ssyncadd.s32 $0xFFFFF830  }
.Ltmp2:
0x56: {  	_ =	swait.ge [sflag:s18], $0x7D0;
	(pc) =	sbr.rel @p0 .LBB2_6-.Ltmp2, $4  }
0x57: {  	[sflag:s18] =	ssyncset.done $0x0  }
0x58: {  	[sflag:s18] =	ssyncadd.s32 $0xFFFFF830  }
0x59: {  	_ =	swait.ge [sflag:s19], $0x7D0  }
0x5a: {  	s24 =	smov.u32 s26;
	[sflag:s19] =	ssyncset.done $0x0  }
0x5b: {  	s23 =	sshra.s32 s23, $0x2;
	[sflag:s19] =	ssyncadd.s32 $0xFFFFF830  }
0x5c: {  	[spmem:s2] =	stream.indirect.scatter.add.f32 [tilespmem:s15], [sflag:$0x1], $0x10, s23, s14, $0xb8;
	[tilespmem:$0xD000] =	vst v63  }
0x5d: {  	s24 =	sadd.s32 $0x80, s23  }
0x5e: {  	[spmem:s2] =	stream.indirect.scatter.add.f32 [tilespmem:s15], [sflag:$0x2], $0x10, s24, s14, $0xb8;
	[tilespmem:$0xD000] =	vst v63  }
0x5f: {  	s31 =	sadd.s32 $0x100, s23  }
0x60: {  	[spmem:s2] =	stream.indirect.scatter.add.f32 [tilespmem:s15], [sflag:$0x3], $0x10, s31, s14, $0xb8;
	[tilespmem:$0xD000] =	vst v63  }
0x61: {  	s23 =	sadd.s32 $0x180, s23  }
0x62: {  	[spmem:s2] =	stream.indirect.scatter.add.f32 [tilespmem:s15], [sflag:$0x4], $0x10, s23, s14, $0xb8;
	[tilespmem:$0xD000] =	vst v63  }
0x63: {  	_ =	swait.ge [sflag:s16], $0x7D0  }
0x64: {  	[sflag:s16] =	ssyncset.done $0x0  }
0x65: {  	[sflag:s16] =	ssyncadd.s32 $0xFFFFF830  }
0x66: {  	_ =	swait.ge [sflag:s17], $0x7D0  }
0x67: {  	[sflag:s17] =	ssyncset.done $0x0  }
0x68: {  	[sflag:s17] =	ssyncadd.s32 $0xFFFFF830  }
0x69: {  	_ =	swait.ge [sflag:s18], $0x7D0  }
0x6a: {  	[sflag:s18] =	ssyncset.done $0x0  }
0x6b: {  	[sflag:s18] =	ssyncadd.s32 $0xFFFFF830  }
0x6c: {  	_ =	swait.ge [sflag:s19], $0x7D0  }
0x6d: {  	s22 =	sadd.s32 $0x1, s22;
	[sflag:s19] =	ssyncset.done $0x0  }
0x6e: {  	p0 =	sne.s32 s22, s7;
	[sflag:s19] =	ssyncadd.s32 $0xFFFFF830  }
.Ltmp3:
0x6f: {  	[bflag:$0x0] =	sbarrier.arrive $0xFFFF;
	(pc) =	sbr.rel @p0 .LBB2_1-.Ltmp3, $4  }
0x70: {  	[hbm:s6], [sflag:s20] =	dma.local [spmem:s21], $0x2800  }
0x71: {  	_ =	swait.ge [sflag:s12], $0x2800  }
0x72: {  	[sflag:s12] =	ssyncset.done $0x0  }
0x73: {  	[sflag:s12] =	ssyncadd.s32 $0xFFFFD800  }
0x74: {  	_ =	sfence.sel $0x180000  }
0x75: {  	[bflag:$0x0] =	sbarrier.arrive $0xFFFF  }
0x76: {  	p0 =	sne.s32 s1, $0x0;
	_ =	strace $0x90000047  }
0x77: {  	s0 =	sadd.s32 @!p0 $0x100000, s0;
	[bflag:$0x2] =	sbarrier.arrive $0xFFFF  }
0x78: {  	[sflag:s0] =	ssyncadd.tile.s32 @!p0 $0x1;
	_ =	shalt  }
.Lfunc_end2:
_tile_overlayer_lowered:
.L_overlay_start_2:
0x79: {  	(tag) =	ssettag $0x2  }
0x7a: {  	s0 =	rddreg [dreg:$0x0];
	s2 =	stileid.u32  }
0x7b: {  	s1 =	rddreg [dreg:$0x1];
	p0 =	sne.s32 s2, $0x0  }
0x7c: {  	s3 =	rddreg [dreg:$0x2];
	[bflag:$0x3] =	sbarrier.arrive $0xFFFF;
	s2 =	simm.s32 @!p0 $0x1C05  }
0x7d: {  	[timem:s3], [sflag:s2] =	dma.local @!p0 [hbm:s0], s1  }
0x7e: {  	s0 =	simm.s32 @!p0 $0x5  }
0x7f: {  	_ =	swait.ge @!p0 [sflag:s0], s1  }
0x80: {  	s1 =	ssub.s32 @!p0 $0x0, s1;
	[sflag:s0] =	ssyncset.done @!p0 $0x0  }
0x81: {  	[sflag:s0] =	ssyncadd.s32 @!p0 s1  }
0x82: {  	[bflag:$0x3] =	sbarrier.arrive $0xFFFF  }
0x83: {  	_ =	shalt  }

// kernel: kernel.13.cloned.1.call-start
scs
__scs_entry_jumppad:
0x0: {  	(pc) =	sbr.rel $0x88, $3  }
0x1: {  	(tag) =	ssettag $0x0;
	lr =	simm.s32 $0x1  }
0x2: {  	[smem:$0x3F95] =	sst lr;
	_ =	strace $0xD0000000  }
0x3: {  	_ = 	snop  }
0x4: {  	_ = 	snop  }
0x5: {  	_ = 	snop  }
0x6: {  	_ = 	snop  }
0x7: {  	_ = 	snop  }
__scs_overlays_trampoline_lowered:
0x8: {  	[smem:$0x3FA4] =	sst s0  }
0x9: {  	[smem:$0x3FA5] =	sst s1  }
0xa: {  	[smem:$0x3FA6] =	sst s2  }
0xb: {  	[smem:$0x3FA7] =	sst s3  }
0xc: {  	[smem:$0x3FA8] =	sst s4  }
0xd: {  	[smem:$0x3FA9] =	sst s5  }
0xe: {  	[smem:$0x3FAA] =	sst s6  }
0xf: {  	[smem:$0x3FAB] =	sst s7  }
0x10: {  	[smem:$0x3FAC] =	sst s8  }
0x11: {  	[smem:$0x3FAD] =	sst s9;
	s0 =	simm.s32 @!p0 $0x0  }
0x12: {  	s1 =	sld [smem:$0x3F93];
	s0 =	simm.s32 @p0 $0x1  }
0x13: {  	[smem:$0x3FAE] =	sst s0;
	s0 =	simm.s32 @!p1 $0x0  }
0x14: {  	s2 =	sld [smem:$0x3F92];
	s0 =	simm.s32 @p1 $0x1  }
0x15: {  	[smem:$0x3FAF] =	sst s0;
	s0 =	simm.s32 @!p2 $0x0  }
0x16: {  	s3 =	sld [smem:$0x3FDB];
	s0 =	simm.s32 @p2 $0x1  }
0x17: {  	s4 =	simm.s32 $0x1BF5;
	[smem:$0x3FB1] =	sst s0  }
0x18: {  	s0 =	sld [smem:$0x3F94];
	_ =	swait.ge [sflag:s4], $0x0  }
0x19: {  	s7 =	sld [smem:$0x3F95]  }
0x1a: {  	s8 =	sadd.s32 $0xFFFFE003, lr  }
0x1b: {  	s9 =	sadd.s32 $0xFFFFFEF7, lr;
	s5 =	simm.s32 $0xFFFFFFFF;
	p2 =	slt.u32 s8, $0xFFFFF086  }
0x1c: {  	p1 =	slt.u32 s9, $0xF7A;
	s5 =	simm.s32 @!p2 $0x0  }
0x1d: {  	s5 =	simm.s32 @p1 $0x1;
	p0 =	seq.s32 s7, s2  }
0x1e: {  	s7 =	smul.u32 @!p0 $0xF7A, s2;
	p2 =	seq.s32 @!p0 s5, $0x0  }
0x1f: {  	s9 =	smul.u32 $0xF7A, s1;
	s8 =	simm.s32 @!p0 $0x1BF5;
	p2 =	por !p2, p0  }
0x20: {  	[sflag:s8] =	ssyncset.s32 @!p0 $0xFFFFF086;
	s6 =	sadd.s32 @!p0 s3, s7;
	s7 =	simm.s32 @!p0 $0x108  }
0x21: {  	s3 =	sadd.s32 s3, s9;
	s6 =	sadd.s32 @!p0 $0x88, s6;
	s7 =	simm.s32 @p2 $0x1082  }
0x22: {  	[simem:s7], [sflag:s8] =	dma.local @!p0 [hbm:s6], $0xF7A  }
0x23: {  	s9 =	sor.u32 $0xD0000000, s2;
	s6 =	simm.s32 $0x108;
	_ =	swait.ge @!p0 [sflag:s8], $0x0  }
0x24: {  	s3 =	sadd.s32 $0x88, s3;
	s6 =	simm.s32 @!p1 $0x1082;
	[sflag:s4] =	ssyncset.s32 $0xFFFFF086  }
0x25: {  	[simem:s6], [sflag:s4] =	dma.local [hbm:s3], $0xF7A  }
0x26: {  	[smem:$0x3F95] =	sst s1;
	(tag) =	ssettag s2;
	_ =	strace s9  }
0x27: {  	s1 =	sld [smem:$0x3FA5]  }
0x28: {  	s2 =	sld [smem:$0x3FA6]  }
0x29: {  	s4 =	sld [smem:$0x3FA8]  }
0x2a: {  	p0 =	seq.s32 s5, $0x0;
	s5 =	sld [smem:$0x3FA9]  }
0x2b: {  	s6 =	sld [smem:$0x3FAA]  }
0x2c: {  	s7 =	sld [smem:$0x3FAB]  }
0x2d: {  	s3 =	simm.s32 $0x108;
	s8 =	sld [smem:$0x3FAC]  }
0x2e: {  	s3 =	simm.s32 @!p0 $0x1082;
	s9 =	sld [smem:$0x3FAD]  }
0x2f: {  	lr =	sadd.s32 s0, s3;
	s0 =	sld [smem:$0x3FA4]  }
0x30: {  	s3 =	sld [smem:$0x3FA7]  }
0x31: {  	[smem:$0x3FB0] =	sst s10  }
0x32: {  	s10 =	sld [smem:$0x3FAE];
	_ =	sdelay $0x3  }
0x33: {  	p0 =	seq.s32 s10, $0x1;
	s10 =	sld [smem:$0x3FB0];
	_ =	sdelay $0x3  }
0x34: {  	[smem:$0x3FB0] =	sst s10  }
0x35: {  	s10 =	sld [smem:$0x3FAF];
	_ =	sdelay $0x3  }
0x36: {  	p1 =	seq.s32 s10, $0x1;
	s10 =	sld [smem:$0x3FB0];
	_ =	sdelay $0x3  }
0x37: {  	[smem:$0x3FB0] =	sst s10  }
0x38: {  	s10 =	sld [smem:$0x3FB1]  }
0x39: {  	_ = 	snop;
	(pc) =	sbr.ind lr, $3  }
0x3a: {  	_ = 	snop  }
0x3b: {  	_ = 	snop  }
0x3c: {  	p2 =	seq.s32 s10, $0x1;
	s10 =	sld [smem:$0x3FB0]  }
0x3d: {  	_ =	shalt  }
0x3e: {  	_ =	shalt  }
0x3f: {  	_ =	shalt  }
0x40: {  	_ =	shalt  }
0x41: {  	_ =	shalt  }
0x42: {  	_ =	shalt  }
0x43: {  	_ =	shalt  }
0x44: {  	_ =	shalt  }
0x45: {  	_ =	shalt  }
0x46: {  	_ =	shalt  }
0x47: {  	_ =	shalt  }
0x48: {  	_ =	shalt  }
0x49: {  	_ =	shalt  }
0x4a: {  	_ =	shalt  }
0x4b: {  	_ =	shalt  }
0x4c: {  	_ =	shalt  }
0x4d: {  	_ =	shalt  }
0x4e: {  	_ =	shalt  }
0x4f: {  	_ =	shalt  }
0x50: {  	_ =	shalt  }
0x51: {  	_ =	shalt  }
0x52: {  	_ =	shalt  }
0x53: {  	_ =	shalt  }
0x54: {  	_ =	shalt  }
0x55: {  	_ =	shalt  }
0x56: {  	_ =	shalt  }
0x57: {  	_ =	shalt  }
0x58: {  	_ =	shalt  }
0x59: {  	_ =	shalt  }
0x5a: {  	_ =	shalt  }
0x5b: {  	_ =	shalt  }
0x5c: {  	_ =	shalt  }
0x5d: {  	_ =	shalt  }
0x5e: {  	_ =	shalt  }
0x5f: {  	_ =	shalt  }
0x60: {  	_ =	shalt  }
0x61: {  	_ =	shalt  }
0x62: {  	_ =	shalt  }
0x63: {  	_ =	shalt  }
0x64: {  	_ =	shalt  }
0x65: {  	_ =	shalt  }
0x66: {  	_ =	shalt  }
0x67: {  	_ =	shalt  }
0x68: {  	_ =	shalt  }
0x69: {  	_ =	shalt  }
0x6a: {  	_ =	shalt  }
0x6b: {  	_ =	shalt  }
0x6c: {  	_ =	shalt  }
0x6d: {  	_ =	shalt  }
0x6e: {  	_ =	shalt  }
0x6f: {  	_ =	shalt  }
0x70: {  	_ =	shalt  }
0x71: {  	_ =	shalt  }
0x72: {  	_ =	shalt  }
0x73: {  	_ =	shalt  }
0x74: {  	_ =	shalt  }
0x75: {  	_ =	shalt  }
0x76: {  	_ =	shalt  }
0x77: {  	_ =	shalt  }
0x78: {  	_ =	shalt  }
0x79: {  	_ =	shalt  }
0x7a: {  	_ =	shalt  }
0x7b: {  	_ =	shalt  }
0x7c: {  	_ =	shalt  }
0x7d: {  	_ =	shalt  }
0x7e: {  	_ =	shalt  }
0x7f: {  	_ =	shalt  }
0x80: {  	_ =	shalt  }
0x81: {  	_ =	shalt  }
0x82: {  	_ =	shalt  }
0x83: {  	_ =	shalt  }
0x84: {  	_ =	shalt  }
0x85: {  	_ =	shalt  }
0x86: {  	_ =	shalt  }
0x87: {  	_ =	shalt  }
.Lfunc_end0:
.L_simem_size_0:
called_computation.1_lowered:
.L_overlay_start_0:
0x88: {  	s2 =	sld [smem:$0x3FD9]  }
0x89: {  	s3 =	sld [smem:$0x3FFE];
	_ =	sdelay $0x1  }
0x8a: {  	s1 =	srdreg.scid  }
0x8b: {  	s0 =	sand.u32 $0x1, s1  }
0x8c: {  	s16 =	sshll.u32 s0, $0xA;
	s2 =	sadd.s32 s3, s2  }
0x8d: {  	s2 =	sadd.s32 s2, s16  }
0x8e: {  	[smem:$0x3FBC] =	sst s2  }
0x8f: {  	_ = 	snop  }
0x90: {  	(tm) =	ssettm $0x1  }
0x91: {  	s17 =	sld [smem:$0x3FFB];
	_ =	sdelay $0x3  }
0x92: {  	_ =	strace s17  }
0x93: {  	s2 =	sld [smem:$0x3FFC];
	_ =	sdelay $0x3  }
0x94: {  	_ =	strace s2  }
0x95: {  	s2 =	sld [smem:$0x3FFD];
	_ =	sdelay $0x3  }
0x96: {  	_ =	strace s2  }
0x97: {  	_ =	strace $0x8FFFFFFF  }
0x98: {  	s18 =	sld [smem:$0x3FDB];
	_ =	sdelay $0x1  }
0x99: {  	s19 =	simm.s32 $_scs_section_size  }
0x9a: {  	s4 =	simm.s32 $_size__tile_overlayer_lowered;
	s5 =	simm.s32 $_tile_overlayer_lowered  }
0x9b: {  	s22 =	simm.s32 $0x1BFF;
	s21 =	sshll.u32 s5, $0x1;
	s2 =	sadd.s32 s19, s18  }
0x9c: {  	s6 =	simm.s32 $0x0;
	s20 =	sshll.u32 s4, $0x1;
	s4 =	sadd.s32 s21, s2  }
0x9d: {  	[timem:s6], [sflag:s22] =	dma.local [hbm:s4], s20  }
0x9e: {  	_ =	swait.ge [sflag:s22], s20  }
0x9f: {  	s3 =	ssub.s32 $0x0, s20;
	[sflag:s22] =	ssyncset.done $0x0  }
0xa0: {  	[sflag:s22] =	ssyncadd.s32 s3;
	_ =	sdelay $0x1  }
0xa1: {  	s23 =	simm.s32 $0x1B8B  }
0xa2: {  	_ =	swait.ge [sflag:s23], $0x1  }
0xa3: {  	[sflag:s23] =	ssyncset.done $0x0  }
0xa4: {  	s25 =	simm.s32 $0x1B8E;
	s24 =	sld [smem:$0x3FFE];
	[sflag:s23] =	ssyncadd.s32 $0xFFFFFFFF  }
0xa5: {  	s26 =	simm.s32 $execute0_lowered;
	[smem:$0x3FD2] =	sst s25  }
0xa6: {  	s4 =	sshll.u32 s26, $0x1;
	_ =	strace $0x80000049;
	[dreg:$0x1] =	wrdreg $0xFFFFFFFF  }
0xa7: {  	s28 =	simm.s32 $_size_execute0_lowered;
	s2 =	sadd.s32 s2, s4;
	[dreg:$0x0] =	wrdreg $0x0  }
0xa8: {  	s4 =	sshll.u32 s28, $0x1;
	[dreg:$0x2] =	wrdreg s2  }
0xa9: {  	[dreg:$0x3] =	wrdreg s4  }
0xaa: {  	[dreg:$0x4] =	wrdreg $0xC0  }
0xab: {  	_ =	task [dreg:s6], $0x5FFFF  }
0xac: {  	[dreg:$0x1] =	wrdreg $0xFFFFFFFF  }
0xad: {  	[dreg:$0x0] =	wrdreg $0x60  }
0xae: {  	[dreg:$0x2] =	wrdreg s24  }
0xaf: {  	[dreg:$0x3] =	wrdreg $0xB0000  }
0xb0: {  	[dreg:$0x4] =	wrdreg $0x9  }
0xb1: {  	_ =	task.clear_ibuf [dreg:s6], $0x5FFFF;
	_ =	strace $0x90000049  }
0xb2: {  	s29 =	simm.s32 $0x9;
	_ =	strace $0x8000004B  }
0xb3: {  	_ =	swait.ge [sflag:s29], $0x1  }
0xb4: {  	[sflag:s29] =	ssyncadd.s32 $0xFFFFFFFF  }
0xb5: {  	_ =	strace $0x9000004B  }
0xb6: {  	_ =	sfence  }
0xb7: {  	s30 =	sld [smem:$0x0];
	_ =	sdelay $0x2  }
0xb8: {  	s31 =	sshll.u32 s1, $0xD;
	s1 =	sshrl.u32 s1, $0x2  }
0xb9: {  	s3 =	sand.u32 $0x4000, s31;
	s1 =	sadd.s32 s1, s30  }
0xba: {  	s0 =	sor.u32 s3, s0;
	s1 =	sshll.u32 s1, $0x11  }
0xbb: {  	s0 =	sor.u32 s1, s0  }
0xbc: {  	s0 =	sadd.s32 $0x8F2B, s0  }
0xbd: {  	[sflag:s0] =	ssyncadd.remote.s32 $0x1  }
0xbe: {  	_ =	sfence.sel $0xFFFF  }
0xbf: {  	[dreg:$0x0] =	wrdreg $0xFFFFFFFF;
	(pc) =	sbr.abs _section_cstart, $3  }
0xc0: {  	[dreg:$0x1] =	wrdreg $0xFFFFFFFF  }
0xc1: {  	_ =	task.clear_ibuf [dreg:s6], $0x2FFFF;
	_ =	strace $0x9FFFFFFF  }
0xc2: {  	(tm) =	ssettm $0x7FFFFFFF  }
0xc3: {  	_ =	shalt  }
tec
execute0_lowered:
.L_overlay_start_1:
0x0: {  	(tag) =	ssettag $0x1  }
0x1: {  	s0 =	srdreg.scid;
	s1 =	rddreg [dreg:$0x0]  }
0x2: {  	s8 =	stileid.u32;
	s2 =	rddreg [dreg:$0x1];
	s3 =	simm.s32 $0x0  }
0x3: {  	s25 =	simm.s32 $0x80;
	s9 =	simm.s32 $0x180;
	s11 =	simm.s32 $0x900  }
0x4: {  	s13 =	simm.s32 $0x980;
	s15 =	simm.s32 $0x200;
	s28 =	simm.s32 $0x480  }
0x5: {  	s29 =	simm.s32 $0xC00;
	s5 =	smul.u32 $0x2800, s8;
	[smem:$0x7FF] =	sst s3  }
0x6: {  	s6 =	smul.u32 $0x14000, s8;
	_ =	strace $0x8000004A;
	[dreg:$0x5] =	wrdreg s25  }
0x7: {  	s0 =	sand.u32 $0x1, s0;
	s19 =	smul.u32 $0x50000, s8;
	[dreg:$0x8] =	wrdreg s9  }
0x8: {  	s30 =	simm.s32 $0xC80;
	s4 =	smul.u32 $0x28000, s0;
	[dreg:$0x9] =	wrdreg s11  }
0x9: {  	s31 =	simm.s32 $0x500;
	s18 =	smul.u32 $0x140000, s0;
	[dreg:$0xa] =	wrdreg s13  }
0xa: {  	s0 =	ssub.s32 $0x2, s0;
	[dreg:$0xb] =	wrdreg s15;
	s25 =	simm.s32 $0xB80  }
0xb: {  	s20 =	sshrl.u32 s0, $0x1;
	s21 =	sshrl.u32 s19, $0x2;
	[dreg:$0x12] =	wrdreg s25  }
0xc: {  	s4 =	sadd.s32 s5, s4;
	s5 =	sadd.s32 s6, s18;
	s18 =	simm.s32 $0x280  }
0xd: {  	s0 =	ssub.s32 s0, s20;
	s20 =	simm.s32 $0xA00;
	[dreg:$0xc] =	wrdreg s18  }
0xe: {  	s17 =	sadd.s32 s21, s2;
	s21 =	simm.s32 $0xA80;
	[dreg:$0xd] =	wrdreg s20  }
0xf: {  	s9 =	simm.s32 $0xE00;
	s11 =	simm.s32 $0x700;
	[dreg:$0xe] =	wrdreg s21  }
0x10: {  	s13 =	simm.s32 $0xF00;
	s0 =	smax.u32 s0, $0x1;
	[dreg:$0x14] =	wrdreg s17  }
0x11: {  	s15 =	simm.s32 $0x0;
	s24 =	sadd.s32 $0x2000, s17;
	[dreg:$0x16] =	wrdreg s0  }
0x12: {  	s25 =	simm.s32 $0x3;
	s26 =	sadd.s32 $0x4000, s17;
	[dreg:$0x17] =	wrdreg s24  }
0x13: {  	s4 =	sshrl.u32 s4, $0x3;
	s6 =	sadd.s32 $0x6000, s17;
	[dreg:$0x18] =	wrdreg s26  }
0x14: {  	s5 =	sshrl.u32 s5, $0x3;
	s8 =	sadd.s32 $0x8000, s17;
	[dreg:$0x19] =	wrdreg s6  }
0x15: {  	s10 =	sadd.s32 $0xA000, s17;
	s12 =	sadd.s32 $0xC000, s17;
	[dreg:$0x1a] =	wrdreg s8  }
0x16: {  	s14 =	sadd.s32 $0xE000, s17;
	s16 =	sadd.s32 $0x10000, s17;
	[dreg:$0x1b] =	wrdreg s10  }
0x17: {  	s19 =	sadd.s32 $0x12000, s17;
	s18 =	simm.s32 $0x5;
	[dreg:$0x1c] =	wrdreg s12  }
0x18: {  	s20 =	simm.s32 $0x7D;
	s21 =	simm.s32 $0x1000;
	[dreg:$0x1d] =	wrdreg s14  }
0x19: {  	s7 =	sadd.s32 s4, s1;
	s4 =	sadd.s32 $0xE600, s1;
	[dreg:$0x1e] =	wrdreg s16  }
0x1a: {  	s1 =	sadd.s32 s5, s1;
	s5 =	simm.s32 $0x880;
	[dreg:$0x1f] =	wrdreg s19  }
0x1b: {  	s19 =	simm.s32 $0x800;
	s24 =	simm.s32 $0xB00;
	s26 =	simm.s32 $0x400  }
0x1c: {  	s0 =	simm.s32 $0xD00;
	s6 =	simm.s32 $0xD80;
	[dreg:$0x6] =	wrdreg s5  }
0x1d: {  	s8 =	simm.s32 $0x680;
	s10 =	simm.s32 $0xE80;
	[dreg:$0x11] =	wrdreg s24  }
0x1e: {  	s12 =	simm.s32 $0x780;
	s1 =	sadd.s32 $0x68600, s1;
	[dreg:$0x13] =	wrdreg s26  }
0x1f: {  	s14 =	simm.s32 $0xF80;
	s22 =	sadd.s32 $0x4600, s7;
	[dreg:$0x15] =	wrdreg s1  }
0x20: {  	s23 =	sadd.s32 $0x5E600, s7;
	s7 =	simm.s32 $0x100;
	[dreg:$0x3] =	wrdreg s22  }
0x21: {  	s24 =	simm.s32 $0x2;
	s26 =	simm.s32 $0x4;
	[dreg:$0x4] =	wrdreg s23  }
0x22: {  	[dreg:$0x7] =	wrdreg s7;
	s22 =	simm.s32 $0x300;
	s23 =	simm.s32 $0x380  }
0x23: {  	s1 =	simm.s32 $0x580;
	s7 =	simm.s32 $0x600;
	[dreg:$0xf] =	wrdreg s22  }
0x24: {  	v0 =	vimm.f32 $0.0e+00;
	[dreg:$0x10] =	wrdreg s23;
	s22 =	simm.s32 $0x1;
	s23 =	simm.s32 $0x5000  }
.LBB2_1:
0x25: {  	[smem:$0x7FD] =	sst s15;
	s5 =	simm.s32 $0x0;
	s16 =	simm.s32 $0x200  }
.LBB2_2:
0x26: {  	p0 =	sne.s32 s16, $0x7E00;
	[tilespmem:s5+$0x9070] =	vst v0  }
0x27: {  	[tilespmem:s5+$0x9000] =	vst v0  }
0x28: {  	[tilespmem:s5+$0x9010] =	vst v0  }
.Ltmp0:
0x29: {  	[tilespmem:s5+$0x9020] =	vst v0;
	(pc) =	sbr.rel @p0 .LBB2_2-.Ltmp0, $4  }
0x2a: {  	[tilespmem:s5+$0x9030] =	vst v0  }
0x2b: {  	[tilespmem:s5+$0x9040] =	vst v0  }
0x2c: {  	[tilespmem:s5+$0x9050] =	vst v0  }
0x2d: {  	[tilespmem:s5+$0x9060] =	vst v0;
	s5 =	sshra.s32 s16, $0x2;
	s16 =	sadd.s32 $0x200, s16  }
0x2e: {  	[tilespmem:s5+$0x9070] =	vst v0  }
0x2f: {  	[tilespmem:s5+$0x9000] =	vst v0  }
0x30: {  	[tilespmem:s5+$0x9010] =	vst v0  }
0x31: {  	[tilespmem:s5+$0x9020] =	vst v0  }
0x32: {  	[tilespmem:s5+$0x9030] =	vst v0  }
0x33: {  	[tilespmem:s5+$0x9040] =	vst v0  }
0x34: {  	[tilespmem:s5+$0x9050] =	vst v0  }
0x35: {  	[tilespmem:s5+$0x9060] =	vst v0;
	s15 =	simm.s32 $0x9000  }
0x36: {  	[spmem:s17] =	stream.linear.scatter [tilespmem:s15], [sflag:$0x5], $0x2000, $0x38;
	[tilespmem:$0x1F000] =	vst v63  }
0x37: {  	_ =	swait.ge [sflag:s18], $0x2000  }
0x38: {  	[sflag:s18] =	ssyncset.done $0x0  }
0x39: {  	s17 =	rddreg [dreg:$0x17];
	[sflag:s18] =	ssyncadd.s32 $0xFFFFE000  }
0x3a: {  	[spmem:s17] =	stream.linear.scatter [tilespmem:s15], [sflag:$0x5], $0x2000, $0x38;
	[tilespmem:$0x1F000] =	vst v63  }
0x3b: {  	_ =	swait.ge [sflag:s18], $0x2000  }
0x3c: {  	[sflag:s18] =	ssyncset.done $0x0  }
0x3d: {  	s16 =	rddreg [dreg:$0x18];
	[sflag:s18] =	ssyncadd.s32 $0xFFFFE000  }
0x3e: {  	[spmem:s16] =	stream.linear.scatter [tilespmem:s15], [sflag:$0x5], $0x2000, $0x38;
	[tilespmem:$0x1F000] =	vst v63  }
0x3f: {  	_ =	swait.ge [sflag:s18], $0x2000  }
0x40: {  	[sflag:s18] =	ssyncset.done $0x0  }
0x41: {  	s17 =	rddreg [dreg:$0x19];
	[sflag:s18] =	ssyncadd.s32 $0xFFFFE000  }
0x42: {  	[spmem:s17] =	stream.linear.scatter [tilespmem:s15], [sflag:$0x5], $0x2000, $0x38;
	[tilespmem:$0x1F000] =	vst v63  }
0x43: {  	_ =	swait.ge [sflag:s18], $0x2000  }
0x44: {  	[sflag:s18] =	ssyncset.done $0x0  }
0x45: {  	s16 =	rddreg [dreg:$0x1a];
	[sflag:s18] =	ssyncadd.s32 $0xFFFFE000  }
0x46: {  	[spmem:s16] =	stream.linear.scatter [tilespmem:s15], [sflag:$0x5], $0x2000, $0x38;
	[tilespmem:$0x1F000] =	vst v63  }
0x47: {  	_ =	swait.ge [sflag:s18], $0x2000  }
0x48: {  	[sflag:s18] =	ssyncset.done $0x0  }
0x49: {  	s17 =	rddreg [dreg:$0x1b];
	[sflag:s18] =	ssyncadd.s32 $0xFFFFE000  }
0x4a: {  	[spmem:s17] =	stream.linear.scatter [tilespmem:s15], [sflag:$0x5], $0x2000, $0x38;
	[tilespmem:$0x1F000] =	vst v63  }
0x4b: {  	_ =	swait.ge [sflag:s18], $0x2000  }
0x4c: {  	[sflag:s18] =	ssyncset.done $0x0  }
0x4d: {  	s16 =	rddreg [dreg:$0x1c];
	[sflag:s18] =	ssyncadd.s32 $0xFFFFE000  }
0x4e: {  	[spmem:s16] =	stream.linear.scatter [tilespmem:s15], [sflag:$0x5], $0x2000, $0x38;
	[tilespmem:$0x1F000] =	vst v63  }
0x4f: {  	_ =	swait.ge [sflag:s18], $0x2000  }
0x50: {  	[sflag:s18] =	ssyncset.done $0x0  }
0x51: {  	s17 =	rddreg [dreg:$0x1d];
	[sflag:s18] =	ssyncadd.s32 $0xFFFFE000  }
0x52: {  	[spmem:s17] =	stream.linear.scatter [tilespmem:s15], [sflag:$0x5], $0x2000, $0x38;
	[tilespmem:$0x1F000] =	vst v63  }
0x53: {  	_ =	swait.ge [sflag:s18], $0x2000  }
0x54: {  	[sflag:s18] =	ssyncset.done $0x0  }
0x55: {  	s16 =	rddreg [dreg:$0x1e];
	[sflag:s18] =	ssyncadd.s32 $0xFFFFE000  }
0x56: {  	[spmem:s16] =	stream.linear.scatter [tilespmem:s15], [sflag:$0x5], $0x2000, $0x38;
	[tilespmem:$0x1F000] =	vst v63  }
0x57: {  	_ =	swait.ge [sflag:s18], $0x2000  }
0x58: {  	[sflag:s18] =	ssyncset.done $0x0  }
0x59: {  	s17 =	rddreg [dreg:$0x1f];
	[sflag:s18] =	ssyncadd.s32 $0xFFFFE000  }
0x5a: {  	[spmem:s17] =	stream.linear.scatter [tilespmem:s15], [sflag:$0x5], $0x2000, $0x38;
	[tilespmem:$0x1F000] =	vst v63  }
0x5b: {  	_ =	swait.ge [sflag:s18], $0x2000  }
0x5c: {  	[sflag:s18] =	ssyncset.done $0x0  }
0x5d: {  	[sflag:s18] =	ssyncadd.s32 $0xFFFFE000  }
0x5e: {  	[bflag:$0x0] =	sbarrier.arrive $0xFFFF  }
0x5f: {  	s16 =	rddreg [dreg:$0x4]  }
0x60: {  	s5 =	sadd.s32 $0x0, s16  }
0x61: {  	[tilespmem:s3], [sflag:$0x5] =	stream.linear.gather [hbm4b:s5+s3], $0x800, $0x38;
	[tilespmem:$0x1F000] =	vst v63  }
0x62: {  	_ =	swait.ge [sflag:s18], $0x800  }
0x63: {  	s17 =	rddreg [dreg:$0x3];
	[sflag:s18] =	ssyncset.done $0x0  }
0x64: {  	[sflag:s18] =	ssyncadd.s32 $0xFFFFF800;
	s5 =	sadd.s32 $0x0, s17  }
0x65: {  	[tilespmem:s19], [sflag:$0x5] =	stream.linear.gather [hbm4b:s5+s3], $0x800, $0x38;
	[tilespmem:$0x1F000] =	vst v63  }
0x66: {  	_ =	swait.ge [sflag:s18], $0x800  }
0x67: {  	[sflag:s18] =	ssyncset.done $0x0  }
0x68: {  	[sflag:s18] =	ssyncadd.s32 $0xFFFFF800  }
0x69: {  	[tilespmem:s21], [sflag:$0x1] =	stream.indirect.gather [hbm4b:s4+s20], $0x80, s3, s20, $0xb8;
	[tilespmem:$0x1F000] =	vst v63  }
0x6a: {  	_ =	swait.ge [sflag:s22], $0x3E80  }
0x6b: {  	[sflag:s22] =	ssyncset.done $0x0  }
0x6c: {  	s15 =	rddreg [dreg:$0x5];
	[sflag:s22] =	ssyncadd.s32 $0xFFFFC180  }
0x6d: {  	[tilespmem:s23], [sflag:$0x2] =	stream.indirect.gather [hbm4b:s4+s20], $0x80, s15, s20, $0xb8;
	[tilespmem:$0x1F000] =	vst v63  }
0x6e: {  	_ = 	snop  }
0x6f: {  	[spmem:s2] =	stream.indirect.scatter.add.f32 [tilespmem:s21], [sflag:$0x3], $0x80, s19, s20, $0xb8;
	[tilespmem:$0x1F000] =	vst v63  }
0x70: {  	_ =	swait.ge [sflag:s24], $0x3E80  }
0x71: {  	[sflag:s24] =	ssyncset.done $0x0  }
0x72: {  	s16 =	rddreg [dreg:$0x6];
	[sflag:s24] =	ssyncadd.s32 $0xFFFFC180  }
0x73: {  	[spmem:s2] =	stream.indirect.scatter.add.f32 [tilespmem:s23], [sflag:$0x4], $0x80, s16, s20, $0xb8;
	[tilespmem:$0x1F000] =	vst v63  }
0x74: {  	_ =	swait.ge [sflag:s25], $0x3E80  }
0x75: {  	[sflag:s25] =	ssyncset.done $0x0  }
0x76: {  	s17 =	rddreg [dreg:$0x7];
	[sflag:s25] =	ssyncadd.s32 $0xFFFFC180  }
0x77: {  	[tilespmem:s21], [sflag:$0x1] =	stream.indirect.gather [hbm4b:s4+s20], $0x80, s17, s20, $0xb8;
	[tilespmem:$0x1F000] =	vst v63  }
0x78: {  	_ =	swait.ge [sflag:s26], $0x3E80  }
0x79: {  	[sflag:s26] =	ssyncset.done $0x0  }
0x7a: {  	[sflag:s26] =	ssyncadd.s32 $0xFFFFC180  }
0x7b: {  	_ =	swait.ge [sflag:s22], $0x3E80  }
0x7c: {  	[sflag:s22] =	ssyncset.done $0x0  }
0x7d: {  	s15 =	rddreg [dreg:$0x8];
	[sflag:s22] =	ssyncadd.s32 $0xFFFFC180  }
0x7e: {  	[tilespmem:s23], [sflag:$0x2] =	stream.indirect.gather [hbm4b:s4+s20], $0x80, s15, s20, $0xb8;
	[tilespmem:$0x1F000] =	vst v63  }
0x7f: {  	s16 =	rddreg [dreg:$0x9]  }
0x80: {  	[spmem:s2] =	stream.indirect.scatter.add.f32 [tilespmem:s21], [sflag:$0x3], $0x80, s16, s20, $0xb8;
	[tilespmem:$0x1F000] =	vst v63  }
0x81: {  	_ =	swait.ge [sflag:s24], $0x3E80  }
0x82: {  	[sflag:s24] =	ssyncset.done $0x0  }
0x83: {  	s17 =	rddreg [dreg:$0xa];
	[sflag:s24] =	ssyncadd.s32 $0xFFFFC180  }
0x84: {  	[spmem:s2] =	stream.indirect.scatter.add.f32 [tilespmem:s23], [sflag:$0x4], $0x80, s17, s20, $0xb8;
	[tilespmem:$0x1F000] =	vst v63  }
0x85: {  	_ =	swait.ge [sflag:s25], $0x3E80  }
0x86: {  	[sflag:s25] =	ssyncset.done $0x0  }
0x87: {  	s15 =	rddreg [dreg:$0xb];
	[sflag:s25] =	ssyncadd.s32 $0xFFFFC180  }
0x88: {  	[tilespmem:s21], [sflag:$0x1] =	stream.indirect.gather [hbm4b:s4+s20], $0x80, s15, s20, $0xb8;
	[tilespmem:$0x1F000] =	vst v63  }
0x89: {  	_ =	swait.ge [sflag:s26], $0x3E80  }
0x8a: {  	[sflag:s26] =	ssyncset.done $0x0  }
0x8b: {  	[sflag:s26] =	ssyncadd.s32 $0xFFFFC180  }
0x8c: {  	_ =	swait.ge [sflag:s22], $0x3E80  }
0x8d: {  	[sflag:s22] =	ssyncset.done $0x0  }
0x8e: {  	s16 =	rddreg [dreg:$0xc];
	[sflag:s22] =	ssyncadd.s32 $0xFFFFC180  }
0x8f: {  	[tilespmem:s23], [sflag:$0x2] =	stream.indirect.gather [hbm4b:s4+s20], $0x80, s16, s20, $0xb8;
	[tilespmem:$0x1F000] =	vst v63  }
0x90: {  	s17 =	rddreg [dreg:$0xd]  }
0x91: {  	[spmem:s2] =	stream.indirect.scatter.add.f32 [tilespmem:s21], [sflag:$0x3], $0x80, s17, s20, $0xb8;
	[tilespmem:$0x1F000] =	vst v63  }
0x92: {  	_ =	swait.ge [sflag:s24], $0x3E80  }
0x93: {  	[sflag:s24] =	ssyncset.done $0x0  }
0x94: {  	s15 =	rddreg [dreg:$0xe];
	[sflag:s24] =	ssyncadd.s32 $0xFFFFC180  }
0x95: {  	[spmem:s2] =	stream.indirect.scatter.add.f32 [tilespmem:s23], [sflag:$0x4], $0x80, s15, s20, $0xb8;
	[tilespmem:$0x1F000] =	vst v63  }
0x96: {  	_ =	swait.ge [sflag:s25], $0x3E80  }
0x97: {  	[sflag:s25] =	ssyncset.done $0x0  }
0x98: {  	s16 =	rddreg [dreg:$0xf];
	[sflag:s25] =	ssyncadd.s32 $0xFFFFC180  }
0x99: {  	[tilespmem:s21], [sflag:$0x1] =	stream.indirect.gather [hbm4b:s4+s20], $0x80, s16, s20, $0xb8;
	[tilespmem:$0x1F000] =	vst v63  }
0x9a: {  	_ =	swait.ge [sflag:s26], $0x3E80  }
0x9b: {  	[sflag:s26] =	ssyncset.done $0x0  }
0x9c: {  	[sflag:s26] =	ssyncadd.s32 $0xFFFFC180  }
0x9d: {  	_ =	swait.ge [sflag:s22], $0x3E80  }
0x9e: {  	[sflag:s22] =	ssyncset.done $0x0  }
0x9f: {  	s17 =	rddreg [dreg:$0x10];
	[sflag:s22] =	ssyncadd.s32 $0xFFFFC180  }
0xa0: {  	[tilespmem:s23], [sflag:$0x2] =	stream.indirect.gather [hbm4b:s4+s20], $0x80, s17, s20, $0xb8;
	[tilespmem:$0x1F000] =	vst v63  }
0xa1: {  	s15 =	rddreg [dreg:$0x11]  }
0xa2: {  	[spmem:s2] =	stream.indirect.scatter.add.f32 [tilespmem:s21], [sflag:$0x3], $0x80, s15, s20, $0xb8;
	[tilespmem:$0x1F000] =	vst v63  }
0xa3: {  	_ =	swait.ge [sflag:s24], $0x3E80  }
0xa4: {  	[sflag:s24] =	ssyncset.done $0x0  }
0xa5: {  	s16 =	rddreg [dreg:$0x12];
	[sflag:s24] =	ssyncadd.s32 $0xFFFFC180  }
0xa6: {  	[spmem:s2] =	stream.indirect.scatter.add.f32 [tilespmem:s23], [sflag:$0x4], $0x80, s16, s20, $0xb8;
	[tilespmem:$0x1F000] =	vst v63  }
0xa7: {  	_ =	swait.ge [sflag:s25], $0x3E80  }
0xa8: {  	[sflag:s25] =	ssyncset.done $0x0  }
0xa9: {  	s17 =	rddreg [dreg:$0x13];
	[sflag:s25] =	ssyncadd.s32 $0xFFFFC180  }
0xaa: {  	[tilespmem:s21], [sflag:$0x1] =	stream.indirect.gather [hbm4b:s4+s20], $0x80, s17, s20, $0xb8;
	[tilespmem:$0x1F000] =	vst v63  }
0xab: {  	_ =	swait.ge [sflag:s26], $0x3E80  }
0xac: {  	[sflag:s26] =	ssyncset.done $0x0  }
0xad: {  	[sflag:s26] =	ssyncadd.s32 $0xFFFFC180  }
0xae: {  	_ =	swait.ge [sflag:s22], $0x3E80  }
0xaf: {  	[sflag:s22] =	ssyncset.done $0x0  }
0xb0: {  	[sflag:s22] =	ssyncadd.s32 $0xFFFFC180  }
0xb1: {  	[tilespmem:s23], [sflag:$0x2] =	stream.indirect.gather [hbm4b:s4+s20], $0x80, s28, s20, $0xb8;
	[tilespmem:$0x1F000] =	vst v63  }
0xb2: {  	_ = 	snop  }
0xb3: {  	[spmem:s2] =	stream.indirect.scatter.add.f32 [tilespmem:s21], [sflag:$0x3], $0x80, s29, s20, $0xb8;
	[tilespmem:$0x1F000] =	vst v63  }
0xb4: {  	_ =	swait.ge [sflag:s24], $0x3E80  }
0xb5: {  	[sflag:s24] =	ssyncset.done $0x0  }
0xb6: {  	[sflag:s24] =	ssyncadd.s32 $0xFFFFC180  }
0xb7: {  	[spmem:s2] =	stream.indirect.scatter.add.f32 [tilespmem:s23], [sflag:$0x4], $0x80, s30, s20, $0xb8;
	[tilespmem:$0x1F000] =	vst v63  }
0xb8: {  	_ =	swait.ge [sflag:s25], $0x3E80  }
0xb9: {  	[sflag:s25] =	ssyncset.done $0x0  }
0xba: {  	[sflag:s25] =	ssyncadd.s32 $0xFFFFC180  }
0xbb: {  	[tilespmem:s21], [sflag:$0x1] =	stream.indirect.gather [hbm4b:s4+s20], $0x80, s31, s20, $0xb8;
	[tilespmem:$0x1F000] =	vst v63  }
0xbc: {  	_ =	swait.ge [sflag:s26], $0x3E80  }
0xbd: {  	[sflag:s26] =	ssyncset.done $0x0  }
0xbe: {  	[sflag:s26] =	ssyncadd.s32 $0xFFFFC180  }
0xbf: {  	_ =	swait.ge [sflag:s22], $0x3E80  }
0xc0: {  	[sflag:s22] =	ssyncset.done $0x0  }
0xc1: {  	[sflag:s22] =	ssyncadd.s32 $0xFFFFC180  }
0xc2: {  	[tilespmem:s23], [sflag:$0x2] =	stream.indirect.gather [hbm4b:s4+s20], $0x80, s1, s20, $0xb8;
	[tilespmem:$0x1F000] =	vst v63  }
0xc3: {  	_ = 	snop  }
0xc4: {  	[spmem:s2] =	stream.indirect.scatter.add.f32 [tilespmem:s21], [sflag:$0x3], $0x80, s0, s20, $0xb8;
	[tilespmem:$0x1F000] =	vst v63  }
0xc5: {  	_ =	swait.ge [sflag:s24], $0x3E80  }
0xc6: {  	[sflag:s24] =	ssyncset.done $0x0  }
0xc7: {  	[sflag:s24] =	ssyncadd.s32 $0xFFFFC180  }
0xc8: {  	[spmem:s2] =	stream.indirect.scatter.add.f32 [tilespmem:s23], [sflag:$0x4], $0x80, s6, s20, $0xb8;
	[tilespmem:$0x1F000] =	vst v63  }
0xc9: {  	_ =	swait.ge [sflag:s25], $0x3E80  }
0xca: {  	[sflag:s25] =	ssyncset.done $0x0  }
0xcb: {  	[sflag:s25] =	ssyncadd.s32 $0xFFFFC180  }
0xcc: {  	[tilespmem:s21], [sflag:$0x1] =	stream.indirect.gather [hbm4b:s4+s20], $0x80, s7, s20, $0xb8;
	[tilespmem:$0x1F000] =	vst v63  }
0xcd: {  	_ =	swait.ge [sflag:s26], $0x3E80  }
0xce: {  	[sflag:s26] =	ssyncset.done $0x0  }
0xcf: {  	[sflag:s26] =	ssyncadd.s32 $0xFFFFC180  }
0xd0: {  	_ =	swait.ge [sflag:s22], $0x3E80  }
0xd1: {  	[sflag:s22] =	ssyncset.done $0x0  }
0xd2: {  	[sflag:s22] =	ssyncadd.s32 $0xFFFFC180  }
0xd3: {  	[tilespmem:s23], [sflag:$0x2] =	stream.indirect.gather [hbm4b:s4+s20], $0x80, s8, s20, $0xb8;
	[tilespmem:$0x1F000] =	vst v63  }
0xd4: {  	_ = 	snop  }
0xd5: {  	[spmem:s2] =	stream.indirect.scatter.add.f32 [tilespmem:s21], [sflag:$0x3], $0x80, s9, s20, $0xb8;
	[tilespmem:$0x1F000] =	vst v63  }
0xd6: {  	_ =	swait.ge [sflag:s24], $0x3E80  }
0xd7: {  	[sflag:s24] =	ssyncset.done $0x0  }
0xd8: {  	[sflag:s24] =	ssyncadd.s32 $0xFFFFC180  }
0xd9: {  	[spmem:s2] =	stream.indirect.scatter.add.f32 [tilespmem:s23], [sflag:$0x4], $0x80, s10, s20, $0xb8;
	[tilespmem:$0x1F000] =	vst v63  }
0xda: {  	_ =	swait.ge [sflag:s25], $0x3E80  }
0xdb: {  	[sflag:s25] =	ssyncset.done $0x0  }
0xdc: {  	[sflag:s25] =	ssyncadd.s32 $0xFFFFC180  }
0xdd: {  	[tilespmem:s21], [sflag:$0x1] =	stream.indirect.gather [hbm4b:s4+s20], $0x80, s11, s20, $0xb8;
	[tilespmem:$0x1F000] =	vst v63  }
0xde: {  	_ =	swait.ge [sflag:s26], $0x3E80  }
0xdf: {  	[sflag:s26] =	ssyncset.done $0x0  }
0xe0: {  	[sflag:s26] =	ssyncadd.s32 $0xFFFFC180  }
0xe1: {  	_ =	swait.ge [sflag:s22], $0x3E80  }
0xe2: {  	[sflag:s22] =	ssyncset.done $0x0  }
0xe3: {  	[sflag:s22] =	ssyncadd.s32 $0xFFFFC180  }
0xe4: {  	[tilespmem:s23], [sflag:$0x2] =	stream.indirect.gather [hbm4b:s4+s20], $0x80, s12, s20, $0xb8;
	[tilespmem:$0x1F000] =	vst v63  }
0xe5: {  	_ = 	snop  }
0xe6: {  	[spmem:s2] =	stream.indirect.scatter.add.f32 [tilespmem:s21], [sflag:$0x3], $0x80, s13, s20, $0xb8;
	[tilespmem:$0x1F000] =	vst v63  }
0xe7: {  	_ =	swait.ge [sflag:s24], $0x3E80  }
0xe8: {  	[sflag:s24] =	ssyncset.done $0x0  }
0xe9: {  	[sflag:s24] =	ssyncadd.s32 $0xFFFFC180  }
0xea: {  	[spmem:s2] =	stream.indirect.scatter.add.f32 [tilespmem:s23], [sflag:$0x4], $0x80, s14, s20, $0xb8;
	[tilespmem:$0x1F000] =	vst v63  }
0xeb: {  	_ =	swait.ge [sflag:s25], $0x3E80  }
0xec: {  	[sflag:s25] =	ssyncset.done $0x0  }
0xed: {  	[sflag:s25] =	ssyncadd.s32 $0xFFFFC180  }
0xee: {  	s5 =	simm.s32 $0x200;
	_ =	swait.ge [sflag:s26], $0x3E80  }
0xef: {  	s16 =	simm.s32 $0x100;
	s17 =	rddreg [dreg:$0x4];
	[sflag:s26] =	ssyncset.done $0x0  }
.LBB2_4:
0xf0: {  	[sflag:s26] =	ssyncadd.s32 $0xFFFFC180;
	s17 =	sadd.s32 s16, s17  }
0xf1: {  	[tilespmem:s3], [sflag:$0x5] =	stream.linear.gather [hbm4b:s17+s3], $0x800, $0x38;
	[tilespmem:$0x1F000] =	vst v63  }
0xf2: {  	_ =	swait.ge [sflag:s18], $0x800  }
0xf3: {  	s17 =	rddreg [dreg:$0x3];
	[sflag:s18] =	ssyncset.done $0x0  }
0xf4: {  	[sflag:s18] =	ssyncadd.s32 $0xFFFFF800;
	s17 =	sadd.s32 s16, s17  }
0xf5: {  	[tilespmem:s19], [sflag:$0x5] =	stream.linear.gather [hbm4b:s17+s3], $0x800, $0x38;
	[tilespmem:$0x1F000] =	vst v63  }
0xf6: {  	_ =	swait.ge [sflag:s18], $0x800  }
0xf7: {  	[sflag:s18] =	ssyncset.done $0x0  }
0xf8: {  	[sflag:s18] =	ssyncadd.s32 $0xFFFFF800  }
0xf9: {  	[tilespmem:s21], [sflag:$0x1] =	stream.indirect.gather [hbm4b:s4+s20], $0x80, s3, s20, $0xb8;
	[tilespmem:$0x1F000] =	vst v63  }
0xfa: {  	_ =	swait.ge [sflag:s22], $0x3E80  }
0xfb: {  	[sflag:s22] =	ssyncset.done $0x0  }
0xfc: {  	s17 =	rddreg [dreg:$0x5];
	[sflag:s22] =	ssyncadd.s32 $0xFFFFC180  }
0xfd: {  	[tilespmem:s23], [sflag:$0x2] =	stream.indirect.gather [hbm4b:s4+s20], $0x80, s17, s20, $0xb8;
	[tilespmem:$0x1F000] =	vst v63  }
0xfe: {  	_ = 	snop  }
0xff: {  	[spmem:s2] =	stream.indirect.scatter.add.f32 [tilespmem:s21], [sflag:$0x3], $0x80, s19, s20, $0xb8;
	[tilespmem:$0x1F000] =	vst v63  }
0x100: {  	_ =	swait.ge [sflag:s24], $0x3E80  }
0x101: {  	[sflag:s24] =	ssyncset.done $0x0  }
0x102: {  	s17 =	rddreg [dreg:$0x6];
	[sflag:s24] =	ssyncadd.s32 $0xFFFFC180  }
0x103: {  	[spmem:s2] =	stream.indirect.scatter.add.f32 [tilespmem:s23], [sflag:$0x4], $0x80, s17, s20, $0xb8;
	[tilespmem:$0x1F000] =	vst v63  }
0x104: {  	_ =	swait.ge [sflag:s25], $0x3E80  }
0x105: {  	[sflag:s25] =	ssyncset.done $0x0  }
0x106: {  	s17 =	rddreg [dreg:$0x7];
	[sflag:s25] =	ssyncadd.s32 $0xFFFFC180  }
0x107: {  	[tilespmem:s21], [sflag:$0x1] =	stream.indirect.gather [hbm4b:s4+s20], $0x80, s17, s20, $0xb8;
	[tilespmem:$0x1F000] =	vst v63  }
0x108: {  	_ =	swait.ge [sflag:s26], $0x3E80  }
0x109: {  	[sflag:s26] =	ssyncset.done $0x0  }
0x10a: {  	[sflag:s26] =	ssyncadd.s32 $0xFFFFC180  }
0x10b: {  	_ =	swait.ge [sflag:s22], $0x3E80  }
0x10c: {  	s15 =	smov.u32 s5;
	[sflag:s22] =	ssyncset.done $0x0  }
0x10d: {  	s16 =	smov.u32 s15;
	s15 =	rddreg [dreg:$0x8];
	[sflag:s22] =	ssyncadd.s32 $0xFFFFC180  }
0x10e: {  	[tilespmem:s23], [sflag:$0x2] =	stream.indirect.gather [hbm4b:s4+s20], $0x80, s15, s20, $0xb8;
	[tilespmem:$0x1F000] =	vst v63  }
0x10f: {  	s17 =	rddreg [dreg:$0x9]  }
0x110: {  	[spmem:s2] =	stream.indirect.scatter.add.f32 [tilespmem:s21], [sflag:$0x3], $0x80, s17, s20, $0xb8;
	[tilespmem:$0x1F000] =	vst v63  }
0x111: {  	_ =	swait.ge [sflag:s24], $0x3E80  }
0x112: {  	[sflag:s24] =	ssyncset.done $0x0  }
0x113: {  	s17 =	rddreg [dreg:$0xa];
	[sflag:s24] =	ssyncadd.s32 $0xFFFFC180  }
0x114: {  	[spmem:s2] =	stream.indirect.scatter.add.f32 [tilespmem:s23], [sflag:$0x4], $0x80, s17, s20, $0xb8;
	[tilespmem:$0x1F000] =	vst v63  }
0x115: {  	_ =	swait.ge [sflag:s25], $0x3E80  }
0x116: {  	[sflag:s25] =	ssyncset.done $0x0  }
0x117: {  	s17 =	rddreg [dreg:$0xb];
	[sflag:s25] =	ssyncadd.s32 $0xFFFFC180  }
0x118: {  	[tilespmem:s21], [sflag:$0x1] =	stream.indirect.gather [hbm4b:s4+s20], $0x80, s17, s20, $0xb8;
	[tilespmem:$0x1F000] =	vst v63  }
0x119: {  	_ =	swait.ge [sflag:s26], $0x3E80  }
0x11a: {  	[sflag:s26] =	ssyncset.done $0x0  }
0x11b: {  	[sflag:s26] =	ssyncadd.s32 $0xFFFFC180  }
0x11c: {  	_ =	swait.ge [sflag:s22], $0x3E80  }
0x11d: {  	[sflag:s22] =	ssyncset.done $0x0  }
0x11e: {  	s15 =	rddreg [dreg:$0xc];
	[sflag:s22] =	ssyncadd.s32 $0xFFFFC180  }
0x11f: {  	[tilespmem:s23], [sflag:$0x2] =	stream.indirect.gather [hbm4b:s4+s20], $0x80, s15, s20, $0xb8;
	[tilespmem:$0x1F000] =	vst v63  }
0x120: {  	s17 =	rddreg [dreg:$0xd]  }
0x121: {  	[spmem:s2] =	stream.indirect.scatter.add.f32 [tilespmem:s21], [sflag:$0x3], $0x80, s17, s20, $0xb8;
	[tilespmem:$0x1F000] =	vst v63  }
0x122: {  	_ =	swait.ge [sflag:s24], $0x3E80  }
0x123: {  	[sflag:s24] =	ssyncset.done $0x0  }
0x124: {  	s17 =	rddreg [dreg:$0xe];
	[sflag:s24] =	ssyncadd.s32 $0xFFFFC180  }
0x125: {  	[spmem:s2] =	stream.indirect.scatter.add.f32 [tilespmem:s23], [sflag:$0x4], $0x80, s17, s20, $0xb8;
	[tilespmem:$0x1F000] =	vst v63  }
0x126: {  	_ =	swait.ge [sflag:s25], $0x3E80  }
0x127: {  	[sflag:s25] =	ssyncset.done $0x0  }
0x128: {  	s17 =	rddreg [dreg:$0xf];
	[sflag:s25] =	ssyncadd.s32 $0xFFFFC180  }
0x129: {  	[tilespmem:s21], [sflag:$0x1] =	stream.indirect.gather [hbm4b:s4+s20], $0x80, s17, s20, $0xb8;
	[tilespmem:$0x1F000] =	vst v63  }
0x12a: {  	_ =	swait.ge [sflag:s26], $0x3E80  }
0x12b: {  	[sflag:s26] =	ssyncset.done $0x0  }
0x12c: {  	[sflag:s26] =	ssyncadd.s32 $0xFFFFC180  }
0x12d: {  	_ =	swait.ge [sflag:s22], $0x3E80  }
0x12e: {  	[sflag:s22] =	ssyncset.done $0x0  }
0x12f: {  	s15 =	rddreg [dreg:$0x10];
	[sflag:s22] =	ssyncadd.s32 $0xFFFFC180  }
0x130: {  	[tilespmem:s23], [sflag:$0x2] =	stream.indirect.gather [hbm4b:s4+s20], $0x80, s15, s20, $0xb8;
	[tilespmem:$0x1F000] =	vst v63  }
0x131: {  	s17 =	rddreg [dreg:$0x11]  }
0x132: {  	[spmem:s2] =	stream.indirect.scatter.add.f32 [tilespmem:s21], [sflag:$0x3], $0x80, s17, s20, $0xb8;
	[tilespmem:$0x1F000] =	vst v63  }
0x133: {  	_ =	swait.ge [sflag:s24], $0x3E80  }
0x134: {  	[sflag:s24] =	ssyncset.done $0x0  }
0x135: {  	s17 =	rddreg [dreg:$0x12];
	[sflag:s24] =	ssyncadd.s32 $0xFFFFC180  }
0x136: {  	[spmem:s2] =	stream.indirect.scatter.add.f32 [tilespmem:s23], [sflag:$0x4], $0x80, s17, s20, $0xb8;
	[tilespmem:$0x1F000] =	vst v63  }
0x137: {  	_ =	swait.ge [sflag:s25], $0x3E80  }
0x138: {  	[sflag:s25] =	ssyncset.done $0x0  }
0x139: {  	s17 =	rddreg [dreg:$0x13];
	[sflag:s25] =	ssyncadd.s32 $0xFFFFC180  }
0x13a: {  	[tilespmem:s21], [sflag:$0x1] =	stream.indirect.gather [hbm4b:s4+s20], $0x80, s17, s20, $0xb8;
	[tilespmem:$0x1F000] =	vst v63  }
0x13b: {  	_ =	swait.ge [sflag:s26], $0x3E80  }
0x13c: {  	[sflag:s26] =	ssyncset.done $0x0  }
0x13d: {  	[sflag:s26] =	ssyncadd.s32 $0xFFFFC180  }
0x13e: {  	_ =	swait.ge [sflag:s22], $0x3E80  }
0x13f: {  	[sflag:s22] =	ssyncset.done $0x0  }
0x140: {  	[sflag:s22] =	ssyncadd.s32 $0xFFFFC180  }
0x141: {  	[tilespmem:s23], [sflag:$0x2] =	stream.indirect.gather [hbm4b:s4+s20], $0x80, s28, s20, $0xb8;
	[tilespmem:$0x1F000] =	vst v63  }
0x142: {  	_ = 	snop  }
0x143: {  	[spmem:s2] =	stream.indirect.scatter.add.f32 [tilespmem:s21], [sflag:$0x3], $0x80, s29, s20, $0xb8;
	[tilespmem:$0x1F000] =	vst v63  }
0x144: {  	_ =	swait.ge [sflag:s24], $0x3E80  }
0x145: {  	[sflag:s24] =	ssyncset.done $0x0  }
0x146: {  	[sflag:s24] =	ssyncadd.s32 $0xFFFFC180  }
0x147: {  	[spmem:s2] =	stream.indirect.scatter.add.f32 [tilespmem:s23], [sflag:$0x4], $0x80, s30, s20, $0xb8;
	[tilespmem:$0x1F000] =	vst v63  }
0x148: {  	_ =	swait.ge [sflag:s25], $0x3E80  }
0x149: {  	[sflag:s25] =	ssyncset.done $0x0  }
0x14a: {  	[sflag:s25] =	ssyncadd.s32 $0xFFFFC180  }
0x14b: {  	[tilespmem:s21], [sflag:$0x1] =	stream.indirect.gather [hbm4b:s4+s20], $0x80, s31, s20, $0xb8;
	[tilespmem:$0x1F000] =	vst v63  }
0x14c: {  	_ =	swait.ge [sflag:s26], $0x3E80  }
0x14d: {  	[sflag:s26] =	ssyncset.done $0x0  }
0x14e: {  	[sflag:s26] =	ssyncadd.s32 $0xFFFFC180  }
0x14f: {  	_ =	swait.ge [sflag:s22], $0x3E80  }
0x150: {  	[sflag:s22] =	ssyncset.done $0x0  }
0x151: {  	[sflag:s22] =	ssyncadd.s32 $0xFFFFC180  }
0x152: {  	[tilespmem:s23], [sflag:$0x2] =	stream.indirect.gather [hbm4b:s4+s20], $0x80, s1, s20, $0xb8;
	[tilespmem:$0x1F000] =	vst v63  }
0x153: {  	_ = 	snop  }
0x154: {  	[spmem:s2] =	stream.indirect.scatter.add.f32 [tilespmem:s21], [sflag:$0x3], $0x80, s0, s20, $0xb8;
	[tilespmem:$0x1F000] =	vst v63  }
0x155: {  	_ =	swait.ge [sflag:s24], $0x3E80  }
0x156: {  	[sflag:s24] =	ssyncset.done $0x0  }
0x157: {  	[sflag:s24] =	ssyncadd.s32 $0xFFFFC180  }
0x158: {  	[spmem:s2] =	stream.indirect.scatter.add.f32 [tilespmem:s23], [sflag:$0x4], $0x80, s6, s20, $0xb8;
	[tilespmem:$0x1F000] =	vst v63  }
0x159: {  	_ =	swait.ge [sflag:s25], $0x3E80  }
0x15a: {  	[sflag:s25] =	ssyncset.done $0x0  }
0x15b: {  	[sflag:s25] =	ssyncadd.s32 $0xFFFFC180  }
0x15c: {  	[tilespmem:s21], [sflag:$0x1] =	stream.indirect.gather [hbm4b:s4+s20], $0x80, s7, s20, $0xb8;
	[tilespmem:$0x1F000] =	vst v63  }
0x15d: {  	_ =	swait.ge [sflag:s26], $0x3E80  }
0x15e: {  	[sflag:s26] =	ssyncset.done $0x0  }
0x15f: {  	[sflag:s26] =	ssyncadd.s32 $0xFFFFC180  }
0x160: {  	_ =	swait.ge [sflag:s22], $0x3E80  }
0x161: {  	[sflag:s22] =	ssyncset.done $0x0  }
0x162: {  	[sflag:s22] =	ssyncadd.s32 $0xFFFFC180  }
0x163: {  	[tilespmem:s23], [sflag:$0x2] =	stream.indirect.gather [hbm4b:s4+s20], $0x80, s8, s20, $0xb8;
	[tilespmem:$0x1F000] =	vst v63  }
0x164: {  	_ = 	snop  }
0x165: {  	[spmem:s2] =	stream.indirect.scatter.add.f32 [tilespmem:s21], [sflag:$0x3], $0x80, s9, s20, $0xb8;
	[tilespmem:$0x1F000] =	vst v63  }
0x166: {  	_ =	swait.ge [sflag:s24], $0x3E80  }
0x167: {  	[sflag:s24] =	ssyncset.done $0x0  }
0x168: {  	[sflag:s24] =	ssyncadd.s32 $0xFFFFC180  }
0x169: {  	[spmem:s2] =	stream.indirect.scatter.add.f32 [tilespmem:s23], [sflag:$0x4], $0x80, s10, s20, $0xb8;
	[tilespmem:$0x1F000] =	vst v63  }
0x16a: {  	_ =	swait.ge [sflag:s25], $0x3E80  }
0x16b: {  	[sflag:s25] =	ssyncset.done $0x0  }
0x16c: {  	[sflag:s25] =	ssyncadd.s32 $0xFFFFC180  }
0x16d: {  	[tilespmem:s21], [sflag:$0x1] =	stream.indirect.gather [hbm4b:s4+s20], $0x80, s11, s20, $0xb8;
	[tilespmem:$0x1F000] =	vst v63  }
0x16e: {  	_ =	swait.ge [sflag:s26], $0x3E80  }
0x16f: {  	[sflag:s26] =	ssyncset.done $0x0  }
0x170: {  	[sflag:s26] =	ssyncadd.s32 $0xFFFFC180  }
0x171: {  	_ =	swait.ge [sflag:s22], $0x3E80  }
0x172: {  	[sflag:s22] =	ssyncset.done $0x0  }
0x173: {  	[sflag:s22] =	ssyncadd.s32 $0xFFFFC180  }
0x174: {  	[tilespmem:s23], [sflag:$0x2] =	stream.indirect.gather [hbm4b:s4+s20], $0x80, s12, s20, $0xb8;
	[tilespmem:$0x1F000] =	vst v63  }
0x175: {  	_ = 	snop  }
0x176: {  	[spmem:s2] =	stream.indirect.scatter.add.f32 [tilespmem:s21], [sflag:$0x3], $0x80, s13, s20, $0xb8;
	[tilespmem:$0x1F000] =	vst v63  }
0x177: {  	_ =	swait.ge [sflag:s24], $0x3E80  }
0x178: {  	[sflag:s24] =	ssyncset.done $0x0  }
0x179: {  	p0 =	sne.s32 s5, $0x400;
	[sflag:s24] =	ssyncadd.s32 $0xFFFFC180  }
0x17a: {  	[spmem:s2] =	stream.indirect.scatter.add.f32 [tilespmem:s23], [sflag:$0x4], $0x80, s14, s20, $0xb8;
	[tilespmem:$0x1F000] =	vst v63  }
.Ltmp1:
0x17b: {  	_ =	swait.ge [sflag:s25], $0x3E80;
	(pc) =	sbr.rel @p0 .LBB2_4-.Ltmp1, $4  }
0x17c: {  	[sflag:s25] =	ssyncset.done $0x0  }
0x17d: {  	[sflag:s25] =	ssyncadd.s32 $0xFFFFC180  }
0x17e: {  	_ =	swait.ge [sflag:s26], $0x3E80  }
0x17f: {  	s5 =	sadd.s32 $0x100, s5;
	s17 =	rddreg [dreg:$0x4];
	[sflag:s26] =	ssyncset.done $0x0  }
0x180: {  	[sflag:s26] =	ssyncadd.s32 $0xFFFFC180;
	s5 =	sadd.s32 s16, s17  }
0x181: {  	[tilespmem:s3], [sflag:$0x5] =	stream.linear.gather [hbm4b:s5+s3], $0x800, $0x38;
	[tilespmem:$0x1F000] =	vst v63  }
0x182: {  	_ =	swait.ge [sflag:s18], $0x800  }
0x183: {  	s15 =	rddreg [dreg:$0x3];
	[sflag:s18] =	ssyncset.done $0x0  }
0x184: {  	[sflag:s18] =	ssyncadd.s32 $0xFFFFF800;
	s5 =	sadd.s32 s16, s15  }
0x185: {  	[tilespmem:s19], [sflag:$0x5] =	stream.linear.gather [hbm4b:s5+s3], $0x800, $0x38;
	[tilespmem:$0x1F000] =	vst v63  }
0x186: {  	_ =	swait.ge [sflag:s18], $0x800  }
0x187: {  	[sflag:s18] =	ssyncset.done $0x0  }
0x188: {  	[sflag:s18] =	ssyncadd.s32 $0xFFFFF800  }
0x189: {  	[tilespmem:s21], [sflag:$0x1] =	stream.indirect.gather [hbm4b:s4+s20], $0x80, s3, s20, $0xb8;
	[tilespmem:$0x1F000] =	vst v63  }
0x18a: {  	_ =	swait.ge [sflag:s22], $0x3E80  }
0x18b: {  	[sflag:s22] =	ssyncset.done $0x0  }
0x18c: {  	s17 =	rddreg [dreg:$0x5];
	[sflag:s22] =	ssyncadd.s32 $0xFFFFC180  }
0x18d: {  	[tilespmem:s23], [sflag:$0x2] =	stream.indirect.gather [hbm4b:s4+s20], $0x80, s17, s20, $0xb8;
	[tilespmem:$0x1F000] =	vst v63  }
0x18e: {  	_ = 	snop  }
0x18f: {  	[spmem:s2] =	stream.indirect.scatter.add.f32 [tilespmem:s21], [sflag:$0x3], $0x80, s19, s20, $0xb8;
	[tilespmem:$0x1F000] =	vst v63  }
0x190: {  	_ =	swait.ge [sflag:s24], $0x3E80  }
0x191: {  	[sflag:s24] =	ssyncset.done $0x0  }
0x192: {  	s15 =	rddreg [dreg:$0x6];
	[sflag:s24] =	ssyncadd.s32 $0xFFFFC180  }
0x193: {  	[spmem:s2] =	stream.indirect.scatter.add.f32 [tilespmem:s23], [sflag:$0x4], $0x80, s15, s20, $0xb8;
	[tilespmem:$0x1F000] =	vst v63  }
0x194: {  	_ =	swait.ge [sflag:s25], $0x3E80  }
0x195: {  	[sflag:s25] =	ssyncset.done $0x0  }
0x196: {  	s16 =	rddreg [dreg:$0x7];
	[sflag:s25] =	ssyncadd.s32 $0xFFFFC180  }
0x197: {  	[tilespmem:s21], [sflag:$0x1] =	stream.indirect.gather [hbm4b:s4+s20], $0x80, s16, s20, $0xb8;
	[tilespmem:$0x1F000] =	vst v63  }
0x198: {  	_ =	swait.ge [sflag:s26], $0x3E80  }
0x199: {  	[sflag:s26] =	ssyncset.done $0x0  }
0x19a: {  	[sflag:s26] =	ssyncadd.s32 $0xFFFFC180  }
0x19b: {  	_ =	swait.ge [sflag:s22], $0x3E80  }
0x19c: {  	[sflag:s22] =	ssyncset.done $0x0  }
0x19d: {  	s17 =	rddreg [dreg:$0x8];
	[sflag:s22] =	ssyncadd.s32 $0xFFFFC180  }
0x19e: {  	[tilespmem:s23], [sflag:$0x2] =	stream.indirect.gather [hbm4b:s4+s20], $0x80, s17, s20, $0xb8;
	[tilespmem:$0x1F000] =	vst v63  }
0x19f: {  	s15 =	rddreg [dreg:$0x9]  }
0x1a0: {  	[spmem:s2] =	stream.indirect.scatter.add.f32 [tilespmem:s21], [sflag:$0x3], $0x80, s15, s20, $0xb8;
	[tilespmem:$0x1F000] =	vst v63  }
0x1a1: {  	_ =	swait.ge [sflag:s24], $0x3E80  }
0x1a2: {  	[sflag:s24] =	ssyncset.done $0x0  }
0x1a3: {  	s16 =	rddreg [dreg:$0xa];
	[sflag:s24] =	ssyncadd.s32 $0xFFFFC180  }
0x1a4: {  	[spmem:s2] =	stream.indirect.scatter.add.f32 [tilespmem:s23], [sflag:$0x4], $0x80, s16, s20, $0xb8;
	[tilespmem:$0x1F000] =	vst v63  }
0x1a5: {  	_ =	swait.ge [sflag:s25], $0x3E80  }
0x1a6: {  	[sflag:s25] =	ssyncset.done $0x0  }
0x1a7: {  	s17 =	rddreg [dreg:$0xb];
	[sflag:s25] =	ssyncadd.s32 $0xFFFFC180  }
0x1a8: {  	[tilespmem:s21], [sflag:$0x1] =	stream.indirect.gather [hbm4b:s4+s20], $0x80, s17, s20, $0xb8;
	[tilespmem:$0x1F000] =	vst v63  }
0x1a9: {  	_ =	swait.ge [sflag:s26], $0x3E80  }
0x1aa: {  	[sflag:s26] =	ssyncset.done $0x0  }
0x1ab: {  	[sflag:s26] =	ssyncadd.s32 $0xFFFFC180  }
0x1ac: {  	_ =	swait.ge [sflag:s22], $0x3E80  }
0x1ad: {  	[sflag:s22] =	ssyncset.done $0x0  }
0x1ae: {  	s15 =	rddreg [dreg:$0xc];
	[sflag:s22] =	ssyncadd.s32 $0xFFFFC180  }
0x1af: {  	[tilespmem:s23], [sflag:$0x2] =	stream.indirect.gather [hbm4b:s4+s20], $0x80, s15, s20, $0xb8;
	[tilespmem:$0x1F000] =	vst v63  }
0x1b0: {  	s16 =	rddreg [dreg:$0xd]  }
0x1b1: {  	[spmem:s2] =	stream.indirect.scatter.add.f32 [tilespmem:s21], [sflag:$0x3], $0x80, s16, s20, $0xb8;
	[tilespmem:$0x1F000] =	vst v63  }
0x1b2: {  	_ =	swait.ge [sflag:s24], $0x3E80  }
0x1b3: {  	[sflag:s24] =	ssyncset.done $0x0  }
0x1b4: {  	s17 =	rddreg [dreg:$0xe];
	[sflag:s24] =	ssyncadd.s32 $0xFFFFC180  }
0x1b5: {  	[spmem:s2] =	stream.indirect.scatter.add.f32 [tilespmem:s23], [sflag:$0x4], $0x80, s17, s20, $0xb8;
	[tilespmem:$0x1F000] =	vst v63  }
0x1b6: {  	_ =	swait.ge [sflag:s25], $0x3E80  }
0x1b7: {  	[sflag:s25] =	ssyncset.done $0x0  }
0x1b8: {  	s15 =	rddreg [dreg:$0xf];
	[sflag:s25] =	ssyncadd.s32 $0xFFFFC180  }
0x1b9: {  	[tilespmem:s21], [sflag:$0x1] =	stream.indirect.gather [hbm4b:s4+s20], $0x80, s15, s20, $0xb8;
	[tilespmem:$0x1F000] =	vst v63  }
0x1ba: {  	_ =	swait.ge [sflag:s26], $0x3E80  }
0x1bb: {  	[sflag:s26] =	ssyncset.done $0x0  }
0x1bc: {  	[sflag:s26] =	ssyncadd.s32 $0xFFFFC180  }
0x1bd: {  	_ =	swait.ge [sflag:s22], $0x3E80  }
0x1be: {  	[sflag:s22] =	ssyncset.done $0x0  }
0x1bf: {  	s16 =	rddreg [dreg:$0x10];
	[sflag:s22] =	ssyncadd.s32 $0xFFFFC180  }
0x1c0: {  	[tilespmem:s23], [sflag:$0x2] =	stream.indirect.gather [hbm4b:s4+s20], $0x80, s16, s20, $0xb8;
	[tilespmem:$0x1F000] =	vst v63  }
0x1c1: {  	s17 =	rddreg [dreg:$0x11]  }
0x1c2: {  	[spmem:s2] =	stream.indirect.scatter.add.f32 [tilespmem:s21], [sflag:$0x3], $0x80, s17, s20, $0xb8;
	[tilespmem:$0x1F000] =	vst v63  }
0x1c3: {  	_ =	swait.ge [sflag:s24], $0x3E80  }
0x1c4: {  	[sflag:s24] =	ssyncset.done $0x0  }
0x1c5: {  	s15 =	rddreg [dreg:$0x12];
	[sflag:s24] =	ssyncadd.s32 $0xFFFFC180  }
0x1c6: {  	[spmem:s2] =	stream.indirect.scatter.add.f32 [tilespmem:s23], [sflag:$0x4], $0x80, s15, s20, $0xb8;
	[tilespmem:$0x1F000] =	vst v63  }
0x1c7: {  	_ =	swait.ge [sflag:s25], $0x3E80  }
0x1c8: {  	[sflag:s25] =	ssyncset.done $0x0  }
0x1c9: {  	s16 =	rddreg [dreg:$0x13];
	[sflag:s25] =	ssyncadd.s32 $0xFFFFC180  }
0x1ca: {  	[tilespmem:s21], [sflag:$0x1] =	stream.indirect.gather [hbm4b:s4+s20], $0x80, s16, s20, $0xb8;
	[tilespmem:$0x1F000] =	vst v63  }
0x1cb: {  	_ =	swait.ge [sflag:s26], $0x3E80  }
0x1cc: {  	[sflag:s26] =	ssyncset.done $0x0  }
0x1cd: {  	[sflag:s26] =	ssyncadd.s32 $0xFFFFC180  }
0x1ce: {  	_ =	swait.ge [sflag:s22], $0x3E80  }
0x1cf: {  	[sflag:s22] =	ssyncset.done $0x0  }
0x1d0: {  	[sflag:s22] =	ssyncadd.s32 $0xFFFFC180  }
0x1d1: {  	[tilespmem:s23], [sflag:$0x2] =	stream.indirect.gather [hbm4b:s4+s20], $0x80, s28, s20, $0xb8;
	[tilespmem:$0x1F000] =	vst v63  }
0x1d2: {  	_ = 	snop  }
0x1d3: {  	[spmem:s2] =	stream.indirect.scatter.add.f32 [tilespmem:s21], [sflag:$0x3], $0x80, s29, s20, $0xb8;
	[tilespmem:$0x1F000] =	vst v63  }
0x1d4: {  	_ =	swait.ge [sflag:s24], $0x3E80  }
0x1d5: {  	[sflag:s24] =	ssyncset.done $0x0  }
0x1d6: {  	[sflag:s24] =	ssyncadd.s32 $0xFFFFC180  }
0x1d7: {  	[spmem:s2] =	stream.indirect.scatter.add.f32 [tilespmem:s23], [sflag:$0x4], $0x80, s30, s20, $0xb8;
	[tilespmem:$0x1F000] =	vst v63  }
0x1d8: {  	_ =	swait.ge [sflag:s25], $0x3E80  }
0x1d9: {  	[sflag:s25] =	ssyncset.done $0x0  }
0x1da: {  	[sflag:s25] =	ssyncadd.s32 $0xFFFFC180  }
0x1db: {  	[tilespmem:s21], [sflag:$0x1] =	stream.indirect.gather [hbm4b:s4+s20], $0x80, s31, s20, $0xb8;
	[tilespmem:$0x1F000] =	vst v63  }
0x1dc: {  	_ =	swait.ge [sflag:s26], $0x3E80  }
0x1dd: {  	[sflag:s26] =	ssyncset.done $0x0  }
0x1de: {  	[sflag:s26] =	ssyncadd.s32 $0xFFFFC180  }
0x1df: {  	_ =	swait.ge [sflag:s22], $0x3E80  }
0x1e0: {  	[sflag:s22] =	ssyncset.done $0x0  }
0x1e1: {  	[sflag:s22] =	ssyncadd.s32 $0xFFFFC180  }
0x1e2: {  	[tilespmem:s23], [sflag:$0x2] =	stream.indirect.gather [hbm4b:s4+s20], $0x80, s1, s20, $0xb8;
	[tilespmem:$0x1F000] =	vst v63  }
0x1e3: {  	_ = 	snop  }
0x1e4: {  	[spmem:s2] =	stream.indirect.scatter.add.f32 [tilespmem:s21], [sflag:$0x3], $0x80, s0, s20, $0xb8;
	[tilespmem:$0x1F000] =	vst v63  }
0x1e5: {  	_ =	swait.ge [sflag:s24], $0x3E80  }
0x1e6: {  	[sflag:s24] =	ssyncset.done $0x0  }
0x1e7: {  	[sflag:s24] =	ssyncadd.s32 $0xFFFFC180  }
0x1e8: {  	[spmem:s2] =	stream.indirect.scatter.add.f32 [tilespmem:s23], [sflag:$0x4], $0x80, s6, s20, $0xb8;
	[tilespmem:$0x1F000] =	vst v63  }
0x1e9: {  	_ =	swait.ge [sflag:s25], $0x3E80  }
0x1ea: {  	[sflag:s25] =	ssyncset.done $0x0  }
0x1eb: {  	[sflag:s25] =	ssyncadd.s32 $0xFFFFC180  }
0x1ec: {  	[tilespmem:s21], [sflag:$0x1] =	stream.indirect.gather [hbm4b:s4+s20], $0x80, s7, s20, $0xb8;
	[tilespmem:$0x1F000] =	vst v63  }
0x1ed: {  	_ =	swait.ge [sflag:s26], $0x3E80  }
0x1ee: {  	[sflag:s26] =	ssyncset.done $0x0  }
0x1ef: {  	[sflag:s26] =	ssyncadd.s32 $0xFFFFC180  }
0x1f0: {  	_ =	swait.ge [sflag:s22], $0x3E80  }
0x1f1: {  	[sflag:s22] =	ssyncset.done $0x0  }
0x1f2: {  	[sflag:s22] =	ssyncadd.s32 $0xFFFFC180  }
0x1f3: {  	[tilespmem:s23], [sflag:$0x2] =	stream.indirect.gather [hbm4b:s4+s20], $0x80, s8, s20, $0xb8;
	[tilespmem:$0x1F000] =	vst v63  }
0x1f4: {  	_ = 	snop  }
0x1f5: {  	[spmem:s2] =	stream.indirect.scatter.add.f32 [tilespmem:s21], [sflag:$0x3], $0x80, s9, s20, $0xb8;
	[tilespmem:$0x1F000] =	vst v63  }
0x1f6: {  	_ =	swait.ge [sflag:s24], $0x3E80  }
0x1f7: {  	[sflag:s24] =	ssyncset.done $0x0  }
0x1f8: {  	[sflag:s24] =	ssyncadd.s32 $0xFFFFC180  }
0x1f9: {  	[spmem:s2] =	stream.indirect.scatter.add.f32 [tilespmem:s23], [sflag:$0x4], $0x80, s10, s20, $0xb8;
	[tilespmem:$0x1F000] =	vst v63  }
0x1fa: {  	_ =	swait.ge [sflag:s25], $0x3E80  }
0x1fb: {  	[sflag:s25] =	ssyncset.done $0x0  }
0x1fc: {  	[sflag:s25] =	ssyncadd.s32 $0xFFFFC180  }
0x1fd: {  	[tilespmem:s21], [sflag:$0x1] =	stream.indirect.gather [hbm4b:s4+s20], $0x80, s11, s20, $0xb8;
	[tilespmem:$0x1F000] =	vst v63  }
0x1fe: {  	_ =	swait.ge [sflag:s26], $0x3E80  }
0x1ff: {  	[sflag:s26] =	ssyncset.done $0x0  }
0x200: {  	[sflag:s26] =	ssyncadd.s32 $0xFFFFC180  }
0x201: {  	_ =	swait.ge [sflag:s22], $0x3E80  }
0x202: {  	[sflag:s22] =	ssyncset.done $0x0  }
0x203: {  	[sflag:s22] =	ssyncadd.s32 $0xFFFFC180  }
0x204: {  	[tilespmem:s23], [sflag:$0x2] =	stream.indirect.gather [hbm4b:s4+s20], $0x80, s12, s20, $0xb8;
	[tilespmem:$0x1F000] =	vst v63  }
0x205: {  	_ = 	snop  }
0x206: {  	[spmem:s2] =	stream.indirect.scatter.add.f32 [tilespmem:s21], [sflag:$0x3], $0x80, s13, s20, $0xb8;
	[tilespmem:$0x1F000] =	vst v63  }
0x207: {  	_ =	swait.ge [sflag:s24], $0x3E80  }
0x208: {  	[sflag:s24] =	ssyncset.done $0x0  }
0x209: {  	[sflag:s24] =	ssyncadd.s32 $0xFFFFC180  }
0x20a: {  	[spmem:s2] =	stream.indirect.scatter.add.f32 [tilespmem:s23], [sflag:$0x4], $0x80, s14, s20, $0xb8;
	[tilespmem:$0x1F000] =	vst v63  }
0x20b: {  	_ =	swait.ge [sflag:s25], $0x3E80  }
0x20c: {  	[sflag:s25] =	ssyncset.done $0x0  }
0x20d: {  	[sflag:s25] =	ssyncadd.s32 $0xFFFFC180  }
0x20e: {  	_ =	swait.ge [sflag:s26], $0x3E80  }
0x20f: {  	[sflag:s26] =	ssyncset.done $0x0  }
0x210: {  	[sflag:s26] =	ssyncadd.s32 $0xFFFFC180  }
0x211: {  	s17 =	stileid.u32;
	[bflag:$0x0] =	sbarrier.arrive $0xFFFF  }
0x212: {  	s5 =	sshll.u32 s17, $0x6;
	s17 =	rddreg [dreg:$0x14]  }
0x213: {  	s5 =	sor.u32 $0x1C05, s5;
	s16 =	rddreg [dreg:$0x15];
	s15 =	sshrl.u32 s17, $0x3  }
0x214: {  	[hbm:s16], [sflag:s5] =	dma.local [spmem:s15], $0x2800  }
0x215: {  	_ =	swait.ge [sflag:s18], $0x2800  }
0x216: {  	s5 =	sld [smem:$0x7FD];
	_ =	sdelay $0x2  }
0x217: {  	s16 =	rddreg [dreg:$0x16];
	s15 =	sadd.s32 $0x1, s5  }
0x218: {  	p0 =	sne.s32 s15, s16  }
.Ltmp2:
0x219: {  	_ = 	snop;
	(pc) =	sbr.rel @p0 .LBB2_1-.Ltmp2, $3  }
0x21a: {  	_ =	sdelay $0x1  }
0x21b: {  	[sflag:s18] =	ssyncset.done $0x0  }
0x21c: {  	[sflag:s18] =	ssyncadd.s32 $0xFFFFD800  }
0x21d: {  	_ =	sfence.sel $0x180000  }
0x21e: {  	[bflag:$0x0] =	sbarrier.arrive $0xFFFF  }
0x21f: {  	_ =	strace $0x9000004A  }
0x220: {  	s0 =	stileid.u32;
	[bflag:$0x2] =	sbarrier.arrive $0xFFFF  }
0x221: {  	p0 =	sne.s32 s0, $0x0;
	s0 =	rddreg [dreg:$0x2]  }
0x222: {  	s0 =	sadd.s32 @!p0 $0x100000, s0  }
0x223: {  	[sflag:s0] =	ssyncadd.tile.s32 @!p0 $0x1;
	_ =	shalt  }
.Lfunc_end2:
_tile_overlayer_lowered:
.L_overlay_start_2:
0x224: {  	(tag) =	ssettag $0x2  }
0x225: {  	s0 =	rddreg [dreg:$0x0];
	s2 =	stileid.u32  }
0x226: {  	s1 =	rddreg [dreg:$0x1];
	p0 =	sne.s32 s2, $0x0  }
0x227: {  	s3 =	rddreg [dreg:$0x2];
	[bflag:$0x3] =	sbarrier.arrive $0xFFFF;
	s2 =	simm.s32 @!p0 $0x1C05  }
0x228: {  	[timem:s3], [sflag:s2] =	dma.local @!p0 [hbm:s0], s1  }
0x229: {  	s0 =	simm.s32 @!p0 $0x5  }
0x22a: {  	_ =	swait.ge @!p0 [sflag:s0], s1  }
0x22b: {  	s1 =	ssub.s32 @!p0 $0x0, s1;
	[sflag:s0] =	ssyncset.done @!p0 $0x0  }
0x22c: {  	[sflag:s0] =	ssyncadd.s32 @!p0 s1  }
0x22d: {  	[bflag:$0x3] =	sbarrier.arrive $0xFFFF  }
0x22e: {  	_ =	shalt  }

// kernel: kernel.16.cloned.1.call-start
scs
__scs_entry_jumppad:
0x0: {  	(pc) =	sbr.rel $0x88, $3  }
0x1: {  	(tag) =	ssettag $0x0;
	lr =	simm.s32 $0x1  }
0x2: {  	[smem:$0x3F95] =	sst lr;
	_ =	strace $0xD0000000  }
0x3: {  	_ = 	snop  }
0x4: {  	_ = 	snop  }
0x5: {  	_ = 	snop  }
0x6: {  	_ = 	snop  }
0x7: {  	_ = 	snop  }
__scs_overlays_trampoline_lowered:
0x8: {  	[smem:$0x3FA4] =	sst s0  }
0x9: {  	[smem:$0x3FA5] =	sst s1  }
0xa: {  	[smem:$0x3FA6] =	sst s2  }
0xb: {  	[smem:$0x3FA7] =	sst s3  }
0xc: {  	[smem:$0x3FA8] =	sst s4  }
0xd: {  	[smem:$0x3FA9] =	sst s5  }
0xe: {  	[smem:$0x3FAA] =	sst s6  }
0xf: {  	[smem:$0x3FAB] =	sst s7  }
0x10: {  	[smem:$0x3FAC] =	sst s8  }
0x11: {  	[smem:$0x3FAD] =	sst s9;
	s0 =	simm.s32 @!p0 $0x0  }
0x12: {  	s1 =	sld [smem:$0x3F93];
	s0 =	simm.s32 @p0 $0x1  }
0x13: {  	[smem:$0x3FAE] =	sst s0;
	s0 =	simm.s32 @!p1 $0x0  }
0x14: {  	s2 =	sld [smem:$0x3F92];
	s0 =	simm.s32 @p1 $0x1  }
0x15: {  	[smem:$0x3FAF] =	sst s0;
	s0 =	simm.s32 @!p2 $0x0  }
0x16: {  	s3 =	sld [smem:$0x3FDB];
	s0 =	simm.s32 @p2 $0x1  }
0x17: {  	s4 =	simm.s32 $0x1BF5;
	[smem:$0x3FB1] =	sst s0  }
0x18: {  	s0 =	sld [smem:$0x3F94];
	_ =	swait.ge [sflag:s4], $0x0  }
0x19: {  	s7 =	sld [smem:$0x3F95]  }
0x1a: {  	s8 =	sadd.s32 $0xFFFFE003, lr  }
0x1b: {  	s9 =	sadd.s32 $0xFFFFFEF7, lr;
	s5 =	simm.s32 $0xFFFFFFFF;
	p2 =	slt.u32 s8, $0xFFFFF086  }
0x1c: {  	p1 =	slt.u32 s9, $0xF7A;
	s5 =	simm.s32 @!p2 $0x0  }
0x1d: {  	s5 =	simm.s32 @p1 $0x1;
	p0 =	seq.s32 s7, s2  }
0x1e: {  	s7 =	smul.u32 @!p0 $0xF7A, s2;
	p2 =	seq.s32 @!p0 s5, $0x0  }
0x1f: {  	s9 =	smul.u32 $0xF7A, s1;
	s8 =	simm.s32 @!p0 $0x1BF5;
	p2 =	por !p2, p0  }
0x20: {  	[sflag:s8] =	ssyncset.s32 @!p0 $0xFFFFF086;
	s6 =	sadd.s32 @!p0 s3, s7;
	s7 =	simm.s32 @!p0 $0x108  }
0x21: {  	s3 =	sadd.s32 s3, s9;
	s6 =	sadd.s32 @!p0 $0x88, s6;
	s7 =	simm.s32 @p2 $0x1082  }
0x22: {  	[simem:s7], [sflag:s8] =	dma.local @!p0 [hbm:s6], $0xF7A  }
0x23: {  	s9 =	sor.u32 $0xD0000000, s2;
	s6 =	simm.s32 $0x108;
	_ =	swait.ge @!p0 [sflag:s8], $0x0  }
0x24: {  	s3 =	sadd.s32 $0x88, s3;
	s6 =	simm.s32 @!p1 $0x1082;
	[sflag:s4] =	ssyncset.s32 $0xFFFFF086  }
0x25: {  	[simem:s6], [sflag:s4] =	dma.local [hbm:s3], $0xF7A  }
0x26: {  	[smem:$0x3F95] =	sst s1;
	(tag) =	ssettag s2;
	_ =	strace s9  }
0x27: {  	s1 =	sld [smem:$0x3FA5]  }
0x28: {  	s2 =	sld [smem:$0x3FA6]  }
0x29: {  	s4 =	sld [smem:$0x3FA8]  }
0x2a: {  	p0 =	seq.s32 s5, $0x0;
	s5 =	sld [smem:$0x3FA9]  }
0x2b: {  	s6 =	sld [smem:$0x3FAA]  }
0x2c: {  	s7 =	sld [smem:$0x3FAB]  }
0x2d: {  	s3 =	simm.s32 $0x108;
	s8 =	sld [smem:$0x3FAC]  }
0x2e: {  	s3 =	simm.s32 @!p0 $0x1082;
	s9 =	sld [smem:$0x3FAD]  }
0x2f: {  	lr =	sadd.s32 s0, s3;
	s0 =	sld [smem:$0x3FA4]  }
0x30: {  	s3 =	sld [smem:$0x3FA7]  }
0x31: {  	[smem:$0x3FB0] =	sst s10  }
0x32: {  	s10 =	sld [smem:$0x3FAE];
	_ =	sdelay $0x3  }
0x33: {  	p0 =	seq.s32 s10, $0x1;
	s10 =	sld [smem:$0x3FB0];
	_ =	sdelay $0x3  }
0x34: {  	[smem:$0x3FB0] =	sst s10  }
0x35: {  	s10 =	sld [smem:$0x3FAF];
	_ =	sdelay $0x3  }
0x36: {  	p1 =	seq.s32 s10, $0x1;
	s10 =	sld [smem:$0x3FB0];
	_ =	sdelay $0x3  }
0x37: {  	[smem:$0x3FB0] =	sst s10  }
0x38: {  	s10 =	sld [smem:$0x3FB1]  }
0x39: {  	_ = 	snop;
	(pc) =	sbr.ind lr, $3  }
0x3a: {  	_ = 	snop  }
0x3b: {  	_ = 	snop  }
0x3c: {  	p2 =	seq.s32 s10, $0x1;
	s10 =	sld [smem:$0x3FB0]  }
0x3d: {  	_ =	shalt  }
0x3e: {  	_ =	shalt  }
0x3f: {  	_ =	shalt  }
0x40: {  	_ =	shalt  }
0x41: {  	_ =	shalt  }
0x42: {  	_ =	shalt  }
0x43: {  	_ =	shalt  }
0x44: {  	_ =	shalt  }
0x45: {  	_ =	shalt  }
0x46: {  	_ =	shalt  }
0x47: {  	_ =	shalt  }
0x48: {  	_ =	shalt  }
0x49: {  	_ =	shalt  }
0x4a: {  	_ =	shalt  }
0x4b: {  	_ =	shalt  }
0x4c: {  	_ =	shalt  }
0x4d: {  	_ =	shalt  }
0x4e: {  	_ =	shalt  }
0x4f: {  	_ =	shalt  }
0x50: {  	_ =	shalt  }
0x51: {  	_ =	shalt  }
0x52: {  	_ =	shalt  }
0x53: {  	_ =	shalt  }
0x54: {  	_ =	shalt  }
0x55: {  	_ =	shalt  }
0x56: {  	_ =	shalt  }
0x57: {  	_ =	shalt  }
0x58: {  	_ =	shalt  }
0x59: {  	_ =	shalt  }
0x5a: {  	_ =	shalt  }
0x5b: {  	_ =	shalt  }
0x5c: {  	_ =	shalt  }
0x5d: {  	_ =	shalt  }
0x5e: {  	_ =	shalt  }
0x5f: {  	_ =	shalt  }
0x60: {  	_ =	shalt  }
0x61: {  	_ =	shalt  }
0x62: {  	_ =	shalt  }
0x63: {  	_ =	shalt  }
0x64: {  	_ =	shalt  }
0x65: {  	_ =	shalt  }
0x66: {  	_ =	shalt  }
0x67: {  	_ =	shalt  }
0x68: {  	_ =	shalt  }
0x69: {  	_ =	shalt  }
0x6a: {  	_ =	shalt  }
0x6b: {  	_ =	shalt  }
0x6c: {  	_ =	shalt  }
0x6d: {  	_ =	shalt  }
0x6e: {  	_ =	shalt  }
0x6f: {  	_ =	shalt  }
0x70: {  	_ =	shalt  }
0x71: {  	_ =	shalt  }
0x72: {  	_ =	shalt  }
0x73: {  	_ =	shalt  }
0x74: {  	_ =	shalt  }
0x75: {  	_ =	shalt  }
0x76: {  	_ =	shalt  }
0x77: {  	_ =	shalt  }
0x78: {  	_ =	shalt  }
0x79: {  	_ =	shalt  }
0x7a: {  	_ =	shalt  }
0x7b: {  	_ =	shalt  }
0x7c: {  	_ =	shalt  }
0x7d: {  	_ =	shalt  }
0x7e: {  	_ =	shalt  }
0x7f: {  	_ =	shalt  }
0x80: {  	_ =	shalt  }
0x81: {  	_ =	shalt  }
0x82: {  	_ =	shalt  }
0x83: {  	_ =	shalt  }
0x84: {  	_ =	shalt  }
0x85: {  	_ =	shalt  }
0x86: {  	_ =	shalt  }
0x87: {  	_ =	shalt  }
.Lfunc_end0:
.L_simem_size_0:
called_computation.2_lowered:
.L_overlay_start_0:
0x88: {  	s2 =	sld [smem:$0x3FD9]  }
0x89: {  	s3 =	sld [smem:$0x3FFE];
	_ =	sdelay $0x1  }
0x8a: {  	s1 =	srdreg.scid  }
0x8b: {  	s0 =	sand.u32 $0x1, s1  }
0x8c: {  	s16 =	sshll.u32 s0, $0xA;
	s2 =	sadd.s32 s3, s2  }
0x8d: {  	s2 =	sadd.s32 s2, s16  }
0x8e: {  	[smem:$0x3FBC] =	sst s2  }
0x8f: {  	_ = 	snop  }
0x90: {  	(tm) =	ssettm $0x1  }
0x91: {  	s17 =	sld [smem:$0x3FFB];
	_ =	sdelay $0x3  }
0x92: {  	_ =	strace s17  }
0x93: {  	s2 =	sld [smem:$0x3FFC];
	_ =	sdelay $0x3  }
0x94: {  	_ =	strace s2  }
0x95: {  	s2 =	sld [smem:$0x3FFD];
	_ =	sdelay $0x3  }
0x96: {  	_ =	strace s2  }
0x97: {  	_ =	strace $0x8FFFFFFF  }
0x98: {  	s18 =	sld [smem:$0x3FDB];
	_ =	sdelay $0x1  }
0x99: {  	s19 =	simm.s32 $_scs_section_size  }
0x9a: {  	s4 =	simm.s32 $_size__tile_overlayer_lowered;
	s5 =	simm.s32 $_tile_overlayer_lowered  }
0x9b: {  	s22 =	simm.s32 $0x1BFF;
	s21 =	sshll.u32 s5, $0x1;
	s2 =	sadd.s32 s19, s18  }
0x9c: {  	s6 =	simm.s32 $0x0;
	s20 =	sshll.u32 s4, $0x1;
	s4 =	sadd.s32 s21, s2  }
0x9d: {  	[timem:s6], [sflag:s22] =	dma.local [hbm:s4], s20  }
0x9e: {  	_ =	swait.ge [sflag:s22], s20  }
0x9f: {  	s3 =	ssub.s32 $0x0, s20;
	[sflag:s22] =	ssyncset.done $0x0  }
0xa0: {  	[sflag:s22] =	ssyncadd.s32 s3;
	_ =	sdelay $0x1  }
0xa1: {  	s23 =	simm.s32 $0x1B8B  }
0xa2: {  	_ =	swait.ge [sflag:s23], $0x1  }
0xa3: {  	[sflag:s23] =	ssyncset.done $0x0  }
0xa4: {  	s25 =	simm.s32 $0x1B8E;
	s24 =	sld [smem:$0x3FFE];
	[sflag:s23] =	ssyncadd.s32 $0xFFFFFFFF  }
0xa5: {  	s26 =	simm.s32 $execute0_lowered;
	[smem:$0x3FD2] =	sst s25  }
0xa6: {  	s4 =	sshll.u32 s26, $0x1;
	_ =	strace $0x8000004C;
	[dreg:$0x1] =	wrdreg $0xFFFFFFFF  }
0xa7: {  	s28 =	simm.s32 $_size_execute0_lowered;
	s2 =	sadd.s32 s2, s4;
	[dreg:$0x0] =	wrdreg $0x0  }
0xa8: {  	s4 =	sshll.u32 s28, $0x1;
	[dreg:$0x2] =	wrdreg s2  }
0xa9: {  	[dreg:$0x3] =	wrdreg s4  }
0xaa: {  	[dreg:$0x4] =	wrdreg $0xC0  }
0xab: {  	_ =	task [dreg:s6], $0x5FFFF  }
0xac: {  	[dreg:$0x1] =	wrdreg $0xFFFFFFFF  }
0xad: {  	[dreg:$0x0] =	wrdreg $0x60  }
0xae: {  	[dreg:$0x2] =	wrdreg s24  }
0xaf: {  	[dreg:$0x3] =	wrdreg $0xB0000  }
0xb0: {  	[dreg:$0x4] =	wrdreg $0x9  }
0xb1: {  	_ =	task.clear_ibuf [dreg:s6], $0x5FFFF;
	_ =	strace $0x9000004C  }
0xb2: {  	s29 =	simm.s32 $0x9;
	_ =	strace $0x8000004E  }
0xb3: {  	_ =	swait.ge [sflag:s29], $0x1  }
0xb4: {  	[sflag:s29] =	ssyncadd.s32 $0xFFFFFFFF  }
0xb5: {  	_ =	strace $0x9000004E  }
0xb6: {  	_ =	sfence  }
0xb7: {  	s30 =	sld [smem:$0x0];
	_ =	sdelay $0x2  }
0xb8: {  	s31 =	sshll.u32 s1, $0xD;
	s1 =	sshrl.u32 s1, $0x2  }
0xb9: {  	s3 =	sand.u32 $0x4000, s31;
	s1 =	sadd.s32 s1, s30  }
0xba: {  	s0 =	sor.u32 s3, s0;
	s1 =	sshll.u32 s1, $0x11  }
0xbb: {  	s0 =	sor.u32 s1, s0  }
0xbc: {  	s0 =	sadd.s32 $0x8F2B, s0  }
0xbd: {  	[sflag:s0] =	ssyncadd.remote.s32 $0x1  }
0xbe: {  	_ =	sfence.sel $0xFFFF  }
0xbf: {  	[dreg:$0x0] =	wrdreg $0xFFFFFFFF;
	(pc) =	sbr.abs _section_cstart, $3  }
0xc0: {  	[dreg:$0x1] =	wrdreg $0xFFFFFFFF  }
0xc1: {  	_ =	task.clear_ibuf [dreg:s6], $0x2FFFF;
	_ =	strace $0x9FFFFFFF  }
0xc2: {  	(tm) =	ssettm $0x7FFFFFFF  }
0xc3: {  	_ =	shalt  }
tec
execute0_lowered:
.L_overlay_start_1:
0x0: {  	(tag) =	ssettag $0x1  }
0x1: {  	s0 =	srdreg.scid;
	s8 =	stileid.u32  }
0x2: {  	s1 =	rddreg [dreg:$0x0];
	s5 =	smul.u32 $0x2800, s8  }
0x3: {  	s2 =	rddreg [dreg:$0x1];
	s3 =	simm.s32 $0x0;
	s6 =	smul.u32 $0x28000, s8  }
0x4: {  	s31 =	simm.s32 $0x80;
	s0 =	sand.u32 $0x1, s0;
	s8 =	smul.u32 $0x50000, s8  }
0x5: {  	s29 =	simm.s32 $0x5000;
	s30 =	simm.s32 $0x2;
	s4 =	smul.u32 $0x28000, s0  }
0x6: {  	[smem:$0x7FF] =	sst s3;
	s15 =	smul.u32 $0x280000, s0;
	s0 =	ssub.s32 $0x2, s0  }
0x7: {  	_ =	strace $0x8000004D;
	s9 =	sshrl.u32 s0, $0x1;
	s16 =	sshrl.u32 s8, $0x2  }
0x8: {  	s4 =	sadd.s32 s5, s4;
	s6 =	sadd.s32 s6, s15;
	s5 =	sadd.s32 $0x68600, s1  }
0x9: {  	s0 =	ssub.s32 s0, s9;
	s4 =	sshrl.u32 s4, $0x3;
	s6 =	sshrl.u32 s6, $0x3  }
0xa: {  	s0 =	smax.u32 s0, $0x1;
	s7 =	sadd.s32 s4, s1;
	s4 =	sadd.s32 $0xE600, s1  }
0xb: {  	s1 =	sadd.s32 s6, s1;
	s6 =	sadd.s32 s16, s2;
	[dreg:$0x6] =	wrdreg s0  }
0xc: {  	s10 =	simm.s32 $0x180;
	s17 =	sadd.s32 $0x8F800, s1;
	[dreg:$0x3] =	wrdreg s6  }
0xd: {  	s11 =	simm.s32 $0x900;
	s1 =	sadd.s32 $0x8F880, s1;
	[dreg:$0x4] =	wrdreg s17  }
0xe: {  	s12 =	simm.s32 $0x980;
	s18 =	sadd.s32 $0x2000, s6;
	[dreg:$0x5] =	wrdreg s1  }
0xf: {  	s13 =	simm.s32 $0x200;
	s19 =	sadd.s32 $0x4000, s6;
	[dreg:$0x7] =	wrdreg s18  }
0x10: {  	s14 =	simm.s32 $0x280;
	s20 =	sadd.s32 $0x6000, s6;
	[dreg:$0x8] =	wrdreg s19  }
0x11: {  	s28 =	simm.s32 $0xB00;
	s21 =	sadd.s32 $0x8000, s6;
	[dreg:$0x9] =	wrdreg s20  }
0x12: {  	s8 =	simm.s32 $0x880;
	s22 =	sadd.s32 $0xA000, s6;
	[dreg:$0xa] =	wrdreg s21  }
0x13: {  	s15 =	simm.s32 $0xA00;
	s23 =	sadd.s32 $0xC000, s6;
	[dreg:$0xb] =	wrdreg s22  }
0x14: {  	s16 =	simm.s32 $0xA80;
	s24 =	sadd.s32 $0xE000, s6;
	[dreg:$0xc] =	wrdreg s23  }
0x15: {  	s25 =	sadd.s32 $0x10000, s6;
	s26 =	sadd.s32 $0x12000, s6;
	[dreg:$0xd] =	wrdreg s24  }
0x16: {  	s9 =	sadd.s32 $0x5E600, s7;
	s6 =	simm.s32 $0x0;
	[dreg:$0xe] =	wrdreg s25  }
0x17: {  	[dreg:$0xf] =	wrdreg s26;
	s19 =	sadd.s32 $0x4600, s7;
	s22 =	simm.s32 $0x5  }
0x18: {  	s23 =	simm.s32 $0x800;
	s24 =	simm.s32 $0x7D;
	s25 =	simm.s32 $0x1000  }
0x19: {  	s26 =	simm.s32 $0x1;
	s1 =	simm.s32 $0x3;
	s20 =	simm.s32 $0x100  }
0x1a: {  	v0 =	vimm.f32 $0.0e+00;
	s7 =	simm.s32 $0x4;
	s17 =	simm.s32 $0x300;
	s18 =	simm.s32 $0x380  }
.LBB2_1:
0x1b: {  	[dreg:$0x10] =	wrdreg s6;
	s6 =	simm.s32 $0x0;
	s21 =	simm.s32 $0x200  }
.LBB2_2:
0x1c: {  	p0 =	sne.s32 s21, $0x7E00;
	[tilespmem:s6+$0x9070] =	vst v0  }
0x1d: {  	[tilespmem:s6+$0x9000] =	vst v0  }
0x1e: {  	[tilespmem:s6+$0x9010] =	vst v0  }
.Ltmp0:
0x1f: {  	[tilespmem:s6+$0x9020] =	vst v0;
	(pc) =	sbr.rel @p0 .LBB2_2-.Ltmp0, $4  }
0x20: {  	[tilespmem:s6+$0x9030] =	vst v0  }
0x21: {  	[tilespmem:s6+$0x9040] =	vst v0  }
0x22: {  	[tilespmem:s6+$0x9050] =	vst v0  }
0x23: {  	[tilespmem:s6+$0x9060] =	vst v0;
	s6 =	sshra.s32 s21, $0x2;
	s21 =	sadd.s32 $0x200, s21  }
0x24: {  	[tilespmem:s6+$0x9070] =	vst v0  }
0x25: {  	[tilespmem:s6+$0x9000] =	vst v0  }
0x26: {  	[tilespmem:s6+$0x9010] =	vst v0  }
0x27: {  	[tilespmem:s6+$0x9020] =	vst v0  }
0x28: {  	[tilespmem:s6+$0x9030] =	vst v0  }
0x29: {  	[tilespmem:s6+$0x9040] =	vst v0  }
0x2a: {  	[tilespmem:s6+$0x9050] =	vst v0  }
0x2b: {  	[tilespmem:s6+$0x9060] =	vst v0;
	s0 =	rddreg [dreg:$0x3];
	s6 =	simm.s32 $0x9000  }
0x2c: {  	[spmem:s0] =	stream.linear.scatter [tilespmem:s6], [sflag:$0x5], $0x2000, $0x38;
	[tilespmem:$0x1F000] =	vst v63  }
0x2d: {  	_ =	swait.ge [sflag:s22], $0x2000  }
0x2e: {  	[sflag:s22] =	ssyncset.done $0x0  }
0x2f: {  	s21 =	rddreg [dreg:$0x7];
	[sflag:s22] =	ssyncadd.s32 $0xFFFFE000  }
0x30: {  	[spmem:s21] =	stream.linear.scatter [tilespmem:s6], [sflag:$0x5], $0x2000, $0x38;
	[tilespmem:$0x1F000] =	vst v63  }
0x31: {  	_ =	swait.ge [sflag:s22], $0x2000  }
0x32: {  	[sflag:s22] =	ssyncset.done $0x0  }
0x33: {  	s21 =	rddreg [dreg:$0x8];
	[sflag:s22] =	ssyncadd.s32 $0xFFFFE000  }
0x34: {  	[spmem:s21] =	stream.linear.scatter [tilespmem:s6], [sflag:$0x5], $0x2000, $0x38;
	[tilespmem:$0x1F000] =	vst v63  }
0x35: {  	_ =	swait.ge [sflag:s22], $0x2000  }
0x36: {  	[sflag:s22] =	ssyncset.done $0x0  }
0x37: {  	s21 =	rddreg [dreg:$0x9];
	[sflag:s22] =	ssyncadd.s32 $0xFFFFE000  }
0x38: {  	[spmem:s21] =	stream.linear.scatter [tilespmem:s6], [sflag:$0x5], $0x2000, $0x38;
	[tilespmem:$0x1F000] =	vst v63  }
0x39: {  	_ =	swait.ge [sflag:s22], $0x2000  }
0x3a: {  	[sflag:s22] =	ssyncset.done $0x0  }
0x3b: {  	s21 =	rddreg [dreg:$0xa];
	[sflag:s22] =	ssyncadd.s32 $0xFFFFE000  }
0x3c: {  	[spmem:s21] =	stream.linear.scatter [tilespmem:s6], [sflag:$0x5], $0x2000, $0x38;
	[tilespmem:$0x1F000] =	vst v63  }
0x3d: {  	_ =	swait.ge [sflag:s22], $0x2000  }
0x3e: {  	[sflag:s22] =	ssyncset.done $0x0  }
0x3f: {  	s21 =	rddreg [dreg:$0xb];
	[sflag:s22] =	ssyncadd.s32 $0xFFFFE000  }
0x40: {  	[spmem:s21] =	stream.linear.scatter [tilespmem:s6], [sflag:$0x5], $0x2000, $0x38;
	[tilespmem:$0x1F000] =	vst v63  }
0x41: {  	_ =	swait.ge [sflag:s22], $0x2000  }
0x42: {  	[sflag:s22] =	ssyncset.done $0x0  }
0x43: {  	s21 =	rddreg [dreg:$0xc];
	[sflag:s22] =	ssyncadd.s32 $0xFFFFE000  }
0x44: {  	[spmem:s21] =	stream.linear.scatter [tilespmem:s6], [sflag:$0x5], $0x2000, $0x38;
	[tilespmem:$0x1F000] =	vst v63  }
0x45: {  	_ =	swait.ge [sflag:s22], $0x2000  }
0x46: {  	[sflag:s22] =	ssyncset.done $0x0  }
0x47: {  	s21 =	rddreg [dreg:$0xd];
	[sflag:s22] =	ssyncadd.s32 $0xFFFFE000  }
0x48: {  	[spmem:s21] =	stream.linear.scatter [tilespmem:s6], [sflag:$0x5], $0x2000, $0x38;
	[tilespmem:$0x1F000] =	vst v63  }
0x49: {  	_ =	swait.ge [sflag:s22], $0x2000  }
0x4a: {  	[sflag:s22] =	ssyncset.done $0x0  }
0x4b: {  	s21 =	rddreg [dreg:$0xe];
	[sflag:s22] =	ssyncadd.s32 $0xFFFFE000  }
0x4c: {  	[spmem:s21] =	stream.linear.scatter [tilespmem:s6], [sflag:$0x5], $0x2000, $0x38;
	[tilespmem:$0x1F000] =	vst v63  }
0x4d: {  	_ =	swait.ge [sflag:s22], $0x2000  }
0x4e: {  	[sflag:s22] =	ssyncset.done $0x0  }
0x4f: {  	s21 =	rddreg [dreg:$0xf];
	[sflag:s22] =	ssyncadd.s32 $0xFFFFE000  }
0x50: {  	[spmem:s21] =	stream.linear.scatter [tilespmem:s6], [sflag:$0x5], $0x2000, $0x38;
	[tilespmem:$0x1F000] =	vst v63  }
0x51: {  	_ =	swait.ge [sflag:s22], $0x2000  }
0x52: {  	[sflag:s22] =	ssyncset.done $0x0  }
0x53: {  	[sflag:s22] =	ssyncadd.s32 $0xFFFFE000  }
0x54: {  	s0 =	sadd.s32 $0x0, s9;
	[bflag:$0x0] =	sbarrier.arrive $0xFFFF  }
0x55: {  	[tilespmem:s3], [sflag:$0x5] =	stream.linear.gather [hbm4b:s0+s3], $0x800, $0x38;
	[tilespmem:$0x1F000] =	vst v63  }
0x56: {  	_ =	swait.ge [sflag:s22], $0x800  }
0x57: {  	[sflag:s22] =	ssyncset.done $0x0  }
0x58: {  	s21 =	sadd.s32 $0x0, s19;
	[sflag:s22] =	ssyncadd.s32 $0xFFFFF800  }
0x59: {  	[tilespmem:s23], [sflag:$0x5] =	stream.linear.gather [hbm4b:s21+s3], $0x800, $0x38;
	[tilespmem:$0x1F000] =	vst v63  }
0x5a: {  	_ =	swait.ge [sflag:s22], $0x800  }
0x5b: {  	[sflag:s22] =	ssyncset.done $0x0  }
0x5c: {  	[sflag:s22] =	ssyncadd.s32 $0xFFFFF800  }
0x5d: {  	[tilespmem:s25], [sflag:$0x1] =	stream.indirect.gather [hbm4b:s4+s24], $0x80, s3, s24, $0xb8;
	[tilespmem:$0x1F000] =	vst v63  }
0x5e: {  	_ =	swait.ge [sflag:s26], $0x3E80  }
0x5f: {  	[sflag:s26] =	ssyncset.done $0x0  }
0x60: {  	[sflag:s26] =	ssyncadd.s32 $0xFFFFC180  }
0x61: {  	[tilespmem:s29], [sflag:$0x2] =	stream.indirect.gather [hbm4b:s4+s24], $0x80, s31, s24, $0xb8;
	[tilespmem:$0x1F000] =	vst v63  }
0x62: {  	_ = 	snop  }
0x63: {  	[spmem:s2] =	stream.indirect.scatter.add.f32 [tilespmem:s25], [sflag:$0x3], $0x80, s23, s24, $0xb8;
	[tilespmem:$0x1F000] =	vst v63  }
0x64: {  	_ =	swait.ge [sflag:s30], $0x3E80  }
0x65: {  	[sflag:s30] =	ssyncset.done $0x0  }
0x66: {  	[sflag:s30] =	ssyncadd.s32 $0xFFFFC180  }
0x67: {  	[spmem:s2] =	stream.indirect.scatter.add.f32 [tilespmem:s29], [sflag:$0x4], $0x80, s8, s24, $0xb8;
	[tilespmem:$0x1F000] =	vst v63  }
0x68: {  	_ =	swait.ge [sflag:s1], $0x3E80  }
0x69: {  	[sflag:s1] =	ssyncset.done $0x0  }
0x6a: {  	[sflag:s1] =	ssyncadd.s32 $0xFFFFC180  }
0x6b: {  	[tilespmem:s25], [sflag:$0x1] =	stream.indirect.gather [hbm4b:s4+s24], $0x80, s20, s24, $0xb8;
	[tilespmem:$0x1F000] =	vst v63  }
0x6c: {  	_ =	swait.ge [sflag:s7], $0x3E80  }
0x6d: {  	[sflag:s7] =	ssyncset.done $0x0  }
0x6e: {  	[sflag:s7] =	ssyncadd.s32 $0xFFFFC180  }
0x6f: {  	_ =	swait.ge [sflag:s26], $0x3E80  }
0x70: {  	[sflag:s26] =	ssyncset.done $0x0  }
0x71: {  	[sflag:s26] =	ssyncadd.s32 $0xFFFFC180  }
0x72: {  	[tilespmem:s29], [sflag:$0x2] =	stream.indirect.gather [hbm4b:s4+s24], $0x80, s10, s24, $0xb8;
	[tilespmem:$0x1F000] =	vst v63  }
0x73: {  	_ = 	snop  }
0x74: {  	[spmem:s2] =	stream.indirect.scatter.add.f32 [tilespmem:s25], [sflag:$0x3], $0x80, s11, s24, $0xb8;
	[tilespmem:$0x1F000] =	vst v63  }
0x75: {  	_ =	swait.ge [sflag:s30], $0x3E80  }
0x76: {  	[sflag:s30] =	ssyncset.done $0x0  }
0x77: {  	[sflag:s30] =	ssyncadd.s32 $0xFFFFC180  }
0x78: {  	[spmem:s2] =	stream.indirect.scatter.add.f32 [tilespmem:s29], [sflag:$0x4], $0x80, s12, s24, $0xb8;
	[tilespmem:$0x1F000] =	vst v63  }
0x79: {  	_ =	swait.ge [sflag:s1], $0x3E80  }
0x7a: {  	[sflag:s1] =	ssyncset.done $0x0  }
0x7b: {  	[sflag:s1] =	ssyncadd.s32 $0xFFFFC180  }
0x7c: {  	[tilespmem:s25], [sflag:$0x1] =	stream.indirect.gather [hbm4b:s4+s24], $0x80, s13, s24, $0xb8;
	[tilespmem:$0x1F000] =	vst v63  }
0x7d: {  	_ =	swait.ge [sflag:s7], $0x3E80  }
0x7e: {  	[sflag:s7] =	ssyncset.done $0x0  }
0x7f: {  	[sflag:s7] =	ssyncadd.s32 $0xFFFFC180  }
0x80: {  	_ =	swait.ge [sflag:s26], $0x3E80  }
0x81: {  	[sflag:s26] =	ssyncset.done $0x0  }
0x82: {  	[sflag:s26] =	ssyncadd.s32 $0xFFFFC180  }
0x83: {  	[tilespmem:s29], [sflag:$0x2] =	stream.indirect.gather [hbm4b:s4+s24], $0x80, s14, s24, $0xb8;
	[tilespmem:$0x1F000] =	vst v63  }
0x84: {  	_ = 	snop  }
0x85: {  	[spmem:s2] =	stream.indirect.scatter.add.f32 [tilespmem:s25], [sflag:$0x3], $0x80, s15, s24, $0xb8;
	[tilespmem:$0x1F000] =	vst v63  }
0x86: {  	_ =	swait.ge [sflag:s30], $0x3E80  }
0x87: {  	[sflag:s30] =	ssyncset.done $0x0  }
0x88: {  	[sflag:s30] =	ssyncadd.s32 $0xFFFFC180  }
0x89: {  	[spmem:s2] =	stream.indirect.scatter.add.f32 [tilespmem:s29], [sflag:$0x4], $0x80, s16, s24, $0xb8;
	[tilespmem:$0x1F000] =	vst v63  }
0x8a: {  	_ =	swait.ge [sflag:s1], $0x3E80  }
0x8b: {  	[sflag:s1] =	ssyncset.done $0x0  }
0x8c: {  	[sflag:s1] =	ssyncadd.s32 $0xFFFFC180  }
0x8d: {  	[tilespmem:s25], [sflag:$0x1] =	stream.indirect.gather [hbm4b:s4+s24], $0x80, s17, s24, $0xb8;
	[tilespmem:$0x1F000] =	vst v63  }
0x8e: {  	_ =	swait.ge [sflag:s7], $0x3E80  }
0x8f: {  	[sflag:s7] =	ssyncset.done $0x0  }
0x90: {  	[sflag:s7] =	ssyncadd.s32 $0xFFFFC180  }
0x91: {  	_ =	swait.ge [sflag:s26], $0x3E80  }
0x92: {  	[sflag:s26] =	ssyncset.done $0x0  }
0x93: {  	[sflag:s26] =	ssyncadd.s32 $0xFFFFC180  }
0x94: {  	[tilespmem:s29], [sflag:$0x2] =	stream.indirect.gather [hbm4b:s4+s24], $0x80, s18, s24, $0xb8;
	[tilespmem:$0x1F000] =	vst v63  }
0x95: {  	_ = 	snop  }
0x96: {  	[spmem:s2] =	stream.indirect.scatter.add.f32 [tilespmem:s25], [sflag:$0x3], $0x80, s28, s24, $0xb8;
	[tilespmem:$0x1F000] =	vst v63  }
0x97: {  	_ =	swait.ge [sflag:s30], $0x3E80  }
0x98: {  	[sflag:s30] =	ssyncset.done $0x0  }
0x99: {  	s31 =	simm.s32 $0xB80;
	[sflag:s30] =	ssyncadd.s32 $0xFFFFC180  }
0x9a: {  	[spmem:s2] =	stream.indirect.scatter.add.f32 [tilespmem:s29], [sflag:$0x4], $0x80, s31, s24, $0xb8;
	[tilespmem:$0x1F000] =	vst v63  }
0x9b: {  	_ =	swait.ge [sflag:s1], $0x3E80  }
0x9c: {  	[sflag:s1] =	ssyncset.done $0x0  }
0x9d: {  	s6 =	simm.s32 $0x400;
	[sflag:s1] =	ssyncadd.s32 $0xFFFFC180  }
0x9e: {  	[tilespmem:s25], [sflag:$0x1] =	stream.indirect.gather [hbm4b:s4+s24], $0x80, s6, s24, $0xb8;
	[tilespmem:$0x1F000] =	vst v63  }
0x9f: {  	_ =	swait.ge [sflag:s7], $0x3E80  }
0xa0: {  	[sflag:s7] =	ssyncset.done $0x0  }
0xa1: {  	[sflag:s7] =	ssyncadd.s32 $0xFFFFC180  }
0xa2: {  	_ =	swait.ge [sflag:s26], $0x3E80  }
0xa3: {  	[sflag:s26] =	ssyncset.done $0x0  }
0xa4: {  	s8 =	simm.s32 $0x480;
	[sflag:s26] =	ssyncadd.s32 $0xFFFFC180  }
0xa5: {  	[tilespmem:s29], [sflag:$0x2] =	stream.indirect.gather [hbm4b:s4+s24], $0x80, s8, s24, $0xb8;
	[tilespmem:$0x1F000] =	vst v63  }
0xa6: {  	s10 =	simm.s32 $0xC00  }
0xa7: {  	[spmem:s2] =	stream.indirect.scatter.add.f32 [tilespmem:s25], [sflag:$0x3], $0x80, s10, s24, $0xb8;
	[tilespmem:$0x1F000] =	vst v63  }
0xa8: {  	_ =	swait.ge [sflag:s30], $0x3E80  }
0xa9: {  	[sflag:s30] =	ssyncset.done $0x0  }
0xaa: {  	s11 =	simm.s32 $0xC80;
	[sflag:s30] =	ssyncadd.s32 $0xFFFFC180  }
0xab: {  	[spmem:s2] =	stream.indirect.scatter.add.f32 [tilespmem:s29], [sflag:$0x4], $0x80, s11, s24, $0xb8;
	[tilespmem:$0x1F000] =	vst v63  }
0xac: {  	_ =	swait.ge [sflag:s1], $0x3E80  }
0xad: {  	[sflag:s1] =	ssyncset.done $0x0  }
0xae: {  	s12 =	simm.s32 $0x500;
	[sflag:s1] =	ssyncadd.s32 $0xFFFFC180  }
0xaf: {  	[tilespmem:s25], [sflag:$0x1] =	stream.indirect.gather [hbm4b:s4+s24], $0x80, s12, s24, $0xb8;
	[tilespmem:$0x1F000] =	vst v63  }
0xb0: {  	_ =	swait.ge [sflag:s7], $0x3E80  }
0xb1: {  	[sflag:s7] =	ssyncset.done $0x0  }
0xb2: {  	[sflag:s7] =	ssyncadd.s32 $0xFFFFC180  }
0xb3: {  	_ =	swait.ge [sflag:s26], $0x3E80  }
0xb4: {  	[sflag:s26] =	ssyncset.done $0x0  }
0xb5: {  	s13 =	simm.s32 $0x580;
	[sflag:s26] =	ssyncadd.s32 $0xFFFFC180  }
0xb6: {  	[tilespmem:s29], [sflag:$0x2] =	stream.indirect.gather [hbm4b:s4+s24], $0x80, s13, s24, $0xb8;
	[tilespmem:$0x1F000] =	vst v63  }
0xb7: {  	s14 =	simm.s32 $0xD00  }
0xb8: {  	[spmem:s2] =	stream.indirect.scatter.add.f32 [tilespmem:s25], [sflag:$0x3], $0x80, s14, s24, $0xb8;
	[tilespmem:$0x1F000] =	vst v63  }
0xb9: {  	_ =	swait.ge [sflag:s30], $0x3E80  }
0xba: {  	[sflag:s30] =	ssyncset.done $0x0  }
0xbb: {  	s15 =	simm.s32 $0xD80;
	[sflag:s30] =	ssyncadd.s32 $0xFFFFC180  }
0xbc: {  	[spmem:s2] =	stream.indirect.scatter.add.f32 [tilespmem:s29], [sflag:$0x4], $0x80, s15, s24, $0xb8;
	[tilespmem:$0x1F000] =	vst v63  }
0xbd: {  	_ =	swait.ge [sflag:s1], $0x3E80  }
0xbe: {  	[sflag:s1] =	ssyncset.done $0x0  }
0xbf: {  	s16 =	simm.s32 $0x600;
	[sflag:s1] =	ssyncadd.s32 $0xFFFFC180  }
0xc0: {  	[tilespmem:s25], [sflag:$0x1] =	stream.indirect.gather [hbm4b:s4+s24], $0x80, s16, s24, $0xb8;
	[tilespmem:$0x1F000] =	vst v63  }
0xc1: {  	_ =	swait.ge [sflag:s7], $0x3E80  }
0xc2: {  	[sflag:s7] =	ssyncset.done $0x0  }
0xc3: {  	[sflag:s7] =	ssyncadd.s32 $0xFFFFC180  }
0xc4: {  	_ =	swait.ge [sflag:s26], $0x3E80  }
0xc5: {  	[sflag:s26] =	ssyncset.done $0x0  }
0xc6: {  	s17 =	simm.s32 $0x680;
	[sflag:s26] =	ssyncadd.s32 $0xFFFFC180  }
0xc7: {  	[tilespmem:s29], [sflag:$0x2] =	stream.indirect.gather [hbm4b:s4+s24], $0x80, s17, s24, $0xb8;
	[tilespmem:$0x1F000] =	vst v63  }
0xc8: {  	s18 =	simm.s32 $0xE00  }
0xc9: {  	[spmem:s2] =	stream.indirect.scatter.add.f32 [tilespmem:s25], [sflag:$0x3], $0x80, s18, s24, $0xb8;
	[tilespmem:$0x1F000] =	vst v63  }
0xca: {  	_ =	swait.ge [sflag:s30], $0x3E80  }
0xcb: {  	[sflag:s30] =	ssyncset.done $0x0  }
0xcc: {  	s20 =	simm.s32 $0xE80;
	[sflag:s30] =	ssyncadd.s32 $0xFFFFC180  }
0xcd: {  	[spmem:s2] =	stream.indirect.scatter.add.f32 [tilespmem:s29], [sflag:$0x4], $0x80, s20, s24, $0xb8;
	[tilespmem:$0x1F000] =	vst v63  }
0xce: {  	_ =	swait.ge [sflag:s1], $0x3E80  }
0xcf: {  	[sflag:s1] =	ssyncset.done $0x0  }
0xd0: {  	s21 =	simm.s32 $0x700;
	[sflag:s1] =	ssyncadd.s32 $0xFFFFC180  }
0xd1: {  	[tilespmem:s25], [sflag:$0x1] =	stream.indirect.gather [hbm4b:s4+s24], $0x80, s21, s24, $0xb8;
	[tilespmem:$0x1F000] =	vst v63  }
0xd2: {  	_ =	swait.ge [sflag:s7], $0x3E80  }
0xd3: {  	[sflag:s7] =	ssyncset.done $0x0  }
0xd4: {  	[sflag:s7] =	ssyncadd.s32 $0xFFFFC180  }
0xd5: {  	_ =	swait.ge [sflag:s26], $0x3E80  }
0xd6: {  	[sflag:s26] =	ssyncset.done $0x0  }
0xd7: {  	s23 =	simm.s32 $0x780;
	[sflag:s26] =	ssyncadd.s32 $0xFFFFC180  }
0xd8: {  	[tilespmem:s29], [sflag:$0x2] =	stream.indirect.gather [hbm4b:s4+s24], $0x80, s23, s24, $0xb8;
	[tilespmem:$0x1F000] =	vst v63  }
0xd9: {  	s28 =	simm.s32 $0xF00  }
0xda: {  	[spmem:s2] =	stream.indirect.scatter.add.f32 [tilespmem:s25], [sflag:$0x3], $0x80, s28, s24, $0xb8;
	[tilespmem:$0x1F000] =	vst v63  }
0xdb: {  	s31 =	simm.s32 $0xF80;
	_ =	swait.ge [sflag:s30], $0x3E80  }
0xdc: {  	s6 =	simm.s32 $0x100;
	s8 =	simm.s32 $0xA80;
	[sflag:s30] =	ssyncset.done $0x0  }
0xdd: {  	s10 =	simm.s32 $0x300;
	s11 =	simm.s32 $0x380;
	[sflag:s30] =	ssyncadd.s32 $0xFFFFC180  }
0xde: {  	[spmem:s2] =	stream.indirect.scatter.add.f32 [tilespmem:s29], [sflag:$0x4], $0x80, s31, s24, $0xb8;
	[tilespmem:$0x1F000] =	vst v63  }
0xdf: {  	s12 =	simm.s32 $0xB00;
	s13 =	simm.s32 $0x100;
	_ =	swait.ge [sflag:s1], $0x3E80  }
0xe0: {  	s14 =	simm.s32 $0x180;
	s15 =	simm.s32 $0x900;
	[sflag:s1] =	ssyncset.done $0x0  }
0xe1: {  	s16 =	simm.s32 $0x800;
	s17 =	simm.s32 $0x200;
	[sflag:s1] =	ssyncadd.s32 $0xFFFFC180  }
0xe2: {  	s18 =	simm.s32 $0x280;
	s20 =	simm.s32 $0xA00;
	_ =	swait.ge [sflag:s7], $0x3E80  }
0xe3: {  	s21 =	simm.s32 $0x200;
	s23 =	simm.s32 $0x980;
	[sflag:s7] =	ssyncset.done $0x0  }
.LBB2_4:
0xe4: {  	s31 =	sadd.s32 s6, s9  }
0xe5: {  	[sflag:s7] =	ssyncadd.s32 $0xFFFFC180;
	s0 =	smov.u32 s21;
	s28 =	sadd.s32 $0x100, s21  }
0xe6: {  	[tilespmem:s3], [sflag:$0x5] =	stream.linear.gather [hbm4b:s31+s3], $0x800, $0x38;
	[tilespmem:$0x1F000] =	vst v63  }
0xe7: {  	s31 =	simm.s32 $0x80  }
0xe8: {  	p0 =	sne.s32 s21, $0x400;
	_ =	swait.ge [sflag:s22], $0x800  }
0xe9: {  	[sflag:s22] =	ssyncset.done $0x0  }
0xea: {  	s21 =	sadd.s32 s6, s19;
	s6 =	smov.u32 s0;
	[sflag:s22] =	ssyncadd.s32 $0xFFFFF800  }
0xeb: {  	[tilespmem:s16], [sflag:$0x5] =	stream.linear.gather [hbm4b:s21+s3], $0x800, $0x38;
	[tilespmem:$0x1F000] =	vst v63  }
0xec: {  	_ =	swait.ge [sflag:s22], $0x800  }
0xed: {  	[sflag:s22] =	ssyncset.done $0x0  }
0xee: {  	[sflag:s22] =	ssyncadd.s32 $0xFFFFF800  }
0xef: {  	[tilespmem:s25], [sflag:$0x1] =	stream.indirect.gather [hbm4b:s4+s24], $0x80, s3, s24, $0xb8;
	[tilespmem:$0x1F000] =	vst v63  }
0xf0: {  	_ =	swait.ge [sflag:s26], $0x3E80  }
0xf1: {  	[sflag:s26] =	ssyncset.done $0x0  }
0xf2: {  	[sflag:s26] =	ssyncadd.s32 $0xFFFFC180  }
0xf3: {  	[tilespmem:s29], [sflag:$0x2] =	stream.indirect.gather [hbm4b:s4+s24], $0x80, s31, s24, $0xb8;
	[tilespmem:$0x1F000] =	vst v63  }
0xf4: {  	_ = 	snop  }
0xf5: {  	[spmem:s2] =	stream.indirect.scatter.add.f32 [tilespmem:s25], [sflag:$0x3], $0x80, s16, s24, $0xb8;
	[tilespmem:$0x1F000] =	vst v63  }
0xf6: {  	_ =	swait.ge [sflag:s30], $0x3E80  }
0xf7: {  	[sflag:s30] =	ssyncset.done $0x0  }
0xf8: {  	s0 =	simm.s32 $0x880;
	[sflag:s30] =	ssyncadd.s32 $0xFFFFC180  }
0xf9: {  	[spmem:s2] =	stream.indirect.scatter.add.f32 [tilespmem:s29], [sflag:$0x4], $0x80, s0, s24, $0xb8;
	[tilespmem:$0x1F000] =	vst v63  }
0xfa: {  	_ =	swait.ge [sflag:s1], $0x3E80  }
0xfb: {  	[sflag:s1] =	ssyncset.done $0x0  }
0xfc: {  	[sflag:s1] =	ssyncadd.s32 $0xFFFFC180  }
0xfd: {  	[tilespmem:s25], [sflag:$0x1] =	stream.indirect.gather [hbm4b:s4+s24], $0x80, s13, s24, $0xb8;
	[tilespmem:$0x1F000] =	vst v63  }
0xfe: {  	_ =	swait.ge [sflag:s7], $0x3E80  }
0xff: {  	[sflag:s7] =	ssyncset.done $0x0  }
0x100: {  	[sflag:s7] =	ssyncadd.s32 $0xFFFFC180  }
0x101: {  	_ =	swait.ge [sflag:s26], $0x3E80  }
0x102: {  	[sflag:s26] =	ssyncset.done $0x0  }
0x103: {  	[sflag:s26] =	ssyncadd.s32 $0xFFFFC180  }
0x104: {  	[tilespmem:s29], [sflag:$0x2] =	stream.indirect.gather [hbm4b:s4+s24], $0x80, s14, s24, $0xb8;
	[tilespmem:$0x1F000] =	vst v63  }
0x105: {  	_ = 	snop  }
0x106: {  	[spmem:s2] =	stream.indirect.scatter.add.f32 [tilespmem:s25], [sflag:$0x3], $0x80, s15, s24, $0xb8;
	[tilespmem:$0x1F000] =	vst v63  }
0x107: {  	_ =	swait.ge [sflag:s30], $0x3E80  }
0x108: {  	[sflag:s30] =	ssyncset.done $0x0  }
0x109: {  	[sflag:s30] =	ssyncadd.s32 $0xFFFFC180  }
0x10a: {  	[spmem:s2] =	stream.indirect.scatter.add.f32 [tilespmem:s29], [sflag:$0x4], $0x80, s23, s24, $0xb8;
	[tilespmem:$0x1F000] =	vst v63  }
0x10b: {  	_ =	swait.ge [sflag:s1], $0x3E80  }
0x10c: {  	[sflag:s1] =	ssyncset.done $0x0  }
0x10d: {  	[sflag:s1] =	ssyncadd.s32 $0xFFFFC180  }
0x10e: {  	[tilespmem:s25], [sflag:$0x1] =	stream.indirect.gather [hbm4b:s4+s24], $0x80, s17, s24, $0xb8;
	[tilespmem:$0x1F000] =	vst v63  }
0x10f: {  	_ =	swait.ge [sflag:s7], $0x3E80  }
0x110: {  	[sflag:s7] =	ssyncset.done $0x0  }
0x111: {  	[sflag:s7] =	ssyncadd.s32 $0xFFFFC180  }
0x112: {  	_ =	swait.ge [sflag:s26], $0x3E80  }
0x113: {  	[sflag:s26] =	ssyncset.done $0x0  }
0x114: {  	[sflag:s26] =	ssyncadd.s32 $0xFFFFC180  }
0x115: {  	[tilespmem:s29], [sflag:$0x2] =	stream.indirect.gather [hbm4b:s4+s24], $0x80, s18, s24, $0xb8;
	[tilespmem:$0x1F000] =	vst v63  }
0x116: {  	_ = 	snop  }
0x117: {  	[spmem:s2] =	stream.indirect.scatter.add.f32 [tilespmem:s25], [sflag:$0x3], $0x80, s20, s24, $0xb8;
	[tilespmem:$0x1F000] =	vst v63  }
0x118: {  	_ =	swait.ge [sflag:s30], $0x3E80  }
0x119: {  	[sflag:s30] =	ssyncset.done $0x0  }
0x11a: {  	[sflag:s30] =	ssyncadd.s32 $0xFFFFC180  }
0x11b: {  	[spmem:s2] =	stream.indirect.scatter.add.f32 [tilespmem:s29], [sflag:$0x4], $0x80, s8, s24, $0xb8;
	[tilespmem:$0x1F000] =	vst v63  }
0x11c: {  	_ =	swait.ge [sflag:s1], $0x3E80  }
0x11d: {  	[sflag:s1] =	ssyncset.done $0x0  }
0x11e: {  	[sflag:s1] =	ssyncadd.s32 $0xFFFFC180  }
0x11f: {  	[tilespmem:s25], [sflag:$0x1] =	stream.indirect.gather [hbm4b:s4+s24], $0x80, s10, s24, $0xb8;
	[tilespmem:$0x1F000] =	vst v63  }
0x120: {  	_ =	swait.ge [sflag:s7], $0x3E80  }
0x121: {  	[sflag:s7] =	ssyncset.done $0x0  }
0x122: {  	[sflag:s7] =	ssyncadd.s32 $0xFFFFC180  }
0x123: {  	_ =	swait.ge [sflag:s26], $0x3E80  }
0x124: {  	[sflag:s26] =	ssyncset.done $0x0  }
0x125: {  	[sflag:s26] =	ssyncadd.s32 $0xFFFFC180  }
0x126: {  	[tilespmem:s29], [sflag:$0x2] =	stream.indirect.gather [hbm4b:s4+s24], $0x80, s11, s24, $0xb8;
	[tilespmem:$0x1F000] =	vst v63  }
0x127: {  	_ = 	snop  }
0x128: {  	[spmem:s2] =	stream.indirect.scatter.add.f32 [tilespmem:s25], [sflag:$0x3], $0x80, s12, s24, $0xb8;
	[tilespmem:$0x1F000] =	vst v63  }
0x129: {  	_ =	swait.ge [sflag:s30], $0x3E80  }
0x12a: {  	[sflag:s30] =	ssyncset.done $0x0  }
0x12b: {  	s0 =	simm.s32 $0xB80;
	[sflag:s30] =	ssyncadd.s32 $0xFFFFC180  }
0x12c: {  	[spmem:s2] =	stream.indirect.scatter.add.f32 [tilespmem:s29], [sflag:$0x4], $0x80, s0, s24, $0xb8;
	[tilespmem:$0x1F000] =	vst v63  }
0x12d: {  	_ =	swait.ge [sflag:s1], $0x3E80  }
0x12e: {  	[sflag:s1] =	ssyncset.done $0x0  }
0x12f: {  	s0 =	simm.s32 $0x400;
	[sflag:s1] =	ssyncadd.s32 $0xFFFFC180  }
0x130: {  	[tilespmem:s25], [sflag:$0x1] =	stream.indirect.gather [hbm4b:s4+s24], $0x80, s0, s24, $0xb8;
	[tilespmem:$0x1F000] =	vst v63  }
0x131: {  	_ =	swait.ge [sflag:s7], $0x3E80  }
0x132: {  	[sflag:s7] =	ssyncset.done $0x0  }
0x133: {  	[sflag:s7] =	ssyncadd.s32 $0xFFFFC180  }
0x134: {  	_ =	swait.ge [sflag:s26], $0x3E80  }
0x135: {  	[sflag:s26] =	ssyncset.done $0x0  }
0x136: {  	s0 =	simm.s32 $0x480;
	[sflag:s26] =	ssyncadd.s32 $0xFFFFC180  }
0x137: {  	[tilespmem:s29], [sflag:$0x2] =	stream.indirect.gather [hbm4b:s4+s24], $0x80, s0, s24, $0xb8;
	[tilespmem:$0x1F000] =	vst v63  }
0x138: {  	s0 =	simm.s32 $0xC00  }
0x139: {  	[spmem:s2] =	stream.indirect.scatter.add.f32 [tilespmem:s25], [sflag:$0x3], $0x80, s0, s24, $0xb8;
	[tilespmem:$0x1F000] =	vst v63  }
0x13a: {  	_ =	swait.ge [sflag:s30], $0x3E80  }
0x13b: {  	[sflag:s30] =	ssyncset.done $0x0  }
0x13c: {  	s0 =	simm.s32 $0xC80;
	[sflag:s30] =	ssyncadd.s32 $0xFFFFC180  }
0x13d: {  	[spmem:s2] =	stream.indirect.scatter.add.f32 [tilespmem:s29], [sflag:$0x4], $0x80, s0, s24, $0xb8;
	[tilespmem:$0x1F000] =	vst v63  }
0x13e: {  	_ =	swait.ge [sflag:s1], $0x3E80  }
0x13f: {  	[sflag:s1] =	ssyncset.done $0x0  }
0x140: {  	s0 =	simm.s32 $0x500;
	[sflag:s1] =	ssyncadd.s32 $0xFFFFC180  }
0x141: {  	[tilespmem:s25], [sflag:$0x1] =	stream.indirect.gather [hbm4b:s4+s24], $0x80, s0, s24, $0xb8;
	[tilespmem:$0x1F000] =	vst v63  }
0x142: {  	_ =	swait.ge [sflag:s7], $0x3E80  }
0x143: {  	[sflag:s7] =	ssyncset.done $0x0  }
0x144: {  	[sflag:s7] =	ssyncadd.s32 $0xFFFFC180  }
0x145: {  	_ =	swait.ge [sflag:s26], $0x3E80  }
0x146: {  	[sflag:s26] =	ssyncset.done $0x0  }
0x147: {  	s0 =	simm.s32 $0x580;
	[sflag:s26] =	ssyncadd.s32 $0xFFFFC180  }
0x148: {  	[tilespmem:s29], [sflag:$0x2] =	stream.indirect.gather [hbm4b:s4+s24], $0x80, s0, s24, $0xb8;
	[tilespmem:$0x1F000] =	vst v63  }
0x149: {  	s0 =	simm.s32 $0xD00  }
0x14a: {  	[spmem:s2] =	stream.indirect.scatter.add.f32 [tilespmem:s25], [sflag:$0x3], $0x80, s0, s24, $0xb8;
	[tilespmem:$0x1F000] =	vst v63  }
0x14b: {  	_ =	swait.ge [sflag:s30], $0x3E80  }
0x14c: {  	[sflag:s30] =	ssyncset.done $0x0  }
0x14d: {  	s0 =	simm.s32 $0xD80;
	[sflag:s30] =	ssyncadd.s32 $0xFFFFC180  }
0x14e: {  	[spmem:s2] =	stream.indirect.scatter.add.f32 [tilespmem:s29], [sflag:$0x4], $0x80, s0, s24, $0xb8;
	[tilespmem:$0x1F000] =	vst v63  }
0x14f: {  	_ =	swait.ge [sflag:s1], $0x3E80  }
0x150: {  	[sflag:s1] =	ssyncset.done $0x0  }
0x151: {  	s0 =	simm.s32 $0x600;
	[sflag:s1] =	ssyncadd.s32 $0xFFFFC180  }
0x152: {  	[tilespmem:s25], [sflag:$0x1] =	stream.indirect.gather [hbm4b:s4+s24], $0x80, s0, s24, $0xb8;
	[tilespmem:$0x1F000] =	vst v63  }
0x153: {  	_ =	swait.ge [sflag:s7], $0x3E80  }
0x154: {  	[sflag:s7] =	ssyncset.done $0x0  }
0x155: {  	[sflag:s7] =	ssyncadd.s32 $0xFFFFC180  }
0x156: {  	_ =	swait.ge [sflag:s26], $0x3E80  }
0x157: {  	[sflag:s26] =	ssyncset.done $0x0  }
0x158: {  	s0 =	simm.s32 $0x680;
	[sflag:s26] =	ssyncadd.s32 $0xFFFFC180  }
0x159: {  	[tilespmem:s29], [sflag:$0x2] =	stream.indirect.gather [hbm4b:s4+s24], $0x80, s0, s24, $0xb8;
	[tilespmem:$0x1F000] =	vst v63  }
0x15a: {  	s0 =	simm.s32 $0xE00  }
0x15b: {  	[spmem:s2] =	stream.indirect.scatter.add.f32 [tilespmem:s25], [sflag:$0x3], $0x80, s0, s24, $0xb8;
	[tilespmem:$0x1F000] =	vst v63  }
0x15c: {  	_ =	swait.ge [sflag:s30], $0x3E80  }
0x15d: {  	[sflag:s30] =	ssyncset.done $0x0  }
0x15e: {  	s0 =	simm.s32 $0xE80;
	[sflag:s30] =	ssyncadd.s32 $0xFFFFC180  }
0x15f: {  	[spmem:s2] =	stream.indirect.scatter.add.f32 [tilespmem:s29], [sflag:$0x4], $0x80, s0, s24, $0xb8;
	[tilespmem:$0x1F000] =	vst v63  }
0x160: {  	_ =	swait.ge [sflag:s1], $0x3E80  }
0x161: {  	[sflag:s1] =	ssyncset.done $0x0  }
0x162: {  	s0 =	simm.s32 $0x700;
	[sflag:s1] =	ssyncadd.s32 $0xFFFFC180  }
0x163: {  	[tilespmem:s25], [sflag:$0x1] =	stream.indirect.gather [hbm4b:s4+s24], $0x80, s0, s24, $0xb8;
	[tilespmem:$0x1F000] =	vst v63  }
0x164: {  	_ =	swait.ge [sflag:s7], $0x3E80  }
0x165: {  	[sflag:s7] =	ssyncset.done $0x0  }
0x166: {  	[sflag:s7] =	ssyncadd.s32 $0xFFFFC180  }
0x167: {  	_ =	swait.ge [sflag:s26], $0x3E80  }
0x168: {  	[sflag:s26] =	ssyncset.done $0x0  }
0x169: {  	s0 =	simm.s32 $0x780;
	[sflag:s26] =	ssyncadd.s32 $0xFFFFC180  }
0x16a: {  	[tilespmem:s29], [sflag:$0x2] =	stream.indirect.gather [hbm4b:s4+s24], $0x80, s0, s24, $0xb8;
	[tilespmem:$0x1F000] =	vst v63  }
0x16b: {  	s0 =	simm.s32 $0xF00  }
0x16c: {  	[spmem:s2] =	stream.indirect.scatter.add.f32 [tilespmem:s25], [sflag:$0x3], $0x80, s0, s24, $0xb8;
	[tilespmem:$0x1F000] =	vst v63  }
0x16d: {  	_ =	swait.ge [sflag:s30], $0x3E80  }
0x16e: {  	[sflag:s30] =	ssyncset.done $0x0  }
0x16f: {  	s0 =	simm.s32 $0xF80;
	[sflag:s30] =	ssyncadd.s32 $0xFFFFC180  }
0x170: {  	[spmem:s2] =	stream.indirect.scatter.add.f32 [tilespmem:s29], [sflag:$0x4], $0x80, s0, s24, $0xb8;
	[tilespmem:$0x1F000] =	vst v63  }
.Ltmp1:
0x171: {  	_ =	swait.ge [sflag:s1], $0x3E80;
	(pc) =	sbr.rel @p0 .LBB2_4-.Ltmp1, $4  }
0x172: {  	[sflag:s1] =	ssyncset.done $0x0  }
0x173: {  	[sflag:s1] =	ssyncadd.s32 $0xFFFFC180  }
0x174: {  	_ =	swait.ge [sflag:s7], $0x3E80  }
0x175: {  	s21 =	smov.u32 s28;
	[sflag:s7] =	ssyncset.done $0x0  }
0x176: {  	s0 =	sadd.s32 s6, s9;
	[sflag:s7] =	ssyncadd.s32 $0xFFFFC180  }
0x177: {  	[tilespmem:s3], [sflag:$0x5] =	stream.linear.gather [hbm4b:s0+s3], $0x800, $0x38;
	[tilespmem:$0x1F000] =	vst v63  }
0x178: {  	_ =	swait.ge [sflag:s22], $0x800  }
0x179: {  	[sflag:s22] =	ssyncset.done $0x0  }
0x17a: {  	s17 =	sadd.s32 s6, s19;
	[sflag:s22] =	ssyncadd.s32 $0xFFFFF800  }
0x17b: {  	[tilespmem:s16], [sflag:$0x5] =	stream.linear.gather [hbm4b:s17+s3], $0x800, $0x38;
	[tilespmem:$0x1F000] =	vst v63  }
0x17c: {  	_ =	swait.ge [sflag:s22], $0x800  }
0x17d: {  	[sflag:s22] =	ssyncset.done $0x0  }
0x17e: {  	[sflag:s22] =	ssyncadd.s32 $0xFFFFF800  }
0x17f: {  	[tilespmem:s25], [sflag:$0x1] =	stream.indirect.gather [hbm4b:s4+s24], $0x80, s3, s24, $0xb8;
	[tilespmem:$0x1F000] =	vst v63  }
0x180: {  	_ =	swait.ge [sflag:s26], $0x3E80  }
0x181: {  	[sflag:s26] =	ssyncset.done $0x0  }
0x182: {  	[sflag:s26] =	ssyncadd.s32 $0xFFFFC180  }
0x183: {  	[tilespmem:s29], [sflag:$0x2] =	stream.indirect.gather [hbm4b:s4+s24], $0x80, s31, s24, $0xb8;
	[tilespmem:$0x1F000] =	vst v63  }
0x184: {  	_ = 	snop  }
0x185: {  	[spmem:s2] =	stream.indirect.scatter.add.f32 [tilespmem:s25], [sflag:$0x3], $0x80, s16, s24, $0xb8;
	[tilespmem:$0x1F000] =	vst v63  }
0x186: {  	_ =	swait.ge [sflag:s30], $0x3E80  }
0x187: {  	[sflag:s30] =	ssyncset.done $0x0  }
0x188: {  	s18 =	simm.s32 $0x880;
	[sflag:s30] =	ssyncadd.s32 $0xFFFFC180  }
0x189: {  	[spmem:s2] =	stream.indirect.scatter.add.f32 [tilespmem:s29], [sflag:$0x4], $0x80, s18, s24, $0xb8;
	[tilespmem:$0x1F000] =	vst v63  }
0x18a: {  	_ =	swait.ge [sflag:s1], $0x3E80  }
0x18b: {  	[sflag:s1] =	ssyncset.done $0x0  }
0x18c: {  	s10 =	simm.s32 $0x100;
	[sflag:s1] =	ssyncadd.s32 $0xFFFFC180  }
0x18d: {  	[tilespmem:s25], [sflag:$0x1] =	stream.indirect.gather [hbm4b:s4+s24], $0x80, s10, s24, $0xb8;
	[tilespmem:$0x1F000] =	vst v63  }
0x18e: {  	_ =	swait.ge [sflag:s7], $0x3E80  }
0x18f: {  	[sflag:s7] =	ssyncset.done $0x0  }
0x190: {  	[sflag:s7] =	ssyncadd.s32 $0xFFFFC180  }
0x191: {  	_ =	swait.ge [sflag:s26], $0x3E80  }
0x192: {  	[sflag:s26] =	ssyncset.done $0x0  }
0x193: {  	s20 =	simm.s32 $0x180;
	[sflag:s26] =	ssyncadd.s32 $0xFFFFC180  }
0x194: {  	[tilespmem:s29], [sflag:$0x2] =	stream.indirect.gather [hbm4b:s4+s24], $0x80, s20, s24, $0xb8;
	[tilespmem:$0x1F000] =	vst v63  }
0x195: {  	s23 =	simm.s32 $0x900  }
0x196: {  	[spmem:s2] =	stream.indirect.scatter.add.f32 [tilespmem:s25], [sflag:$0x3], $0x80, s23, s24, $0xb8;
	[tilespmem:$0x1F000] =	vst v63  }
0x197: {  	_ =	swait.ge [sflag:s30], $0x3E80  }
0x198: {  	[sflag:s30] =	ssyncset.done $0x0  }
0x199: {  	s17 =	simm.s32 $0x980;
	[sflag:s30] =	ssyncadd.s32 $0xFFFFC180  }
0x19a: {  	[spmem:s2] =	stream.indirect.scatter.add.f32 [tilespmem:s29], [sflag:$0x4], $0x80, s17, s24, $0xb8;
	[tilespmem:$0x1F000] =	vst v63  }
0x19b: {  	_ =	swait.ge [sflag:s1], $0x3E80  }
0x19c: {  	[sflag:s1] =	ssyncset.done $0x0  }
0x19d: {  	s18 =	simm.s32 $0x200;
	[sflag:s1] =	ssyncadd.s32 $0xFFFFC180  }
0x19e: {  	[tilespmem:s25], [sflag:$0x1] =	stream.indirect.gather [hbm4b:s4+s24], $0x80, s18, s24, $0xb8;
	[tilespmem:$0x1F000] =	vst v63  }
0x19f: {  	_ =	swait.ge [sflag:s7], $0x3E80  }
0x1a0: {  	[sflag:s7] =	ssyncset.done $0x0  }
0x1a1: {  	[sflag:s7] =	ssyncadd.s32 $0xFFFFC180  }
0x1a2: {  	_ =	swait.ge [sflag:s26], $0x3E80  }
0x1a3: {  	[sflag:s26] =	ssyncset.done $0x0  }
0x1a4: {  	s15 =	simm.s32 $0x280;
	[sflag:s26] =	ssyncadd.s32 $0xFFFFC180  }
0x1a5: {  	[tilespmem:s29], [sflag:$0x2] =	stream.indirect.gather [hbm4b:s4+s24], $0x80, s15, s24, $0xb8;
	[tilespmem:$0x1F000] =	vst v63  }
0x1a6: {  	s14 =	simm.s32 $0xA00  }
0x1a7: {  	[spmem:s2] =	stream.indirect.scatter.add.f32 [tilespmem:s25], [sflag:$0x3], $0x80, s14, s24, $0xb8;
	[tilespmem:$0x1F000] =	vst v63  }
0x1a8: {  	_ =	swait.ge [sflag:s30], $0x3E80  }
0x1a9: {  	[sflag:s30] =	ssyncset.done $0x0  }
0x1aa: {  	s13 =	simm.s32 $0xA80;
	[sflag:s30] =	ssyncadd.s32 $0xFFFFC180  }
0x1ab: {  	[spmem:s2] =	stream.indirect.scatter.add.f32 [tilespmem:s29], [sflag:$0x4], $0x80, s13, s24, $0xb8;
	[tilespmem:$0x1F000] =	vst v63  }
0x1ac: {  	_ =	swait.ge [sflag:s1], $0x3E80  }
0x1ad: {  	[sflag:s1] =	ssyncset.done $0x0  }
0x1ae: {  	s12 =	simm.s32 $0x300;
	[sflag:s1] =	ssyncadd.s32 $0xFFFFC180  }
0x1af: {  	[tilespmem:s25], [sflag:$0x1] =	stream.indirect.gather [hbm4b:s4+s24], $0x80, s12, s24, $0xb8;
	[tilespmem:$0x1F000] =	vst v63  }
0x1b0: {  	_ =	swait.ge [sflag:s7], $0x3E80  }
0x1b1: {  	[sflag:s7] =	ssyncset.done $0x0  }
0x1b2: {  	[sflag:s7] =	ssyncadd.s32 $0xFFFFC180  }
0x1b3: {  	_ =	swait.ge [sflag:s26], $0x3E80  }
0x1b4: {  	[sflag:s26] =	ssyncset.done $0x0  }
0x1b5: {  	s11 =	simm.s32 $0x380;
	[sflag:s26] =	ssyncadd.s32 $0xFFFFC180  }
0x1b6: {  	[tilespmem:s29], [sflag:$0x2] =	stream.indirect.gather [hbm4b:s4+s24], $0x80, s11, s24, $0xb8;
	[tilespmem:$0x1F000] =	vst v63  }
0x1b7: {  	s21 =	simm.s32 $0xB00  }
0x1b8: {  	[spmem:s2] =	stream.indirect.scatter.add.f32 [tilespmem:s25], [sflag:$0x3], $0x80, s21, s24, $0xb8;
	[tilespmem:$0x1F000] =	vst v63  }
0x1b9: {  	_ =	swait.ge [sflag:s30], $0x3E80  }
0x1ba: {  	[sflag:s30] =	ssyncset.done $0x0  }
0x1bb: {  	s28 =	simm.s32 $0xB80;
	[sflag:s30] =	ssyncadd.s32 $0xFFFFC180  }
0x1bc: {  	[spmem:s2] =	stream.indirect.scatter.add.f32 [tilespmem:s29], [sflag:$0x4], $0x80, s28, s24, $0xb8;
	[tilespmem:$0x1F000] =	vst v63  }
0x1bd: {  	_ =	swait.ge [sflag:s1], $0x3E80  }
0x1be: {  	[sflag:s1] =	ssyncset.done $0x0  }
0x1bf: {  	s6 =	simm.s32 $0x400;
	[sflag:s1] =	ssyncadd.s32 $0xFFFFC180  }
0x1c0: {  	[tilespmem:s25], [sflag:$0x1] =	stream.indirect.gather [hbm4b:s4+s24], $0x80, s6, s24, $0xb8;
	[tilespmem:$0x1F000] =	vst v63  }
0x1c1: {  	_ =	swait.ge [sflag:s7], $0x3E80  }
0x1c2: {  	[sflag:s7] =	ssyncset.done $0x0  }
0x1c3: {  	[sflag:s7] =	ssyncadd.s32 $0xFFFFC180  }
0x1c4: {  	_ =	swait.ge [sflag:s26], $0x3E80  }
0x1c5: {  	[sflag:s26] =	ssyncset.done $0x0  }
0x1c6: {  	s8 =	simm.s32 $0x480;
	[sflag:s26] =	ssyncadd.s32 $0xFFFFC180  }
0x1c7: {  	[tilespmem:s29], [sflag:$0x2] =	stream.indirect.gather [hbm4b:s4+s24], $0x80, s8, s24, $0xb8;
	[tilespmem:$0x1F000] =	vst v63  }
0x1c8: {  	s20 =	simm.s32 $0xC00  }
0x1c9: {  	[spmem:s2] =	stream.indirect.scatter.add.f32 [tilespmem:s25], [sflag:$0x3], $0x80, s20, s24, $0xb8;
	[tilespmem:$0x1F000] =	vst v63  }
0x1ca: {  	_ =	swait.ge [sflag:s30], $0x3E80  }
0x1cb: {  	[sflag:s30] =	ssyncset.done $0x0  }
0x1cc: {  	s21 =	simm.s32 $0xC80;
	[sflag:s30] =	ssyncadd.s32 $0xFFFFC180  }
0x1cd: {  	[spmem:s2] =	stream.indirect.scatter.add.f32 [tilespmem:s29], [sflag:$0x4], $0x80, s21, s24, $0xb8;
	[tilespmem:$0x1F000] =	vst v63  }
0x1ce: {  	_ =	swait.ge [sflag:s1], $0x3E80  }
0x1cf: {  	[sflag:s1] =	ssyncset.done $0x0  }
0x1d0: {  	s6 =	simm.s32 $0x500;
	[sflag:s1] =	ssyncadd.s32 $0xFFFFC180  }
0x1d1: {  	[tilespmem:s25], [sflag:$0x1] =	stream.indirect.gather [hbm4b:s4+s24], $0x80, s6, s24, $0xb8;
	[tilespmem:$0x1F000] =	vst v63  }
0x1d2: {  	_ =	swait.ge [sflag:s7], $0x3E80  }
0x1d3: {  	[sflag:s7] =	ssyncset.done $0x0  }
0x1d4: {  	[sflag:s7] =	ssyncadd.s32 $0xFFFFC180  }
0x1d5: {  	_ =	swait.ge [sflag:s26], $0x3E80  }
0x1d6: {  	[sflag:s26] =	ssyncset.done $0x0  }
0x1d7: {  	s8 =	simm.s32 $0x580;
	[sflag:s26] =	ssyncadd.s32 $0xFFFFC180  }
0x1d8: {  	[tilespmem:s29], [sflag:$0x2] =	stream.indirect.gather [hbm4b:s4+s24], $0x80, s8, s24, $0xb8;
	[tilespmem:$0x1F000] =	vst v63  }
0x1d9: {  	s20 =	simm.s32 $0xD00  }
0x1da: {  	[spmem:s2] =	stream.indirect.scatter.add.f32 [tilespmem:s25], [sflag:$0x3], $0x80, s20, s24, $0xb8;
	[tilespmem:$0x1F000] =	vst v63  }
0x1db: {  	_ =	swait.ge [sflag:s30], $0x3E80  }
0x1dc: {  	[sflag:s30] =	ssyncset.done $0x0  }
0x1dd: {  	s21 =	simm.s32 $0xD80;
	[sflag:s30] =	ssyncadd.s32 $0xFFFFC180  }
0x1de: {  	[spmem:s2] =	stream.indirect.scatter.add.f32 [tilespmem:s29], [sflag:$0x4], $0x80, s21, s24, $0xb8;
	[tilespmem:$0x1F000] =	vst v63  }
0x1df: {  	_ =	swait.ge [sflag:s1], $0x3E80  }
0x1e0: {  	[sflag:s1] =	ssyncset.done $0x0  }
0x1e1: {  	s6 =	simm.s32 $0x600;
	[sflag:s1] =	ssyncadd.s32 $0xFFFFC180  }
0x1e2: {  	[tilespmem:s25], [sflag:$0x1] =	stream.indirect.gather [hbm4b:s4+s24], $0x80, s6, s24, $0xb8;
	[tilespmem:$0x1F000] =	vst v63  }
0x1e3: {  	_ =	swait.ge [sflag:s7], $0x3E80  }
0x1e4: {  	[sflag:s7] =	ssyncset.done $0x0  }
0x1e5: {  	[sflag:s7] =	ssyncadd.s32 $0xFFFFC180  }
0x1e6: {  	_ =	swait.ge [sflag:s26], $0x3E80  }
0x1e7: {  	[sflag:s26] =	ssyncset.done $0x0  }
0x1e8: {  	s8 =	simm.s32 $0x680;
	[sflag:s26] =	ssyncadd.s32 $0xFFFFC180  }
0x1e9: {  	[tilespmem:s29], [sflag:$0x2] =	stream.indirect.gather [hbm4b:s4+s24], $0x80, s8, s24, $0xb8;
	[tilespmem:$0x1F000] =	vst v63  }
0x1ea: {  	s20 =	simm.s32 $0xE00  }
0x1eb: {  	[spmem:s2] =	stream.indirect.scatter.add.f32 [tilespmem:s25], [sflag:$0x3], $0x80, s20, s24, $0xb8;
	[tilespmem:$0x1F000] =	vst v63  }
0x1ec: {  	_ =	swait.ge [sflag:s30], $0x3E80  }
0x1ed: {  	[sflag:s30] =	ssyncset.done $0x0  }
0x1ee: {  	s21 =	simm.s32 $0xE80;
	[sflag:s30] =	ssyncadd.s32 $0xFFFFC180  }
0x1ef: {  	[spmem:s2] =	stream.indirect.scatter.add.f32 [tilespmem:s29], [sflag:$0x4], $0x80, s21, s24, $0xb8;
	[tilespmem:$0x1F000] =	vst v63  }
0x1f0: {  	_ =	swait.ge [sflag:s1], $0x3E80  }
0x1f1: {  	[sflag:s1] =	ssyncset.done $0x0  }
0x1f2: {  	s6 =	simm.s32 $0x700;
	[sflag:s1] =	ssyncadd.s32 $0xFFFFC180  }
0x1f3: {  	[tilespmem:s25], [sflag:$0x1] =	stream.indirect.gather [hbm4b:s4+s24], $0x80, s6, s24, $0xb8;
	[tilespmem:$0x1F000] =	vst v63  }
0x1f4: {  	_ =	swait.ge [sflag:s7], $0x3E80  }
0x1f5: {  	[sflag:s7] =	ssyncset.done $0x0  }
0x1f6: {  	[sflag:s7] =	ssyncadd.s32 $0xFFFFC180  }
0x1f7: {  	_ =	swait.ge [sflag:s26], $0x3E80  }
0x1f8: {  	[sflag:s26] =	ssyncset.done $0x0  }
0x1f9: {  	s8 =	simm.s32 $0x780;
	[sflag:s26] =	ssyncadd.s32 $0xFFFFC180  }
0x1fa: {  	[tilespmem:s29], [sflag:$0x2] =	stream.indirect.gather [hbm4b:s4+s24], $0x80, s8, s24, $0xb8;
	[tilespmem:$0x1F000] =	vst v63  }
0x1fb: {  	s20 =	simm.s32 $0xF00  }
0x1fc: {  	[spmem:s2] =	stream.indirect.scatter.add.f32 [tilespmem:s25], [sflag:$0x3], $0x80, s20, s24, $0xb8;
	[tilespmem:$0x1F000] =	vst v63  }
0x1fd: {  	_ =	swait.ge [sflag:s30], $0x3E80  }
0x1fe: {  	[sflag:s30] =	ssyncset.done $0x0  }
0x1ff: {  	s21 =	simm.s32 $0xF80;
	[sflag:s30] =	ssyncadd.s32 $0xFFFFC180  }
0x200: {  	[spmem:s2] =	stream.indirect.scatter.add.f32 [tilespmem:s29], [sflag:$0x4], $0x80, s21, s24, $0xb8;
	[tilespmem:$0x1F000] =	vst v63  }
0x201: {  	_ =	swait.ge [sflag:s1], $0x3E80  }
0x202: {  	[sflag:s1] =	ssyncset.done $0x0  }
0x203: {  	[sflag:s1] =	ssyncadd.s32 $0xFFFFC180  }
0x204: {  	_ =	swait.ge [sflag:s7], $0x3E80  }
0x205: {  	[sflag:s7] =	ssyncset.done $0x0  }
0x206: {  	[sflag:s7] =	ssyncadd.s32 $0xFFFFC180  }
0x207: {  	s6 =	stileid.u32;
	[bflag:$0x0] =	sbarrier.arrive $0xFFFF  }
0x208: {  	s0 =	sshll.u32 s6, $0x6;
	s8 =	rddreg [dreg:$0x3]  }
0x209: {  	s20 =	sor.u32 $0x1C05, s0;
	s6 =	rddreg [dreg:$0x4]  }
0x20a: {  	[dreg:$0x11] =	wrdreg s20;
	s0 =	sshrl.u32 s8, $0x3  }
0x20b: {  	s21 =	simm.s32 $0x8;
	[dreg:$0x12] =	wrdreg s0  }
0x20c: {  	[hbm:s6@s10], [sflag:s20] =	dma.strided [spmem:s0@s31], $0x2800, s21, $0x10   }
0x20d: {  	_ =	swait.ge [sflag:s22], $0x2800  }
0x20e: {  	[sflag:s22] =	ssyncset.done $0x0  }
0x20f: {  	s6 =	simm.s32 $0x9000;
	[sflag:s22] =	ssyncadd.s32 $0xFFFFD800  }
0x210: {  	[spmem:s8] =	stream.linear.scatter [tilespmem:s6], [sflag:$0x5], $0x2000, $0x38;
	[tilespmem:$0x1F000] =	vst v63  }
0x211: {  	_ =	swait.ge [sflag:s22], $0x2000  }
0x212: {  	[sflag:s22] =	ssyncset.done $0x0  }
0x213: {  	s8 =	rddreg [dreg:$0x7];
	[sflag:s22] =	ssyncadd.s32 $0xFFFFE000  }
0x214: {  	[spmem:s8] =	stream.linear.scatter [tilespmem:s6], [sflag:$0x5], $0x2000, $0x38;
	[tilespmem:$0x1F000] =	vst v63  }
0x215: {  	_ =	swait.ge [sflag:s22], $0x2000  }
0x216: {  	[sflag:s22] =	ssyncset.done $0x0  }
0x217: {  	s20 =	rddreg [dreg:$0x8];
	[sflag:s22] =	ssyncadd.s32 $0xFFFFE000  }
0x218: {  	[spmem:s20] =	stream.linear.scatter [tilespmem:s6], [sflag:$0x5], $0x2000, $0x38;
	[tilespmem:$0x1F000] =	vst v63  }
0x219: {  	_ =	swait.ge [sflag:s22], $0x2000  }
0x21a: {  	[sflag:s22] =	ssyncset.done $0x0  }
0x21b: {  	s21 =	rddreg [dreg:$0x9];
	[sflag:s22] =	ssyncadd.s32 $0xFFFFE000  }
0x21c: {  	[spmem:s21] =	stream.linear.scatter [tilespmem:s6], [sflag:$0x5], $0x2000, $0x38;
	[tilespmem:$0x1F000] =	vst v63  }
0x21d: {  	_ =	swait.ge [sflag:s22], $0x2000  }
0x21e: {  	[sflag:s22] =	ssyncset.done $0x0  }
0x21f: {  	s8 =	rddreg [dreg:$0xa];
	[sflag:s22] =	ssyncadd.s32 $0xFFFFE000  }
0x220: {  	[spmem:s8] =	stream.linear.scatter [tilespmem:s6], [sflag:$0x5], $0x2000, $0x38;
	[tilespmem:$0x1F000] =	vst v63  }
0x221: {  	_ =	swait.ge [sflag:s22], $0x2000  }
0x222: {  	[sflag:s22] =	ssyncset.done $0x0  }
0x223: {  	s20 =	rddreg [dreg:$0xb];
	[sflag:s22] =	ssyncadd.s32 $0xFFFFE000  }
0x224: {  	[spmem:s20] =	stream.linear.scatter [tilespmem:s6], [sflag:$0x5], $0x2000, $0x38;
	[tilespmem:$0x1F000] =	vst v63  }
0x225: {  	_ =	swait.ge [sflag:s22], $0x2000  }
0x226: {  	[sflag:s22] =	ssyncset.done $0x0  }
0x227: {  	s21 =	rddreg [dreg:$0xc];
	[sflag:s22] =	ssyncadd.s32 $0xFFFFE000  }
0x228: {  	[spmem:s21] =	stream.linear.scatter [tilespmem:s6], [sflag:$0x5], $0x2000, $0x38;
	[tilespmem:$0x1F000] =	vst v63  }
0x229: {  	_ =	swait.ge [sflag:s22], $0x2000  }
0x22a: {  	[sflag:s22] =	ssyncset.done $0x0  }
0x22b: {  	s8 =	rddreg [dreg:$0xd];
	[sflag:s22] =	ssyncadd.s32 $0xFFFFE000  }
0x22c: {  	[spmem:s8] =	stream.linear.scatter [tilespmem:s6], [sflag:$0x5], $0x2000, $0x38;
	[tilespmem:$0x1F000] =	vst v63  }
0x22d: {  	_ =	swait.ge [sflag:s22], $0x2000  }
0x22e: {  	[sflag:s22] =	ssyncset.done $0x0  }
0x22f: {  	s20 =	rddreg [dreg:$0xe];
	[sflag:s22] =	ssyncadd.s32 $0xFFFFE000  }
0x230: {  	[spmem:s20] =	stream.linear.scatter [tilespmem:s6], [sflag:$0x5], $0x2000, $0x38;
	[tilespmem:$0x1F000] =	vst v63  }
0x231: {  	_ =	swait.ge [sflag:s22], $0x2000  }
0x232: {  	[sflag:s22] =	ssyncset.done $0x0  }
0x233: {  	s21 =	rddreg [dreg:$0xf];
	[sflag:s22] =	ssyncadd.s32 $0xFFFFE000  }
0x234: {  	[spmem:s21] =	stream.linear.scatter [tilespmem:s6], [sflag:$0x5], $0x2000, $0x38;
	[tilespmem:$0x1F000] =	vst v63  }
0x235: {  	_ =	swait.ge [sflag:s22], $0x2000  }
0x236: {  	[sflag:s22] =	ssyncset.done $0x0  }
0x237: {  	[sflag:s22] =	ssyncadd.s32 $0xFFFFE000  }
0x238: {  	s6 =	sadd.s32 $0x0, s9;
	[bflag:$0x0] =	sbarrier.arrive $0xFFFF  }
0x239: {  	[tilespmem:s3], [sflag:$0x5] =	stream.linear.gather [hbm4b:s6+s3], $0x800, $0x38;
	[tilespmem:$0x1F000] =	vst v63  }
0x23a: {  	_ =	swait.ge [sflag:s22], $0x800  }
0x23b: {  	[sflag:s22] =	ssyncset.done $0x0  }
0x23c: {  	s8 =	sadd.s32 $0x0, s19;
	[sflag:s22] =	ssyncadd.s32 $0xFFFFF800  }
0x23d: {  	[tilespmem:s16], [sflag:$0x5] =	stream.linear.gather [hbm4b:s8+s3], $0x800, $0x38;
	[tilespmem:$0x1F000] =	vst v63  }
0x23e: {  	_ =	swait.ge [sflag:s22], $0x800  }
0x23f: {  	[sflag:s22] =	ssyncset.done $0x0  }
0x240: {  	[sflag:s22] =	ssyncadd.s32 $0xFFFFF800  }
0x241: {  	[tilespmem:s25], [sflag:$0x1] =	stream.indirect.gather [hbm4b:s5+s24], $0x80, s3, s24, $0xb8;
	[tilespmem:$0x1F000] =	vst v63  }
0x242: {  	_ =	swait.ge [sflag:s26], $0x3E80  }
0x243: {  	[sflag:s26] =	ssyncset.done $0x0  }
0x244: {  	[sflag:s26] =	ssyncadd.s32 $0xFFFFC180  }
0x245: {  	[tilespmem:s29], [sflag:$0x2] =	stream.indirect.gather [hbm4b:s5+s24], $0x80, s31, s24, $0xb8;
	[tilespmem:$0x1F000] =	vst v63  }
0x246: {  	_ = 	snop  }
0x247: {  	[spmem:s2] =	stream.indirect.scatter.add.f32 [tilespmem:s25], [sflag:$0x3], $0x80, s16, s24, $0xb8;
	[tilespmem:$0x1F000] =	vst v63  }
0x248: {  	_ =	swait.ge [sflag:s30], $0x3E80  }
0x249: {  	[sflag:s30] =	ssyncset.done $0x0  }
0x24a: {  	s20 =	simm.s32 $0x880;
	[sflag:s30] =	ssyncadd.s32 $0xFFFFC180  }
0x24b: {  	[spmem:s2] =	stream.indirect.scatter.add.f32 [tilespmem:s29], [sflag:$0x4], $0x80, s20, s24, $0xb8;
	[tilespmem:$0x1F000] =	vst v63  }
0x24c: {  	_ =	swait.ge [sflag:s1], $0x3E80  }
0x24d: {  	[sflag:s1] =	ssyncset.done $0x0  }
0x24e: {  	[sflag:s1] =	ssyncadd.s32 $0xFFFFC180  }
0x24f: {  	[tilespmem:s25], [sflag:$0x1] =	stream.indirect.gather [hbm4b:s5+s24], $0x80, s10, s24, $0xb8;
	[tilespmem:$0x1F000] =	vst v63  }
0x250: {  	_ =	swait.ge [sflag:s7], $0x3E80  }
0x251: {  	[sflag:s7] =	ssyncset.done $0x0  }
0x252: {  	[sflag:s7] =	ssyncadd.s32 $0xFFFFC180  }
0x253: {  	_ =	swait.ge [sflag:s26], $0x3E80  }
0x254: {  	[sflag:s26] =	ssyncset.done $0x0  }
0x255: {  	s21 =	simm.s32 $0x180;
	[sflag:s26] =	ssyncadd.s32 $0xFFFFC180  }
0x256: {  	[tilespmem:s29], [sflag:$0x2] =	stream.indirect.gather [hbm4b:s5+s24], $0x80, s21, s24, $0xb8;
	[tilespmem:$0x1F000] =	vst v63  }
0x257: {  	_ = 	snop  }
0x258: {  	[spmem:s2] =	stream.indirect.scatter.add.f32 [tilespmem:s25], [sflag:$0x3], $0x80, s23, s24, $0xb8;
	[tilespmem:$0x1F000] =	vst v63  }
0x259: {  	_ =	swait.ge [sflag:s30], $0x3E80  }
0x25a: {  	[sflag:s30] =	ssyncset.done $0x0  }
0x25b: {  	[sflag:s30] =	ssyncadd.s32 $0xFFFFC180  }
0x25c: {  	[spmem:s2] =	stream.indirect.scatter.add.f32 [tilespmem:s29], [sflag:$0x4], $0x80, s17, s24, $0xb8;
	[tilespmem:$0x1F000] =	vst v63  }
0x25d: {  	_ =	swait.ge [sflag:s1], $0x3E80  }
0x25e: {  	[sflag:s1] =	ssyncset.done $0x0  }
0x25f: {  	[sflag:s1] =	ssyncadd.s32 $0xFFFFC180  }
0x260: {  	[tilespmem:s25], [sflag:$0x1] =	stream.indirect.gather [hbm4b:s5+s24], $0x80, s18, s24, $0xb8;
	[tilespmem:$0x1F000] =	vst v63  }
0x261: {  	_ =	swait.ge [sflag:s7], $0x3E80  }
0x262: {  	[sflag:s7] =	ssyncset.done $0x0  }
0x263: {  	[sflag:s7] =	ssyncadd.s32 $0xFFFFC180  }
0x264: {  	_ =	swait.ge [sflag:s26], $0x3E80  }
0x265: {  	[sflag:s26] =	ssyncset.done $0x0  }
0x266: {  	[sflag:s26] =	ssyncadd.s32 $0xFFFFC180  }
0x267: {  	[tilespmem:s29], [sflag:$0x2] =	stream.indirect.gather [hbm4b:s5+s24], $0x80, s15, s24, $0xb8;
	[tilespmem:$0x1F000] =	vst v63  }
0x268: {  	_ = 	snop  }
0x269: {  	[spmem:s2] =	stream.indirect.scatter.add.f32 [tilespmem:s25], [sflag:$0x3], $0x80, s14, s24, $0xb8;
	[tilespmem:$0x1F000] =	vst v63  }
0x26a: {  	_ =	swait.ge [sflag:s30], $0x3E80  }
0x26b: {  	[sflag:s30] =	ssyncset.done $0x0  }
0x26c: {  	[sflag:s30] =	ssyncadd.s32 $0xFFFFC180  }
0x26d: {  	[spmem:s2] =	stream.indirect.scatter.add.f32 [tilespmem:s29], [sflag:$0x4], $0x80, s13, s24, $0xb8;
	[tilespmem:$0x1F000] =	vst v63  }
0x26e: {  	_ =	swait.ge [sflag:s1], $0x3E80  }
0x26f: {  	[sflag:s1] =	ssyncset.done $0x0  }
0x270: {  	[sflag:s1] =	ssyncadd.s32 $0xFFFFC180  }
0x271: {  	[tilespmem:s25], [sflag:$0x1] =	stream.indirect.gather [hbm4b:s5+s24], $0x80, s12, s24, $0xb8;
	[tilespmem:$0x1F000] =	vst v63  }
0x272: {  	_ =	swait.ge [sflag:s7], $0x3E80  }
0x273: {  	[sflag:s7] =	ssyncset.done $0x0  }
0x274: {  	[sflag:s7] =	ssyncadd.s32 $0xFFFFC180  }
0x275: {  	_ =	swait.ge [sflag:s26], $0x3E80  }
0x276: {  	[sflag:s26] =	ssyncset.done $0x0  }
0x277: {  	[sflag:s26] =	ssyncadd.s32 $0xFFFFC180  }
0x278: {  	[tilespmem:s29], [sflag:$0x2] =	stream.indirect.gather [hbm4b:s5+s24], $0x80, s11, s24, $0xb8;
	[tilespmem:$0x1F000] =	vst v63  }
0x279: {  	s31 =	simm.s32 $0xB00  }
0x27a: {  	[spmem:s2] =	stream.indirect.scatter.add.f32 [tilespmem:s25], [sflag:$0x3], $0x80, s31, s24, $0xb8;
	[tilespmem:$0x1F000] =	vst v63  }
0x27b: {  	_ =	swait.ge [sflag:s30], $0x3E80  }
0x27c: {  	[sflag:s30] =	ssyncset.done $0x0  }
0x27d: {  	[sflag:s30] =	ssyncadd.s32 $0xFFFFC180  }
0x27e: {  	[spmem:s2] =	stream.indirect.scatter.add.f32 [tilespmem:s29], [sflag:$0x4], $0x80, s28, s24, $0xb8;
	[tilespmem:$0x1F000] =	vst v63  }
0x27f: {  	_ =	swait.ge [sflag:s1], $0x3E80  }
0x280: {  	[sflag:s1] =	ssyncset.done $0x0  }
0x281: {  	s6 =	simm.s32 $0x400;
	[sflag:s1] =	ssyncadd.s32 $0xFFFFC180  }
0x282: {  	[tilespmem:s25], [sflag:$0x1] =	stream.indirect.gather [hbm4b:s5+s24], $0x80, s6, s24, $0xb8;
	[tilespmem:$0x1F000] =	vst v63  }
0x283: {  	_ =	swait.ge [sflag:s7], $0x3E80  }
0x284: {  	[sflag:s7] =	ssyncset.done $0x0  }
0x285: {  	[sflag:s7] =	ssyncadd.s32 $0xFFFFC180  }
0x286: {  	_ =	swait.ge [sflag:s26], $0x3E80  }
0x287: {  	[sflag:s26] =	ssyncset.done $0x0  }
0x288: {  	s10 =	simm.s32 $0x480;
	[sflag:s26] =	ssyncadd.s32 $0xFFFFC180  }
0x289: {  	[tilespmem:s29], [sflag:$0x2] =	stream.indirect.gather [hbm4b:s5+s24], $0x80, s10, s24, $0xb8;
	[tilespmem:$0x1F000] =	vst v63  }
0x28a: {  	s11 =	simm.s32 $0xC00  }
0x28b: {  	[spmem:s2] =	stream.indirect.scatter.add.f32 [tilespmem:s25], [sflag:$0x3], $0x80, s11, s24, $0xb8;
	[tilespmem:$0x1F000] =	vst v63  }
0x28c: {  	_ =	swait.ge [sflag:s30], $0x3E80  }
0x28d: {  	[sflag:s30] =	ssyncset.done $0x0  }
0x28e: {  	s12 =	simm.s32 $0xC80;
	[sflag:s30] =	ssyncadd.s32 $0xFFFFC180  }
0x28f: {  	[spmem:s2] =	stream.indirect.scatter.add.f32 [tilespmem:s29], [sflag:$0x4], $0x80, s12, s24, $0xb8;
	[tilespmem:$0x1F000] =	vst v63  }
0x290: {  	_ =	swait.ge [sflag:s1], $0x3E80  }
0x291: {  	[sflag:s1] =	ssyncset.done $0x0  }
0x292: {  	s13 =	simm.s32 $0x500;
	[sflag:s1] =	ssyncadd.s32 $0xFFFFC180  }
0x293: {  	[tilespmem:s25], [sflag:$0x1] =	stream.indirect.gather [hbm4b:s5+s24], $0x80, s13, s24, $0xb8;
	[tilespmem:$0x1F000] =	vst v63  }
0x294: {  	_ =	swait.ge [sflag:s7], $0x3E80  }
0x295: {  	[sflag:s7] =	ssyncset.done $0x0  }
0x296: {  	[sflag:s7] =	ssyncadd.s32 $0xFFFFC180  }
0x297: {  	_ =	swait.ge [sflag:s26], $0x3E80  }
0x298: {  	[sflag:s26] =	ssyncset.done $0x0  }
0x299: {  	s21 =	simm.s32 $0x580;
	[sflag:s26] =	ssyncadd.s32 $0xFFFFC180  }
0x29a: {  	[tilespmem:s29], [sflag:$0x2] =	stream.indirect.gather [hbm4b:s5+s24], $0x80, s21, s24, $0xb8;
	[tilespmem:$0x1F000] =	vst v63  }
0x29b: {  	s23 =	simm.s32 $0xD00  }
0x29c: {  	[spmem:s2] =	stream.indirect.scatter.add.f32 [tilespmem:s25], [sflag:$0x3], $0x80, s23, s24, $0xb8;
	[tilespmem:$0x1F000] =	vst v63  }
0x29d: {  	_ =	swait.ge [sflag:s30], $0x3E80  }
0x29e: {  	[sflag:s30] =	ssyncset.done $0x0  }
0x29f: {  	s31 =	simm.s32 $0xD80;
	[sflag:s30] =	ssyncadd.s32 $0xFFFFC180  }
0x2a0: {  	[spmem:s2] =	stream.indirect.scatter.add.f32 [tilespmem:s29], [sflag:$0x4], $0x80, s31, s24, $0xb8;
	[tilespmem:$0x1F000] =	vst v63  }
0x2a1: {  	_ =	swait.ge [sflag:s1], $0x3E80  }
0x2a2: {  	[sflag:s1] =	ssyncset.done $0x0  }
0x2a3: {  	s6 =	simm.s32 $0x600;
	[sflag:s1] =	ssyncadd.s32 $0xFFFFC180  }
0x2a4: {  	[tilespmem:s25], [sflag:$0x1] =	stream.indirect.gather [hbm4b:s5+s24], $0x80, s6, s24, $0xb8;
	[tilespmem:$0x1F000] =	vst v63  }
0x2a5: {  	_ =	swait.ge [sflag:s7], $0x3E80  }
0x2a6: {  	[sflag:s7] =	ssyncset.done $0x0  }
0x2a7: {  	[sflag:s7] =	ssyncadd.s32 $0xFFFFC180  }
0x2a8: {  	_ =	swait.ge [sflag:s26], $0x3E80  }
0x2a9: {  	[sflag:s26] =	ssyncset.done $0x0  }
0x2aa: {  	s21 =	simm.s32 $0x680;
	[sflag:s26] =	ssyncadd.s32 $0xFFFFC180  }
0x2ab: {  	[tilespmem:s29], [sflag:$0x2] =	stream.indirect.gather [hbm4b:s5+s24], $0x80, s21, s24, $0xb8;
	[tilespmem:$0x1F000] =	vst v63  }
0x2ac: {  	s23 =	simm.s32 $0xE00  }
0x2ad: {  	[spmem:s2] =	stream.indirect.scatter.add.f32 [tilespmem:s25], [sflag:$0x3], $0x80, s23, s24, $0xb8;
	[tilespmem:$0x1F000] =	vst v63  }
0x2ae: {  	_ =	swait.ge [sflag:s30], $0x3E80  }
0x2af: {  	[sflag:s30] =	ssyncset.done $0x0  }
0x2b0: {  	s31 =	simm.s32 $0xE80;
	[sflag:s30] =	ssyncadd.s32 $0xFFFFC180  }
0x2b1: {  	[spmem:s2] =	stream.indirect.scatter.add.f32 [tilespmem:s29], [sflag:$0x4], $0x80, s31, s24, $0xb8;
	[tilespmem:$0x1F000] =	vst v63  }
0x2b2: {  	_ =	swait.ge [sflag:s1], $0x3E80  }
0x2b3: {  	[sflag:s1] =	ssyncset.done $0x0  }
0x2b4: {  	s6 =	simm.s32 $0x700;
	[sflag:s1] =	ssyncadd.s32 $0xFFFFC180  }
0x2b5: {  	[tilespmem:s25], [sflag:$0x1] =	stream.indirect.gather [hbm4b:s5+s24], $0x80, s6, s24, $0xb8;
	[tilespmem:$0x1F000] =	vst v63  }
0x2b6: {  	_ =	swait.ge [sflag:s7], $0x3E80  }
0x2b7: {  	[sflag:s7] =	ssyncset.done $0x0  }
0x2b8: {  	[sflag:s7] =	ssyncadd.s32 $0xFFFFC180  }
0x2b9: {  	_ =	swait.ge [sflag:s26], $0x3E80  }
0x2ba: {  	[sflag:s26] =	ssyncset.done $0x0  }
0x2bb: {  	s21 =	simm.s32 $0x780;
	[sflag:s26] =	ssyncadd.s32 $0xFFFFC180  }
0x2bc: {  	[tilespmem:s29], [sflag:$0x2] =	stream.indirect.gather [hbm4b:s5+s24], $0x80, s21, s24, $0xb8;
	[tilespmem:$0x1F000] =	vst v63  }
0x2bd: {  	s23 =	simm.s32 $0xF00  }
0x2be: {  	[spmem:s2] =	stream.indirect.scatter.add.f32 [tilespmem:s25], [sflag:$0x3], $0x80, s23, s24, $0xb8;
	[tilespmem:$0x1F000] =	vst v63  }
0x2bf: {  	s8 =	simm.s32 $0x100;
	_ =	swait.ge [sflag:s30], $0x3E80  }
0x2c0: {  	s16 =	simm.s32 $0xC00;
	s20 =	simm.s32 $0xB80;
	[sflag:s30] =	ssyncset.done $0x0  }
0x2c1: {  	s17 =	simm.s32 $0x480;
	s31 =	simm.s32 $0xF80;
	[sflag:s30] =	ssyncadd.s32 $0xFFFFC180  }
0x2c2: {  	[spmem:s2] =	stream.indirect.scatter.add.f32 [tilespmem:s29], [sflag:$0x4], $0x80, s31, s24, $0xb8;
	[tilespmem:$0x1F000] =	vst v63  }
0x2c3: {  	s18 =	simm.s32 $0x400;
	s15 =	simm.s32 $0xC80;
	_ =	swait.ge [sflag:s1], $0x3E80  }
0x2c4: {  	s14 =	simm.s32 $0x500;
	s28 =	simm.s32 $0x200;
	[sflag:s1] =	ssyncset.done $0x0  }
0x2c5: {  	s10 =	simm.s32 $0x600;
	s11 =	simm.s32 $0xD80;
	[sflag:s1] =	ssyncadd.s32 $0xFFFFC180  }
0x2c6: {  	s12 =	simm.s32 $0xD00;
	s13 =	simm.s32 $0x580;
	_ =	swait.ge [sflag:s7], $0x3E80  }
0x2c7: {  	s6 =	simm.s32 $0x100;
	s23 =	simm.s32 $0x800;
	[sflag:s7] =	ssyncset.done $0x0  }
.LBB2_6:
0x2c8: {  	s0 =	sadd.s32 s6, s9  }
0x2c9: {  	[sflag:s7] =	ssyncadd.s32 $0xFFFFC180;
	s31 =	smov.u32 s28;
	s21 =	sadd.s32 $0x100, s28  }
0x2ca: {  	[tilespmem:s3], [sflag:$0x5] =	stream.linear.gather [hbm4b:s0+s3], $0x800, $0x38;
	[tilespmem:$0x1F000] =	vst v63  }
0x2cb: {  	p0 =	sne.s32 s28, $0x400;
	_ =	swait.ge [sflag:s22], $0x800  }
0x2cc: {  	s0 =	sadd.s32 s6, s19;
	[sflag:s22] =	ssyncset.done $0x0  }
0x2cd: {  	s6 =	smov.u32 s31;
	s31 =	simm.s32 $0x80;
	[sflag:s22] =	ssyncadd.s32 $0xFFFFF800  }
0x2ce: {  	[tilespmem:s23], [sflag:$0x5] =	stream.linear.gather [hbm4b:s0+s3], $0x800, $0x38;
	[tilespmem:$0x1F000] =	vst v63  }
0x2cf: {  	_ =	swait.ge [sflag:s22], $0x800  }
0x2d0: {  	[sflag:s22] =	ssyncset.done $0x0  }
0x2d1: {  	[sflag:s22] =	ssyncadd.s32 $0xFFFFF800  }
0x2d2: {  	[tilespmem:s25], [sflag:$0x1] =	stream.indirect.gather [hbm4b:s5+s24], $0x80, s3, s24, $0xb8;
	[tilespmem:$0x1F000] =	vst v63  }
0x2d3: {  	_ =	swait.ge [sflag:s26], $0x3E80  }
0x2d4: {  	[sflag:s26] =	ssyncset.done $0x0  }
0x2d5: {  	[sflag:s26] =	ssyncadd.s32 $0xFFFFC180  }
0x2d6: {  	[tilespmem:s29], [sflag:$0x2] =	stream.indirect.gather [hbm4b:s5+s24], $0x80, s31, s24, $0xb8;
	[tilespmem:$0x1F000] =	vst v63  }
0x2d7: {  	_ = 	snop  }
0x2d8: {  	[spmem:s2] =	stream.indirect.scatter.add.f32 [tilespmem:s25], [sflag:$0x3], $0x80, s23, s24, $0xb8;
	[tilespmem:$0x1F000] =	vst v63  }
0x2d9: {  	_ =	swait.ge [sflag:s30], $0x3E80  }
0x2da: {  	[sflag:s30] =	ssyncset.done $0x0  }
0x2db: {  	s0 =	simm.s32 $0x880;
	[sflag:s30] =	ssyncadd.s32 $0xFFFFC180  }
0x2dc: {  	[spmem:s2] =	stream.indirect.scatter.add.f32 [tilespmem:s29], [sflag:$0x4], $0x80, s0, s24, $0xb8;
	[tilespmem:$0x1F000] =	vst v63  }
0x2dd: {  	_ =	swait.ge [sflag:s1], $0x3E80  }
0x2de: {  	[sflag:s1] =	ssyncset.done $0x0  }
0x2df: {  	[sflag:s1] =	ssyncadd.s32 $0xFFFFC180  }
0x2e0: {  	[tilespmem:s25], [sflag:$0x1] =	stream.indirect.gather [hbm4b:s5+s24], $0x80, s8, s24, $0xb8;
	[tilespmem:$0x1F000] =	vst v63  }
0x2e1: {  	_ =	swait.ge [sflag:s7], $0x3E80  }
0x2e2: {  	[sflag:s7] =	ssyncset.done $0x0  }
0x2e3: {  	[sflag:s7] =	ssyncadd.s32 $0xFFFFC180  }
0x2e4: {  	_ =	swait.ge [sflag:s26], $0x3E80  }
0x2e5: {  	[sflag:s26] =	ssyncset.done $0x0  }
0x2e6: {  	s0 =	simm.s32 $0x180;
	[sflag:s26] =	ssyncadd.s32 $0xFFFFC180  }
0x2e7: {  	[tilespmem:s29], [sflag:$0x2] =	stream.indirect.gather [hbm4b:s5+s24], $0x80, s0, s24, $0xb8;
	[tilespmem:$0x1F000] =	vst v63  }
0x2e8: {  	s0 =	simm.s32 $0x900  }
0x2e9: {  	[spmem:s2] =	stream.indirect.scatter.add.f32 [tilespmem:s25], [sflag:$0x3], $0x80, s0, s24, $0xb8;
	[tilespmem:$0x1F000] =	vst v63  }
0x2ea: {  	_ =	swait.ge [sflag:s30], $0x3E80  }
0x2eb: {  	[sflag:s30] =	ssyncset.done $0x0  }
0x2ec: {  	s0 =	simm.s32 $0x980;
	[sflag:s30] =	ssyncadd.s32 $0xFFFFC180  }
0x2ed: {  	[spmem:s2] =	stream.indirect.scatter.add.f32 [tilespmem:s29], [sflag:$0x4], $0x80, s0, s24, $0xb8;
	[tilespmem:$0x1F000] =	vst v63  }
0x2ee: {  	_ =	swait.ge [sflag:s1], $0x3E80  }
0x2ef: {  	[sflag:s1] =	ssyncset.done $0x0  }
0x2f0: {  	s0 =	simm.s32 $0x200;
	[sflag:s1] =	ssyncadd.s32 $0xFFFFC180  }
0x2f1: {  	[tilespmem:s25], [sflag:$0x1] =	stream.indirect.gather [hbm4b:s5+s24], $0x80, s0, s24, $0xb8;
	[tilespmem:$0x1F000] =	vst v63  }
0x2f2: {  	_ =	swait.ge [sflag:s7], $0x3E80  }
0x2f3: {  	[sflag:s7] =	ssyncset.done $0x0  }
0x2f4: {  	[sflag:s7] =	ssyncadd.s32 $0xFFFFC180  }
0x2f5: {  	_ =	swait.ge [sflag:s26], $0x3E80  }
0x2f6: {  	[sflag:s26] =	ssyncset.done $0x0  }
0x2f7: {  	s0 =	simm.s32 $0x280;
	[sflag:s26] =	ssyncadd.s32 $0xFFFFC180  }
0x2f8: {  	[tilespmem:s29], [sflag:$0x2] =	stream.indirect.gather [hbm4b:s5+s24], $0x80, s0, s24, $0xb8;
	[tilespmem:$0x1F000] =	vst v63  }
0x2f9: {  	s0 =	simm.s32 $0xA00  }
0x2fa: {  	[spmem:s2] =	stream.indirect.scatter.add.f32 [tilespmem:s25], [sflag:$0x3], $0x80, s0, s24, $0xb8;
	[tilespmem:$0x1F000] =	vst v63  }
0x2fb: {  	_ =	swait.ge [sflag:s30], $0x3E80  }
0x2fc: {  	[sflag:s30] =	ssyncset.done $0x0  }
0x2fd: {  	s0 =	simm.s32 $0xA80;
	[sflag:s30] =	ssyncadd.s32 $0xFFFFC180  }
0x2fe: {  	[spmem:s2] =	stream.indirect.scatter.add.f32 [tilespmem:s29], [sflag:$0x4], $0x80, s0, s24, $0xb8;
	[tilespmem:$0x1F000] =	vst v63  }
0x2ff: {  	_ =	swait.ge [sflag:s1], $0x3E80  }
0x300: {  	[sflag:s1] =	ssyncset.done $0x0  }
0x301: {  	s0 =	simm.s32 $0x300;
	[sflag:s1] =	ssyncadd.s32 $0xFFFFC180  }
0x302: {  	[tilespmem:s25], [sflag:$0x1] =	stream.indirect.gather [hbm4b:s5+s24], $0x80, s0, s24, $0xb8;
	[tilespmem:$0x1F000] =	vst v63  }
0x303: {  	_ =	swait.ge [sflag:s7], $0x3E80  }
0x304: {  	[sflag:s7] =	ssyncset.done $0x0  }
0x305: {  	[sflag:s7] =	ssyncadd.s32 $0xFFFFC180  }
0x306: {  	_ =	swait.ge [sflag:s26], $0x3E80  }
0x307: {  	[sflag:s26] =	ssyncset.done $0x0  }
0x308: {  	s0 =	simm.s32 $0x380;
	[sflag:s26] =	ssyncadd.s32 $0xFFFFC180  }
0x309: {  	[tilespmem:s29], [sflag:$0x2] =	stream.indirect.gather [hbm4b:s5+s24], $0x80, s0, s24, $0xb8;
	[tilespmem:$0x1F000] =	vst v63  }
0x30a: {  	s0 =	simm.s32 $0xB00  }
0x30b: {  	[spmem:s2] =	stream.indirect.scatter.add.f32 [tilespmem:s25], [sflag:$0x3], $0x80, s0, s24, $0xb8;
	[tilespmem:$0x1F000] =	vst v63  }
0x30c: {  	_ =	swait.ge [sflag:s30], $0x3E80  }
0x30d: {  	[sflag:s30] =	ssyncset.done $0x0  }
0x30e: {  	[sflag:s30] =	ssyncadd.s32 $0xFFFFC180  }
0x30f: {  	[spmem:s2] =	stream.indirect.scatter.add.f32 [tilespmem:s29], [sflag:$0x4], $0x80, s20, s24, $0xb8;
	[tilespmem:$0x1F000] =	vst v63  }
0x310: {  	_ =	swait.ge [sflag:s1], $0x3E80  }
0x311: {  	[sflag:s1] =	ssyncset.done $0x0  }
0x312: {  	[sflag:s1] =	ssyncadd.s32 $0xFFFFC180  }
0x313: {  	[tilespmem:s25], [sflag:$0x1] =	stream.indirect.gather [hbm4b:s5+s24], $0x80, s18, s24, $0xb8;
	[tilespmem:$0x1F000] =	vst v63  }
0x314: {  	_ =	swait.ge [sflag:s7], $0x3E80  }
0x315: {  	[sflag:s7] =	ssyncset.done $0x0  }
0x316: {  	[sflag:s7] =	ssyncadd.s32 $0xFFFFC180  }
0x317: {  	_ =	swait.ge [sflag:s26], $0x3E80  }
0x318: {  	[sflag:s26] =	ssyncset.done $0x0  }
0x319: {  	[sflag:s26] =	ssyncadd.s32 $0xFFFFC180  }
0x31a: {  	[tilespmem:s29], [sflag:$0x2] =	stream.indirect.gather [hbm4b:s5+s24], $0x80, s17, s24, $0xb8;
	[tilespmem:$0x1F000] =	vst v63  }
0x31b: {  	_ = 	snop  }
0x31c: {  	[spmem:s2] =	stream.indirect.scatter.add.f32 [tilespmem:s25], [sflag:$0x3], $0x80, s16, s24, $0xb8;
	[tilespmem:$0x1F000] =	vst v63  }
0x31d: {  	_ =	swait.ge [sflag:s30], $0x3E80  }
0x31e: {  	[sflag:s30] =	ssyncset.done $0x0  }
0x31f: {  	[sflag:s30] =	ssyncadd.s32 $0xFFFFC180  }
0x320: {  	[spmem:s2] =	stream.indirect.scatter.add.f32 [tilespmem:s29], [sflag:$0x4], $0x80, s15, s24, $0xb8;
	[tilespmem:$0x1F000] =	vst v63  }
0x321: {  	_ =	swait.ge [sflag:s1], $0x3E80  }
0x322: {  	[sflag:s1] =	ssyncset.done $0x0  }
0x323: {  	[sflag:s1] =	ssyncadd.s32 $0xFFFFC180  }
0x324: {  	[tilespmem:s25], [sflag:$0x1] =	stream.indirect.gather [hbm4b:s5+s24], $0x80, s14, s24, $0xb8;
	[tilespmem:$0x1F000] =	vst v63  }
0x325: {  	_ =	swait.ge [sflag:s7], $0x3E80  }
0x326: {  	[sflag:s7] =	ssyncset.done $0x0  }
0x327: {  	[sflag:s7] =	ssyncadd.s32 $0xFFFFC180  }
0x328: {  	_ =	swait.ge [sflag:s26], $0x3E80  }
0x329: {  	[sflag:s26] =	ssyncset.done $0x0  }
0x32a: {  	[sflag:s26] =	ssyncadd.s32 $0xFFFFC180  }
0x32b: {  	[tilespmem:s29], [sflag:$0x2] =	stream.indirect.gather [hbm4b:s5+s24], $0x80, s13, s24, $0xb8;
	[tilespmem:$0x1F000] =	vst v63  }
0x32c: {  	_ = 	snop  }
0x32d: {  	[spmem:s2] =	stream.indirect.scatter.add.f32 [tilespmem:s25], [sflag:$0x3], $0x80, s12, s24, $0xb8;
	[tilespmem:$0x1F000] =	vst v63  }
0x32e: {  	_ =	swait.ge [sflag:s30], $0x3E80  }
0x32f: {  	[sflag:s30] =	ssyncset.done $0x0  }
0x330: {  	[sflag:s30] =	ssyncadd.s32 $0xFFFFC180  }
0x331: {  	[spmem:s2] =	stream.indirect.scatter.add.f32 [tilespmem:s29], [sflag:$0x4], $0x80, s11, s24, $0xb8;
	[tilespmem:$0x1F000] =	vst v63  }
0x332: {  	_ =	swait.ge [sflag:s1], $0x3E80  }
0x333: {  	[sflag:s1] =	ssyncset.done $0x0  }
0x334: {  	[sflag:s1] =	ssyncadd.s32 $0xFFFFC180  }
0x335: {  	[tilespmem:s25], [sflag:$0x1] =	stream.indirect.gather [hbm4b:s5+s24], $0x80, s10, s24, $0xb8;
	[tilespmem:$0x1F000] =	vst v63  }
0x336: {  	_ =	swait.ge [sflag:s7], $0x3E80  }
0x337: {  	[sflag:s7] =	ssyncset.done $0x0  }
0x338: {  	[sflag:s7] =	ssyncadd.s32 $0xFFFFC180  }
0x339: {  	_ =	swait.ge [sflag:s26], $0x3E80  }
0x33a: {  	[sflag:s26] =	ssyncset.done $0x0  }
0x33b: {  	s0 =	simm.s32 $0x680;
	[sflag:s26] =	ssyncadd.s32 $0xFFFFC180  }
0x33c: {  	[tilespmem:s29], [sflag:$0x2] =	stream.indirect.gather [hbm4b:s5+s24], $0x80, s0, s24, $0xb8;
	[tilespmem:$0x1F000] =	vst v63  }
0x33d: {  	s0 =	simm.s32 $0xE00  }
0x33e: {  	[spmem:s2] =	stream.indirect.scatter.add.f32 [tilespmem:s25], [sflag:$0x3], $0x80, s0, s24, $0xb8;
	[tilespmem:$0x1F000] =	vst v63  }
0x33f: {  	_ =	swait.ge [sflag:s30], $0x3E80  }
0x340: {  	[sflag:s30] =	ssyncset.done $0x0  }
0x341: {  	s0 =	simm.s32 $0xE80;
	[sflag:s30] =	ssyncadd.s32 $0xFFFFC180  }
0x342: {  	[spmem:s2] =	stream.indirect.scatter.add.f32 [tilespmem:s29], [sflag:$0x4], $0x80, s0, s24, $0xb8;
	[tilespmem:$0x1F000] =	vst v63  }
0x343: {  	_ =	swait.ge [sflag:s1], $0x3E80  }
0x344: {  	[sflag:s1] =	ssyncset.done $0x0  }
0x345: {  	s0 =	simm.s32 $0x700;
	[sflag:s1] =	ssyncadd.s32 $0xFFFFC180  }
0x346: {  	[tilespmem:s25], [sflag:$0x1] =	stream.indirect.gather [hbm4b:s5+s24], $0x80, s0, s24, $0xb8;
	[tilespmem:$0x1F000] =	vst v63  }
0x347: {  	_ =	swait.ge [sflag:s7], $0x3E80  }
0x348: {  	[sflag:s7] =	ssyncset.done $0x0  }
0x349: {  	[sflag:s7] =	ssyncadd.s32 $0xFFFFC180  }
0x34a: {  	_ =	swait.ge [sflag:s26], $0x3E80  }
0x34b: {  	[sflag:s26] =	ssyncset.done $0x0  }
0x34c: {  	s0 =	simm.s32 $0x780;
	[sflag:s26] =	ssyncadd.s32 $0xFFFFC180  }
0x34d: {  	[tilespmem:s29], [sflag:$0x2] =	stream.indirect.gather [hbm4b:s5+s24], $0x80, s0, s24, $0xb8;
	[tilespmem:$0x1F000] =	vst v63  }
0x34e: {  	s0 =	simm.s32 $0xF00  }
0x34f: {  	[spmem:s2] =	stream.indirect.scatter.add.f32 [tilespmem:s25], [sflag:$0x3], $0x80, s0, s24, $0xb8;
	[tilespmem:$0x1F000] =	vst v63  }
0x350: {  	_ =	swait.ge [sflag:s30], $0x3E80  }
0x351: {  	[sflag:s30] =	ssyncset.done $0x0  }
0x352: {  	s0 =	simm.s32 $0xF80;
	[sflag:s30] =	ssyncadd.s32 $0xFFFFC180  }
0x353: {  	[spmem:s2] =	stream.indirect.scatter.add.f32 [tilespmem:s29], [sflag:$0x4], $0x80, s0, s24, $0xb8;
	[tilespmem:$0x1F000] =	vst v63  }
.Ltmp2:
0x354: {  	_ =	swait.ge [sflag:s1], $0x3E80;
	(pc) =	sbr.rel @p0 .LBB2_6-.Ltmp2, $4  }
0x355: {  	[sflag:s1] =	ssyncset.done $0x0  }
0x356: {  	[sflag:s1] =	ssyncadd.s32 $0xFFFFC180  }
0x357: {  	_ =	swait.ge [sflag:s7], $0x3E80  }
0x358: {  	s28 =	smov.u32 s21;
	[sflag:s7] =	ssyncset.done $0x0  }
0x359: {  	s0 =	sadd.s32 s6, s9;
	[sflag:s7] =	ssyncadd.s32 $0xFFFFC180  }
0x35a: {  	[tilespmem:s3], [sflag:$0x5] =	stream.linear.gather [hbm4b:s0+s3], $0x800, $0x38;
	[tilespmem:$0x1F000] =	vst v63  }
0x35b: {  	_ =	swait.ge [sflag:s22], $0x800  }
0x35c: {  	[sflag:s22] =	ssyncset.done $0x0  }
0x35d: {  	s6 =	sadd.s32 s6, s19;
	[sflag:s22] =	ssyncadd.s32 $0xFFFFF800  }
0x35e: {  	[tilespmem:s23], [sflag:$0x5] =	stream.linear.gather [hbm4b:s6+s3], $0x800, $0x38;
	[tilespmem:$0x1F000] =	vst v63  }
0x35f: {  	_ =	swait.ge [sflag:s22], $0x800  }
0x360: {  	[sflag:s22] =	ssyncset.done $0x0  }
0x361: {  	[sflag:s22] =	ssyncadd.s32 $0xFFFFF800  }
0x362: {  	[tilespmem:s25], [sflag:$0x1] =	stream.indirect.gather [hbm4b:s5+s24], $0x80, s3, s24, $0xb8;
	[tilespmem:$0x1F000] =	vst v63  }
0x363: {  	_ =	swait.ge [sflag:s26], $0x3E80  }
0x364: {  	[sflag:s26] =	ssyncset.done $0x0  }
0x365: {  	[sflag:s26] =	ssyncadd.s32 $0xFFFFC180  }
0x366: {  	[tilespmem:s29], [sflag:$0x2] =	stream.indirect.gather [hbm4b:s5+s24], $0x80, s31, s24, $0xb8;
	[tilespmem:$0x1F000] =	vst v63  }
0x367: {  	_ = 	snop  }
0x368: {  	[spmem:s2] =	stream.indirect.scatter.add.f32 [tilespmem:s25], [sflag:$0x3], $0x80, s23, s24, $0xb8;
	[tilespmem:$0x1F000] =	vst v63  }
0x369: {  	_ =	swait.ge [sflag:s30], $0x3E80  }
0x36a: {  	[sflag:s30] =	ssyncset.done $0x0  }
0x36b: {  	s8 =	simm.s32 $0x880;
	[sflag:s30] =	ssyncadd.s32 $0xFFFFC180  }
0x36c: {  	[spmem:s2] =	stream.indirect.scatter.add.f32 [tilespmem:s29], [sflag:$0x4], $0x80, s8, s24, $0xb8;
	[tilespmem:$0x1F000] =	vst v63  }
0x36d: {  	_ =	swait.ge [sflag:s1], $0x3E80  }
0x36e: {  	[sflag:s1] =	ssyncset.done $0x0  }
0x36f: {  	s8 =	simm.s32 $0x100;
	[sflag:s1] =	ssyncadd.s32 $0xFFFFC180  }
0x370: {  	[tilespmem:s25], [sflag:$0x1] =	stream.indirect.gather [hbm4b:s5+s24], $0x80, s8, s24, $0xb8;
	[tilespmem:$0x1F000] =	vst v63  }
0x371: {  	_ =	swait.ge [sflag:s7], $0x3E80  }
0x372: {  	[sflag:s7] =	ssyncset.done $0x0  }
0x373: {  	[sflag:s7] =	ssyncadd.s32 $0xFFFFC180  }
0x374: {  	_ =	swait.ge [sflag:s26], $0x3E80  }
0x375: {  	[sflag:s26] =	ssyncset.done $0x0  }
0x376: {  	s21 =	simm.s32 $0x180;
	[sflag:s26] =	ssyncadd.s32 $0xFFFFC180  }
0x377: {  	[tilespmem:s29], [sflag:$0x2] =	stream.indirect.gather [hbm4b:s5+s24], $0x80, s21, s24, $0xb8;
	[tilespmem:$0x1F000] =	vst v63  }
0x378: {  	s6 =	simm.s32 $0x900  }
0x379: {  	[spmem:s2] =	stream.indirect.scatter.add.f32 [tilespmem:s25], [sflag:$0x3], $0x80, s6, s24, $0xb8;
	[tilespmem:$0x1F000] =	vst v63  }
0x37a: {  	_ =	swait.ge [sflag:s30], $0x3E80  }
0x37b: {  	[sflag:s30] =	ssyncset.done $0x0  }
0x37c: {  	s21 =	simm.s32 $0x980;
	[sflag:s30] =	ssyncadd.s32 $0xFFFFC180  }
0x37d: {  	[spmem:s2] =	stream.indirect.scatter.add.f32 [tilespmem:s29], [sflag:$0x4], $0x80, s21, s24, $0xb8;
	[tilespmem:$0x1F000] =	vst v63  }
0x37e: {  	_ =	swait.ge [sflag:s1], $0x3E80  }
0x37f: {  	[sflag:s1] =	ssyncset.done $0x0  }
0x380: {  	s6 =	simm.s32 $0x200;
	[sflag:s1] =	ssyncadd.s32 $0xFFFFC180  }
0x381: {  	[tilespmem:s25], [sflag:$0x1] =	stream.indirect.gather [hbm4b:s5+s24], $0x80, s6, s24, $0xb8;
	[tilespmem:$0x1F000] =	vst v63  }
0x382: {  	_ =	swait.ge [sflag:s7], $0x3E80  }
0x383: {  	[sflag:s7] =	ssyncset.done $0x0  }
0x384: {  	[sflag:s7] =	ssyncadd.s32 $0xFFFFC180  }
0x385: {  	_ =	swait.ge [sflag:s26], $0x3E80  }
0x386: {  	[sflag:s26] =	ssyncset.done $0x0  }
0x387: {  	s21 =	simm.s32 $0x280;
	[sflag:s26] =	ssyncadd.s32 $0xFFFFC180  }
0x388: {  	[tilespmem:s29], [sflag:$0x2] =	stream.indirect.gather [hbm4b:s5+s24], $0x80, s21, s24, $0xb8;
	[tilespmem:$0x1F000] =	vst v63  }
0x389: {  	s6 =	simm.s32 $0xA00  }
0x38a: {  	[spmem:s2] =	stream.indirect.scatter.add.f32 [tilespmem:s25], [sflag:$0x3], $0x80, s6, s24, $0xb8;
	[tilespmem:$0x1F000] =	vst v63  }
0x38b: {  	_ =	swait.ge [sflag:s30], $0x3E80  }
0x38c: {  	[sflag:s30] =	ssyncset.done $0x0  }
0x38d: {  	s21 =	simm.s32 $0xA80;
	[sflag:s30] =	ssyncadd.s32 $0xFFFFC180  }
0x38e: {  	[spmem:s2] =	stream.indirect.scatter.add.f32 [tilespmem:s29], [sflag:$0x4], $0x80, s21, s24, $0xb8;
	[tilespmem:$0x1F000] =	vst v63  }
0x38f: {  	_ =	swait.ge [sflag:s1], $0x3E80  }
0x390: {  	[sflag:s1] =	ssyncset.done $0x0  }
0x391: {  	s6 =	simm.s32 $0x300;
	[sflag:s1] =	ssyncadd.s32 $0xFFFFC180  }
0x392: {  	[tilespmem:s25], [sflag:$0x1] =	stream.indirect.gather [hbm4b:s5+s24], $0x80, s6, s24, $0xb8;
	[tilespmem:$0x1F000] =	vst v63  }
0x393: {  	_ =	swait.ge [sflag:s7], $0x3E80  }
0x394: {  	[sflag:s7] =	ssyncset.done $0x0  }
0x395: {  	[sflag:s7] =	ssyncadd.s32 $0xFFFFC180  }
0x396: {  	_ =	swait.ge [sflag:s26], $0x3E80  }
0x397: {  	[sflag:s26] =	ssyncset.done $0x0  }
0x398: {  	s21 =	simm.s32 $0x380;
	[sflag:s26] =	ssyncadd.s32 $0xFFFFC180  }
0x399: {  	[tilespmem:s29], [sflag:$0x2] =	stream.indirect.gather [hbm4b:s5+s24], $0x80, s21, s24, $0xb8;
	[tilespmem:$0x1F000] =	vst v63  }
0x39a: {  	s6 =	simm.s32 $0xB00  }
0x39b: {  	[spmem:s2] =	stream.indirect.scatter.add.f32 [tilespmem:s25], [sflag:$0x3], $0x80, s6, s24, $0xb8;
	[tilespmem:$0x1F000] =	vst v63  }
0x39c: {  	_ =	swait.ge [sflag:s30], $0x3E80  }
0x39d: {  	[sflag:s30] =	ssyncset.done $0x0  }
0x39e: {  	[sflag:s30] =	ssyncadd.s32 $0xFFFFC180  }
0x39f: {  	[spmem:s2] =	stream.indirect.scatter.add.f32 [tilespmem:s29], [sflag:$0x4], $0x80, s20, s24, $0xb8;
	[tilespmem:$0x1F000] =	vst v63  }
0x3a0: {  	_ =	swait.ge [sflag:s1], $0x3E80  }
0x3a1: {  	[sflag:s1] =	ssyncset.done $0x0  }
0x3a2: {  	[sflag:s1] =	ssyncadd.s32 $0xFFFFC180  }
0x3a3: {  	[tilespmem:s25], [sflag:$0x1] =	stream.indirect.gather [hbm4b:s5+s24], $0x80, s18, s24, $0xb8;
	[tilespmem:$0x1F000] =	vst v63  }
0x3a4: {  	_ =	swait.ge [sflag:s7], $0x3E80  }
0x3a5: {  	[sflag:s7] =	ssyncset.done $0x0  }
0x3a6: {  	[sflag:s7] =	ssyncadd.s32 $0xFFFFC180  }
0x3a7: {  	_ =	swait.ge [sflag:s26], $0x3E80  }
0x3a8: {  	[sflag:s26] =	ssyncset.done $0x0  }
0x3a9: {  	[sflag:s26] =	ssyncadd.s32 $0xFFFFC180  }
0x3aa: {  	[tilespmem:s29], [sflag:$0x2] =	stream.indirect.gather [hbm4b:s5+s24], $0x80, s17, s24, $0xb8;
	[tilespmem:$0x1F000] =	vst v63  }
0x3ab: {  	_ = 	snop  }
0x3ac: {  	[spmem:s2] =	stream.indirect.scatter.add.f32 [tilespmem:s25], [sflag:$0x3], $0x80, s16, s24, $0xb8;
	[tilespmem:$0x1F000] =	vst v63  }
0x3ad: {  	_ =	swait.ge [sflag:s30], $0x3E80  }
0x3ae: {  	[sflag:s30] =	ssyncset.done $0x0  }
0x3af: {  	[sflag:s30] =	ssyncadd.s32 $0xFFFFC180  }
0x3b0: {  	[spmem:s2] =	stream.indirect.scatter.add.f32 [tilespmem:s29], [sflag:$0x4], $0x80, s15, s24, $0xb8;
	[tilespmem:$0x1F000] =	vst v63  }
0x3b1: {  	_ =	swait.ge [sflag:s1], $0x3E80  }
0x3b2: {  	[sflag:s1] =	ssyncset.done $0x0  }
0x3b3: {  	[sflag:s1] =	ssyncadd.s32 $0xFFFFC180  }
0x3b4: {  	[tilespmem:s25], [sflag:$0x1] =	stream.indirect.gather [hbm4b:s5+s24], $0x80, s14, s24, $0xb8;
	[tilespmem:$0x1F000] =	vst v63  }
0x3b5: {  	_ =	swait.ge [sflag:s7], $0x3E80  }
0x3b6: {  	[sflag:s7] =	ssyncset.done $0x0  }
0x3b7: {  	[sflag:s7] =	ssyncadd.s32 $0xFFFFC180  }
0x3b8: {  	_ =	swait.ge [sflag:s26], $0x3E80  }
0x3b9: {  	[sflag:s26] =	ssyncset.done $0x0  }
0x3ba: {  	[sflag:s26] =	ssyncadd.s32 $0xFFFFC180  }
0x3bb: {  	[tilespmem:s29], [sflag:$0x2] =	stream.indirect.gather [hbm4b:s5+s24], $0x80, s13, s24, $0xb8;
	[tilespmem:$0x1F000] =	vst v63  }
0x3bc: {  	_ = 	snop  }
0x3bd: {  	[spmem:s2] =	stream.indirect.scatter.add.f32 [tilespmem:s25], [sflag:$0x3], $0x80, s12, s24, $0xb8;
	[tilespmem:$0x1F000] =	vst v63  }
0x3be: {  	_ =	swait.ge [sflag:s30], $0x3E80  }
0x3bf: {  	[sflag:s30] =	ssyncset.done $0x0  }
0x3c0: {  	[sflag:s30] =	ssyncadd.s32 $0xFFFFC180  }
0x3c1: {  	[spmem:s2] =	stream.indirect.scatter.add.f32 [tilespmem:s29], [sflag:$0x4], $0x80, s11, s24, $0xb8;
	[tilespmem:$0x1F000] =	vst v63  }
0x3c2: {  	_ =	swait.ge [sflag:s1], $0x3E80  }
0x3c3: {  	[sflag:s1] =	ssyncset.done $0x0  }
0x3c4: {  	[sflag:s1] =	ssyncadd.s32 $0xFFFFC180  }
0x3c5: {  	[tilespmem:s25], [sflag:$0x1] =	stream.indirect.gather [hbm4b:s5+s24], $0x80, s10, s24, $0xb8;
	[tilespmem:$0x1F000] =	vst v63  }
0x3c6: {  	_ =	swait.ge [sflag:s7], $0x3E80  }
0x3c7: {  	[sflag:s7] =	ssyncset.done $0x0  }
0x3c8: {  	[sflag:s7] =	ssyncadd.s32 $0xFFFFC180  }
0x3c9: {  	_ =	swait.ge [sflag:s26], $0x3E80  }
0x3ca: {  	[sflag:s26] =	ssyncset.done $0x0  }
0x3cb: {  	s21 =	simm.s32 $0x680;
	[sflag:s26] =	ssyncadd.s32 $0xFFFFC180  }
0x3cc: {  	[tilespmem:s29], [sflag:$0x2] =	stream.indirect.gather [hbm4b:s5+s24], $0x80, s21, s24, $0xb8;
	[tilespmem:$0x1F000] =	vst v63  }
0x3cd: {  	s6 =	simm.s32 $0xE00  }
0x3ce: {  	[spmem:s2] =	stream.indirect.scatter.add.f32 [tilespmem:s25], [sflag:$0x3], $0x80, s6, s24, $0xb8;
	[tilespmem:$0x1F000] =	vst v63  }
0x3cf: {  	_ =	swait.ge [sflag:s30], $0x3E80  }
0x3d0: {  	[sflag:s30] =	ssyncset.done $0x0  }
0x3d1: {  	s10 =	simm.s32 $0xE80;
	[sflag:s30] =	ssyncadd.s32 $0xFFFFC180  }
0x3d2: {  	[spmem:s2] =	stream.indirect.scatter.add.f32 [tilespmem:s29], [sflag:$0x4], $0x80, s10, s24, $0xb8;
	[tilespmem:$0x1F000] =	vst v63  }
0x3d3: {  	_ =	swait.ge [sflag:s1], $0x3E80  }
0x3d4: {  	[sflag:s1] =	ssyncset.done $0x0  }
0x3d5: {  	s11 =	simm.s32 $0x700;
	[sflag:s1] =	ssyncadd.s32 $0xFFFFC180  }
0x3d6: {  	[tilespmem:s25], [sflag:$0x1] =	stream.indirect.gather [hbm4b:s5+s24], $0x80, s11, s24, $0xb8;
	[tilespmem:$0x1F000] =	vst v63  }
0x3d7: {  	_ =	swait.ge [sflag:s7], $0x3E80  }
0x3d8: {  	[sflag:s7] =	ssyncset.done $0x0  }
0x3d9: {  	[sflag:s7] =	ssyncadd.s32 $0xFFFFC180  }
0x3da: {  	_ =	swait.ge [sflag:s26], $0x3E80  }
0x3db: {  	[sflag:s26] =	ssyncset.done $0x0  }
0x3dc: {  	s12 =	simm.s32 $0x780;
	[sflag:s26] =	ssyncadd.s32 $0xFFFFC180  }
0x3dd: {  	[tilespmem:s29], [sflag:$0x2] =	stream.indirect.gather [hbm4b:s5+s24], $0x80, s12, s24, $0xb8;
	[tilespmem:$0x1F000] =	vst v63  }
0x3de: {  	s13 =	simm.s32 $0xF00  }
0x3df: {  	[spmem:s2] =	stream.indirect.scatter.add.f32 [tilespmem:s25], [sflag:$0x3], $0x80, s13, s24, $0xb8;
	[tilespmem:$0x1F000] =	vst v63  }
0x3e0: {  	_ =	swait.ge [sflag:s30], $0x3E80  }
0x3e1: {  	[sflag:s30] =	ssyncset.done $0x0  }
0x3e2: {  	s14 =	simm.s32 $0xF80;
	[sflag:s30] =	ssyncadd.s32 $0xFFFFC180  }
0x3e3: {  	[spmem:s2] =	stream.indirect.scatter.add.f32 [tilespmem:s29], [sflag:$0x4], $0x80, s14, s24, $0xb8;
	[tilespmem:$0x1F000] =	vst v63  }
0x3e4: {  	_ =	swait.ge [sflag:s1], $0x3E80  }
0x3e5: {  	[sflag:s1] =	ssyncset.done $0x0  }
0x3e6: {  	[sflag:s1] =	ssyncadd.s32 $0xFFFFC180  }
0x3e7: {  	_ =	swait.ge [sflag:s7], $0x3E80  }
0x3e8: {  	[sflag:s7] =	ssyncset.done $0x0  }
0x3e9: {  	[sflag:s7] =	ssyncadd.s32 $0xFFFFC180  }
0x3ea: {  	[bflag:$0x0] =	sbarrier.arrive $0xFFFF  }
0x3eb: {  	s15 =	rddreg [dreg:$0x5]  }
0x3ec: {  	s17 =	rddreg [dreg:$0x11]  }
0x3ed: {  	s16 =	simm.s32 $0x8;
	s18 =	rddreg [dreg:$0x12]  }
0x3ee: {  	[hbm:s15@s8], [sflag:s17] =	dma.strided [spmem:s18@s31], $0x2800, s16, $0x10   }
0x3ef: {  	_ =	swait.ge [sflag:s22], $0x2800  }
0x3f0: {  	s20 =	rddreg [dreg:$0x10]  }
0x3f1: {  	s21 =	rddreg [dreg:$0x6];
	s6 =	sadd.s32 $0x1, s20  }
0x3f2: {  	p0 =	sne.s32 s6, s21  }
.Ltmp3:
0x3f3: {  	s28 =	simm.s32 $0xB00;
	s10 =	simm.s32 $0x180;
	(pc) =	sbr.rel @p0 .LBB2_1-.Ltmp3, $4  }
0x3f4: {  	s11 =	simm.s32 $0x900;
	s12 =	simm.s32 $0x980;
	s13 =	simm.s32 $0x200  }
0x3f5: {  	s14 =	simm.s32 $0x280;
	s8 =	simm.s32 $0x880;
	s15 =	simm.s32 $0xA00  }
0x3f6: {  	s16 =	simm.s32 $0xA80;
	s17 =	simm.s32 $0x300;
	[sflag:s22] =	ssyncset.done $0x0  }
0x3f7: {  	s18 =	simm.s32 $0x380;
	[sflag:s22] =	ssyncadd.s32 $0xFFFFD800;
	s20 =	simm.s32 $0x100  }
0x3f8: {  	_ =	sfence.sel $0x180000  }
0x3f9: {  	[bflag:$0x0] =	sbarrier.arrive $0xFFFF  }
0x3fa: {  	_ =	strace $0x9000004D  }
0x3fb: {  	s0 =	stileid.u32;
	[bflag:$0x2] =	sbarrier.arrive $0xFFFF  }
0x3fc: {  	p0 =	sne.s32 s0, $0x0;
	s0 =	rddreg [dreg:$0x2]  }
0x3fd: {  	s0 =	sadd.s32 @!p0 $0x100000, s0  }
0x3fe: {  	[sflag:s0] =	ssyncadd.tile.s32 @!p0 $0x1;
	_ =	shalt  }
.Lfunc_end2:
_tile_overlayer_lowered:
.L_overlay_start_2:
0x3ff: {  	(tag) =	ssettag $0x2  }
0x400: {  	s0 =	rddreg [dreg:$0x0];
	s2 =	stileid.u32  }
0x401: {  	s1 =	rddreg [dreg:$0x1];
	p0 =	sne.s32 s2, $0x0  }
0x402: {  	s3 =	rddreg [dreg:$0x2];
	[bflag:$0x3] =	sbarrier.arrive $0xFFFF;
	s2 =	simm.s32 @!p0 $0x1C05  }
0x403: {  	[timem:s3], [sflag:s2] =	dma.local @!p0 [hbm:s0], s1  }
0x404: {  	s0 =	simm.s32 @!p0 $0x5  }
0x405: {  	_ =	swait.ge @!p0 [sflag:s0], s1  }
0x406: {  	s1 =	ssub.s32 @!p0 $0x0, s1;
	[sflag:s0] =	ssyncset.done @!p0 $0x0  }
0x407: {  	[sflag:s0] =	ssyncadd.s32 @!p0 s1  }
0x408: {  	[bflag:$0x3] =	sbarrier.arrive $0xFFFF  }
0x409: {  	_ =	shalt  }

// kernel: kernel.19.cloned.1.call-start
scs
__scs_entry_jumppad:
0x0: {  	(pc) =	sbr.rel $0x88, $3  }
0x1: {  	(tag) =	ssettag $0x0;
	lr =	simm.s32 $0x1  }
0x2: {  	[smem:$0x3F95] =	sst lr;
	_ =	strace $0xD0000000  }
0x3: {  	_ = 	snop  }
0x4: {  	_ = 	snop  }
0x5: {  	_ = 	snop  }
0x6: {  	_ = 	snop  }
0x7: {  	_ = 	snop  }
__scs_overlays_trampoline_lowered:
0x8: {  	[smem:$0x3FA4] =	sst s0  }
0x9: {  	[smem:$0x3FA5] =	sst s1  }
0xa: {  	[smem:$0x3FA6] =	sst s2  }
0xb: {  	[smem:$0x3FA7] =	sst s3  }
0xc: {  	[smem:$0x3FA8] =	sst s4  }
0xd: {  	[smem:$0x3FA9] =	sst s5  }
0xe: {  	[smem:$0x3FAA] =	sst s6  }
0xf: {  	[smem:$0x3FAB] =	sst s7  }
0x10: {  	[smem:$0x3FAC] =	sst s8  }
0x11: {  	[smem:$0x3FAD] =	sst s9;
	s0 =	simm.s32 @!p0 $0x0  }
0x12: {  	s1 =	sld [smem:$0x3F93];
	s0 =	simm.s32 @p0 $0x1  }
0x13: {  	[smem:$0x3FAE] =	sst s0;
	s0 =	simm.s32 @!p1 $0x0  }
0x14: {  	s2 =	sld [smem:$0x3F92];
	s0 =	simm.s32 @p1 $0x1  }
0x15: {  	[smem:$0x3FAF] =	sst s0;
	s0 =	simm.s32 @!p2 $0x0  }
0x16: {  	s3 =	sld [smem:$0x3FDB];
	s0 =	simm.s32 @p2 $0x1  }
0x17: {  	s4 =	simm.s32 $0x1BF5;
	[smem:$0x3FB1] =	sst s0  }
0x18: {  	s0 =	sld [smem:$0x3F94];
	_ =	swait.ge [sflag:s4], $0x0  }
0x19: {  	s7 =	sld [smem:$0x3F95]  }
0x1a: {  	s8 =	sadd.s32 $0xFFFFE003, lr  }
0x1b: {  	s9 =	sadd.s32 $0xFFFFFEF7, lr;
	s5 =	simm.s32 $0xFFFFFFFF;
	p2 =	slt.u32 s8, $0xFFFFF086  }
0x1c: {  	p1 =	slt.u32 s9, $0xF7A;
	s5 =	simm.s32 @!p2 $0x0  }
0x1d: {  	s5 =	simm.s32 @p1 $0x1;
	p0 =	seq.s32 s7, s2  }
0x1e: {  	s7 =	smul.u32 @!p0 $0xF7A, s2;
	p2 =	seq.s32 @!p0 s5, $0x0  }
0x1f: {  	s9 =	smul.u32 $0xF7A, s1;
	s8 =	simm.s32 @!p0 $0x1BF5;
	p2 =	por !p2, p0  }
0x20: {  	[sflag:s8] =	ssyncset.s32 @!p0 $0xFFFFF086;
	s6 =	sadd.s32 @!p0 s3, s7;
	s7 =	simm.s32 @!p0 $0x108  }
0x21: {  	s3 =	sadd.s32 s3, s9;
	s6 =	sadd.s32 @!p0 $0x88, s6;
	s7 =	simm.s32 @p2 $0x1082  }
0x22: {  	[simem:s7], [sflag:s8] =	dma.local @!p0 [hbm:s6], $0xF7A  }
0x23: {  	s9 =	sor.u32 $0xD0000000, s2;
	s6 =	simm.s32 $0x108;
	_ =	swait.ge @!p0 [sflag:s8], $0x0  }
0x24: {  	s3 =	sadd.s32 $0x88, s3;
	s6 =	simm.s32 @!p1 $0x1082;
	[sflag:s4] =	ssyncset.s32 $0xFFFFF086  }
0x25: {  	[simem:s6], [sflag:s4] =	dma.local [hbm:s3], $0xF7A  }
0x26: {  	[smem:$0x3F95] =	sst s1;
	(tag) =	ssettag s2;
	_ =	strace s9  }
0x27: {  	s1 =	sld [smem:$0x3FA5]  }
0x28: {  	s2 =	sld [smem:$0x3FA6]  }
0x29: {  	s4 =	sld [smem:$0x3FA8]  }
0x2a: {  	p0 =	seq.s32 s5, $0x0;
	s5 =	sld [smem:$0x3FA9]  }
0x2b: {  	s6 =	sld [smem:$0x3FAA]  }
0x2c: {  	s7 =	sld [smem:$0x3FAB]  }
0x2d: {  	s3 =	simm.s32 $0x108;
	s8 =	sld [smem:$0x3FAC]  }
0x2e: {  	s3 =	simm.s32 @!p0 $0x1082;
	s9 =	sld [smem:$0x3FAD]  }
0x2f: {  	lr =	sadd.s32 s0, s3;
	s0 =	sld [smem:$0x3FA4]  }
0x30: {  	s3 =	sld [smem:$0x3FA7]  }
0x31: {  	[smem:$0x3FB0] =	sst s10  }
0x32: {  	s10 =	sld [smem:$0x3FAE];
	_ =	sdelay $0x3  }
0x33: {  	p0 =	seq.s32 s10, $0x1;
	s10 =	sld [smem:$0x3FB0];
	_ =	sdelay $0x3  }
0x34: {  	[smem:$0x3FB0] =	sst s10  }
0x35: {  	s10 =	sld [smem:$0x3FAF];
	_ =	sdelay $0x3  }
0x36: {  	p1 =	seq.s32 s10, $0x1;
	s10 =	sld [smem:$0x3FB0];
	_ =	sdelay $0x3  }
0x37: {  	[smem:$0x3FB0] =	sst s10  }
0x38: {  	s10 =	sld [smem:$0x3FB1]  }
0x39: {  	_ = 	snop;
	(pc) =	sbr.ind lr, $3  }
0x3a: {  	_ = 	snop  }
0x3b: {  	_ = 	snop  }
0x3c: {  	p2 =	seq.s32 s10, $0x1;
	s10 =	sld [smem:$0x3FB0]  }
0x3d: {  	_ =	shalt  }
0x3e: {  	_ =	shalt  }
0x3f: {  	_ =	shalt  }
0x40: {  	_ =	shalt  }
0x41: {  	_ =	shalt  }
0x42: {  	_ =	shalt  }
0x43: {  	_ =	shalt  }
0x44: {  	_ =	shalt  }
0x45: {  	_ =	shalt  }
0x46: {  	_ =	shalt  }
0x47: {  	_ =	shalt  }
0x48: {  	_ =	shalt  }
0x49: {  	_ =	shalt  }
0x4a: {  	_ =	shalt  }
0x4b: {  	_ =	shalt  }
0x4c: {  	_ =	shalt  }
0x4d: {  	_ =	shalt  }
0x4e: {  	_ =	shalt  }
0x4f: {  	_ =	shalt  }
0x50: {  	_ =	shalt  }
0x51: {  	_ =	shalt  }
0x52: {  	_ =	shalt  }
0x53: {  	_ =	shalt  }
0x54: {  	_ =	shalt  }
0x55: {  	_ =	shalt  }
0x56: {  	_ =	shalt  }
0x57: {  	_ =	shalt  }
0x58: {  	_ =	shalt  }
0x59: {  	_ =	shalt  }
0x5a: {  	_ =	shalt  }
0x5b: {  	_ =	shalt  }
0x5c: {  	_ =	shalt  }
0x5d: {  	_ =	shalt  }
0x5e: {  	_ =	shalt  }
0x5f: {  	_ =	shalt  }
0x60: {  	_ =	shalt  }
0x61: {  	_ =	shalt  }
0x62: {  	_ =	shalt  }
0x63: {  	_ =	shalt  }
0x64: {  	_ =	shalt  }
0x65: {  	_ =	shalt  }
0x66: {  	_ =	shalt  }
0x67: {  	_ =	shalt  }
0x68: {  	_ =	shalt  }
0x69: {  	_ =	shalt  }
0x6a: {  	_ =	shalt  }
0x6b: {  	_ =	shalt  }
0x6c: {  	_ =	shalt  }
0x6d: {  	_ =	shalt  }
0x6e: {  	_ =	shalt  }
0x6f: {  	_ =	shalt  }
0x70: {  	_ =	shalt  }
0x71: {  	_ =	shalt  }
0x72: {  	_ =	shalt  }
0x73: {  	_ =	shalt  }
0x74: {  	_ =	shalt  }
0x75: {  	_ =	shalt  }
0x76: {  	_ =	shalt  }
0x77: {  	_ =	shalt  }
0x78: {  	_ =	shalt  }
0x79: {  	_ =	shalt  }
0x7a: {  	_ =	shalt  }
0x7b: {  	_ =	shalt  }
0x7c: {  	_ =	shalt  }
0x7d: {  	_ =	shalt  }
0x7e: {  	_ =	shalt  }
0x7f: {  	_ =	shalt  }
0x80: {  	_ =	shalt  }
0x81: {  	_ =	shalt  }
0x82: {  	_ =	shalt  }
0x83: {  	_ =	shalt  }
0x84: {  	_ =	shalt  }
0x85: {  	_ =	shalt  }
0x86: {  	_ =	shalt  }
0x87: {  	_ =	shalt  }
.Lfunc_end0:
.L_simem_size_0:
called_computation.3_lowered:
.L_overlay_start_0:
0x88: {  	s2 =	sld [smem:$0x3FD9]  }
0x89: {  	s3 =	sld [smem:$0x3FFE];
	_ =	sdelay $0x1  }
0x8a: {  	s1 =	srdreg.scid  }
0x8b: {  	s0 =	sand.u32 $0x1, s1  }
0x8c: {  	s16 =	sshll.u32 s0, $0xA;
	s2 =	sadd.s32 s3, s2  }
0x8d: {  	s2 =	sadd.s32 s2, s16  }
0x8e: {  	[smem:$0x3FBC] =	sst s2  }
0x8f: {  	_ = 	snop  }
0x90: {  	(tm) =	ssettm $0x1  }
0x91: {  	s17 =	sld [smem:$0x3FFB];
	_ =	sdelay $0x3  }
0x92: {  	_ =	strace s17  }
0x93: {  	s2 =	sld [smem:$0x3FFC];
	_ =	sdelay $0x3  }
0x94: {  	_ =	strace s2  }
0x95: {  	s2 =	sld [smem:$0x3FFD];
	_ =	sdelay $0x3  }
0x96: {  	_ =	strace s2  }
0x97: {  	_ =	strace $0x8FFFFFFF  }
0x98: {  	s18 =	sld [smem:$0x3FDB];
	_ =	sdelay $0x1  }
0x99: {  	s19 =	simm.s32 $_scs_section_size  }
0x9a: {  	s4 =	simm.s32 $_size__tile_overlayer_lowered;
	s5 =	simm.s32 $_tile_overlayer_lowered  }
0x9b: {  	s22 =	simm.s32 $0x1BFF;
	s21 =	sshll.u32 s5, $0x1;
	s2 =	sadd.s32 s19, s18  }
0x9c: {  	s6 =	simm.s32 $0x0;
	s20 =	sshll.u32 s4, $0x1;
	s4 =	sadd.s32 s21, s2  }
0x9d: {  	[timem:s6], [sflag:s22] =	dma.local [hbm:s4], s20  }
0x9e: {  	_ =	swait.ge [sflag:s22], s20  }
0x9f: {  	s3 =	ssub.s32 $0x0, s20;
	[sflag:s22] =	ssyncset.done $0x0  }
0xa0: {  	[sflag:s22] =	ssyncadd.s32 s3;
	_ =	sdelay $0x1  }
0xa1: {  	s23 =	simm.s32 $0x1B8B  }
0xa2: {  	_ =	swait.ge [sflag:s23], $0x1  }
0xa3: {  	[sflag:s23] =	ssyncset.done $0x0  }
0xa4: {  	s25 =	simm.s32 $0x1B8E;
	s24 =	sld [smem:$0x3FFE];
	[sflag:s23] =	ssyncadd.s32 $0xFFFFFFFF  }
0xa5: {  	s26 =	simm.s32 $execute0_lowered;
	[smem:$0x3FD2] =	sst s25  }
0xa6: {  	s4 =	sshll.u32 s26, $0x1;
	_ =	strace $0x8000004F;
	[dreg:$0x1] =	wrdreg $0xFFFFFFFF  }
0xa7: {  	s28 =	simm.s32 $_size_execute0_lowered;
	s2 =	sadd.s32 s2, s4;
	[dreg:$0x0] =	wrdreg $0x0  }
0xa8: {  	s4 =	sshll.u32 s28, $0x1;
	[dreg:$0x2] =	wrdreg s2  }
0xa9: {  	[dreg:$0x3] =	wrdreg s4  }
0xaa: {  	[dreg:$0x4] =	wrdreg $0xC0  }
0xab: {  	_ =	task [dreg:s6], $0x5FFFF  }
0xac: {  	[dreg:$0x1] =	wrdreg $0xFFFFFFFF  }
0xad: {  	[dreg:$0x0] =	wrdreg $0x60  }
0xae: {  	[dreg:$0x2] =	wrdreg s24  }
0xaf: {  	[dreg:$0x3] =	wrdreg $0xB0000  }
0xb0: {  	[dreg:$0x4] =	wrdreg $0x9  }
0xb1: {  	_ =	task.clear_ibuf [dreg:s6], $0x5FFFF;
	_ =	strace $0x9000004F  }
0xb2: {  	s29 =	simm.s32 $0x9;
	_ =	strace $0x80000051  }
0xb3: {  	_ =	swait.ge [sflag:s29], $0x1  }
0xb4: {  	[sflag:s29] =	ssyncadd.s32 $0xFFFFFFFF  }
0xb5: {  	_ =	strace $0x90000051  }
0xb6: {  	_ =	sfence  }
0xb7: {  	s30 =	sld [smem:$0x0];
	_ =	sdelay $0x2  }
0xb8: {  	s31 =	sshll.u32 s1, $0xD;
	s1 =	sshrl.u32 s1, $0x2  }
0xb9: {  	s3 =	sand.u32 $0x4000, s31;
	s1 =	sadd.s32 s1, s30  }
0xba: {  	s0 =	sor.u32 s3, s0;
	s1 =	sshll.u32 s1, $0x11  }
0xbb: {  	s0 =	sor.u32 s1, s0  }
0xbc: {  	s0 =	sadd.s32 $0x8F2B, s0  }
0xbd: {  	[sflag:s0] =	ssyncadd.remote.s32 $0x1  }
0xbe: {  	_ =	sfence.sel $0xFFFF  }
0xbf: {  	[dreg:$0x0] =	wrdreg $0xFFFFFFFF;
	(pc) =	sbr.abs _section_cstart, $3  }
0xc0: {  	[dreg:$0x1] =	wrdreg $0xFFFFFFFF  }
0xc1: {  	_ =	task.clear_ibuf [dreg:s6], $0x2FFFF;
	_ =	strace $0x9FFFFFFF  }
0xc2: {  	(tm) =	ssettm $0x7FFFFFFF  }
0xc3: {  	_ =	shalt  }
tec
execute0_lowered:
.L_overlay_start_1:
0x0: {  	(tag) =	ssettag $0x1  }
0x1: {  	s0 =	srdreg.scid;
	s8 =	stileid.u32  }
0x2: {  	s1 =	rddreg [dreg:$0x0];
	s5 =	smul.u32 $0x2800, s8  }
0x3: {  	s2 =	rddreg [dreg:$0x1];
	s3 =	simm.s32 $0x0;
	s6 =	smul.u32 $0x28000, s8  }
0x4: {  	s31 =	simm.s32 $0x80;
	s0 =	sand.u32 $0x1, s0;
	s8 =	smul.u32 $0x50000, s8  }
0x5: {  	s29 =	simm.s32 $0x5000;
	s30 =	simm.s32 $0x2;
	s4 =	smul.u32 $0x28000, s0  }
0x6: {  	[smem:$0x7FF] =	sst s3;
	s15 =	smul.u32 $0x280000, s0;
	s0 =	ssub.s32 $0x2, s0  }
0x7: {  	_ =	strace $0x80000050;
	s9 =	sshrl.u32 s0, $0x1;
	s16 =	sshrl.u32 s8, $0x2  }
0x8: {  	s4 =	sadd.s32 s5, s4;
	s6 =	sadd.s32 s6, s15;
	s5 =	sadd.s32 $0x68600, s1  }
0x9: {  	s0 =	ssub.s32 s0, s9;
	s4 =	sshrl.u32 s4, $0x3;
	s6 =	sshrl.u32 s6, $0x3  }
0xa: {  	s0 =	smax.u32 s0, $0x1;
	s7 =	sadd.s32 s4, s1;
	s4 =	sadd.s32 $0xE600, s1  }
0xb: {  	s1 =	sadd.s32 s6, s1;
	s6 =	sadd.s32 s16, s2;
	[dreg:$0x6] =	wrdreg s0  }
0xc: {  	s10 =	simm.s32 $0x180;
	s17 =	sadd.s32 $0x8F800, s1;
	[dreg:$0x3] =	wrdreg s6  }
0xd: {  	s11 =	simm.s32 $0x900;
	s1 =	sadd.s32 $0x8F880, s1;
	[dreg:$0x4] =	wrdreg s17  }
0xe: {  	s12 =	simm.s32 $0x980;
	s18 =	sadd.s32 $0x2000, s6;
	[dreg:$0x5] =	wrdreg s1  }
0xf: {  	s13 =	simm.s32 $0x200;
	s19 =	sadd.s32 $0x4000, s6;
	[dreg:$0x7] =	wrdreg s18  }
0x10: {  	s14 =	simm.s32 $0x280;
	s20 =	sadd.s32 $0x6000, s6;
	[dreg:$0x8] =	wrdreg s19  }
0x11: {  	s28 =	simm.s32 $0xB00;
	s21 =	sadd.s32 $0x8000, s6;
	[dreg:$0x9] =	wrdreg s20  }
0x12: {  	s8 =	simm.s32 $0x880;
	s22 =	sadd.s32 $0xA000, s6;
	[dreg:$0xa] =	wrdreg s21  }
0x13: {  	s15 =	simm.s32 $0xA00;
	s23 =	sadd.s32 $0xC000, s6;
	[dreg:$0xb] =	wrdreg s22  }
0x14: {  	s16 =	simm.s32 $0xA80;
	s24 =	sadd.s32 $0xE000, s6;
	[dreg:$0xc] =	wrdreg s23  }
0x15: {  	s25 =	sadd.s32 $0x10000, s6;
	s26 =	sadd.s32 $0x12000, s6;
	[dreg:$0xd] =	wrdreg s24  }
0x16: {  	s9 =	sadd.s32 $0x5E600, s7;
	s6 =	simm.s32 $0x0;
	[dreg:$0xe] =	wrdreg s25  }
0x17: {  	[dreg:$0xf] =	wrdreg s26;
	s19 =	sadd.s32 $0x4600, s7;
	s22 =	simm.s32 $0x5  }
0x18: {  	s23 =	simm.s32 $0x800;
	s24 =	simm.s32 $0x7D;
	s25 =	simm.s32 $0x1000  }
0x19: {  	s26 =	simm.s32 $0x1;
	s1 =	simm.s32 $0x3;
	s20 =	simm.s32 $0x100  }
0x1a: {  	v0 =	vimm.f32 $0.0e+00;
	s7 =	simm.s32 $0x4;
	s17 =	simm.s32 $0x300;
	s18 =	simm.s32 $0x380  }
.LBB2_1:
0x1b: {  	[dreg:$0x10] =	wrdreg s6;
	s6 =	simm.s32 $0x0;
	s21 =	simm.s32 $0x200  }
.LBB2_2:
0x1c: {  	p0 =	sne.s32 s21, $0x7E00;
	[tilespmem:s6+$0x9070] =	vst v0  }
0x1d: {  	[tilespmem:s6+$0x9000] =	vst v0  }
0x1e: {  	[tilespmem:s6+$0x9010] =	vst v0  }
.Ltmp0:
0x1f: {  	[tilespmem:s6+$0x9020] =	vst v0;
	(pc) =	sbr.rel @p0 .LBB2_2-.Ltmp0, $4  }
0x20: {  	[tilespmem:s6+$0x9030] =	vst v0  }
0x21: {  	[tilespmem:s6+$0x9040] =	vst v0  }
0x22: {  	[tilespmem:s6+$0x9050] =	vst v0  }
0x23: {  	[tilespmem:s6+$0x9060] =	vst v0;
	s6 =	sshra.s32 s21, $0x2;
	s21 =	sadd.s32 $0x200, s21  }
0x24: {  	[tilespmem:s6+$0x9070] =	vst v0  }
0x25: {  	[tilespmem:s6+$0x9000] =	vst v0  }
0x26: {  	[tilespmem:s6+$0x9010] =	vst v0  }
0x27: {  	[tilespmem:s6+$0x9020] =	vst v0  }
0x28: {  	[tilespmem:s6+$0x9030] =	vst v0  }
0x29: {  	[tilespmem:s6+$0x9040] =	vst v0  }
0x2a: {  	[tilespmem:s6+$0x9050] =	vst v0  }
0x2b: {  	[tilespmem:s6+$0x9060] =	vst v0;
	s0 =	rddreg [dreg:$0x3];
	s6 =	simm.s32 $0x9000  }
0x2c: {  	[spmem:s0] =	stream.linear.scatter [tilespmem:s6], [sflag:$0x5], $0x2000, $0x38;
	[tilespmem:$0x1F000] =	vst v63  }
0x2d: {  	_ =	swait.ge [sflag:s22], $0x2000  }
0x2e: {  	[sflag:s22] =	ssyncset.done $0x0  }
0x2f: {  	s21 =	rddreg [dreg:$0x7];
	[sflag:s22] =	ssyncadd.s32 $0xFFFFE000  }
0x30: {  	[spmem:s21] =	stream.linear.scatter [tilespmem:s6], [sflag:$0x5], $0x2000, $0x38;
	[tilespmem:$0x1F000] =	vst v63  }
0x31: {  	_ =	swait.ge [sflag:s22], $0x2000  }
0x32: {  	[sflag:s22] =	ssyncset.done $0x0  }
0x33: {  	s21 =	rddreg [dreg:$0x8];
	[sflag:s22] =	ssyncadd.s32 $0xFFFFE000  }
0x34: {  	[spmem:s21] =	stream.linear.scatter [tilespmem:s6], [sflag:$0x5], $0x2000, $0x38;
	[tilespmem:$0x1F000] =	vst v63  }
0x35: {  	_ =	swait.ge [sflag:s22], $0x2000  }
0x36: {  	[sflag:s22] =	ssyncset.done $0x0  }
0x37: {  	s21 =	rddreg [dreg:$0x9];
	[sflag:s22] =	ssyncadd.s32 $0xFFFFE000  }
0x38: {  	[spmem:s21] =	stream.linear.scatter [tilespmem:s6], [sflag:$0x5], $0x2000, $0x38;
	[tilespmem:$0x1F000] =	vst v63  }
0x39: {  	_ =	swait.ge [sflag:s22], $0x2000  }
0x3a: {  	[sflag:s22] =	ssyncset.done $0x0  }
0x3b: {  	s21 =	rddreg [dreg:$0xa];
	[sflag:s22] =	ssyncadd.s32 $0xFFFFE000  }
0x3c: {  	[spmem:s21] =	stream.linear.scatter [tilespmem:s6], [sflag:$0x5], $0x2000, $0x38;
	[tilespmem:$0x1F000] =	vst v63  }
0x3d: {  	_ =	swait.ge [sflag:s22], $0x2000  }
0x3e: {  	[sflag:s22] =	ssyncset.done $0x0  }
0x3f: {  	s21 =	rddreg [dreg:$0xb];
	[sflag:s22] =	ssyncadd.s32 $0xFFFFE000  }
0x40: {  	[spmem:s21] =	stream.linear.scatter [tilespmem:s6], [sflag:$0x5], $0x2000, $0x38;
	[tilespmem:$0x1F000] =	vst v63  }
0x41: {  	_ =	swait.ge [sflag:s22], $0x2000  }
0x42: {  	[sflag:s22] =	ssyncset.done $0x0  }
0x43: {  	s21 =	rddreg [dreg:$0xc];
	[sflag:s22] =	ssyncadd.s32 $0xFFFFE000  }
0x44: {  	[spmem:s21] =	stream.linear.scatter [tilespmem:s6], [sflag:$0x5], $0x2000, $0x38;
	[tilespmem:$0x1F000] =	vst v63  }
0x45: {  	_ =	swait.ge [sflag:s22], $0x2000  }
0x46: {  	[sflag:s22] =	ssyncset.done $0x0  }
0x47: {  	s21 =	rddreg [dreg:$0xd];
	[sflag:s22] =	ssyncadd.s32 $0xFFFFE000  }
0x48: {  	[spmem:s21] =	stream.linear.scatter [tilespmem:s6], [sflag:$0x5], $0x2000, $0x38;
	[tilespmem:$0x1F000] =	vst v63  }
0x49: {  	_ =	swait.ge [sflag:s22], $0x2000  }
0x4a: {  	[sflag:s22] =	ssyncset.done $0x0  }
0x4b: {  	s21 =	rddreg [dreg:$0xe];
	[sflag:s22] =	ssyncadd.s32 $0xFFFFE000  }
0x4c: {  	[spmem:s21] =	stream.linear.scatter [tilespmem:s6], [sflag:$0x5], $0x2000, $0x38;
	[tilespmem:$0x1F000] =	vst v63  }
0x4d: {  	_ =	swait.ge [sflag:s22], $0x2000  }
0x4e: {  	[sflag:s22] =	ssyncset.done $0x0  }
0x4f: {  	s21 =	rddreg [dreg:$0xf];
	[sflag:s22] =	ssyncadd.s32 $0xFFFFE000  }
0x50: {  	[spmem:s21] =	stream.linear.scatter [tilespmem:s6], [sflag:$0x5], $0x2000, $0x38;
	[tilespmem:$0x1F000] =	vst v63  }
0x51: {  	_ =	swait.ge [sflag:s22], $0x2000  }
0x52: {  	[sflag:s22] =	ssyncset.done $0x0  }
0x53: {  	[sflag:s22] =	ssyncadd.s32 $0xFFFFE000  }
0x54: {  	s0 =	sadd.s32 $0x0, s9;
	[bflag:$0x0] =	sbarrier.arrive $0xFFFF  }
0x55: {  	[tilespmem:s3], [sflag:$0x5] =	stream.linear.gather [hbm4b:s0+s3], $0x800, $0x38;
	[tilespmem:$0x1F000] =	vst v63  }
0x56: {  	_ =	swait.ge [sflag:s22], $0x800  }
0x57: {  	[sflag:s22] =	ssyncset.done $0x0  }
0x58: {  	s21 =	sadd.s32 $0x0, s19;
	[sflag:s22] =	ssyncadd.s32 $0xFFFFF800  }
0x59: {  	[tilespmem:s23], [sflag:$0x5] =	stream.linear.gather [hbm4b:s21+s3], $0x800, $0x38;
	[tilespmem:$0x1F000] =	vst v63  }
0x5a: {  	_ =	swait.ge [sflag:s22], $0x800  }
0x5b: {  	[sflag:s22] =	ssyncset.done $0x0  }
0x5c: {  	[sflag:s22] =	ssyncadd.s32 $0xFFFFF800  }
0x5d: {  	[tilespmem:s25], [sflag:$0x1] =	stream.indirect.gather [hbm4b:s4+s24], $0x80, s3, s24, $0xb8;
	[tilespmem:$0x1F000] =	vst v63  }
0x5e: {  	_ =	swait.ge [sflag:s26], $0x3E80  }
0x5f: {  	[sflag:s26] =	ssyncset.done $0x0  }
0x60: {  	[sflag:s26] =	ssyncadd.s32 $0xFFFFC180  }
0x61: {  	[tilespmem:s29], [sflag:$0x2] =	stream.indirect.gather [hbm4b:s4+s24], $0x80, s31, s24, $0xb8;
	[tilespmem:$0x1F000] =	vst v63  }
0x62: {  	_ = 	snop  }
0x63: {  	[spmem:s2] =	stream.indirect.scatter.add.f32 [tilespmem:s25], [sflag:$0x3], $0x80, s23, s24, $0xb8;
	[tilespmem:$0x1F000] =	vst v63  }
0x64: {  	_ =	swait.ge [sflag:s30], $0x3E80  }
0x65: {  	[sflag:s30] =	ssyncset.done $0x0  }
0x66: {  	[sflag:s30] =	ssyncadd.s32 $0xFFFFC180  }
0x67: {  	[spmem:s2] =	stream.indirect.scatter.add.f32 [tilespmem:s29], [sflag:$0x4], $0x80, s8, s24, $0xb8;
	[tilespmem:$0x1F000] =	vst v63  }
0x68: {  	_ =	swait.ge [sflag:s1], $0x3E80  }
0x69: {  	[sflag:s1] =	ssyncset.done $0x0  }
0x6a: {  	[sflag:s1] =	ssyncadd.s32 $0xFFFFC180  }
0x6b: {  	[tilespmem:s25], [sflag:$0x1] =	stream.indirect.gather [hbm4b:s4+s24], $0x80, s20, s24, $0xb8;
	[tilespmem:$0x1F000] =	vst v63  }
0x6c: {  	_ =	swait.ge [sflag:s7], $0x3E80  }
0x6d: {  	[sflag:s7] =	ssyncset.done $0x0  }
0x6e: {  	[sflag:s7] =	ssyncadd.s32 $0xFFFFC180  }
0x6f: {  	_ =	swait.ge [sflag:s26], $0x3E80  }
0x70: {  	[sflag:s26] =	ssyncset.done $0x0  }
0x71: {  	[sflag:s26] =	ssyncadd.s32 $0xFFFFC180  }
0x72: {  	[tilespmem:s29], [sflag:$0x2] =	stream.indirect.gather [hbm4b:s4+s24], $0x80, s10, s24, $0xb8;
	[tilespmem:$0x1F000] =	vst v63  }
0x73: {  	_ = 	snop  }
0x74: {  	[spmem:s2] =	stream.indirect.scatter.add.f32 [tilespmem:s25], [sflag:$0x3], $0x80, s11, s24, $0xb8;
	[tilespmem:$0x1F000] =	vst v63  }
0x75: {  	_ =	swait.ge [sflag:s30], $0x3E80  }
0x76: {  	[sflag:s30] =	ssyncset.done $0x0  }
0x77: {  	[sflag:s30] =	ssyncadd.s32 $0xFFFFC180  }
0x78: {  	[spmem:s2] =	stream.indirect.scatter.add.f32 [tilespmem:s29], [sflag:$0x4], $0x80, s12, s24, $0xb8;
	[tilespmem:$0x1F000] =	vst v63  }
0x79: {  	_ =	swait.ge [sflag:s1], $0x3E80  }
0x7a: {  	[sflag:s1] =	ssyncset.done $0x0  }
0x7b: {  	[sflag:s1] =	ssyncadd.s32 $0xFFFFC180  }
0x7c: {  	[tilespmem:s25], [sflag:$0x1] =	stream.indirect.gather [hbm4b:s4+s24], $0x80, s13, s24, $0xb8;
	[tilespmem:$0x1F000] =	vst v63  }
0x7d: {  	_ =	swait.ge [sflag:s7], $0x3E80  }
0x7e: {  	[sflag:s7] =	ssyncset.done $0x0  }
0x7f: {  	[sflag:s7] =	ssyncadd.s32 $0xFFFFC180  }
0x80: {  	_ =	swait.ge [sflag:s26], $0x3E80  }
0x81: {  	[sflag:s26] =	ssyncset.done $0x0  }
0x82: {  	[sflag:s26] =	ssyncadd.s32 $0xFFFFC180  }
0x83: {  	[tilespmem:s29], [sflag:$0x2] =	stream.indirect.gather [hbm4b:s4+s24], $0x80, s14, s24, $0xb8;
	[tilespmem:$0x1F000] =	vst v63  }
0x84: {  	_ = 	snop  }
0x85: {  	[spmem:s2] =	stream.indirect.scatter.add.f32 [tilespmem:s25], [sflag:$0x3], $0x80, s15, s24, $0xb8;
	[tilespmem:$0x1F000] =	vst v63  }
0x86: {  	_ =	swait.ge [sflag:s30], $0x3E80  }
0x87: {  	[sflag:s30] =	ssyncset.done $0x0  }
0x88: {  	[sflag:s30] =	ssyncadd.s32 $0xFFFFC180  }
0x89: {  	[spmem:s2] =	stream.indirect.scatter.add.f32 [tilespmem:s29], [sflag:$0x4], $0x80, s16, s24, $0xb8;
	[tilespmem:$0x1F000] =	vst v63  }
0x8a: {  	_ =	swait.ge [sflag:s1], $0x3E80  }
0x8b: {  	[sflag:s1] =	ssyncset.done $0x0  }
0x8c: {  	[sflag:s1] =	ssyncadd.s32 $0xFFFFC180  }
0x8d: {  	[tilespmem:s25], [sflag:$0x1] =	stream.indirect.gather [hbm4b:s4+s24], $0x80, s17, s24, $0xb8;
	[tilespmem:$0x1F000] =	vst v63  }
0x8e: {  	_ =	swait.ge [sflag:s7], $0x3E80  }
0x8f: {  	[sflag:s7] =	ssyncset.done $0x0  }
0x90: {  	[sflag:s7] =	ssyncadd.s32 $0xFFFFC180  }
0x91: {  	_ =	swait.ge [sflag:s26], $0x3E80  }
0x92: {  	[sflag:s26] =	ssyncset.done $0x0  }
0x93: {  	[sflag:s26] =	ssyncadd.s32 $0xFFFFC180  }
0x94: {  	[tilespmem:s29], [sflag:$0x2] =	stream.indirect.gather [hbm4b:s4+s24], $0x80, s18, s24, $0xb8;
	[tilespmem:$0x1F000] =	vst v63  }
0x95: {  	_ = 	snop  }
0x96: {  	[spmem:s2] =	stream.indirect.scatter.add.f32 [tilespmem:s25], [sflag:$0x3], $0x80, s28, s24, $0xb8;
	[tilespmem:$0x1F000] =	vst v63  }
0x97: {  	_ =	swait.ge [sflag:s30], $0x3E80  }
0x98: {  	[sflag:s30] =	ssyncset.done $0x0  }
0x99: {  	s31 =	simm.s32 $0xB80;
	[sflag:s30] =	ssyncadd.s32 $0xFFFFC180  }
0x9a: {  	[spmem:s2] =	stream.indirect.scatter.add.f32 [tilespmem:s29], [sflag:$0x4], $0x80, s31, s24, $0xb8;
	[tilespmem:$0x1F000] =	vst v63  }
0x9b: {  	_ =	swait.ge [sflag:s1], $0x3E80  }
0x9c: {  	[sflag:s1] =	ssyncset.done $0x0  }
0x9d: {  	s6 =	simm.s32 $0x400;
	[sflag:s1] =	ssyncadd.s32 $0xFFFFC180  }
0x9e: {  	[tilespmem:s25], [sflag:$0x1] =	stream.indirect.gather [hbm4b:s4+s24], $0x80, s6, s24, $0xb8;
	[tilespmem:$0x1F000] =	vst v63  }
0x9f: {  	_ =	swait.ge [sflag:s7], $0x3E80  }
0xa0: {  	[sflag:s7] =	ssyncset.done $0x0  }
0xa1: {  	[sflag:s7] =	ssyncadd.s32 $0xFFFFC180  }
0xa2: {  	_ =	swait.ge [sflag:s26], $0x3E80  }
0xa3: {  	[sflag:s26] =	ssyncset.done $0x0  }
0xa4: {  	s8 =	simm.s32 $0x480;
	[sflag:s26] =	ssyncadd.s32 $0xFFFFC180  }
0xa5: {  	[tilespmem:s29], [sflag:$0x2] =	stream.indirect.gather [hbm4b:s4+s24], $0x80, s8, s24, $0xb8;
	[tilespmem:$0x1F000] =	vst v63  }
0xa6: {  	s10 =	simm.s32 $0xC00  }
0xa7: {  	[spmem:s2] =	stream.indirect.scatter.add.f32 [tilespmem:s25], [sflag:$0x3], $0x80, s10, s24, $0xb8;
	[tilespmem:$0x1F000] =	vst v63  }
0xa8: {  	_ =	swait.ge [sflag:s30], $0x3E80  }
0xa9: {  	[sflag:s30] =	ssyncset.done $0x0  }
0xaa: {  	s11 =	simm.s32 $0xC80;
	[sflag:s30] =	ssyncadd.s32 $0xFFFFC180  }
0xab: {  	[spmem:s2] =	stream.indirect.scatter.add.f32 [tilespmem:s29], [sflag:$0x4], $0x80, s11, s24, $0xb8;
	[tilespmem:$0x1F000] =	vst v63  }
0xac: {  	_ =	swait.ge [sflag:s1], $0x3E80  }
0xad: {  	[sflag:s1] =	ssyncset.done $0x0  }
0xae: {  	s12 =	simm.s32 $0x500;
	[sflag:s1] =	ssyncadd.s32 $0xFFFFC180  }
0xaf: {  	[tilespmem:s25], [sflag:$0x1] =	stream.indirect.gather [hbm4b:s4+s24], $0x80, s12, s24, $0xb8;
	[tilespmem:$0x1F000] =	vst v63  }
0xb0: {  	_ =	swait.ge [sflag:s7], $0x3E80  }
0xb1: {  	[sflag:s7] =	ssyncset.done $0x0  }
0xb2: {  	[sflag:s7] =	ssyncadd.s32 $0xFFFFC180  }
0xb3: {  	_ =	swait.ge [sflag:s26], $0x3E80  }
0xb4: {  	[sflag:s26] =	ssyncset.done $0x0  }
0xb5: {  	s13 =	simm.s32 $0x580;
	[sflag:s26] =	ssyncadd.s32 $0xFFFFC180  }
0xb6: {  	[tilespmem:s29], [sflag:$0x2] =	stream.indirect.gather [hbm4b:s4+s24], $0x80, s13, s24, $0xb8;
	[tilespmem:$0x1F000] =	vst v63  }
0xb7: {  	s14 =	simm.s32 $0xD00  }
0xb8: {  	[spmem:s2] =	stream.indirect.scatter.add.f32 [tilespmem:s25], [sflag:$0x3], $0x80, s14, s24, $0xb8;
	[tilespmem:$0x1F000] =	vst v63  }
0xb9: {  	_ =	swait.ge [sflag:s30], $0x3E80  }
0xba: {  	[sflag:s30] =	ssyncset.done $0x0  }
0xbb: {  	s15 =	simm.s32 $0xD80;
	[sflag:s30] =	ssyncadd.s32 $0xFFFFC180  }
0xbc: {  	[spmem:s2] =	stream.indirect.scatter.add.f32 [tilespmem:s29], [sflag:$0x4], $0x80, s15, s24, $0xb8;
	[tilespmem:$0x1F000] =	vst v63  }
0xbd: {  	_ =	swait.ge [sflag:s1], $0x3E80  }
0xbe: {  	[sflag:s1] =	ssyncset.done $0x0  }
0xbf: {  	s16 =	simm.s32 $0x600;
	[sflag:s1] =	ssyncadd.s32 $0xFFFFC180  }
0xc0: {  	[tilespmem:s25], [sflag:$0x1] =	stream.indirect.gather [hbm4b:s4+s24], $0x80, s16, s24, $0xb8;
	[tilespmem:$0x1F000] =	vst v63  }
0xc1: {  	_ =	swait.ge [sflag:s7], $0x3E80  }
0xc2: {  	[sflag:s7] =	ssyncset.done $0x0  }
0xc3: {  	[sflag:s7] =	ssyncadd.s32 $0xFFFFC180  }
0xc4: {  	_ =	swait.ge [sflag:s26], $0x3E80  }
0xc5: {  	[sflag:s26] =	ssyncset.done $0x0  }
0xc6: {  	s17 =	simm.s32 $0x680;
	[sflag:s26] =	ssyncadd.s32 $0xFFFFC180  }
0xc7: {  	[tilespmem:s29], [sflag:$0x2] =	stream.indirect.gather [hbm4b:s4+s24], $0x80, s17, s24, $0xb8;
	[tilespmem:$0x1F000] =	vst v63  }
0xc8: {  	s18 =	simm.s32 $0xE00  }
0xc9: {  	[spmem:s2] =	stream.indirect.scatter.add.f32 [tilespmem:s25], [sflag:$0x3], $0x80, s18, s24, $0xb8;
	[tilespmem:$0x1F000] =	vst v63  }
0xca: {  	_ =	swait.ge [sflag:s30], $0x3E80  }
0xcb: {  	[sflag:s30] =	ssyncset.done $0x0  }
0xcc: {  	s20 =	simm.s32 $0xE80;
	[sflag:s30] =	ssyncadd.s32 $0xFFFFC180  }
0xcd: {  	[spmem:s2] =	stream.indirect.scatter.add.f32 [tilespmem:s29], [sflag:$0x4], $0x80, s20, s24, $0xb8;
	[tilespmem:$0x1F000] =	vst v63  }
0xce: {  	_ =	swait.ge [sflag:s1], $0x3E80  }
0xcf: {  	[sflag:s1] =	ssyncset.done $0x0  }
0xd0: {  	s21 =	simm.s32 $0x700;
	[sflag:s1] =	ssyncadd.s32 $0xFFFFC180  }
0xd1: {  	[tilespmem:s25], [sflag:$0x1] =	stream.indirect.gather [hbm4b:s4+s24], $0x80, s21, s24, $0xb8;
	[tilespmem:$0x1F000] =	vst v63  }
0xd2: {  	_ =	swait.ge [sflag:s7], $0x3E80  }
0xd3: {  	[sflag:s7] =	ssyncset.done $0x0  }
0xd4: {  	[sflag:s7] =	ssyncadd.s32 $0xFFFFC180  }
0xd5: {  	_ =	swait.ge [sflag:s26], $0x3E80  }
0xd6: {  	[sflag:s26] =	ssyncset.done $0x0  }
0xd7: {  	s23 =	simm.s32 $0x780;
	[sflag:s26] =	ssyncadd.s32 $0xFFFFC180  }
0xd8: {  	[tilespmem:s29], [sflag:$0x2] =	stream.indirect.gather [hbm4b:s4+s24], $0x80, s23, s24, $0xb8;
	[tilespmem:$0x1F000] =	vst v63  }
0xd9: {  	s28 =	simm.s32 $0xF00  }
0xda: {  	[spmem:s2] =	stream.indirect.scatter.add.f32 [tilespmem:s25], [sflag:$0x3], $0x80, s28, s24, $0xb8;
	[tilespmem:$0x1F000] =	vst v63  }
0xdb: {  	s31 =	simm.s32 $0xF80;
	_ =	swait.ge [sflag:s30], $0x3E80  }
0xdc: {  	s6 =	simm.s32 $0x100;
	s8 =	simm.s32 $0xA80;
	[sflag:s30] =	ssyncset.done $0x0  }
0xdd: {  	s10 =	simm.s32 $0x300;
	s11 =	simm.s32 $0x380;
	[sflag:s30] =	ssyncadd.s32 $0xFFFFC180  }
0xde: {  	[spmem:s2] =	stream.indirect.scatter.add.f32 [tilespmem:s29], [sflag:$0x4], $0x80, s31, s24, $0xb8;
	[tilespmem:$0x1F000] =	vst v63  }
0xdf: {  	s12 =	simm.s32 $0xB00;
	s13 =	simm.s32 $0x100;
	_ =	swait.ge [sflag:s1], $0x3E80  }
0xe0: {  	s14 =	simm.s32 $0x180;
	s15 =	simm.s32 $0x900;
	[sflag:s1] =	ssyncset.done $0x0  }
0xe1: {  	s16 =	simm.s32 $0x800;
	s17 =	simm.s32 $0x200;
	[sflag:s1] =	ssyncadd.s32 $0xFFFFC180  }
0xe2: {  	s18 =	simm.s32 $0x280;
	s20 =	simm.s32 $0xA00;
	_ =	swait.ge [sflag:s7], $0x3E80  }
0xe3: {  	s21 =	simm.s32 $0x200;
	s23 =	simm.s32 $0x980;
	[sflag:s7] =	ssyncset.done $0x0  }
.LBB2_4:
0xe4: {  	s31 =	sadd.s32 s6, s9  }
0xe5: {  	[sflag:s7] =	ssyncadd.s32 $0xFFFFC180;
	s0 =	smov.u32 s21;
	s28 =	sadd.s32 $0x100, s21  }
0xe6: {  	[tilespmem:s3], [sflag:$0x5] =	stream.linear.gather [hbm4b:s31+s3], $0x800, $0x38;
	[tilespmem:$0x1F000] =	vst v63  }
0xe7: {  	s31 =	simm.s32 $0x80  }
0xe8: {  	p0 =	sne.s32 s21, $0x400;
	_ =	swait.ge [sflag:s22], $0x800  }
0xe9: {  	[sflag:s22] =	ssyncset.done $0x0  }
0xea: {  	s21 =	sadd.s32 s6, s19;
	s6 =	smov.u32 s0;
	[sflag:s22] =	ssyncadd.s32 $0xFFFFF800  }
0xeb: {  	[tilespmem:s16], [sflag:$0x5] =	stream.linear.gather [hbm4b:s21+s3], $0x800, $0x38;
	[tilespmem:$0x1F000] =	vst v63  }
0xec: {  	_ =	swait.ge [sflag:s22], $0x800  }
0xed: {  	[sflag:s22] =	ssyncset.done $0x0  }
0xee: {  	[sflag:s22] =	ssyncadd.s32 $0xFFFFF800  }
0xef: {  	[tilespmem:s25], [sflag:$0x1] =	stream.indirect.gather [hbm4b:s4+s24], $0x80, s3, s24, $0xb8;
	[tilespmem:$0x1F000] =	vst v63  }
0xf0: {  	_ =	swait.ge [sflag:s26], $0x3E80  }
0xf1: {  	[sflag:s26] =	ssyncset.done $0x0  }
0xf2: {  	[sflag:s26] =	ssyncadd.s32 $0xFFFFC180  }
0xf3: {  	[tilespmem:s29], [sflag:$0x2] =	stream.indirect.gather [hbm4b:s4+s24], $0x80, s31, s24, $0xb8;
	[tilespmem:$0x1F000] =	vst v63  }
0xf4: {  	_ = 	snop  }
0xf5: {  	[spmem:s2] =	stream.indirect.scatter.add.f32 [tilespmem:s25], [sflag:$0x3], $0x80, s16, s24, $0xb8;
	[tilespmem:$0x1F000] =	vst v63  }
0xf6: {  	_ =	swait.ge [sflag:s30], $0x3E80  }
0xf7: {  	[sflag:s30] =	ssyncset.done $0x0  }
0xf8: {  	s0 =	simm.s32 $0x880;
	[sflag:s30] =	ssyncadd.s32 $0xFFFFC180  }
0xf9: {  	[spmem:s2] =	stream.indirect.scatter.add.f32 [tilespmem:s29], [sflag:$0x4], $0x80, s0, s24, $0xb8;
	[tilespmem:$0x1F000] =	vst v63  }
0xfa: {  	_ =	swait.ge [sflag:s1], $0x3E80  }
0xfb: {  	[sflag:s1] =	ssyncset.done $0x0  }
0xfc: {  	[sflag:s1] =	ssyncadd.s32 $0xFFFFC180  }
0xfd: {  	[tilespmem:s25], [sflag:$0x1] =	stream.indirect.gather [hbm4b:s4+s24], $0x80, s13, s24, $0xb8;
	[tilespmem:$0x1F000] =	vst v63  }
0xfe: {  	_ =	swait.ge [sflag:s7], $0x3E80  }
0xff: {  	[sflag:s7] =	ssyncset.done $0x0  }
0x100: {  	[sflag:s7] =	ssyncadd.s32 $0xFFFFC180  }
0x101: {  	_ =	swait.ge [sflag:s26], $0x3E80  }
0x102: {  	[sflag:s26] =	ssyncset.done $0x0  }
0x103: {  	[sflag:s26] =	ssyncadd.s32 $0xFFFFC180  }
0x104: {  	[tilespmem:s29], [sflag:$0x2] =	stream.indirect.gather [hbm4b:s4+s24], $0x80, s14, s24, $0xb8;
	[tilespmem:$0x1F000] =	vst v63  }
0x105: {  	_ = 	snop  }
0x106: {  	[spmem:s2] =	stream.indirect.scatter.add.f32 [tilespmem:s25], [sflag:$0x3], $0x80, s15, s24, $0xb8;
	[tilespmem:$0x1F000] =	vst v63  }
0x107: {  	_ =	swait.ge [sflag:s30], $0x3E80  }
0x108: {  	[sflag:s30] =	ssyncset.done $0x0  }
0x109: {  	[sflag:s30] =	ssyncadd.s32 $0xFFFFC180  }
0x10a: {  	[spmem:s2] =	stream.indirect.scatter.add.f32 [tilespmem:s29], [sflag:$0x4], $0x80, s23, s24, $0xb8;
	[tilespmem:$0x1F000] =	vst v63  }
0x10b: {  	_ =	swait.ge [sflag:s1], $0x3E80  }
0x10c: {  	[sflag:s1] =	ssyncset.done $0x0  }
0x10d: {  	[sflag:s1] =	ssyncadd.s32 $0xFFFFC180  }
0x10e: {  	[tilespmem:s25], [sflag:$0x1] =	stream.indirect.gather [hbm4b:s4+s24], $0x80, s17, s24, $0xb8;
	[tilespmem:$0x1F000] =	vst v63  }
0x10f: {  	_ =	swait.ge [sflag:s7], $0x3E80  }
0x110: {  	[sflag:s7] =	ssyncset.done $0x0  }
0x111: {  	[sflag:s7] =	ssyncadd.s32 $0xFFFFC180  }
0x112: {  	_ =	swait.ge [sflag:s26], $0x3E80  }
0x113: {  	[sflag:s26] =	ssyncset.done $0x0  }
0x114: {  	[sflag:s26] =	ssyncadd.s32 $0xFFFFC180  }
0x115: {  	[tilespmem:s29], [sflag:$0x2] =	stream.indirect.gather [hbm4b:s4+s24], $0x80, s18, s24, $0xb8;
	[tilespmem:$0x1F000] =	vst v63  }
0x116: {  	_ = 	snop  }
0x117: {  	[spmem:s2] =	stream.indirect.scatter.add.f32 [tilespmem:s25], [sflag:$0x3], $0x80, s20, s24, $0xb8;
	[tilespmem:$0x1F000] =	vst v63  }
0x118: {  	_ =	swait.ge [sflag:s30], $0x3E80  }
0x119: {  	[sflag:s30] =	ssyncset.done $0x0  }
0x11a: {  	[sflag:s30] =	ssyncadd.s32 $0xFFFFC180  }
0x11b: {  	[spmem:s2] =	stream.indirect.scatter.add.f32 [tilespmem:s29], [sflag:$0x4], $0x80, s8, s24, $0xb8;
	[tilespmem:$0x1F000] =	vst v63  }
0x11c: {  	_ =	swait.ge [sflag:s1], $0x3E80  }
0x11d: {  	[sflag:s1] =	ssyncset.done $0x0  }
0x11e: {  	[sflag:s1] =	ssyncadd.s32 $0xFFFFC180  }
0x11f: {  	[tilespmem:s25], [sflag:$0x1] =	stream.indirect.gather [hbm4b:s4+s24], $0x80, s10, s24, $0xb8;
	[tilespmem:$0x1F000] =	vst v63  }
0x120: {  	_ =	swait.ge [sflag:s7], $0x3E80  }
0x121: {  	[sflag:s7] =	ssyncset.done $0x0  }
0x122: {  	[sflag:s7] =	ssyncadd.s32 $0xFFFFC180  }
0x123: {  	_ =	swait.ge [sflag:s26], $0x3E80  }
0x124: {  	[sflag:s26] =	ssyncset.done $0x0  }
0x125: {  	[sflag:s26] =	ssyncadd.s32 $0xFFFFC180  }
0x126: {  	[tilespmem:s29], [sflag:$0x2] =	stream.indirect.gather [hbm4b:s4+s24], $0x80, s11, s24, $0xb8;
	[tilespmem:$0x1F000] =	vst v63  }
0x127: {  	_ = 	snop  }
0x128: {  	[spmem:s2] =	stream.indirect.scatter.add.f32 [tilespmem:s25], [sflag:$0x3], $0x80, s12, s24, $0xb8;
	[tilespmem:$0x1F000] =	vst v63  }
0x129: {  	_ =	swait.ge [sflag:s30], $0x3E80  }
0x12a: {  	[sflag:s30] =	ssyncset.done $0x0  }
0x12b: {  	s0 =	simm.s32 $0xB80;
	[sflag:s30] =	ssyncadd.s32 $0xFFFFC180  }
0x12c: {  	[spmem:s2] =	stream.indirect.scatter.add.f32 [tilespmem:s29], [sflag:$0x4], $0x80, s0, s24, $0xb8;
	[tilespmem:$0x1F000] =	vst v63  }
0x12d: {  	_ =	swait.ge [sflag:s1], $0x3E80  }
0x12e: {  	[sflag:s1] =	ssyncset.done $0x0  }
0x12f: {  	s0 =	simm.s32 $0x400;
	[sflag:s1] =	ssyncadd.s32 $0xFFFFC180  }
0x130: {  	[tilespmem:s25], [sflag:$0x1] =	stream.indirect.gather [hbm4b:s4+s24], $0x80, s0, s24, $0xb8;
	[tilespmem:$0x1F000] =	vst v63  }
0x131: {  	_ =	swait.ge [sflag:s7], $0x3E80  }
0x132: {  	[sflag:s7] =	ssyncset.done $0x0  }
0x133: {  	[sflag:s7] =	ssyncadd.s32 $0xFFFFC180  }
0x134: {  	_ =	swait.ge [sflag:s26], $0x3E80  }
0x135: {  	[sflag:s26] =	ssyncset.done $0x0  }
0x136: {  	s0 =	simm.s32 $0x480;
	[sflag:s26] =	ssyncadd.s32 $0xFFFFC180  }
0x137: {  	[tilespmem:s29], [sflag:$0x2] =	stream.indirect.gather [hbm4b:s4+s24], $0x80, s0, s24, $0xb8;
	[tilespmem:$0x1F000] =	vst v63  }
0x138: {  	s0 =	simm.s32 $0xC00  }
0x139: {  	[spmem:s2] =	stream.indirect.scatter.add.f32 [tilespmem:s25], [sflag:$0x3], $0x80, s0, s24, $0xb8;
	[tilespmem:$0x1F000] =	vst v63  }
0x13a: {  	_ =	swait.ge [sflag:s30], $0x3E80  }
0x13b: {  	[sflag:s30] =	ssyncset.done $0x0  }
0x13c: {  	s0 =	simm.s32 $0xC80;
	[sflag:s30] =	ssyncadd.s32 $0xFFFFC180  }
0x13d: {  	[spmem:s2] =	stream.indirect.scatter.add.f32 [tilespmem:s29], [sflag:$0x4], $0x80, s0, s24, $0xb8;
	[tilespmem:$0x1F000] =	vst v63  }
0x13e: {  	_ =	swait.ge [sflag:s1], $0x3E80  }
0x13f: {  	[sflag:s1] =	ssyncset.done $0x0  }
0x140: {  	s0 =	simm.s32 $0x500;
	[sflag:s1] =	ssyncadd.s32 $0xFFFFC180  }
0x141: {  	[tilespmem:s25], [sflag:$0x1] =	stream.indirect.gather [hbm4b:s4+s24], $0x80, s0, s24, $0xb8;
	[tilespmem:$0x1F000] =	vst v63  }
0x142: {  	_ =	swait.ge [sflag:s7], $0x3E80  }
0x143: {  	[sflag:s7] =	ssyncset.done $0x0  }
0x144: {  	[sflag:s7] =	ssyncadd.s32 $0xFFFFC180  }
0x145: {  	_ =	swait.ge [sflag:s26], $0x3E80  }
0x146: {  	[sflag:s26] =	ssyncset.done $0x0  }
0x147: {  	s0 =	simm.s32 $0x580;
	[sflag:s26] =	ssyncadd.s32 $0xFFFFC180  }
0x148: {  	[tilespmem:s29], [sflag:$0x2] =	stream.indirect.gather [hbm4b:s4+s24], $0x80, s0, s24, $0xb8;
	[tilespmem:$0x1F000] =	vst v63  }
0x149: {  	s0 =	simm.s32 $0xD00  }
0x14a: {  	[spmem:s2] =	stream.indirect.scatter.add.f32 [tilespmem:s25], [sflag:$0x3], $0x80, s0, s24, $0xb8;
	[tilespmem:$0x1F000] =	vst v63  }
0x14b: {  	_ =	swait.ge [sflag:s30], $0x3E80  }
0x14c: {  	[sflag:s30] =	ssyncset.done $0x0  }
0x14d: {  	s0 =	simm.s32 $0xD80;
	[sflag:s30] =	ssyncadd.s32 $0xFFFFC180  }
0x14e: {  	[spmem:s2] =	stream.indirect.scatter.add.f32 [tilespmem:s29], [sflag:$0x4], $0x80, s0, s24, $0xb8;
	[tilespmem:$0x1F000] =	vst v63  }
0x14f: {  	_ =	swait.ge [sflag:s1], $0x3E80  }
0x150: {  	[sflag:s1] =	ssyncset.done $0x0  }
0x151: {  	s0 =	simm.s32 $0x600;
	[sflag:s1] =	ssyncadd.s32 $0xFFFFC180  }
0x152: {  	[tilespmem:s25], [sflag:$0x1] =	stream.indirect.gather [hbm4b:s4+s24], $0x80, s0, s24, $0xb8;
	[tilespmem:$0x1F000] =	vst v63  }
0x153: {  	_ =	swait.ge [sflag:s7], $0x3E80  }
0x154: {  	[sflag:s7] =	ssyncset.done $0x0  }
0x155: {  	[sflag:s7] =	ssyncadd.s32 $0xFFFFC180  }
0x156: {  	_ =	swait.ge [sflag:s26], $0x3E80  }
0x157: {  	[sflag:s26] =	ssyncset.done $0x0  }
0x158: {  	s0 =	simm.s32 $0x680;
	[sflag:s26] =	ssyncadd.s32 $0xFFFFC180  }
0x159: {  	[tilespmem:s29], [sflag:$0x2] =	stream.indirect.gather [hbm4b:s4+s24], $0x80, s0, s24, $0xb8;
	[tilespmem:$0x1F000] =	vst v63  }
0x15a: {  	s0 =	simm.s32 $0xE00  }
0x15b: {  	[spmem:s2] =	stream.indirect.scatter.add.f32 [tilespmem:s25], [sflag:$0x3], $0x80, s0, s24, $0xb8;
	[tilespmem:$0x1F000] =	vst v63  }
0x15c: {  	_ =	swait.ge [sflag:s30], $0x3E80  }
0x15d: {  	[sflag:s30] =	ssyncset.done $0x0  }
0x15e: {  	s0 =	simm.s32 $0xE80;
	[sflag:s30] =	ssyncadd.s32 $0xFFFFC180  }
0x15f: {  	[spmem:s2] =	stream.indirect.scatter.add.f32 [tilespmem:s29], [sflag:$0x4], $0x80, s0, s24, $0xb8;
	[tilespmem:$0x1F000] =	vst v63  }
0x160: {  	_ =	swait.ge [sflag:s1], $0x3E80  }
0x161: {  	[sflag:s1] =	ssyncset.done $0x0  }
0x162: {  	s0 =	simm.s32 $0x700;
	[sflag:s1] =	ssyncadd.s32 $0xFFFFC180  }
0x163: {  	[tilespmem:s25], [sflag:$0x1] =	stream.indirect.gather [hbm4b:s4+s24], $0x80, s0, s24, $0xb8;
	[tilespmem:$0x1F000] =	vst v63  }
0x164: {  	_ =	swait.ge [sflag:s7], $0x3E80  }
0x165: {  	[sflag:s7] =	ssyncset.done $0x0  }
0x166: {  	[sflag:s7] =	ssyncadd.s32 $0xFFFFC180  }
0x167: {  	_ =	swait.ge [sflag:s26], $0x3E80  }
0x168: {  	[sflag:s26] =	ssyncset.done $0x0  }
0x169: {  	s0 =	simm.s32 $0x780;
	[sflag:s26] =	ssyncadd.s32 $0xFFFFC180  }
0x16a: {  	[tilespmem:s29], [sflag:$0x2] =	stream.indirect.gather [hbm4b:s4+s24], $0x80, s0, s24, $0xb8;
	[tilespmem:$0x1F000] =	vst v63  }
0x16b: {  	s0 =	simm.s32 $0xF00  }
0x16c: {  	[spmem:s2] =	stream.indirect.scatter.add.f32 [tilespmem:s25], [sflag:$0x3], $0x80, s0, s24, $0xb8;
	[tilespmem:$0x1F000] =	vst v63  }
0x16d: {  	_ =	swait.ge [sflag:s30], $0x3E80  }
0x16e: {  	[sflag:s30] =	ssyncset.done $0x0  }
0x16f: {  	s0 =	simm.s32 $0xF80;
	[sflag:s30] =	ssyncadd.s32 $0xFFFFC180  }
0x170: {  	[spmem:s2] =	stream.indirect.scatter.add.f32 [tilespmem:s29], [sflag:$0x4], $0x80, s0, s24, $0xb8;
	[tilespmem:$0x1F000] =	vst v63  }
.Ltmp1:
0x171: {  	_ =	swait.ge [sflag:s1], $0x3E80;
	(pc) =	sbr.rel @p0 .LBB2_4-.Ltmp1, $4  }
0x172: {  	[sflag:s1] =	ssyncset.done $0x0  }
0x173: {  	[sflag:s1] =	ssyncadd.s32 $0xFFFFC180  }
0x174: {  	_ =	swait.ge [sflag:s7], $0x3E80  }
0x175: {  	s21 =	smov.u32 s28;
	[sflag:s7] =	ssyncset.done $0x0  }
0x176: {  	s0 =	sadd.s32 s6, s9;
	[sflag:s7] =	ssyncadd.s32 $0xFFFFC180  }
0x177: {  	[tilespmem:s3], [sflag:$0x5] =	stream.linear.gather [hbm4b:s0+s3], $0x800, $0x38;
	[tilespmem:$0x1F000] =	vst v63  }
0x178: {  	_ =	swait.ge [sflag:s22], $0x800  }
0x179: {  	[sflag:s22] =	ssyncset.done $0x0  }
0x17a: {  	s17 =	sadd.s32 s6, s19;
	[sflag:s22] =	ssyncadd.s32 $0xFFFFF800  }
0x17b: {  	[tilespmem:s16], [sflag:$0x5] =	stream.linear.gather [hbm4b:s17+s3], $0x800, $0x38;
	[tilespmem:$0x1F000] =	vst v63  }
0x17c: {  	_ =	swait.ge [sflag:s22], $0x800  }
0x17d: {  	[sflag:s22] =	ssyncset.done $0x0  }
0x17e: {  	[sflag:s22] =	ssyncadd.s32 $0xFFFFF800  }
0x17f: {  	[tilespmem:s25], [sflag:$0x1] =	stream.indirect.gather [hbm4b:s4+s24], $0x80, s3, s24, $0xb8;
	[tilespmem:$0x1F000] =	vst v63  }
0x180: {  	_ =	swait.ge [sflag:s26], $0x3E80  }
0x181: {  	[sflag:s26] =	ssyncset.done $0x0  }
0x182: {  	[sflag:s26] =	ssyncadd.s32 $0xFFFFC180  }
0x183: {  	[tilespmem:s29], [sflag:$0x2] =	stream.indirect.gather [hbm4b:s4+s24], $0x80, s31, s24, $0xb8;
	[tilespmem:$0x1F000] =	vst v63  }
0x184: {  	_ = 	snop  }
0x185: {  	[spmem:s2] =	stream.indirect.scatter.add.f32 [tilespmem:s25], [sflag:$0x3], $0x80, s16, s24, $0xb8;
	[tilespmem:$0x1F000] =	vst v63  }
0x186: {  	_ =	swait.ge [sflag:s30], $0x3E80  }
0x187: {  	[sflag:s30] =	ssyncset.done $0x0  }
0x188: {  	s18 =	simm.s32 $0x880;
	[sflag:s30] =	ssyncadd.s32 $0xFFFFC180  }
0x189: {  	[spmem:s2] =	stream.indirect.scatter.add.f32 [tilespmem:s29], [sflag:$0x4], $0x80, s18, s24, $0xb8;
	[tilespmem:$0x1F000] =	vst v63  }
0x18a: {  	_ =	swait.ge [sflag:s1], $0x3E80  }
0x18b: {  	[sflag:s1] =	ssyncset.done $0x0  }
0x18c: {  	s10 =	simm.s32 $0x100;
	[sflag:s1] =	ssyncadd.s32 $0xFFFFC180  }
0x18d: {  	[tilespmem:s25], [sflag:$0x1] =	stream.indirect.gather [hbm4b:s4+s24], $0x80, s10, s24, $0xb8;
	[tilespmem:$0x1F000] =	vst v63  }
0x18e: {  	_ =	swait.ge [sflag:s7], $0x3E80  }
0x18f: {  	[sflag:s7] =	ssyncset.done $0x0  }
0x190: {  	[sflag:s7] =	ssyncadd.s32 $0xFFFFC180  }
0x191: {  	_ =	swait.ge [sflag:s26], $0x3E80  }
0x192: {  	[sflag:s26] =	ssyncset.done $0x0  }
0x193: {  	s20 =	simm.s32 $0x180;
	[sflag:s26] =	ssyncadd.s32 $0xFFFFC180  }
0x194: {  	[tilespmem:s29], [sflag:$0x2] =	stream.indirect.gather [hbm4b:s4+s24], $0x80, s20, s24, $0xb8;
	[tilespmem:$0x1F000] =	vst v63  }
0x195: {  	s23 =	simm.s32 $0x900  }
0x196: {  	[spmem:s2] =	stream.indirect.scatter.add.f32 [tilespmem:s25], [sflag:$0x3], $0x80, s23, s24, $0xb8;
	[tilespmem:$0x1F000] =	vst v63  }
0x197: {  	_ =	swait.ge [sflag:s30], $0x3E80  }
0x198: {  	[sflag:s30] =	ssyncset.done $0x0  }
0x199: {  	s17 =	simm.s32 $0x980;
	[sflag:s30] =	ssyncadd.s32 $0xFFFFC180  }
0x19a: {  	[spmem:s2] =	stream.indirect.scatter.add.f32 [tilespmem:s29], [sflag:$0x4], $0x80, s17, s24, $0xb8;
	[tilespmem:$0x1F000] =	vst v63  }
0x19b: {  	_ =	swait.ge [sflag:s1], $0x3E80  }
0x19c: {  	[sflag:s1] =	ssyncset.done $0x0  }
0x19d: {  	s18 =	simm.s32 $0x200;
	[sflag:s1] =	ssyncadd.s32 $0xFFFFC180  }
0x19e: {  	[tilespmem:s25], [sflag:$0x1] =	stream.indirect.gather [hbm4b:s4+s24], $0x80, s18, s24, $0xb8;
	[tilespmem:$0x1F000] =	vst v63  }
0x19f: {  	_ =	swait.ge [sflag:s7], $0x3E80  }
0x1a0: {  	[sflag:s7] =	ssyncset.done $0x0  }
0x1a1: {  	[sflag:s7] =	ssyncadd.s32 $0xFFFFC180  }
0x1a2: {  	_ =	swait.ge [sflag:s26], $0x3E80  }
0x1a3: {  	[sflag:s26] =	ssyncset.done $0x0  }
0x1a4: {  	s15 =	simm.s32 $0x280;
	[sflag:s26] =	ssyncadd.s32 $0xFFFFC180  }
0x1a5: {  	[tilespmem:s29], [sflag:$0x2] =	stream.indirect.gather [hbm4b:s4+s24], $0x80, s15, s24, $0xb8;
	[tilespmem:$0x1F000] =	vst v63  }
0x1a6: {  	s14 =	simm.s32 $0xA00  }
0x1a7: {  	[spmem:s2] =	stream.indirect.scatter.add.f32 [tilespmem:s25], [sflag:$0x3], $0x80, s14, s24, $0xb8;
	[tilespmem:$0x1F000] =	vst v63  }
0x1a8: {  	_ =	swait.ge [sflag:s30], $0x3E80  }
0x1a9: {  	[sflag:s30] =	ssyncset.done $0x0  }
0x1aa: {  	s13 =	simm.s32 $0xA80;
	[sflag:s30] =	ssyncadd.s32 $0xFFFFC180  }
0x1ab: {  	[spmem:s2] =	stream.indirect.scatter.add.f32 [tilespmem:s29], [sflag:$0x4], $0x80, s13, s24, $0xb8;
	[tilespmem:$0x1F000] =	vst v63  }
0x1ac: {  	_ =	swait.ge [sflag:s1], $0x3E80  }
0x1ad: {  	[sflag:s1] =	ssyncset.done $0x0  }
0x1ae: {  	s12 =	simm.s32 $0x300;
	[sflag:s1] =	ssyncadd.s32 $0xFFFFC180  }
0x1af: {  	[tilespmem:s25], [sflag:$0x1] =	stream.indirect.gather [hbm4b:s4+s24], $0x80, s12, s24, $0xb8;
	[tilespmem:$0x1F000] =	vst v63  }
0x1b0: {  	_ =	swait.ge [sflag:s7], $0x3E80  }
0x1b1: {  	[sflag:s7] =	ssyncset.done $0x0  }
0x1b2: {  	[sflag:s7] =	ssyncadd.s32 $0xFFFFC180  }
0x1b3: {  	_ =	swait.ge [sflag:s26], $0x3E80  }
0x1b4: {  	[sflag:s26] =	ssyncset.done $0x0  }
0x1b5: {  	s11 =	simm.s32 $0x380;
	[sflag:s26] =	ssyncadd.s32 $0xFFFFC180  }
0x1b6: {  	[tilespmem:s29], [sflag:$0x2] =	stream.indirect.gather [hbm4b:s4+s24], $0x80, s11, s24, $0xb8;
	[tilespmem:$0x1F000] =	vst v63  }
0x1b7: {  	s21 =	simm.s32 $0xB00  }
0x1b8: {  	[spmem:s2] =	stream.indirect.scatter.add.f32 [tilespmem:s25], [sflag:$0x3], $0x80, s21, s24, $0xb8;
	[tilespmem:$0x1F000] =	vst v63  }
0x1b9: {  	_ =	swait.ge [sflag:s30], $0x3E80  }
0x1ba: {  	[sflag:s30] =	ssyncset.done $0x0  }
0x1bb: {  	s28 =	simm.s32 $0xB80;
	[sflag:s30] =	ssyncadd.s32 $0xFFFFC180  }
0x1bc: {  	[spmem:s2] =	stream.indirect.scatter.add.f32 [tilespmem:s29], [sflag:$0x4], $0x80, s28, s24, $0xb8;
	[tilespmem:$0x1F000] =	vst v63  }
0x1bd: {  	_ =	swait.ge [sflag:s1], $0x3E80  }
0x1be: {  	[sflag:s1] =	ssyncset.done $0x0  }
0x1bf: {  	s6 =	simm.s32 $0x400;
	[sflag:s1] =	ssyncadd.s32 $0xFFFFC180  }
0x1c0: {  	[tilespmem:s25], [sflag:$0x1] =	stream.indirect.gather [hbm4b:s4+s24], $0x80, s6, s24, $0xb8;
	[tilespmem:$0x1F000] =	vst v63  }
0x1c1: {  	_ =	swait.ge [sflag:s7], $0x3E80  }
0x1c2: {  	[sflag:s7] =	ssyncset.done $0x0  }
0x1c3: {  	[sflag:s7] =	ssyncadd.s32 $0xFFFFC180  }
0x1c4: {  	_ =	swait.ge [sflag:s26], $0x3E80  }
0x1c5: {  	[sflag:s26] =	ssyncset.done $0x0  }
0x1c6: {  	s8 =	simm.s32 $0x480;
	[sflag:s26] =	ssyncadd.s32 $0xFFFFC180  }
0x1c7: {  	[tilespmem:s29], [sflag:$0x2] =	stream.indirect.gather [hbm4b:s4+s24], $0x80, s8, s24, $0xb8;
	[tilespmem:$0x1F000] =	vst v63  }
0x1c8: {  	s20 =	simm.s32 $0xC00  }
0x1c9: {  	[spmem:s2] =	stream.indirect.scatter.add.f32 [tilespmem:s25], [sflag:$0x3], $0x80, s20, s24, $0xb8;
	[tilespmem:$0x1F000] =	vst v63  }
0x1ca: {  	_ =	swait.ge [sflag:s30], $0x3E80  }
0x1cb: {  	[sflag:s30] =	ssyncset.done $0x0  }
0x1cc: {  	s21 =	simm.s32 $0xC80;
	[sflag:s30] =	ssyncadd.s32 $0xFFFFC180  }
0x1cd: {  	[spmem:s2] =	stream.indirect.scatter.add.f32 [tilespmem:s29], [sflag:$0x4], $0x80, s21, s24, $0xb8;
	[tilespmem:$0x1F000] =	vst v63  }
0x1ce: {  	_ =	swait.ge [sflag:s1], $0x3E80  }
0x1cf: {  	[sflag:s1] =	ssyncset.done $0x0  }
0x1d0: {  	s6 =	simm.s32 $0x500;
	[sflag:s1] =	ssyncadd.s32 $0xFFFFC180  }
0x1d1: {  	[tilespmem:s25], [sflag:$0x1] =	stream.indirect.gather [hbm4b:s4+s24], $0x80, s6, s24, $0xb8;
	[tilespmem:$0x1F000] =	vst v63  }
0x1d2: {  	_ =	swait.ge [sflag:s7], $0x3E80  }
0x1d3: {  	[sflag:s7] =	ssyncset.done $0x0  }
0x1d4: {  	[sflag:s7] =	ssyncadd.s32 $0xFFFFC180  }
0x1d5: {  	_ =	swait.ge [sflag:s26], $0x3E80  }
0x1d6: {  	[sflag:s26] =	ssyncset.done $0x0  }
0x1d7: {  	s8 =	simm.s32 $0x580;
	[sflag:s26] =	ssyncadd.s32 $0xFFFFC180  }
0x1d8: {  	[tilespmem:s29], [sflag:$0x2] =	stream.indirect.gather [hbm4b:s4+s24], $0x80, s8, s24, $0xb8;
	[tilespmem:$0x1F000] =	vst v63  }
0x1d9: {  	s20 =	simm.s32 $0xD00  }
0x1da: {  	[spmem:s2] =	stream.indirect.scatter.add.f32 [tilespmem:s25], [sflag:$0x3], $0x80, s20, s24, $0xb8;
	[tilespmem:$0x1F000] =	vst v63  }
0x1db: {  	_ =	swait.ge [sflag:s30], $0x3E80  }
0x1dc: {  	[sflag:s30] =	ssyncset.done $0x0  }
0x1dd: {  	s21 =	simm.s32 $0xD80;
	[sflag:s30] =	ssyncadd.s32 $0xFFFFC180  }
0x1de: {  	[spmem:s2] =	stream.indirect.scatter.add.f32 [tilespmem:s29], [sflag:$0x4], $0x80, s21, s24, $0xb8;
	[tilespmem:$0x1F000] =	vst v63  }
0x1df: {  	_ =	swait.ge [sflag:s1], $0x3E80  }
0x1e0: {  	[sflag:s1] =	ssyncset.done $0x0  }
0x1e1: {  	s6 =	simm.s32 $0x600;
	[sflag:s1] =	ssyncadd.s32 $0xFFFFC180  }
0x1e2: {  	[tilespmem:s25], [sflag:$0x1] =	stream.indirect.gather [hbm4b:s4+s24], $0x80, s6, s24, $0xb8;
	[tilespmem:$0x1F000] =	vst v63  }
0x1e3: {  	_ =	swait.ge [sflag:s7], $0x3E80  }
0x1e4: {  	[sflag:s7] =	ssyncset.done $0x0  }
0x1e5: {  	[sflag:s7] =	ssyncadd.s32 $0xFFFFC180  }
0x1e6: {  	_ =	swait.ge [sflag:s26], $0x3E80  }
0x1e7: {  	[sflag:s26] =	ssyncset.done $0x0  }
0x1e8: {  	s8 =	simm.s32 $0x680;
	[sflag:s26] =	ssyncadd.s32 $0xFFFFC180  }
0x1e9: {  	[tilespmem:s29], [sflag:$0x2] =	stream.indirect.gather [hbm4b:s4+s24], $0x80, s8, s24, $0xb8;
	[tilespmem:$0x1F000] =	vst v63  }
0x1ea: {  	s20 =	simm.s32 $0xE00  }
0x1eb: {  	[spmem:s2] =	stream.indirect.scatter.add.f32 [tilespmem:s25], [sflag:$0x3], $0x80, s20, s24, $0xb8;
	[tilespmem:$0x1F000] =	vst v63  }
0x1ec: {  	_ =	swait.ge [sflag:s30], $0x3E80  }
0x1ed: {  	[sflag:s30] =	ssyncset.done $0x0  }
0x1ee: {  	s21 =	simm.s32 $0xE80;
	[sflag:s30] =	ssyncadd.s32 $0xFFFFC180  }
0x1ef: {  	[spmem:s2] =	stream.indirect.scatter.add.f32 [tilespmem:s29], [sflag:$0x4], $0x80, s21, s24, $0xb8;
	[tilespmem:$0x1F000] =	vst v63  }
0x1f0: {  	_ =	swait.ge [sflag:s1], $0x3E80  }
0x1f1: {  	[sflag:s1] =	ssyncset.done $0x0  }
0x1f2: {  	s6 =	simm.s32 $0x700;
	[sflag:s1] =	ssyncadd.s32 $0xFFFFC180  }
0x1f3: {  	[tilespmem:s25], [sflag:$0x1] =	stream.indirect.gather [hbm4b:s4+s24], $0x80, s6, s24, $0xb8;
	[tilespmem:$0x1F000] =	vst v63  }
0x1f4: {  	_ =	swait.ge [sflag:s7], $0x3E80  }
0x1f5: {  	[sflag:s7] =	ssyncset.done $0x0  }
0x1f6: {  	[sflag:s7] =	ssyncadd.s32 $0xFFFFC180  }
0x1f7: {  	_ =	swait.ge [sflag:s26], $0x3E80  }
0x1f8: {  	[sflag:s26] =	ssyncset.done $0x0  }
0x1f9: {  	s8 =	simm.s32 $0x780;
	[sflag:s26] =	ssyncadd.s32 $0xFFFFC180  }
0x1fa: {  	[tilespmem:s29], [sflag:$0x2] =	stream.indirect.gather [hbm4b:s4+s24], $0x80, s8, s24, $0xb8;
	[tilespmem:$0x1F000] =	vst v63  }
0x1fb: {  	s20 =	simm.s32 $0xF00  }
0x1fc: {  	[spmem:s2] =	stream.indirect.scatter.add.f32 [tilespmem:s25], [sflag:$0x3], $0x80, s20, s24, $0xb8;
	[tilespmem:$0x1F000] =	vst v63  }
0x1fd: {  	_ =	swait.ge [sflag:s30], $0x3E80  }
0x1fe: {  	[sflag:s30] =	ssyncset.done $0x0  }
0x1ff: {  	s21 =	simm.s32 $0xF80;
	[sflag:s30] =	ssyncadd.s32 $0xFFFFC180  }
0x200: {  	[spmem:s2] =	stream.indirect.scatter.add.f32 [tilespmem:s29], [sflag:$0x4], $0x80, s21, s24, $0xb8;
	[tilespmem:$0x1F000] =	vst v63  }
0x201: {  	_ =	swait.ge [sflag:s1], $0x3E80  }
0x202: {  	[sflag:s1] =	ssyncset.done $0x0  }
0x203: {  	[sflag:s1] =	ssyncadd.s32 $0xFFFFC180  }
0x204: {  	_ =	swait.ge [sflag:s7], $0x3E80  }
0x205: {  	[sflag:s7] =	ssyncset.done $0x0  }
0x206: {  	[sflag:s7] =	ssyncadd.s32 $0xFFFFC180  }
0x207: {  	s6 =	stileid.u32;
	[bflag:$0x0] =	sbarrier.arrive $0xFFFF  }
0x208: {  	s0 =	sshll.u32 s6, $0x6;
	s8 =	rddreg [dreg:$0x3]  }
0x209: {  	s20 =	sor.u32 $0x1C05, s0;
	s6 =	rddreg [dreg:$0x4]  }
0x20a: {  	[dreg:$0x11] =	wrdreg s20;
	s0 =	sshrl.u32 s8, $0x3  }
0x20b: {  	s21 =	simm.s32 $0x8;
	[dreg:$0x12] =	wrdreg s0  }
0x20c: {  	[hbm:s6@s10], [sflag:s20] =	dma.strided [spmem:s0@s31], $0x2800, s21, $0x10   }
0x20d: {  	_ =	swait.ge [sflag:s22], $0x2800  }
0x20e: {  	[sflag:s22] =	ssyncset.done $0x0  }
0x20f: {  	s6 =	simm.s32 $0x9000;
	[sflag:s22] =	ssyncadd.s32 $0xFFFFD800  }
0x210: {  	[spmem:s8] =	stream.linear.scatter [tilespmem:s6], [sflag:$0x5], $0x2000, $0x38;
	[tilespmem:$0x1F000] =	vst v63  }
0x211: {  	_ =	swait.ge [sflag:s22], $0x2000  }
0x212: {  	[sflag:s22] =	ssyncset.done $0x0  }
0x213: {  	s8 =	rddreg [dreg:$0x7];
	[sflag:s22] =	ssyncadd.s32 $0xFFFFE000  }
0x214: {  	[spmem:s8] =	stream.linear.scatter [tilespmem:s6], [sflag:$0x5], $0x2000, $0x38;
	[tilespmem:$0x1F000] =	vst v63  }
0x215: {  	_ =	swait.ge [sflag:s22], $0x2000  }
0x216: {  	[sflag:s22] =	ssyncset.done $0x0  }
0x217: {  	s20 =	rddreg [dreg:$0x8];
	[sflag:s22] =	ssyncadd.s32 $0xFFFFE000  }
0x218: {  	[spmem:s20] =	stream.linear.scatter [tilespmem:s6], [sflag:$0x5], $0x2000, $0x38;
	[tilespmem:$0x1F000] =	vst v63  }
0x219: {  	_ =	swait.ge [sflag:s22], $0x2000  }
0x21a: {  	[sflag:s22] =	ssyncset.done $0x0  }
0x21b: {  	s21 =	rddreg [dreg:$0x9];
	[sflag:s22] =	ssyncadd.s32 $0xFFFFE000  }
0x21c: {  	[spmem:s21] =	stream.linear.scatter [tilespmem:s6], [sflag:$0x5], $0x2000, $0x38;
	[tilespmem:$0x1F000] =	vst v63  }
0x21d: {  	_ =	swait.ge [sflag:s22], $0x2000  }
0x21e: {  	[sflag:s22] =	ssyncset.done $0x0  }
0x21f: {  	s8 =	rddreg [dreg:$0xa];
	[sflag:s22] =	ssyncadd.s32 $0xFFFFE000  }
0x220: {  	[spmem:s8] =	stream.linear.scatter [tilespmem:s6], [sflag:$0x5], $0x2000, $0x38;
	[tilespmem:$0x1F000] =	vst v63  }
0x221: {  	_ =	swait.ge [sflag:s22], $0x2000  }
0x222: {  	[sflag:s22] =	ssyncset.done $0x0  }
0x223: {  	s20 =	rddreg [dreg:$0xb];
	[sflag:s22] =	ssyncadd.s32 $0xFFFFE000  }
0x224: {  	[spmem:s20] =	stream.linear.scatter [tilespmem:s6], [sflag:$0x5], $0x2000, $0x38;
	[tilespmem:$0x1F000] =	vst v63  }
0x225: {  	_ =	swait.ge [sflag:s22], $0x2000  }
0x226: {  	[sflag:s22] =	ssyncset.done $0x0  }
0x227: {  	s21 =	rddreg [dreg:$0xc];
	[sflag:s22] =	ssyncadd.s32 $0xFFFFE000  }
0x228: {  	[spmem:s21] =	stream.linear.scatter [tilespmem:s6], [sflag:$0x5], $0x2000, $0x38;
	[tilespmem:$0x1F000] =	vst v63  }
0x229: {  	_ =	swait.ge [sflag:s22], $0x2000  }
0x22a: {  	[sflag:s22] =	ssyncset.done $0x0  }
0x22b: {  	s8 =	rddreg [dreg:$0xd];
	[sflag:s22] =	ssyncadd.s32 $0xFFFFE000  }
0x22c: {  	[spmem:s8] =	stream.linear.scatter [tilespmem:s6], [sflag:$0x5], $0x2000, $0x38;
	[tilespmem:$0x1F000] =	vst v63  }
0x22d: {  	_ =	swait.ge [sflag:s22], $0x2000  }
0x22e: {  	[sflag:s22] =	ssyncset.done $0x0  }
0x22f: {  	s20 =	rddreg [dreg:$0xe];
	[sflag:s22] =	ssyncadd.s32 $0xFFFFE000  }
0x230: {  	[spmem:s20] =	stream.linear.scatter [tilespmem:s6], [sflag:$0x5], $0x2000, $0x38;
	[tilespmem:$0x1F000] =	vst v63  }
0x231: {  	_ =	swait.ge [sflag:s22], $0x2000  }
0x232: {  	[sflag:s22] =	ssyncset.done $0x0  }
0x233: {  	s21 =	rddreg [dreg:$0xf];
	[sflag:s22] =	ssyncadd.s32 $0xFFFFE000  }
0x234: {  	[spmem:s21] =	stream.linear.scatter [tilespmem:s6], [sflag:$0x5], $0x2000, $0x38;
	[tilespmem:$0x1F000] =	vst v63  }
0x235: {  	_ =	swait.ge [sflag:s22], $0x2000  }
0x236: {  	[sflag:s22] =	ssyncset.done $0x0  }
0x237: {  	[sflag:s22] =	ssyncadd.s32 $0xFFFFE000  }
0x238: {  	s6 =	sadd.s32 $0x0, s9;
	[bflag:$0x0] =	sbarrier.arrive $0xFFFF  }
0x239: {  	[tilespmem:s3], [sflag:$0x5] =	stream.linear.gather [hbm4b:s6+s3], $0x800, $0x38;
	[tilespmem:$0x1F000] =	vst v63  }
0x23a: {  	_ =	swait.ge [sflag:s22], $0x800  }
0x23b: {  	[sflag:s22] =	ssyncset.done $0x0  }
0x23c: {  	s8 =	sadd.s32 $0x0, s19;
	[sflag:s22] =	ssyncadd.s32 $0xFFFFF800  }
0x23d: {  	[tilespmem:s16], [sflag:$0x5] =	stream.linear.gather [hbm4b:s8+s3], $0x800, $0x38;
	[tilespmem:$0x1F000] =	vst v63  }
0x23e: {  	_ =	swait.ge [sflag:s22], $0x800  }
0x23f: {  	[sflag:s22] =	ssyncset.done $0x0  }
0x240: {  	[sflag:s22] =	ssyncadd.s32 $0xFFFFF800  }
0x241: {  	[tilespmem:s25], [sflag:$0x1] =	stream.indirect.gather [hbm4b:s5+s24], $0x80, s3, s24, $0xb8;
	[tilespmem:$0x1F000] =	vst v63  }
0x242: {  	_ =	swait.ge [sflag:s26], $0x3E80  }
0x243: {  	[sflag:s26] =	ssyncset.done $0x0  }
0x244: {  	[sflag:s26] =	ssyncadd.s32 $0xFFFFC180  }
0x245: {  	[tilespmem:s29], [sflag:$0x2] =	stream.indirect.gather [hbm4b:s5+s24], $0x80, s31, s24, $0xb8;
	[tilespmem:$0x1F000] =	vst v63  }
0x246: {  	_ = 	snop  }
0x247: {  	[spmem:s2] =	stream.indirect.scatter.add.f32 [tilespmem:s25], [sflag:$0x3], $0x80, s16, s24, $0xb8;
	[tilespmem:$0x1F000] =	vst v63  }
0x248: {  	_ =	swait.ge [sflag:s30], $0x3E80  }
0x249: {  	[sflag:s30] =	ssyncset.done $0x0  }
0x24a: {  	s20 =	simm.s32 $0x880;
	[sflag:s30] =	ssyncadd.s32 $0xFFFFC180  }
0x24b: {  	[spmem:s2] =	stream.indirect.scatter.add.f32 [tilespmem:s29], [sflag:$0x4], $0x80, s20, s24, $0xb8;
	[tilespmem:$0x1F000] =	vst v63  }
0x24c: {  	_ =	swait.ge [sflag:s1], $0x3E80  }
0x24d: {  	[sflag:s1] =	ssyncset.done $0x0  }
0x24e: {  	[sflag:s1] =	ssyncadd.s32 $0xFFFFC180  }
0x24f: {  	[tilespmem:s25], [sflag:$0x1] =	stream.indirect.gather [hbm4b:s5+s24], $0x80, s10, s24, $0xb8;
	[tilespmem:$0x1F000] =	vst v63  }
0x250: {  	_ =	swait.ge [sflag:s7], $0x3E80  }
0x251: {  	[sflag:s7] =	ssyncset.done $0x0  }
0x252: {  	[sflag:s7] =	ssyncadd.s32 $0xFFFFC180  }
0x253: {  	_ =	swait.ge [sflag:s26], $0x3E80  }
0x254: {  	[sflag:s26] =	ssyncset.done $0x0  }
0x255: {  	s21 =	simm.s32 $0x180;
	[sflag:s26] =	ssyncadd.s32 $0xFFFFC180  }
0x256: {  	[tilespmem:s29], [sflag:$0x2] =	stream.indirect.gather [hbm4b:s5+s24], $0x80, s21, s24, $0xb8;
	[tilespmem:$0x1F000] =	vst v63  }
0x257: {  	_ = 	snop  }
0x258: {  	[spmem:s2] =	stream.indirect.scatter.add.f32 [tilespmem:s25], [sflag:$0x3], $0x80, s23, s24, $0xb8;
	[tilespmem:$0x1F000] =	vst v63  }
0x259: {  	_ =	swait.ge [sflag:s30], $0x3E80  }
0x25a: {  	[sflag:s30] =	ssyncset.done $0x0  }
0x25b: {  	[sflag:s30] =	ssyncadd.s32 $0xFFFFC180  }
0x25c: {  	[spmem:s2] =	stream.indirect.scatter.add.f32 [tilespmem:s29], [sflag:$0x4], $0x80, s17, s24, $0xb8;
	[tilespmem:$0x1F000] =	vst v63  }
0x25d: {  	_ =	swait.ge [sflag:s1], $0x3E80  }
0x25e: {  	[sflag:s1] =	ssyncset.done $0x0  }
0x25f: {  	[sflag:s1] =	ssyncadd.s32 $0xFFFFC180  }
0x260: {  	[tilespmem:s25], [sflag:$0x1] =	stream.indirect.gather [hbm4b:s5+s24], $0x80, s18, s24, $0xb8;
	[tilespmem:$0x1F000] =	vst v63  }
0x261: {  	_ =	swait.ge [sflag:s7], $0x3E80  }
0x262: {  	[sflag:s7] =	ssyncset.done $0x0  }
0x263: {  	[sflag:s7] =	ssyncadd.s32 $0xFFFFC180  }
0x264: {  	_ =	swait.ge [sflag:s26], $0x3E80  }
0x265: {  	[sflag:s26] =	ssyncset.done $0x0  }
0x266: {  	[sflag:s26] =	ssyncadd.s32 $0xFFFFC180  }
0x267: {  	[tilespmem:s29], [sflag:$0x2] =	stream.indirect.gather [hbm4b:s5+s24], $0x80, s15, s24, $0xb8;
	[tilespmem:$0x1F000] =	vst v63  }
0x268: {  	_ = 	snop  }
0x269: {  	[spmem:s2] =	stream.indirect.scatter.add.f32 [tilespmem:s25], [sflag:$0x3], $0x80, s14, s24, $0xb8;
	[tilespmem:$0x1F000] =	vst v63  }
0x26a: {  	_ =	swait.ge [sflag:s30], $0x3E80  }
0x26b: {  	[sflag:s30] =	ssyncset.done $0x0  }
0x26c: {  	[sflag:s30] =	ssyncadd.s32 $0xFFFFC180  }
0x26d: {  	[spmem:s2] =	stream.indirect.scatter.add.f32 [tilespmem:s29], [sflag:$0x4], $0x80, s13, s24, $0xb8;
	[tilespmem:$0x1F000] =	vst v63  }
0x26e: {  	_ =	swait.ge [sflag:s1], $0x3E80  }
0x26f: {  	[sflag:s1] =	ssyncset.done $0x0  }
0x270: {  	[sflag:s1] =	ssyncadd.s32 $0xFFFFC180  }
0x271: {  	[tilespmem:s25], [sflag:$0x1] =	stream.indirect.gather [hbm4b:s5+s24], $0x80, s12, s24, $0xb8;
	[tilespmem:$0x1F000] =	vst v63  }
0x272: {  	_ =	swait.ge [sflag:s7], $0x3E80  }
0x273: {  	[sflag:s7] =	ssyncset.done $0x0  }
0x274: {  	[sflag:s7] =	ssyncadd.s32 $0xFFFFC180  }
0x275: {  	_ =	swait.ge [sflag:s26], $0x3E80  }
0x276: {  	[sflag:s26] =	ssyncset.done $0x0  }
0x277: {  	[sflag:s26] =	ssyncadd.s32 $0xFFFFC180  }
0x278: {  	[tilespmem:s29], [sflag:$0x2] =	stream.indirect.gather [hbm4b:s5+s24], $0x80, s11, s24, $0xb8;
	[tilespmem:$0x1F000] =	vst v63  }
0x279: {  	s31 =	simm.s32 $0xB00  }
0x27a: {  	[spmem:s2] =	stream.indirect.scatter.add.f32 [tilespmem:s25], [sflag:$0x3], $0x80, s31, s24, $0xb8;
	[tilespmem:$0x1F000] =	vst v63  }
0x27b: {  	_ =	swait.ge [sflag:s30], $0x3E80  }
0x27c: {  	[sflag:s30] =	ssyncset.done $0x0  }
0x27d: {  	[sflag:s30] =	ssyncadd.s32 $0xFFFFC180  }
0x27e: {  	[spmem:s2] =	stream.indirect.scatter.add.f32 [tilespmem:s29], [sflag:$0x4], $0x80, s28, s24, $0xb8;
	[tilespmem:$0x1F000] =	vst v63  }
0x27f: {  	_ =	swait.ge [sflag:s1], $0x3E80  }
0x280: {  	[sflag:s1] =	ssyncset.done $0x0  }
0x281: {  	s6 =	simm.s32 $0x400;
	[sflag:s1] =	ssyncadd.s32 $0xFFFFC180  }
0x282: {  	[tilespmem:s25], [sflag:$0x1] =	stream.indirect.gather [hbm4b:s5+s24], $0x80, s6, s24, $0xb8;
	[tilespmem:$0x1F000] =	vst v63  }
0x283: {  	_ =	swait.ge [sflag:s7], $0x3E80  }
0x284: {  	[sflag:s7] =	ssyncset.done $0x0  }
0x285: {  	[sflag:s7] =	ssyncadd.s32 $0xFFFFC180  }
0x286: {  	_ =	swait.ge [sflag:s26], $0x3E80  }
0x287: {  	[sflag:s26] =	ssyncset.done $0x0  }
0x288: {  	s10 =	simm.s32 $0x480;
	[sflag:s26] =	ssyncadd.s32 $0xFFFFC180  }
0x289: {  	[tilespmem:s29], [sflag:$0x2] =	stream.indirect.gather [hbm4b:s5+s24], $0x80, s10, s24, $0xb8;
	[tilespmem:$0x1F000] =	vst v63  }
0x28a: {  	s11 =	simm.s32 $0xC00  }
0x28b: {  	[spmem:s2] =	stream.indirect.scatter.add.f32 [tilespmem:s25], [sflag:$0x3], $0x80, s11, s24, $0xb8;
	[tilespmem:$0x1F000] =	vst v63  }
0x28c: {  	_ =	swait.ge [sflag:s30], $0x3E80  }
0x28d: {  	[sflag:s30] =	ssyncset.done $0x0  }
0x28e: {  	s12 =	simm.s32 $0xC80;
	[sflag:s30] =	ssyncadd.s32 $0xFFFFC180  }
0x28f: {  	[spmem:s2] =	stream.indirect.scatter.add.f32 [tilespmem:s29], [sflag:$0x4], $0x80, s12, s24, $0xb8;
	[tilespmem:$0x1F000] =	vst v63  }
0x290: {  	_ =	swait.ge [sflag:s1], $0x3E80  }
0x291: {  	[sflag:s1] =	ssyncset.done $0x0  }
0x292: {  	s13 =	simm.s32 $0x500;
	[sflag:s1] =	ssyncadd.s32 $0xFFFFC180  }
0x293: {  	[tilespmem:s25], [sflag:$0x1] =	stream.indirect.gather [hbm4b:s5+s24], $0x80, s13, s24, $0xb8;
	[tilespmem:$0x1F000] =	vst v63  }
0x294: {  	_ =	swait.ge [sflag:s7], $0x3E80  }
0x295: {  	[sflag:s7] =	ssyncset.done $0x0  }
0x296: {  	[sflag:s7] =	ssyncadd.s32 $0xFFFFC180  }
0x297: {  	_ =	swait.ge [sflag:s26], $0x3E80  }
0x298: {  	[sflag:s26] =	ssyncset.done $0x0  }
0x299: {  	s21 =	simm.s32 $0x580;
	[sflag:s26] =	ssyncadd.s32 $0xFFFFC180  }
0x29a: {  	[tilespmem:s29], [sflag:$0x2] =	stream.indirect.gather [hbm4b:s5+s24], $0x80, s21, s24, $0xb8;
	[tilespmem:$0x1F000] =	vst v63  }
0x29b: {  	s23 =	simm.s32 $0xD00  }
0x29c: {  	[spmem:s2] =	stream.indirect.scatter.add.f32 [tilespmem:s25], [sflag:$0x3], $0x80, s23, s24, $0xb8;
	[tilespmem:$0x1F000] =	vst v63  }
0x29d: {  	_ =	swait.ge [sflag:s30], $0x3E80  }
0x29e: {  	[sflag:s30] =	ssyncset.done $0x0  }
0x29f: {  	s31 =	simm.s32 $0xD80;
	[sflag:s30] =	ssyncadd.s32 $0xFFFFC180  }
0x2a0: {  	[spmem:s2] =	stream.indirect.scatter.add.f32 [tilespmem:s29], [sflag:$0x4], $0x80, s31, s24, $0xb8;
	[tilespmem:$0x1F000] =	vst v63  }
0x2a1: {  	_ =	swait.ge [sflag:s1], $0x3E80  }
0x2a2: {  	[sflag:s1] =	ssyncset.done $0x0  }
0x2a3: {  	s6 =	simm.s32 $0x600;
	[sflag:s1] =	ssyncadd.s32 $0xFFFFC180  }
0x2a4: {  	[tilespmem:s25], [sflag:$0x1] =	stream.indirect.gather [hbm4b:s5+s24], $0x80, s6, s24, $0xb8;
	[tilespmem:$0x1F000] =	vst v63  }
0x2a5: {  	_ =	swait.ge [sflag:s7], $0x3E80  }
0x2a6: {  	[sflag:s7] =	ssyncset.done $0x0  }
0x2a7: {  	[sflag:s7] =	ssyncadd.s32 $0xFFFFC180  }
0x2a8: {  	_ =	swait.ge [sflag:s26], $0x3E80  }
0x2a9: {  	[sflag:s26] =	ssyncset.done $0x0  }
0x2aa: {  	s21 =	simm.s32 $0x680;
	[sflag:s26] =	ssyncadd.s32 $0xFFFFC180  }
0x2ab: {  	[tilespmem:s29], [sflag:$0x2] =	stream.indirect.gather [hbm4b:s5+s24], $0x80, s21, s24, $0xb8;
	[tilespmem:$0x1F000] =	vst v63  }
0x2ac: {  	s23 =	simm.s32 $0xE00  }
0x2ad: {  	[spmem:s2] =	stream.indirect.scatter.add.f32 [tilespmem:s25], [sflag:$0x3], $0x80, s23, s24, $0xb8;
	[tilespmem:$0x1F000] =	vst v63  }
0x2ae: {  	_ =	swait.ge [sflag:s30], $0x3E80  }
0x2af: {  	[sflag:s30] =	ssyncset.done $0x0  }
0x2b0: {  	s31 =	simm.s32 $0xE80;
	[sflag:s30] =	ssyncadd.s32 $0xFFFFC180  }
0x2b1: {  	[spmem:s2] =	stream.indirect.scatter.add.f32 [tilespmem:s29], [sflag:$0x4], $0x80, s31, s24, $0xb8;
	[tilespmem:$0x1F000] =	vst v63  }
0x2b2: {  	_ =	swait.ge [sflag:s1], $0x3E80  }
0x2b3: {  	[sflag:s1] =	ssyncset.done $0x0  }
0x2b4: {  	s6 =	simm.s32 $0x700;
	[sflag:s1] =	ssyncadd.s32 $0xFFFFC180  }
0x2b5: {  	[tilespmem:s25], [sflag:$0x1] =	stream.indirect.gather [hbm4b:s5+s24], $0x80, s6, s24, $0xb8;
	[tilespmem:$0x1F000] =	vst v63  }
0x2b6: {  	_ =	swait.ge [sflag:s7], $0x3E80  }
0x2b7: {  	[sflag:s7] =	ssyncset.done $0x0  }
0x2b8: {  	[sflag:s7] =	ssyncadd.s32 $0xFFFFC180  }
0x2b9: {  	_ =	swait.ge [sflag:s26], $0x3E80  }
0x2ba: {  	[sflag:s26] =	ssyncset.done $0x0  }
0x2bb: {  	s21 =	simm.s32 $0x780;
	[sflag:s26] =	ssyncadd.s32 $0xFFFFC180  }
0x2bc: {  	[tilespmem:s29], [sflag:$0x2] =	stream.indirect.gather [hbm4b:s5+s24], $0x80, s21, s24, $0xb8;
	[tilespmem:$0x1F000] =	vst v63  }
0x2bd: {  	s23 =	simm.s32 $0xF00  }
0x2be: {  	[spmem:s2] =	stream.indirect.scatter.add.f32 [tilespmem:s25], [sflag:$0x3], $0x80, s23, s24, $0xb8;
	[tilespmem:$0x1F000] =	vst v63  }
0x2bf: {  	s8 =	simm.s32 $0x100;
	_ =	swait.ge [sflag:s30], $0x3E80  }
0x2c0: {  	s16 =	simm.s32 $0xC00;
	s20 =	simm.s32 $0xB80;
	[sflag:s30] =	ssyncset.done $0x0  }
0x2c1: {  	s17 =	simm.s32 $0x480;
	s31 =	simm.s32 $0xF80;
	[sflag:s30] =	ssyncadd.s32 $0xFFFFC180  }
0x2c2: {  	[spmem:s2] =	stream.indirect.scatter.add.f32 [tilespmem:s29], [sflag:$0x4], $0x80, s31, s24, $0xb8;
	[tilespmem:$0x1F000] =	vst v63  }
0x2c3: {  	s18 =	simm.s32 $0x400;
	s15 =	simm.s32 $0xC80;
	_ =	swait.ge [sflag:s1], $0x3E80  }
0x2c4: {  	s14 =	simm.s32 $0x500;
	s28 =	simm.s32 $0x200;
	[sflag:s1] =	ssyncset.done $0x0  }
0x2c5: {  	s10 =	simm.s32 $0x600;
	s11 =	simm.s32 $0xD80;
	[sflag:s1] =	ssyncadd.s32 $0xFFFFC180  }
0x2c6: {  	s12 =	simm.s32 $0xD00;
	s13 =	simm.s32 $0x580;
	_ =	swait.ge [sflag:s7], $0x3E80  }
0x2c7: {  	s6 =	simm.s32 $0x100;
	s23 =	simm.s32 $0x800;
	[sflag:s7] =	ssyncset.done $0x0  }
.LBB2_6:
0x2c8: {  	s0 =	sadd.s32 s6, s9  }
0x2c9: {  	[sflag:s7] =	ssyncadd.s32 $0xFFFFC180;
	s31 =	smov.u32 s28;
	s21 =	sadd.s32 $0x100, s28  }
0x2ca: {  	[tilespmem:s3], [sflag:$0x5] =	stream.linear.gather [hbm4b:s0+s3], $0x800, $0x38;
	[tilespmem:$0x1F000] =	vst v63  }
0x2cb: {  	p0 =	sne.s32 s28, $0x400;
	_ =	swait.ge [sflag:s22], $0x800  }
0x2cc: {  	s0 =	sadd.s32 s6, s19;
	[sflag:s22] =	ssyncset.done $0x0  }
0x2cd: {  	s6 =	smov.u32 s31;
	s31 =	simm.s32 $0x80;
	[sflag:s22] =	ssyncadd.s32 $0xFFFFF800  }
0x2ce: {  	[tilespmem:s23], [sflag:$0x5] =	stream.linear.gather [hbm4b:s0+s3], $0x800, $0x38;
	[tilespmem:$0x1F000] =	vst v63  }
0x2cf: {  	_ =	swait.ge [sflag:s22], $0x800  }
0x2d0: {  	[sflag:s22] =	ssyncset.done $0x0  }
0x2d1: {  	[sflag:s22] =	ssyncadd.s32 $0xFFFFF800  }
0x2d2: {  	[tilespmem:s25], [sflag:$0x1] =	stream.indirect.gather [hbm4b:s5+s24], $0x80, s3, s24, $0xb8;
	[tilespmem:$0x1F000] =	vst v63  }
0x2d3: {  	_ =	swait.ge [sflag:s26], $0x3E80  }
0x2d4: {  	[sflag:s26] =	ssyncset.done $0x0  }
0x2d5: {  	[sflag:s26] =	ssyncadd.s32 $0xFFFFC180  }
0x2d6: {  	[tilespmem:s29], [sflag:$0x2] =	stream.indirect.gather [hbm4b:s5+s24], $0x80, s31, s24, $0xb8;
	[tilespmem:$0x1F000] =	vst v63  }
0x2d7: {  	_ = 	snop  }
0x2d8: {  	[spmem:s2] =	stream.indirect.scatter.add.f32 [tilespmem:s25], [sflag:$0x3], $0x80, s23, s24, $0xb8;
	[tilespmem:$0x1F000] =	vst v63  }
0x2d9: {  	_ =	swait.ge [sflag:s30], $0x3E80  }
0x2da: {  	[sflag:s30] =	ssyncset.done $0x0  }
0x2db: {  	s0 =	simm.s32 $0x880;
	[sflag:s30] =	ssyncadd.s32 $0xFFFFC180  }
0x2dc: {  	[spmem:s2] =	stream.indirect.scatter.add.f32 [tilespmem:s29], [sflag:$0x4], $0x80, s0, s24, $0xb8;
	[tilespmem:$0x1F000] =	vst v63  }
0x2dd: {  	_ =	swait.ge [sflag:s1], $0x3E80  }
0x2de: {  	[sflag:s1] =	ssyncset.done $0x0  }
0x2df: {  	[sflag:s1] =	ssyncadd.s32 $0xFFFFC180  }
0x2e0: {  	[tilespmem:s25], [sflag:$0x1] =	stream.indirect.gather [hbm4b:s5+s24], $0x80, s8, s24, $0xb8;
	[tilespmem:$0x1F000] =	vst v63  }
0x2e1: {  	_ =	swait.ge [sflag:s7], $0x3E80  }
0x2e2: {  	[sflag:s7] =	ssyncset.done $0x0  }
0x2e3: {  	[sflag:s7] =	ssyncadd.s32 $0xFFFFC180  }
0x2e4: {  	_ =	swait.ge [sflag:s26], $0x3E80  }
0x2e5: {  	[sflag:s26] =	ssyncset.done $0x0  }
0x2e6: {  	s0 =	simm.s32 $0x180;
	[sflag:s26] =	ssyncadd.s32 $0xFFFFC180  }
0x2e7: {  	[tilespmem:s29], [sflag:$0x2] =	stream.indirect.gather [hbm4b:s5+s24], $0x80, s0, s24, $0xb8;
	[tilespmem:$0x1F000] =	vst v63  }
0x2e8: {  	s0 =	simm.s32 $0x900  }
0x2e9: {  	[spmem:s2] =	stream.indirect.scatter.add.f32 [tilespmem:s25], [sflag:$0x3], $0x80, s0, s24, $0xb8;
	[tilespmem:$0x1F000] =	vst v63  }
0x2ea: {  	_ =	swait.ge [sflag:s30], $0x3E80  }
0x2eb: {  	[sflag:s30] =	ssyncset.done $0x0  }
0x2ec: {  	s0 =	simm.s32 $0x980;
	[sflag:s30] =	ssyncadd.s32 $0xFFFFC180  }
0x2ed: {  	[spmem:s2] =	stream.indirect.scatter.add.f32 [tilespmem:s29], [sflag:$0x4], $0x80, s0, s24, $0xb8;
	[tilespmem:$0x1F000] =	vst v63  }
0x2ee: {  	_ =	swait.ge [sflag:s1], $0x3E80  }
0x2ef: {  	[sflag:s1] =	ssyncset.done $0x0  }
0x2f0: {  	s0 =	simm.s32 $0x200;
	[sflag:s1] =	ssyncadd.s32 $0xFFFFC180  }
0x2f1: {  	[tilespmem:s25], [sflag:$0x1] =	stream.indirect.gather [hbm4b:s5+s24], $0x80, s0, s24, $0xb8;
	[tilespmem:$0x1F000] =	vst v63  }
0x2f2: {  	_ =	swait.ge [sflag:s7], $0x3E80  }
0x2f3: {  	[sflag:s7] =	ssyncset.done $0x0  }
0x2f4: {  	[sflag:s7] =	ssyncadd.s32 $0xFFFFC180  }
0x2f5: {  	_ =	swait.ge [sflag:s26], $0x3E80  }
0x2f6: {  	[sflag:s26] =	ssyncset.done $0x0  }
0x2f7: {  	s0 =	simm.s32 $0x280;
	[sflag:s26] =	ssyncadd.s32 $0xFFFFC180  }
0x2f8: {  	[tilespmem:s29], [sflag:$0x2] =	stream.indirect.gather [hbm4b:s5+s24], $0x80, s0, s24, $0xb8;
	[tilespmem:$0x1F000] =	vst v63  }
0x2f9: {  	s0 =	simm.s32 $0xA00  }
0x2fa: {  	[spmem:s2] =	stream.indirect.scatter.add.f32 [tilespmem:s25], [sflag:$0x3], $0x80, s0, s24, $0xb8;
	[tilespmem:$0x1F000] =	vst v63  }
0x2fb: {  	_ =	swait.ge [sflag:s30], $0x3E80  }
0x2fc: {  	[sflag:s30] =	ssyncset.done $0x0  }
0x2fd: {  	s0 =	simm.s32 $0xA80;
	[sflag:s30] =	ssyncadd.s32 $0xFFFFC180  }
0x2fe: {  	[spmem:s2] =	stream.indirect.scatter.add.f32 [tilespmem:s29], [sflag:$0x4], $0x80, s0, s24, $0xb8;
	[tilespmem:$0x1F000] =	vst v63  }
0x2ff: {  	_ =	swait.ge [sflag:s1], $0x3E80  }
0x300: {  	[sflag:s1] =	ssyncset.done $0x0  }
0x301: {  	s0 =	simm.s32 $0x300;
	[sflag:s1] =	ssyncadd.s32 $0xFFFFC180  }
0x302: {  	[tilespmem:s25], [sflag:$0x1] =	stream.indirect.gather [hbm4b:s5+s24], $0x80, s0, s24, $0xb8;
	[tilespmem:$0x1F000] =	vst v63  }
0x303: {  	_ =	swait.ge [sflag:s7], $0x3E80  }
0x304: {  	[sflag:s7] =	ssyncset.done $0x0  }
0x305: {  	[sflag:s7] =	ssyncadd.s32 $0xFFFFC180  }
0x306: {  	_ =	swait.ge [sflag:s26], $0x3E80  }
0x307: {  	[sflag:s26] =	ssyncset.done $0x0  }
0x308: {  	s0 =	simm.s32 $0x380;
	[sflag:s26] =	ssyncadd.s32 $0xFFFFC180  }
0x309: {  	[tilespmem:s29], [sflag:$0x2] =	stream.indirect.gather [hbm4b:s5+s24], $0x80, s0, s24, $0xb8;
	[tilespmem:$0x1F000] =	vst v63  }
0x30a: {  	s0 =	simm.s32 $0xB00  }
0x30b: {  	[spmem:s2] =	stream.indirect.scatter.add.f32 [tilespmem:s25], [sflag:$0x3], $0x80, s0, s24, $0xb8;
	[tilespmem:$0x1F000] =	vst v63  }
0x30c: {  	_ =	swait.ge [sflag:s30], $0x3E80  }
0x30d: {  	[sflag:s30] =	ssyncset.done $0x0  }
0x30e: {  	[sflag:s30] =	ssyncadd.s32 $0xFFFFC180  }
0x30f: {  	[spmem:s2] =	stream.indirect.scatter.add.f32 [tilespmem:s29], [sflag:$0x4], $0x80, s20, s24, $0xb8;
	[tilespmem:$0x1F000] =	vst v63  }
0x310: {  	_ =	swait.ge [sflag:s1], $0x3E80  }
0x311: {  	[sflag:s1] =	ssyncset.done $0x0  }
0x312: {  	[sflag:s1] =	ssyncadd.s32 $0xFFFFC180  }
0x313: {  	[tilespmem:s25], [sflag:$0x1] =	stream.indirect.gather [hbm4b:s5+s24], $0x80, s18, s24, $0xb8;
	[tilespmem:$0x1F000] =	vst v63  }
0x314: {  	_ =	swait.ge [sflag:s7], $0x3E80  }
0x315: {  	[sflag:s7] =	ssyncset.done $0x0  }
0x316: {  	[sflag:s7] =	ssyncadd.s32 $0xFFFFC180  }
0x317: {  	_ =	swait.ge [sflag:s26], $0x3E80  }
0x318: {  	[sflag:s26] =	ssyncset.done $0x0  }
0x319: {  	[sflag:s26] =	ssyncadd.s32 $0xFFFFC180  }
0x31a: {  	[tilespmem:s29], [sflag:$0x2] =	stream.indirect.gather [hbm4b:s5+s24], $0x80, s17, s24, $0xb8;
	[tilespmem:$0x1F000] =	vst v63  }
0x31b: {  	_ = 	snop  }
0x31c: {  	[spmem:s2] =	stream.indirect.scatter.add.f32 [tilespmem:s25], [sflag:$0x3], $0x80, s16, s24, $0xb8;
	[tilespmem:$0x1F000] =	vst v63  }
0x31d: {  	_ =	swait.ge [sflag:s30], $0x3E80  }
0x31e: {  	[sflag:s30] =	ssyncset.done $0x0  }
0x31f: {  	[sflag:s30] =	ssyncadd.s32 $0xFFFFC180  }
0x320: {  	[spmem:s2] =	stream.indirect.scatter.add.f32 [tilespmem:s29], [sflag:$0x4], $0x80, s15, s24, $0xb8;
	[tilespmem:$0x1F000] =	vst v63  }
0x321: {  	_ =	swait.ge [sflag:s1], $0x3E80  }
0x322: {  	[sflag:s1] =	ssyncset.done $0x0  }
0x323: {  	[sflag:s1] =	ssyncadd.s32 $0xFFFFC180  }
0x324: {  	[tilespmem:s25], [sflag:$0x1] =	stream.indirect.gather [hbm4b:s5+s24], $0x80, s14, s24, $0xb8;
	[tilespmem:$0x1F000] =	vst v63  }
0x325: {  	_ =	swait.ge [sflag:s7], $0x3E80  }
0x326: {  	[sflag:s7] =	ssyncset.done $0x0  }
0x327: {  	[sflag:s7] =	ssyncadd.s32 $0xFFFFC180  }
0x328: {  	_ =	swait.ge [sflag:s26], $0x3E80  }
0x329: {  	[sflag:s26] =	ssyncset.done $0x0  }
0x32a: {  	[sflag:s26] =	ssyncadd.s32 $0xFFFFC180  }
0x32b: {  	[tilespmem:s29], [sflag:$0x2] =	stream.indirect.gather [hbm4b:s5+s24], $0x80, s13, s24, $0xb8;
	[tilespmem:$0x1F000] =	vst v63  }
0x32c: {  	_ = 	snop  }
0x32d: {  	[spmem:s2] =	stream.indirect.scatter.add.f32 [tilespmem:s25], [sflag:$0x3], $0x80, s12, s24, $0xb8;
	[tilespmem:$0x1F000] =	vst v63  }
0x32e: {  	_ =	swait.ge [sflag:s30], $0x3E80  }
0x32f: {  	[sflag:s30] =	ssyncset.done $0x0  }
0x330: {  	[sflag:s30] =	ssyncadd.s32 $0xFFFFC180  }
0x331: {  	[spmem:s2] =	stream.indirect.scatter.add.f32 [tilespmem:s29], [sflag:$0x4], $0x80, s11, s24, $0xb8;
	[tilespmem:$0x1F000] =	vst v63  }
0x332: {  	_ =	swait.ge [sflag:s1], $0x3E80  }
0x333: {  	[sflag:s1] =	ssyncset.done $0x0  }
0x334: {  	[sflag:s1] =	ssyncadd.s32 $0xFFFFC180  }
0x335: {  	[tilespmem:s25], [sflag:$0x1] =	stream.indirect.gather [hbm4b:s5+s24], $0x80, s10, s24, $0xb8;
	[tilespmem:$0x1F000] =	vst v63  }
0x336: {  	_ =	swait.ge [sflag:s7], $0x3E80  }
0x337: {  	[sflag:s7] =	ssyncset.done $0x0  }
0x338: {  	[sflag:s7] =	ssyncadd.s32 $0xFFFFC180  }
0x339: {  	_ =	swait.ge [sflag:s26], $0x3E80  }
0x33a: {  	[sflag:s26] =	ssyncset.done $0x0  }
0x33b: {  	s0 =	simm.s32 $0x680;
	[sflag:s26] =	ssyncadd.s32 $0xFFFFC180  }
0x33c: {  	[tilespmem:s29], [sflag:$0x2] =	stream.indirect.gather [hbm4b:s5+s24], $0x80, s0, s24, $0xb8;
	[tilespmem:$0x1F000] =	vst v63  }
0x33d: {  	s0 =	simm.s32 $0xE00  }
0x33e: {  	[spmem:s2] =	stream.indirect.scatter.add.f32 [tilespmem:s25], [sflag:$0x3], $0x80, s0, s24, $0xb8;
	[tilespmem:$0x1F000] =	vst v63  }
0x33f: {  	_ =	swait.ge [sflag:s30], $0x3E80  }
0x340: {  	[sflag:s30] =	ssyncset.done $0x0  }
0x341: {  	s0 =	simm.s32 $0xE80;
	[sflag:s30] =	ssyncadd.s32 $0xFFFFC180  }
0x342: {  	[spmem:s2] =	stream.indirect.scatter.add.f32 [tilespmem:s29], [sflag:$0x4], $0x80, s0, s24, $0xb8;
	[tilespmem:$0x1F000] =	vst v63  }
0x343: {  	_ =	swait.ge [sflag:s1], $0x3E80  }
0x344: {  	[sflag:s1] =	ssyncset.done $0x0  }
0x345: {  	s0 =	simm.s32 $0x700;
	[sflag:s1] =	ssyncadd.s32 $0xFFFFC180  }
0x346: {  	[tilespmem:s25], [sflag:$0x1] =	stream.indirect.gather [hbm4b:s5+s24], $0x80, s0, s24, $0xb8;
	[tilespmem:$0x1F000] =	vst v63  }
0x347: {  	_ =	swait.ge [sflag:s7], $0x3E80  }
0x348: {  	[sflag:s7] =	ssyncset.done $0x0  }
0x349: {  	[sflag:s7] =	ssyncadd.s32 $0xFFFFC180  }
0x34a: {  	_ =	swait.ge [sflag:s26], $0x3E80  }
0x34b: {  	[sflag:s26] =	ssyncset.done $0x0  }
0x34c: {  	s0 =	simm.s32 $0x780;
	[sflag:s26] =	ssyncadd.s32 $0xFFFFC180  }
0x34d: {  	[tilespmem:s29], [sflag:$0x2] =	stream.indirect.gather [hbm4b:s5+s24], $0x80, s0, s24, $0xb8;
	[tilespmem:$0x1F000] =	vst v63  }
0x34e: {  	s0 =	simm.s32 $0xF00  }
0x34f: {  	[spmem:s2] =	stream.indirect.scatter.add.f32 [tilespmem:s25], [sflag:$0x3], $0x80, s0, s24, $0xb8;
	[tilespmem:$0x1F000] =	vst v63  }
0x350: {  	_ =	swait.ge [sflag:s30], $0x3E80  }
0x351: {  	[sflag:s30] =	ssyncset.done $0x0  }
0x352: {  	s0 =	simm.s32 $0xF80;
	[sflag:s30] =	ssyncadd.s32 $0xFFFFC180  }
0x353: {  	[spmem:s2] =	stream.indirect.scatter.add.f32 [tilespmem:s29], [sflag:$0x4], $0x80, s0, s24, $0xb8;
	[tilespmem:$0x1F000] =	vst v63  }
.Ltmp2:
0x354: {  	_ =	swait.ge [sflag:s1], $0x3E80;
	(pc) =	sbr.rel @p0 .LBB2_6-.Ltmp2, $4  }
0x355: {  	[sflag:s1] =	ssyncset.done $0x0  }
0x356: {  	[sflag:s1] =	ssyncadd.s32 $0xFFFFC180  }
0x357: {  	_ =	swait.ge [sflag:s7], $0x3E80  }
0x358: {  	s28 =	smov.u32 s21;
	[sflag:s7] =	ssyncset.done $0x0  }
0x359: {  	s0 =	sadd.s32 s6, s9;
	[sflag:s7] =	ssyncadd.s32 $0xFFFFC180  }
0x35a: {  	[tilespmem:s3], [sflag:$0x5] =	stream.linear.gather [hbm4b:s0+s3], $0x800, $0x38;
	[tilespmem:$0x1F000] =	vst v63  }
0x35b: {  	_ =	swait.ge [sflag:s22], $0x800  }
0x35c: {  	[sflag:s22] =	ssyncset.done $0x0  }
0x35d: {  	s6 =	sadd.s32 s6, s19;
	[sflag:s22] =	ssyncadd.s32 $0xFFFFF800  }
0x35e: {  	[tilespmem:s23], [sflag:$0x5] =	stream.linear.gather [hbm4b:s6+s3], $0x800, $0x38;
	[tilespmem:$0x1F000] =	vst v63  }
0x35f: {  	_ =	swait.ge [sflag:s22], $0x800  }
0x360: {  	[sflag:s22] =	ssyncset.done $0x0  }
0x361: {  	[sflag:s22] =	ssyncadd.s32 $0xFFFFF800  }
0x362: {  	[tilespmem:s25], [sflag:$0x1] =	stream.indirect.gather [hbm4b:s5+s24], $0x80, s3, s24, $0xb8;
	[tilespmem:$0x1F000] =	vst v63  }
0x363: {  	_ =	swait.ge [sflag:s26], $0x3E80  }
0x364: {  	[sflag:s26] =	ssyncset.done $0x0  }
0x365: {  	[sflag:s26] =	ssyncadd.s32 $0xFFFFC180  }
0x366: {  	[tilespmem:s29], [sflag:$0x2] =	stream.indirect.gather [hbm4b:s5+s24], $0x80, s31, s24, $0xb8;
	[tilespmem:$0x1F000] =	vst v63  }
0x367: {  	_ = 	snop  }
0x368: {  	[spmem:s2] =	stream.indirect.scatter.add.f32 [tilespmem:s25], [sflag:$0x3], $0x80, s23, s24, $0xb8;
	[tilespmem:$0x1F000] =	vst v63  }
0x369: {  	_ =	swait.ge [sflag:s30], $0x3E80  }
0x36a: {  	[sflag:s30] =	ssyncset.done $0x0  }
0x36b: {  	s8 =	simm.s32 $0x880;
	[sflag:s30] =	ssyncadd.s32 $0xFFFFC180  }
0x36c: {  	[spmem:s2] =	stream.indirect.scatter.add.f32 [tilespmem:s29], [sflag:$0x4], $0x80, s8, s24, $0xb8;
	[tilespmem:$0x1F000] =	vst v63  }
0x36d: {  	_ =	swait.ge [sflag:s1], $0x3E80  }
0x36e: {  	[sflag:s1] =	ssyncset.done $0x0  }
0x36f: {  	s8 =	simm.s32 $0x100;
	[sflag:s1] =	ssyncadd.s32 $0xFFFFC180  }
0x370: {  	[tilespmem:s25], [sflag:$0x1] =	stream.indirect.gather [hbm4b:s5+s24], $0x80, s8, s24, $0xb8;
	[tilespmem:$0x1F000] =	vst v63  }
0x371: {  	_ =	swait.ge [sflag:s7], $0x3E80  }
0x372: {  	[sflag:s7] =	ssyncset.done $0x0  }
0x373: {  	[sflag:s7] =	ssyncadd.s32 $0xFFFFC180  }
0x374: {  	_ =	swait.ge [sflag:s26], $0x3E80  }
0x375: {  	[sflag:s26] =	ssyncset.done $0x0  }
0x376: {  	s21 =	simm.s32 $0x180;
	[sflag:s26] =	ssyncadd.s32 $0xFFFFC180  }
0x377: {  	[tilespmem:s29], [sflag:$0x2] =	stream.indirect.gather [hbm4b:s5+s24], $0x80, s21, s24, $0xb8;
	[tilespmem:$0x1F000] =	vst v63  }
0x378: {  	s6 =	simm.s32 $0x900  }
0x379: {  	[spmem:s2] =	stream.indirect.scatter.add.f32 [tilespmem:s25], [sflag:$0x3], $0x80, s6, s24, $0xb8;
	[tilespmem:$0x1F000] =	vst v63  }
0x37a: {  	_ =	swait.ge [sflag:s30], $0x3E80  }
0x37b: {  	[sflag:s30] =	ssyncset.done $0x0  }
0x37c: {  	s21 =	simm.s32 $0x980;
	[sflag:s30] =	ssyncadd.s32 $0xFFFFC180  }
0x37d: {  	[spmem:s2] =	stream.indirect.scatter.add.f32 [tilespmem:s29], [sflag:$0x4], $0x80, s21, s24, $0xb8;
	[tilespmem:$0x1F000] =	vst v63  }
0x37e: {  	_ =	swait.ge [sflag:s1], $0x3E80  }
0x37f: {  	[sflag:s1] =	ssyncset.done $0x0  }
0x380: {  	s6 =	simm.s32 $0x200;
	[sflag:s1] =	ssyncadd.s32 $0xFFFFC180  }
0x381: {  	[tilespmem:s25], [sflag:$0x1] =	stream.indirect.gather [hbm4b:s5+s24], $0x80, s6, s24, $0xb8;
	[tilespmem:$0x1F000] =	vst v63  }
0x382: {  	_ =	swait.ge [sflag:s7], $0x3E80  }
0x383: {  	[sflag:s7] =	ssyncset.done $0x0  }
0x384: {  	[sflag:s7] =	ssyncadd.s32 $0xFFFFC180  }
0x385: {  	_ =	swait.ge [sflag:s26], $0x3E80  }
0x386: {  	[sflag:s26] =	ssyncset.done $0x0  }
0x387: {  	s21 =	simm.s32 $0x280;
	[sflag:s26] =	ssyncadd.s32 $0xFFFFC180  }
0x388: {  	[tilespmem:s29], [sflag:$0x2] =	stream.indirect.gather [hbm4b:s5+s24], $0x80, s21, s24, $0xb8;
	[tilespmem:$0x1F000] =	vst v63  }
0x389: {  	s6 =	simm.s32 $0xA00  }
0x38a: {  	[spmem:s2] =	stream.indirect.scatter.add.f32 [tilespmem:s25], [sflag:$0x3], $0x80, s6, s24, $0xb8;
	[tilespmem:$0x1F000] =	vst v63  }
0x38b: {  	_ =	swait.ge [sflag:s30], $0x3E80  }
0x38c: {  	[sflag:s30] =	ssyncset.done $0x0  }
0x38d: {  	s21 =	simm.s32 $0xA80;
	[sflag:s30] =	ssyncadd.s32 $0xFFFFC180  }
0x38e: {  	[spmem:s2] =	stream.indirect.scatter.add.f32 [tilespmem:s29], [sflag:$0x4], $0x80, s21, s24, $0xb8;
	[tilespmem:$0x1F000] =	vst v63  }
0x38f: {  	_ =	swait.ge [sflag:s1], $0x3E80  }
0x390: {  	[sflag:s1] =	ssyncset.done $0x0  }
0x391: {  	s6 =	simm.s32 $0x300;
	[sflag:s1] =	ssyncadd.s32 $0xFFFFC180  }
0x392: {  	[tilespmem:s25], [sflag:$0x1] =	stream.indirect.gather [hbm4b:s5+s24], $0x80, s6, s24, $0xb8;
	[tilespmem:$0x1F000] =	vst v63  }
0x393: {  	_ =	swait.ge [sflag:s7], $0x3E80  }
0x394: {  	[sflag:s7] =	ssyncset.done $0x0  }
0x395: {  	[sflag:s7] =	ssyncadd.s32 $0xFFFFC180  }
0x396: {  	_ =	swait.ge [sflag:s26], $0x3E80  }
0x397: {  	[sflag:s26] =	ssyncset.done $0x0  }
0x398: {  	s21 =	simm.s32 $0x380;
	[sflag:s26] =	ssyncadd.s32 $0xFFFFC180  }
0x399: {  	[tilespmem:s29], [sflag:$0x2] =	stream.indirect.gather [hbm4b:s5+s24], $0x80, s21, s24, $0xb8;
	[tilespmem:$0x1F000] =	vst v63  }
0x39a: {  	s6 =	simm.s32 $0xB00  }
0x39b: {  	[spmem:s2] =	stream.indirect.scatter.add.f32 [tilespmem:s25], [sflag:$0x3], $0x80, s6, s24, $0xb8;
	[tilespmem:$0x1F000] =	vst v63  }
0x39c: {  	_ =	swait.ge [sflag:s30], $0x3E80  }
0x39d: {  	[sflag:s30] =	ssyncset.done $0x0  }
0x39e: {  	[sflag:s30] =	ssyncadd.s32 $0xFFFFC180  }
0x39f: {  	[spmem:s2] =	stream.indirect.scatter.add.f32 [tilespmem:s29], [sflag:$0x4], $0x80, s20, s24, $0xb8;
	[tilespmem:$0x1F000] =	vst v63  }
0x3a0: {  	_ =	swait.ge [sflag:s1], $0x3E80  }
0x3a1: {  	[sflag:s1] =	ssyncset.done $0x0  }
0x3a2: {  	[sflag:s1] =	ssyncadd.s32 $0xFFFFC180  }
0x3a3: {  	[tilespmem:s25], [sflag:$0x1] =	stream.indirect.gather [hbm4b:s5+s24], $0x80, s18, s24, $0xb8;
	[tilespmem:$0x1F000] =	vst v63  }
0x3a4: {  	_ =	swait.ge [sflag:s7], $0x3E80  }
0x3a5: {  	[sflag:s7] =	ssyncset.done $0x0  }
0x3a6: {  	[sflag:s7] =	ssyncadd.s32 $0xFFFFC180  }
0x3a7: {  	_ =	swait.ge [sflag:s26], $0x3E80  }
0x3a8: {  	[sflag:s26] =	ssyncset.done $0x0  }
0x3a9: {  	[sflag:s26] =	ssyncadd.s32 $0xFFFFC180  }
0x3aa: {  	[tilespmem:s29], [sflag:$0x2] =	stream.indirect.gather [hbm4b:s5+s24], $0x80, s17, s24, $0xb8;
	[tilespmem:$0x1F000] =	vst v63  }
0x3ab: {  	_ = 	snop  }
0x3ac: {  	[spmem:s2] =	stream.indirect.scatter.add.f32 [tilespmem:s25], [sflag:$0x3], $0x80, s16, s24, $0xb8;
	[tilespmem:$0x1F000] =	vst v63  }
0x3ad: {  	_ =	swait.ge [sflag:s30], $0x3E80  }
0x3ae: {  	[sflag:s30] =	ssyncset.done $0x0  }
0x3af: {  	[sflag:s30] =	ssyncadd.s32 $0xFFFFC180  }
0x3b0: {  	[spmem:s2] =	stream.indirect.scatter.add.f32 [tilespmem:s29], [sflag:$0x4], $0x80, s15, s24, $0xb8;
	[tilespmem:$0x1F000] =	vst v63  }
0x3b1: {  	_ =	swait.ge [sflag:s1], $0x3E80  }
0x3b2: {  	[sflag:s1] =	ssyncset.done $0x0  }
0x3b3: {  	[sflag:s1] =	ssyncadd.s32 $0xFFFFC180  }
0x3b4: {  	[tilespmem:s25], [sflag:$0x1] =	stream.indirect.gather [hbm4b:s5+s24], $0x80, s14, s24, $0xb8;
	[tilespmem:$0x1F000] =	vst v63  }
0x3b5: {  	_ =	swait.ge [sflag:s7], $0x3E80  }
0x3b6: {  	[sflag:s7] =	ssyncset.done $0x0  }
0x3b7: {  	[sflag:s7] =	ssyncadd.s32 $0xFFFFC180  }
0x3b8: {  	_ =	swait.ge [sflag:s26], $0x3E80  }
0x3b9: {  	[sflag:s26] =	ssyncset.done $0x0  }
0x3ba: {  	[sflag:s26] =	ssyncadd.s32 $0xFFFFC180  }
0x3bb: {  	[tilespmem:s29], [sflag:$0x2] =	stream.indirect.gather [hbm4b:s5+s24], $0x80, s13, s24, $0xb8;
	[tilespmem:$0x1F000] =	vst v63  }
0x3bc: {  	_ = 	snop  }
0x3bd: {  	[spmem:s2] =	stream.indirect.scatter.add.f32 [tilespmem:s25], [sflag:$0x3], $0x80, s12, s24, $0xb8;
	[tilespmem:$0x1F000] =	vst v63  }
0x3be: {  	_ =	swait.ge [sflag:s30], $0x3E80  }
0x3bf: {  	[sflag:s30] =	ssyncset.done $0x0  }
0x3c0: {  	[sflag:s30] =	ssyncadd.s32 $0xFFFFC180  }
0x3c1: {  	[spmem:s2] =	stream.indirect.scatter.add.f32 [tilespmem:s29], [sflag:$0x4], $0x80, s11, s24, $0xb8;
	[tilespmem:$0x1F000] =	vst v63  }
0x3c2: {  	_ =	swait.ge [sflag:s1], $0x3E80  }
0x3c3: {  	[sflag:s1] =	ssyncset.done $0x0  }
0x3c4: {  	[sflag:s1] =	ssyncadd.s32 $0xFFFFC180  }
0x3c5: {  	[tilespmem:s25], [sflag:$0x1] =	stream.indirect.gather [hbm4b:s5+s24], $0x80, s10, s24, $0xb8;
	[tilespmem:$0x1F000] =	vst v63  }
0x3c6: {  	_ =	swait.ge [sflag:s7], $0x3E80  }
0x3c7: {  	[sflag:s7] =	ssyncset.done $0x0  }
0x3c8: {  	[sflag:s7] =	ssyncadd.s32 $0xFFFFC180  }
0x3c9: {  	_ =	swait.ge [sflag:s26], $0x3E80  }
0x3ca: {  	[sflag:s26] =	ssyncset.done $0x0  }
0x3cb: {  	s21 =	simm.s32 $0x680;
	[sflag:s26] =	ssyncadd.s32 $0xFFFFC180  }
0x3cc: {  	[tilespmem:s29], [sflag:$0x2] =	stream.indirect.gather [hbm4b:s5+s24], $0x80, s21, s24, $0xb8;
	[tilespmem:$0x1F000] =	vst v63  }
0x3cd: {  	s6 =	simm.s32 $0xE00  }
0x3ce: {  	[spmem:s2] =	stream.indirect.scatter.add.f32 [tilespmem:s25], [sflag:$0x3], $0x80, s6, s24, $0xb8;
	[tilespmem:$0x1F000] =	vst v63  }
0x3cf: {  	_ =	swait.ge [sflag:s30], $0x3E80  }
0x3d0: {  	[sflag:s30] =	ssyncset.done $0x0  }
0x3d1: {  	s10 =	simm.s32 $0xE80;
	[sflag:s30] =	ssyncadd.s32 $0xFFFFC180  }
0x3d2: {  	[spmem:s2] =	stream.indirect.scatter.add.f32 [tilespmem:s29], [sflag:$0x4], $0x80, s10, s24, $0xb8;
	[tilespmem:$0x1F000] =	vst v63  }
0x3d3: {  	_ =	swait.ge [sflag:s1], $0x3E80  }
0x3d4: {  	[sflag:s1] =	ssyncset.done $0x0  }
0x3d5: {  	s11 =	simm.s32 $0x700;
	[sflag:s1] =	ssyncadd.s32 $0xFFFFC180  }
0x3d6: {  	[tilespmem:s25], [sflag:$0x1] =	stream.indirect.gather [hbm4b:s5+s24], $0x80, s11, s24, $0xb8;
	[tilespmem:$0x1F000] =	vst v63  }
0x3d7: {  	_ =	swait.ge [sflag:s7], $0x3E80  }
0x3d8: {  	[sflag:s7] =	ssyncset.done $0x0  }
0x3d9: {  	[sflag:s7] =	ssyncadd.s32 $0xFFFFC180  }
0x3da: {  	_ =	swait.ge [sflag:s26], $0x3E80  }
0x3db: {  	[sflag:s26] =	ssyncset.done $0x0  }
0x3dc: {  	s12 =	simm.s32 $0x780;
	[sflag:s26] =	ssyncadd.s32 $0xFFFFC180  }
0x3dd: {  	[tilespmem:s29], [sflag:$0x2] =	stream.indirect.gather [hbm4b:s5+s24], $0x80, s12, s24, $0xb8;
	[tilespmem:$0x1F000] =	vst v63  }
0x3de: {  	s13 =	simm.s32 $0xF00  }
0x3df: {  	[spmem:s2] =	stream.indirect.scatter.add.f32 [tilespmem:s25], [sflag:$0x3], $0x80, s13, s24, $0xb8;
	[tilespmem:$0x1F000] =	vst v63  }
0x3e0: {  	_ =	swait.ge [sflag:s30], $0x3E80  }
0x3e1: {  	[sflag:s30] =	ssyncset.done $0x0  }
0x3e2: {  	s14 =	simm.s32 $0xF80;
	[sflag:s30] =	ssyncadd.s32 $0xFFFFC180  }
0x3e3: {  	[spmem:s2] =	stream.indirect.scatter.add.f32 [tilespmem:s29], [sflag:$0x4], $0x80, s14, s24, $0xb8;
	[tilespmem:$0x1F000] =	vst v63  }
0x3e4: {  	_ =	swait.ge [sflag:s1], $0x3E80  }
0x3e5: {  	[sflag:s1] =	ssyncset.done $0x0  }
0x3e6: {  	[sflag:s1] =	ssyncadd.s32 $0xFFFFC180  }
0x3e7: {  	_ =	swait.ge [sflag:s7], $0x3E80  }
0x3e8: {  	[sflag:s7] =	ssyncset.done $0x0  }
0x3e9: {  	[sflag:s7] =	ssyncadd.s32 $0xFFFFC180  }
0x3ea: {  	[bflag:$0x0] =	sbarrier.arrive $0xFFFF  }
0x3eb: {  	s15 =	rddreg [dreg:$0x5]  }
0x3ec: {  	s17 =	rddreg [dreg:$0x11]  }
0x3ed: {  	s16 =	simm.s32 $0x8;
	s18 =	rddreg [dreg:$0x12]  }
0x3ee: {  	[hbm:s15@s8], [sflag:s17] =	dma.strided [spmem:s18@s31], $0x2800, s16, $0x10   }
0x3ef: {  	_ =	swait.ge [sflag:s22], $0x2800  }
0x3f0: {  	s20 =	rddreg [dreg:$0x10]  }
0x3f1: {  	s21 =	rddreg [dreg:$0x6];
	s6 =	sadd.s32 $0x1, s20  }
0x3f2: {  	p0 =	sne.s32 s6, s21  }
.Ltmp3:
0x3f3: {  	s28 =	simm.s32 $0xB00;
	s10 =	simm.s32 $0x180;
	(pc) =	sbr.rel @p0 .LBB2_1-.Ltmp3, $4  }
0x3f4: {  	s11 =	simm.s32 $0x900;
	s12 =	simm.s32 $0x980;
	s13 =	simm.s32 $0x200  }
0x3f5: {  	s14 =	simm.s32 $0x280;
	s8 =	simm.s32 $0x880;
	s15 =	simm.s32 $0xA00  }
0x3f6: {  	s16 =	simm.s32 $0xA80;
	s17 =	simm.s32 $0x300;
	[sflag:s22] =	ssyncset.done $0x0  }
0x3f7: {  	s18 =	simm.s32 $0x380;
	[sflag:s22] =	ssyncadd.s32 $0xFFFFD800;
	s20 =	simm.s32 $0x100  }
0x3f8: {  	_ =	sfence.sel $0x180000  }
0x3f9: {  	[bflag:$0x0] =	sbarrier.arrive $0xFFFF  }
0x3fa: {  	_ =	strace $0x90000050  }
0x3fb: {  	s0 =	stileid.u32;
	[bflag:$0x2] =	sbarrier.arrive $0xFFFF  }
0x3fc: {  	p0 =	sne.s32 s0, $0x0;
	s0 =	rddreg [dreg:$0x2]  }
0x3fd: {  	s0 =	sadd.s32 @!p0 $0x100000, s0  }
0x3fe: {  	[sflag:s0] =	ssyncadd.tile.s32 @!p0 $0x1;
	_ =	shalt  }
.Lfunc_end2:
_tile_overlayer_lowered:
.L_overlay_start_2:
0x3ff: {  	(tag) =	ssettag $0x2  }
0x400: {  	s0 =	rddreg [dreg:$0x0];
	s2 =	stileid.u32  }
0x401: {  	s1 =	rddreg [dreg:$0x1];
	p0 =	sne.s32 s2, $0x0  }
0x402: {  	s3 =	rddreg [dreg:$0x2];
	[bflag:$0x3] =	sbarrier.arrive $0xFFFF;
	s2 =	simm.s32 @!p0 $0x1C05  }
0x403: {  	[timem:s3], [sflag:s2] =	dma.local @!p0 [hbm:s0], s1  }
0x404: {  	s0 =	simm.s32 @!p0 $0x5  }
0x405: {  	_ =	swait.ge @!p0 [sflag:s0], s1  }
0x406: {  	s1 =	ssub.s32 @!p0 $0x0, s1;
	[sflag:s0] =	ssyncset.done @!p0 $0x0  }
0x407: {  	[sflag:s0] =	ssyncadd.s32 @!p0 s1  }
0x408: {  	[bflag:$0x3] =	sbarrier.arrive $0xFFFF  }
0x409: {  	_ =	shalt  }

</sc_bundles>
